<compile_context>
chip_gen: v7x
topology: tpu7x:2x2x1
jax: 0.10.2.dev20260603
libtpu: 0.0.44.dev20260713+nightly
codegen_flags: <defaults>
</compile_context>

<pallas_src>
from math import ceil

import numpy as np
import functools

import jax
import jax.numpy as jnp
from jax.experimental import pallas as pl
from jax.experimental.pallas import tpu as pltpu
from jax.experimental.pallas import tpu_sc as plsc

_SEQ_LEN = 336
_DH = 256
_D_MODEL = 512
_C = 11
_B = 16


def _compute_patch_sizes(seq_len):
    freqs = np.fft.rfftfreq(seq_len)[1:]
    periods = 1.0 / freqs
    return np.unique(np.floor(periods).astype(np.int64))[::-1].copy()


_PATCH_SIZES = [int(p) for p in _compute_patch_sizes(_SEQ_LEN)]
_NS = [ceil(_SEQ_LEN / p) for p in _PATCH_SIZES]
_NE = len(_PATCH_SIZES)
_NPS = [n * p for n, p in zip(_NS, _PATCH_SIZES)]
_UNIQUE_NPS = sorted(set(_NPS))
_NP_MAX = max(_UNIQUE_NPS)
_NP_IDX = {npv: j for j, npv in enumerate(_UNIQUE_NPS)}

_NS_PAD = [((n + 7) // 8) * 8 for n in _NS]
_N_TOTAL = sum(_NS_PAD)
_OFFS = np.concatenate([[0], np.cumsum(_NS_PAD)]).astype(np.int64)
_NPS_PAD = [((v + 7) // 8) * 8 for v in _NPS]
_L_TOTAL = sum(_NPS_PAD)
_LOFFS = np.concatenate([[0], np.cumsum(_NPS_PAD)]).astype(np.int64)
_POFFS = np.concatenate([[0], np.cumsum(_PATCH_SIZES)]).astype(np.int64)


def _sin_pe_np(L, d):
    pos = np.arange(L, dtype=np.float64)[:, None]
    div = np.exp(np.arange(0, d, 2, dtype=np.float64) * (-np.log(10000.0) / d))
    pe = np.zeros((L, d), dtype=np.float64)
    pe[:, 0::2] = np.sin(pos * div)
    pe[:, 1::2] = np.cos(pos * div)
    return pe


_PE_C = _sin_pe_np(_C, _DH).astype(np.float32).reshape(_C, 1, _DH)
_PE_N = np.concatenate(
    [np.pad(_sin_pe_np(n, _D_MODEL - _DH).astype(np.float32),
            ((0, npad - n), (0, 0)))
     for n, npad in zip(_NS, _NS_PAD)], axis=0)

_G_CAT_F32 = np.zeros((_N_TOTAL, _NP_MAX), dtype=np.float32)
for _i in range(_NE):
    for _m in range(_NS[_i]):
        _G_CAT_F32[int(_OFFS[_i]) + _m,
                   _m * _PATCH_SIZES[_i]:(_m + 1) * _PATCH_SIZES[_i]] = 1.0

_BB = 8
_R_CONST = np.zeros((_BB * max(_NS), _BB), dtype=np.float32)
for _r in range(_R_CONST.shape[0]):
    _R_CONST[_r, _r % _BB] = 1.0

_GROUPS = [(0, 24), (24, 32)]
_WL_COLS = np.zeros((_L_TOTAL,), dtype=np.int32)
for _i in range(_NE):
    _lo = int(_LOFFS[_i])
    _l = np.arange(_NPS_PAD[_i])
    _WL_COLS[_lo:_lo + _NPS_PAD[_i]] = int(_POFFS[_i]) + (_l % _PATCH_SIZES[_i])


def _routing_body(gt_hbm, out_hbm, gs, os_):
    cid = jax.lax.axis_index("c")

    @pl.when(cid == 0)
    def _():
        pltpu.sync_copy(gt_hbm, gs)

        def do_row(i, carry):
            def count_nz(b, cnz):
                nzb = gs[i, b] != 0.0

                @pl.when(nzb)
                def _():
                    os_[i, cnz] = b

                return cnz + jnp.where(nzb, jnp.int32(1), jnp.int32(0))

            tot_nz = jax.lax.fori_loop(0, _B, count_nz, jnp.int32(0))

            def place_z(b, cz):
                zb = gs[i, b] == 0.0

                @pl.when(zb)
                def _():
                    os_[i, tot_nz + cz] = b

                return cz + jnp.where(zb, jnp.int32(1), jnp.int32(0))

            jax.lax.fori_loop(0, _B, place_z, jnp.int32(0))
            return carry

        jax.lax.fori_loop(0, _NE, do_row, jnp.int32(0))
        pltpu.sync_copy(os_, out_hbm)


def _routing_orders(gates):
    scs_mesh = plsc.ScalarSubcoreMesh(axis_name="c", num_cores=2)
    routing = functools.partial(
        pl.kernel,
        out_type=jax.ShapeDtypeStruct((_NE, _B), jnp.int32),
        mesh=scs_mesh,
        scratch_types=[pltpu.SMEM((_NE, _B), jnp.float32),
                       pltpu.SMEM((_NE, _B), jnp.int32)],
    )(_routing_body)
    return routing(gates.T)


def _prep_body(*refs):
    x_ref = refs[0]
    xp_outs = refs[1:]
    xt = x_ref[0]
    xpad = jnp.concatenate(
        [xt, jnp.broadcast_to(xt[:, _SEQ_LEN - 1:], (_C, _NP_MAX - _SEQ_LEN))],
        axis=1)
    xpad = xpad.astype(jnp.bfloat16)
    for j, npv in enumerate(_UNIQUE_NPS):
        xp_outs[j][0, :, 0] = xpad[:, :npv]


def _prep_call(xt):
    xp_shapes = [jax.ShapeDtypeStruct((_B, _C, 1, npv), jnp.bfloat16)
                 for npv in _UNIQUE_NPS]
    outs = pl.pallas_call(
        _prep_body,
        grid=(_B,),
        in_specs=[pl.BlockSpec((1, _C, _SEQ_LEN), lambda b: (b, 0, 0))],
        out_specs=[pl.BlockSpec((1, _C, 1, npv), lambda b: (b, 0, 0, 0))
                   for npv in _UNIQUE_NPS],
        out_shape=tuple(xp_shapes),
    )(xt)
    return outs


def _make_fused_body(elo, ehi):
    nbase = int(_OFFS[elo])
    lbase = int(_LOFFS[elo])

    def _fused_body(ord_ref, *refs):
        nu = len(_UNIQUE_NPS)
        xs = refs[0:nu]
        wl_ref = refs[nu]
        g_ref = refs[nu + 1]
        r_ref = refs[nu + 2]
        pec_ref = refs[nu + 3]
        pen_ref = refs[nu + 4]
        outs = refs[nu + 5:]
        b0 = pl.program_id(1) * _BB
        pc = pec_ref[0]
        for oi, i in enumerate(range(elo, ehi)):
            n = _NS[i]
            npv = _NPS[i]
            lo = int(_OFFS[i]) - nbase
            llo = int(_LOFFS[i]) - lbase
            xr = xs[_NP_IDX[npv]]
            rows = [xr[ord_ref[i, b0 + db], 0, 0][None, :]
                    for db in range(_BB)]
            xstk = jnp.concatenate(rows, axis=0)
            xrep = jax.lax.dot_general(
                r_ref[:_BB * n, :], xstk, (((1,), (0,)), ((), ())),
                preferred_element_type=jnp.float32
            ).astype(jnp.bfloat16)
            g = g_ref[lo:lo + n, :npv]
            grep = jnp.broadcast_to(
                g[:, None, :], (n, _BB, npv)).reshape(_BB * n, npv)
            gx = grep * xrep
            acc = jax.lax.dot_general(
                gx, wl_ref[llo:llo + npv, :], (((1,), (0,)), ((), ())),
                preferred_element_type=jnp.float32)
            pen = pen_ref[lo:lo + n]
            pen_rep = jnp.broadcast_to(
                pen[:, None, :], (n, _BB, _DH)).reshape(_BB * n, _DH)
            pe = jnp.concatenate(
                [jnp.broadcast_to(pc, (_BB * n, _DH)), pen_rep], axis=1)
            outs[oi][0] = (acc + pe).reshape(n, _BB, _D_MODEL)

    return _fused_body


def _make_rowmajor_body(elo, ehi):
    nbase = int(_OFFS[elo])
    lbase = int(_LOFFS[elo])

    def _body(ord_ref, *refs):
        nu = len(_UNIQUE_NPS)
        xs = refs[0:nu]
        wl_ref = refs[nu]
        g_ref = refs[nu + 1]
        pec_ref = refs[nu + 2]
        pen_ref = refs[nu + 3]
        outs = refs[nu + 4:]
        b0 = pl.program_id(1) * _BB
        pc = pec_ref[0]
        for oi, i in enumerate(range(elo, ehi)):
            n = _NS[i]
            npv = _NPS[i]
            lo = int(_OFFS[i]) - nbase
            llo = int(_LOFFS[i]) - lbase
            xr = xs[_NP_IDX[npv]]
            g = g_ref[lo:lo + n, :npv]
            wl = wl_ref[llo:llo + npv, :]
            pe = jnp.concatenate(
                [jnp.broadcast_to(pc, (n, _DH)), pen_ref[lo:lo + n]], axis=1)
            for db in range(_BB):
                src = ord_ref[i, b0 + db]
                xrow = xr[src, 0, 0]
                gx = g * xrow[None, :]
                acc = jax.lax.dot_general(
                    gx, wl, (((1,), (0,)), ((), ())),
                    preferred_element_type=jnp.float32)
                outs[oi][db, 0] = acc + pe

    return _body


def kernel(x, gates, Ws):
    orders = _routing_orders(gates)

    xt = jnp.swapaxes(x, 1, 2)
    xpads = _prep_call(xt)

    wst = jnp.concatenate(Ws, axis=1).astype(jnp.bfloat16)
    wl_cat = jnp.take(wst.T, jnp.asarray(_WL_COLS), axis=0)

    x_specs = [pl.BlockSpec((_B, 1, 1, npv), lambda c, b, ords: (0, c, 0, 0))
               for npv in _UNIQUE_NPS]
    r_const = jnp.asarray(_R_CONST).astype(jnp.bfloat16)
    g_cat = jnp.asarray(_G_CAT_F32).astype(jnp.bfloat16)
    all_outs = []
    for elo, ehi in _GROUPS:
        nbase, nhi = int(_OFFS[elo]), int(_OFFS[ehi])
        lbase, lhi = int(_LOFFS[elo]), int(_LOFFS[ehi])
        out_specs, out_shapes = [], []
        for i in range(elo, ehi):
            n = _NS[i]
            out_specs.append(pl.BlockSpec((1, n, _BB, _D_MODEL),
                                          lambda c, b, ords: (c, 0, b, 0)))
            out_shapes.append(
                jax.ShapeDtypeStruct((_C, n, _B, _D_MODEL), jnp.float32))

        nrows = nhi - nbase
        lrows = lhi - lbase
        wl_spec = pl.BlockSpec((lrows, _D_MODEL), lambda c, b, ords: (0, 0))
        g_spec = pl.BlockSpec((nrows, _NP_MAX), lambda c, b, ords: (0, 0))
        r_spec = pl.BlockSpec(_R_CONST.shape, lambda c, b, ords: (0, 0))
        pec_spec = pl.BlockSpec((1, 1, _DH), lambda c, b, ords: (c, 0, 0))
        pen_spec = pl.BlockSpec((nrows, _DH), lambda c, b, ords: (0, 0))

        grid_spec = pltpu.PrefetchScalarGridSpec(
            num_scalar_prefetch=1,
            grid=(_C, _B // _BB),
            in_specs=x_specs + [wl_spec, g_spec, r_spec, pec_spec, pen_spec],
            out_specs=out_specs,
        )
        outs = pl.pallas_call(
            _make_fused_body(elo, ehi),
            grid_spec=grid_spec,
            out_shape=tuple(out_shapes),
        )(orders, *xpads, wl_cat[lbase:lhi], g_cat[nbase:nhi],
          r_const, _PE_C, _PE_N[nbase:nhi])
        all_outs.extend(outs)
    all_outs = [jnp.transpose(o, (2, 0, 1, 3)) for o in all_outs]

    elo, ehi = _GROUPS[-1][1], _NE
    nbase, nhi = int(_OFFS[elo]), int(_OFFS[ehi])
    lbase, lhi = int(_LOFFS[elo]), int(_LOFFS[ehi])
    out_specs = [pl.BlockSpec((_BB, 1, _NS[i], _D_MODEL),
                              lambda c, b, ords: (b, c, 0, 0))
                 for i in range(elo, ehi)]
    out_shapes = [jax.ShapeDtypeStruct((_B, _C, _NS[i], _D_MODEL), jnp.float32)
                  for i in range(elo, ehi)]
    grid_spec = pltpu.PrefetchScalarGridSpec(
        num_scalar_prefetch=1,
        grid=(_C, _B // _BB),
        in_specs=x_specs + [
            pl.BlockSpec((lhi - lbase, _D_MODEL), lambda c, b, ords: (0, 0)),
            pl.BlockSpec((nhi - nbase, _NP_MAX), lambda c, b, ords: (0, 0)),
            pl.BlockSpec((1, 1, _DH), lambda c, b, ords: (c, 0, 0)),
            pl.BlockSpec((nhi - nbase, _DH), lambda c, b, ords: (0, 0))],
        out_specs=out_specs,
    )
    tail = pl.pallas_call(
        _make_rowmajor_body(elo, ehi),
        grid_spec=grid_spec,
        out_shape=tuple(out_shapes),
    )(orders, *xpads, wl_cat[lbase:lhi], g_cat[nbase:nhi], _PE_C,
      _PE_N[nbase:nhi])
    all_outs.extend(tail)
    return tuple(all_outs)

# --- scband reference (transcript-rebuilt; emitter-appended) ---
"""Pipeline reference for scband-multi-scale-periodic-patch-embedding-90675349553328 (READ-ONLY COPY).

The authoritative reference and input builder live on the scoring server;
editing this copy changes nothing except your own understanding.
"""

import jax, jax.numpy as jnp
import numpy as np
from math import ceil

SEQ_LEN = 336
D_MODEL = 512
NUM_VARIATES = 11
BATCH = 16

def get_patch_sizes(seq_len):
    freqs = np.fft.rfftfreq(seq_len)[1:]
    periods = 1.0 / freqs
    return np.unique(np.floor(periods).astype(np.int64))[::-1].copy()

PATCH_SIZES = get_patch_sizes(SEQ_LEN)  # 34 unique patch sizes, descending

def _sin_pe(L, d):
    pos = np.arange(L, dtype=np.float64)[:, None]
    div = np.exp(np.arange(0, d, 2, dtype=np.float64) * (-np.log(10000.0) / d))
    pe = np.zeros((L, d), dtype=np.float64)
    pe[:, 0::2] = np.sin(pos * div)
    pe[:, 1::2] = np.cos(pos * div)
    return pe

def make_pe2d(C, N, d_model):
    dh = d_model // 2
    pe = np.zeros((C, N, d_model), dtype=np.float32)
    pe[:, :, :dh] = _sin_pe(C, dh)[:, None, :]
    pe[:, :, dh:] = _sin_pe(N, d_model - dh)[None, :, :]
    return jnp.asarray(pe)

def setup_inputs(seed: int = 0):
    key = jax.random.key(seed)
    ks = jax.random.split(key, 2 + len(PATCH_SIZES))
    x = jax.random.normal(ks[0], (BATCH, SEQ_LEN, NUM_VARIATES), dtype=jnp.float32)
    gates = jax.random.uniform(ks[1], (BATCH, len(PATCH_SIZES)), dtype=jnp.float32)
    Ws = [jax.random.normal(ks[2 + i], (D_MODEL, int(p)), dtype=jnp.float32) / np.sqrt(float(p))
          for i, p in enumerate(PATCH_SIZES)]
    return {"x": x, "gates": gates, "Ws": Ws}

def reference(x, gates, Ws):
    # --- dispatcher (faithful to torch.nonzero(gates).sort(0) routing) ---
    # gates ~ Uniform[0,1) so every gate is nonzero: each expert receives all
    # BATCH rows. The stable column-sort routing places nonzero-gated batch
    # indices first in ascending order; expressed here per expert with a
    # fixed-shape stable argsort over the traced gate column.
    batch_ar = jnp.arange(gates.shape[0], dtype=jnp.int32)
    outs = []
    for i, p in enumerate(PATCH_SIZES):
        p = int(p)
        key_i = jnp.where(gates[:, i] != 0, jnp.int32(0), jnp.int32(1)) * (gates.shape[0] + 1) + batch_ar
        order_i = jnp.argsort(key_i, stable=True)
        xi = jnp.take(x, order_i, axis=0)
        xi = jnp.transpose(xi, (0, 2, 1))         # [b, C, L]
        pad = ceil(SEQ_LEN / p) * p - SEQ_LEN
        xi = jnp.pad(xi, ((0, 0), (0, 0), (0, pad)), mode="edge")  # ReplicationPad1d
        n = xi.shape[-1] // p
        xi = xi.reshape(xi.shape[0], NUM_VARIATES, n, p)           # unfold(-1, p, p)
        emb = jnp.einsum("bcnp,dp->bcnd", xi, Ws[i]) + make_pe2d(NUM_VARIATES, n, D_MODEL)[None]
        outs.append(emb)                           # dropout p=0.0 -> identity
    return tuple(outs)

if __name__ == "__main__":
    import jax
    _d = setup_inputs()
    print(jax.jit(kernel)(*tuple(_d.values())))

</pallas_src>

<mosaic_0001>
#map = affine_map<(d0) -> (0, 0)>
module attributes {stable_mosaic.version = 14 : i64} {
  func.func @_routing_body(%arg0: i32, %arg1: memref<34x16xf32, #tpu.memory_space<hbm>>, %arg2: memref<34x16xi32, #tpu.memory_space<hbm>>, %arg3: memref<34x16xf32, #tpu.memory_space<smem>>, %arg4: memref<34x16xi32, #tpu.memory_space<smem>>) attributes {dimension_semantics = [#tpu.dimension_semantics<core_parallel>], iteration_bounds = array<i64: 2>, scalar_prefetch = 0 : i64, scratch_operands = 2 : i64, tpu.core_type = #tpu.core_type<sc_scalar_subcore>, window_params = [{transform_indices = #map}, {transform_indices = #map}]} {
    %eq3A = arith.constant 0 : i32
    %eq3A_0 = arith.cmpi eq, %arg0, %eq3A : i32
    %convert_element_type3A = arith.extui %eq3A_0 : i1 to i32
    %cond3A = arith.constant 0 : i32
    %cond3A_1 = arith.cmpi ne, %convert_element_type3A, %cond3A : i32
    scf.if %cond3A_1 {
      "tpu.region"() ({
        %run_scoped3A = tpu.sem_alloc : memref<!tpu.dma_semaphore, #tpu.memory_space<semaphore_mem>>
        tpu.enqueue_dma source(%arg1 : memref<34x16xf32, #tpu.memory_space<hbm>>) target(%arg3 : memref<34x16xf32, #tpu.memory_space<smem>>) target_semaphore(%run_scoped3A : memref<!tpu.dma_semaphore, #tpu.memory_space<semaphore_mem>>)
        tpu.wait_dma2 semaphore(%run_scoped3A : memref<!tpu.dma_semaphore, #tpu.memory_space<semaphore_mem>>) src(%arg1 : memref<34x16xf32, #tpu.memory_space<hbm>>) dst(%arg3 : memref<34x16xf32, #tpu.memory_space<smem>>)
        tpu.yield
      }) : () -> ()
      %scan3A = arith.constant 0 : i32
      %scan3A_2 = arith.constant 0 : i32
      %scan3A_3 = arith.constant 34 : i32
      %scan3A_4 = arith.addi %scan3A_2, %scan3A_3 : i32
      %scan3A_5 = arith.constant 1 : i32
      scf.for %scan3A_7 = %scan3A_2 to %scan3A_4 step %scan3A_5  : i32 {
        %scan3A_8 = arith.constant 0 : i32
        %scan3A_9 = arith.constant 0 : i32
        %scan3A_10 = arith.constant 16 : i32
        %scan3A_11 = arith.addi %scan3A_9, %scan3A_10 : i32
        %scan3A_12 = arith.constant 1 : i32
        %scan3A_13 = scf.for %scan3A_22 = %scan3A_9 to %scan3A_11 step %scan3A_12 iter_args(%scan3A_23 = %scan3A_8) -> (i32)  : i32 {
          %get3A = arith.index_cast %scan3A_7 : i32 to index
          %get3A_24 = arith.index_cast %scan3A_22 : i32 to index
          %get3A_25 = memref.load %arg3[%get3A, %get3A_24] : memref<34x16xf32, #tpu.memory_space<smem>>
          %ne3A = arith.constant 0.000000e+00 : f32
          %ne3A_26 = arith.cmpf one, %get3A_25, %ne3A : f32
          %convert_element_type3A_27 = arith.extui %ne3A_26 : i1 to i32
          %cond3A_28 = arith.constant 0 : i32
          %cond3A_29 = arith.cmpi ne, %convert_element_type3A_27, %cond3A_28 : i32
          scf.if %cond3A_29 {
            %swap3A = arith.index_cast %scan3A_7 : i32 to index
            %swap3A_31 = arith.index_cast %scan3A_23 : i32 to index
            %swap3A_32 = memref.load %arg4[%swap3A, %swap3A_31] : memref<34x16xi32, #tpu.memory_space<smem>>
            memref.store %scan3A_22, %arg4[%swap3A, %swap3A_31] : memref<34x16xi32, #tpu.memory_space<smem>>
          } else {
          }
          %jit3A = arith.constant 1 : i32
          %jit3A_30 = arith.constant 0 : i32
          %select_n3A = arith.select %ne3A_26, %jit3A, %jit3A_30 : i32
          %add3A = arith.addi %scan3A_23, %select_n3A : i32
          scf.yield %add3A : i32
        }
        %scan3A_14 = arith.constant 16 : i32
        %scan3A_15 = arith.constant 0 : i32
        %scan3A_16 = arith.constant 0 : i32
        %scan3A_17 = arith.constant 16 : i32
        %scan3A_18 = arith.addi %scan3A_16, %scan3A_17 : i32
        %scan3A_19 = arith.constant 1 : i32
        %scan3A_20 = scf.for %scan3A_22 = %scan3A_16 to %scan3A_18 step %scan3A_19 iter_args(%scan3A_23 = %scan3A_15) -> (i32)  : i32 {
          %get3A = arith.index_cast %scan3A_7 : i32 to index
          %get3A_24 = arith.index_cast %scan3A_22 : i32 to index
          %get3A_25 = memref.load %arg3[%get3A, %get3A_24] : memref<34x16xf32, #tpu.memory_space<smem>>
          %eq3A_26 = arith.constant 0.000000e+00 : f32
          %eq3A_27 = arith.cmpf oeq, %get3A_25, %eq3A_26 : f32
          %convert_element_type3A_28 = arith.extui %eq3A_27 : i1 to i32
          %cond3A_29 = arith.constant 0 : i32
          %cond3A_30 = arith.cmpi ne, %convert_element_type3A_28, %cond3A_29 : i32
          scf.if %cond3A_30 {
            %add3A_32 = arith.addi %scan3A_13, %scan3A_23 : i32
            %swap3A = arith.index_cast %scan3A_7 : i32 to index
            %swap3A_33 = arith.index_cast %add3A_32 : i32 to index
            %swap3A_34 = memref.load %arg4[%swap3A, %swap3A_33] : memref<34x16xi32, #tpu.memory_space<smem>>
            memref.store %scan3A_22, %arg4[%swap3A, %swap3A_33] : memref<34x16xi32, #tpu.memory_space<smem>>
          } else {
          }
          %jit3A = arith.constant 1 : i32
          %jit3A_31 = arith.constant 0 : i32
          %select_n3A = arith.select %eq3A_27, %jit3A, %jit3A_31 : i32
          %add3A = arith.addi %scan3A_23, %select_n3A : i32
          scf.yield %add3A : i32
        }
        %scan3A_21 = arith.constant 16 : i32
      }
      %scan3A_6 = arith.constant 34 : i32
      "tpu.region"() ({
        %run_scoped3A = tpu.sem_alloc : memref<!tpu.dma_semaphore, #tpu.memory_space<semaphore_mem>>
        tpu.enqueue_dma source(%arg4 : memref<34x16xi32, #tpu.memory_space<smem>>) target(%arg2 : memref<34x16xi32, #tpu.memory_space<hbm>>) target_semaphore(%run_scoped3A : memref<!tpu.dma_semaphore, #tpu.memory_space<semaphore_mem>>)
        tpu.wait_dma2 semaphore(%run_scoped3A : memref<!tpu.dma_semaphore, #tpu.memory_space<semaphore_mem>>) src(%arg4 : memref<34x16xi32, #tpu.memory_space<smem>>) dst(%arg2 : memref<34x16xi32, #tpu.memory_space<hbm>>)
        tpu.yield
      }) : () -> ()
    } else {
    }
    return
  }
}

module attributes {stable_mosaic.version = 14 : i64} {
  func.func @_prep_body(%arg0: i32, %arg1: memref<1x11x336xf32, #tpu.memory_space<vmem>>, %arg2: memref<1x11x1x336xbf16, #tpu.memory_space<vmem>>, %arg3: memref<1x11x1x338xbf16, #tpu.memory_space<vmem>>, %arg4: memref<1x11x1x340xbf16, #tpu.memory_space<vmem>>, %arg5: memref<1x11x1x341xbf16, #tpu.memory_space<vmem>>, %arg6: memref<1x11x1x342xbf16, #tpu.memory_space<vmem>>, %arg7: memref<1x11x1x345xbf16, #tpu.memory_space<vmem>>, %arg8: memref<1x11x1x350xbf16, #tpu.memory_space<vmem>>, %arg9: memref<1x11x1x352xbf16, #tpu.memory_space<vmem>>, %arg10: memref<1x11x1x360xbf16, #tpu.memory_space<vmem>>, %arg11: memref<1x11x1x363xbf16, #tpu.memory_space<vmem>>, %arg12: memref<1x11x1x370xbf16, #tpu.memory_space<vmem>>, %arg13: memref<1x11x1x402xbf16, #tpu.memory_space<vmem>>) attributes {dimension_semantics = [#tpu.dimension_semantics<arbitrary>], iteration_bounds = array<i64: 16>, scalar_prefetch = 0 : i64, scratch_operands = 0 : i64, tpu.core_type = #tpu.core_type<tc>, window_params = [{transform_indices = @transform_0, window_bounds = array<i64: 1, 11, 336>}, {transform_indices = @transform_1, window_bounds = array<i64: 1, 11, 1, 336>}, {transform_indices = @transform_2, window_bounds = array<i64: 1, 11, 1, 338>}, {transform_indices = @transform_3, window_bounds = array<i64: 1, 11, 1, 340>}, {transform_indices = @transform_4, window_bounds = array<i64: 1, 11, 1, 341>}, {transform_indices = @transform_5, window_bounds = array<i64: 1, 11, 1, 342>}, {transform_indices = @transform_6, window_bounds = array<i64: 1, 11, 1, 345>}, {transform_indices = @transform_7, window_bounds = array<i64: 1, 11, 1, 350>}, {transform_indices = @transform_8, window_bounds = array<i64: 1, 11, 1, 352>}, {transform_indices = @transform_9, window_bounds = array<i64: 1, 11, 1, 360>}, {transform_indices = @transform_10, window_bounds = array<i64: 1, 11, 1, 363>}, {transform_indices = @transform_11, window_bounds = array<i64: 1, 11, 1, 370>}, {transform_indices = @transform_12, window_bounds = array<i64: 1, 11, 1, 402>}]} {
    %get3A = arith.constant 0 : index
    %get3A_0 = arith.constant 0 : index
    %get3A_1 = arith.constant 0 : index
    %get3A_2 = vector.load %arg1[%get3A, %get3A_0, %get3A_1] : memref<1x11x336xf32, #tpu.memory_space<vmem>>, vector<1x11x336xf32>
    %get3A_3 = vector.shape_cast %get3A_2 : vector<1x11x336xf32> to vector<11x336xf32>
    %slice3A = vector.extract_strided_slice %get3A_3 {offsets = [0, 335], sizes = [11, 1], strides = [1, 1]} : vector<11x336xf32> to vector<11x1xf32>
    %broadcast_in_dim3A = vector.shape_cast %slice3A : vector<11x1xf32> to vector<11x1xf32>
    %broadcast_in_dim3A_4 = vector.broadcast %broadcast_in_dim3A : vector<11x1xf32> to vector<11x66xf32>
    %concatenate3A = tpu.concatenate %get3A_3, %broadcast_in_dim3A_4 in 1 : vector<11x336xf32>, vector<11x66xf32> -> vector<11x402xf32>
    %convert_element_type3A = arith.truncf %concatenate3A : vector<11x402xf32> to vector<11x402xbf16>
    %slice3A_5 = vector.extract_strided_slice %convert_element_type3A {offsets = [0, 0], sizes = [11, 336], strides = [1, 1]} : vector<11x402xbf16> to vector<11x336xbf16>
    %swap3A = arith.constant 0 : index
    %swap3A_6 = arith.constant 0 : index
    %swap3A_7 = arith.constant 0 : index
    %swap3A_8 = arith.constant 0 : index
    %swap3A_9 = vector.load %arg2[%swap3A, %swap3A_6, %swap3A_7, %swap3A_8] : memref<1x11x1x336xbf16, #tpu.memory_space<vmem>>, vector<1x11x1x336xbf16>
    %swap3A_10 = vector.shape_cast %swap3A_9 : vector<1x11x1x336xbf16> to vector<11x336xbf16>
    %swap3A_11 = vector.shape_cast %slice3A_5 : vector<11x336xbf16> to vector<1x11x1x336xbf16>
    tpu.vector_store %arg2[%swap3A, %swap3A_6, %swap3A_7, %swap3A_8], %swap3A_11 {strides = array<i32>} : memref<1x11x1x336xbf16, #tpu.memory_space<vmem>>, vector<1x11x1x336xbf16>,
    %slice3A_12 = vector.extract_strided_slice %convert_element_type3A {offsets = [0, 0], sizes = [11, 338], strides = [1, 1]} : vector<11x402xbf16> to vector<11x338xbf16>
    %swap3A_13 = arith.constant 0 : index
    %swap3A_14 = arith.constant 0 : index
    %swap3A_15 = arith.constant 0 : index
    %swap3A_16 = arith.constant 0 : index
    %swap3A_17 = vector.load %arg3[%swap3A_13, %swap3A_14, %swap3A_15, %swap3A_16] : memref<1x11x1x338xbf16, #tpu.memory_space<vmem>>, vector<1x11x1x338xbf16>
    %swap3A_18 = vector.shape_cast %swap3A_17 : vector<1x11x1x338xbf16> to vector<11x338xbf16>
    %swap3A_19 = vector.shape_cast %slice3A_12 : vector<11x338xbf16> to vector<1x11x1x338xbf16>
    tpu.vector_store %arg3[%swap3A_13, %swap3A_14, %swap3A_15, %swap3A_16], %swap3A_19 {strides = array<i32>} : memref<1x11x1x338xbf16, #tpu.memory_space<vmem>>, vector<1x11x1x338xbf16>,
    %slice3A_20 = vector.extract_strided_slice %convert_element_type3A {offsets = [0, 0], sizes = [11, 340], strides = [1, 1]} : vector<11x402xbf16> to vector<11x340xbf16>
    %swap3A_21 = arith.constant 0 : index
    %swap3A_22 = arith.constant 0 : index
    %swap3A_23 = arith.constant 0 : index
    %swap3A_24 = arith.constant 0 : index
    %swap3A_25 = vector.load %arg4[%swap3A_21, %swap3A_22, %swap3A_23, %swap3A_24] : memref<1x11x1x340xbf16, #tpu.memory_space<vmem>>, vector<1x11x1x340xbf16>
    %swap3A_26 = vector.shape_cast %swap3A_25 : vector<1x11x1x340xbf16> to vector<11x340xbf16>
    %swap3A_27 = vector.shape_cast %slice3A_20 : vector<11x340xbf16> to vector<1x11x1x340xbf16>
    tpu.vector_store %arg4[%swap3A_21, %swap3A_22, %swap3A_23, %swap3A_24], %swap3A_27 {strides = array<i32>} : memref<1x11x1x340xbf16, #tpu.memory_space<vmem>>, vector<1x11x1x340xbf16>,
    %slice3A_28 = vector.extract_strided_slice %convert_element_type3A {offsets = [0, 0], sizes = [11, 341], strides = [1, 1]} : vector<11x402xbf16> to vector<11x341xbf16>
    %swap3A_29 = arith.constant 0 : index
    %swap3A_30 = arith.constant 0 : index
    %swap3A_31 = arith.constant 0 : index
    %swap3A_32 = arith.constant 0 : index
    %swap3A_33 = vector.load %arg5[%swap3A_29, %swap3A_30, %swap3A_31, %swap3A_32] : memref<1x11x1x341xbf16, #tpu.memory_space<vmem>>, vector<1x11x1x341xbf16>
    %swap3A_34 = vector.shape_cast %swap3A_33 : vector<1x11x1x341xbf16> to vector<11x341xbf16>
    %swap3A_35 = vector.shape_cast %slice3A_28 : vector<11x341xbf16> to vector<1x11x1x341xbf16>
    tpu.vector_store %arg5[%swap3A_29, %swap3A_30, %swap3A_31, %swap3A_32], %swap3A_35 {strides = array<i32>} : memref<1x11x1x341xbf16, #tpu.memory_space<vmem>>, vector<1x11x1x341xbf16>,
    %slice3A_36 = vector.extract_strided_slice %convert_element_type3A {offsets = [0, 0], sizes = [11, 342], strides = [1, 1]} : vector<11x402xbf16> to vector<11x342xbf16>
    %swap3A_37 = arith.constant 0 : index
    %swap3A_38 = arith.constant 0 : index
    %swap3A_39 = arith.constant 0 : index
    %swap3A_40 = arith.constant 0 : index
    %swap3A_41 = vector.load %arg6[%swap3A_37, %swap3A_38, %swap3A_39, %swap3A_40] : memref<1x11x1x342xbf16, #tpu.memory_space<vmem>>, vector<1x11x1x342xbf16>
    %swap3A_42 = vector.shape_cast %swap3A_41 : vector<1x11x1x342xbf16> to vector<11x342xbf16>
    %swap3A_43 = vector.shape_cast %slice3A_36 : vector<11x342xbf16> to vector<1x11x1x342xbf16>
    tpu.vector_store %arg6[%swap3A_37, %swap3A_38, %swap3A_39, %swap3A_40], %swap3A_43 {strides = array<i32>} : memref<1x11x1x342xbf16, #tpu.memory_space<vmem>>, vector<1x11x1x342xbf16>,
    %slice3A_44 = vector.extract_strided_slice %convert_element_type3A {offsets = [0, 0], sizes = [11, 345], strides = [1, 1]} : vector<11x402xbf16> to vector<11x345xbf16>
    %swap3A_45 = arith.constant 0 : index
    %swap3A_46 = arith.constant 0 : index
    %swap3A_47 = arith.constant 0 : index
    %swap3A_48 = arith.constant 0 : index
    %swap3A_49 = vector.load %arg7[%swap3A_45, %swap3A_46, %swap3A_47, %swap3A_48] : memref<1x11x1x345xbf16, #tpu.memory_space<vmem>>, vector<1x11x1x345xbf16>
    %swap3A_50 = vector.shape_cast %swap3A_49 : vector<1x11x1x345xbf16> to vector<11x345xbf16>
    %swap3A_51 = vector.shape_cast %slice3A_44 : vector<11x345xbf16> to vector<1x11x1x345xbf16>
    tpu.vector_store %arg7[%swap3A_45, %swap3A_46, %swap3A_47, %swap3A_48], %swap3A_51 {strides = array<i32>} : memref<1x11x1x345xbf16, #tpu.memory_space<vmem>>, vector<1x11x1x345xbf16>,
    %slice3A_52 = vector.extract_strided_slice %convert_element_type3A {offsets = [0, 0], sizes = [11, 350], strides = [1, 1]} : vector<11x402xbf16> to vector<11x350xbf16>
    %swap3A_53 = arith.constant 0 : index
    %swap3A_54 = arith.constant 0 : index
    %swap3A_55 = arith.constant 0 : index
    %swap3A_56 = arith.constant 0 : index
    %swap3A_57 = vector.load %arg8[%swap3A_53, %swap3A_54, %swap3A_55, %swap3A_56] : memref<1x11x1x350xbf16, #tpu.memory_space<vmem>>, vector<1x11x1x350xbf16>
    %swap3A_58 = vector.shape_cast %swap3A_57 : vector<1x11x1x350xbf16> to vector<11x350xbf16>
    %swap3A_59 = vector.shape_cast %slice3A_52 : vector<11x350xbf16> to vector<1x11x1x350xbf16>
    tpu.vector_store %arg8[%swap3A_53, %swap3A_54, %swap3A_55, %swap3A_56], %swap3A_59 {strides = array<i32>} : memref<1x11x1x350xbf16, #tpu.memory_space<vmem>>, vector<1x11x1x350xbf16>,
    %slice3A_60 = vector.extract_strided_slice %convert_element_type3A {offsets = [0, 0], sizes = [11, 352], strides = [1, 1]} : vector<11x402xbf16> to vector<11x352xbf16>
    %swap3A_61 = arith.constant 0 : index
    %swap3A_62 = arith.constant 0 : index
    %swap3A_63 = arith.constant 0 : index
    %swap3A_64 = arith.constant 0 : index
    %swap3A_65 = vector.load %arg9[%swap3A_61, %swap3A_62, %swap3A_63, %swap3A_64] : memref<1x11x1x352xbf16, #tpu.memory_space<vmem>>, vector<1x11x1x352xbf16>
    %swap3A_66 = vector.shape_cast %swap3A_65 : vector<1x11x1x352xbf16> to vector<11x352xbf16>
    %swap3A_67 = vector.shape_cast %slice3A_60 : vector<11x352xbf16> to vector<1x11x1x352xbf16>
    tpu.vector_store %arg9[%swap3A_61, %swap3A_62, %swap3A_63, %swap3A_64], %swap3A_67 {strides = array<i32>} : memref<1x11x1x352xbf16, #tpu.memory_space<vmem>>, vector<1x11x1x352xbf16>,
    %slice3A_68 = vector.extract_strided_slice %convert_element_type3A {offsets = [0, 0], sizes = [11, 360], strides = [1, 1]} : vector<11x402xbf16> to vector<11x360xbf16>
    %swap3A_69 = arith.constant 0 : index
    %swap3A_70 = arith.constant 0 : index
    %swap3A_71 = arith.constant 0 : index
    %swap3A_72 = arith.constant 0 : index
    %swap3A_73 = vector.load %arg10[%swap3A_69, %swap3A_70, %swap3A_71, %swap3A_72] : memref<1x11x1x360xbf16, #tpu.memory_space<vmem>>, vector<1x11x1x360xbf16>
    %swap3A_74 = vector.shape_cast %swap3A_73 : vector<1x11x1x360xbf16> to vector<11x360xbf16>
    %swap3A_75 = vector.shape_cast %slice3A_68 : vector<11x360xbf16> to vector<1x11x1x360xbf16>
    tpu.vector_store %arg10[%swap3A_69, %swap3A_70, %swap3A_71, %swap3A_72], %swap3A_75 {strides = array<i32>} : memref<1x11x1x360xbf16, #tpu.memory_space<vmem>>, vector<1x11x1x360xbf16>,
    %slice3A_76 = vector.extract_strided_slice %convert_element_type3A {offsets = [0, 0], sizes = [11, 363], strides = [1, 1]} : vector<11x402xbf16> to vector<11x363xbf16>
    %swap3A_77 = arith.constant 0 : index
    %swap3A_78 = arith.constant 0 : index
    %swap3A_79 = arith.constant 0 : index
    %swap3A_80 = arith.constant 0 : index
    %swap3A_81 = vector.load %arg11[%swap3A_77, %swap3A_78, %swap3A_79, %swap3A_80] : memref<1x11x1x363xbf16, #tpu.memory_space<vmem>>, vector<1x11x1x363xbf16>
    %swap3A_82 = vector.shape_cast %swap3A_81 : vector<1x11x1x363xbf16> to vector<11x363xbf16>
    %swap3A_83 = vector.shape_cast %slice3A_76 : vector<11x363xbf16> to vector<1x11x1x363xbf16>
    tpu.vector_store %arg11[%swap3A_77, %swap3A_78, %swap3A_79, %swap3A_80], %swap3A_83 {strides = array<i32>} : memref<1x11x1x363xbf16, #tpu.memory_space<vmem>>, vector<1x11x1x363xbf16>,
    %slice3A_84 = vector.extract_strided_slice %convert_element_type3A {offsets = [0, 0], sizes = [11, 370], strides = [1, 1]} : vector<11x402xbf16> to vector<11x370xbf16>
    %swap3A_85 = arith.constant 0 : index
    %swap3A_86 = arith.constant 0 : index
    %swap3A_87 = arith.constant 0 : index
    %swap3A_88 = arith.constant 0 : index
    %swap3A_89 = vector.load %arg12[%swap3A_85, %swap3A_86, %swap3A_87, %swap3A_88] : memref<1x11x1x370xbf16, #tpu.memory_space<vmem>>, vector<1x11x1x370xbf16>
    %swap3A_90 = vector.shape_cast %swap3A_89 : vector<1x11x1x370xbf16> to vector<11x370xbf16>
    %swap3A_91 = vector.shape_cast %slice3A_84 : vector<11x370xbf16> to vector<1x11x1x370xbf16>
    tpu.vector_store %arg12[%swap3A_85, %swap3A_86, %swap3A_87, %swap3A_88], %swap3A_91 {strides = array<i32>} : memref<1x11x1x370xbf16, #tpu.memory_space<vmem>>, vector<1x11x1x370xbf16>,
    %swap3A_92 = arith.constant 0 : index
    %swap3A_93 = arith.constant 0 : index
    %swap3A_94 = arith.constant 0 : index
    %swap3A_95 = arith.constant 0 : index
    %swap3A_96 = vector.load %arg13[%swap3A_92, %swap3A_93, %swap3A_94, %swap3A_95] : memref<1x11x1x402xbf16, #tpu.memory_space<vmem>>, vector<1x11x1x402xbf16>
    %swap3A_97 = vector.shape_cast %swap3A_96 : vector<1x11x1x402xbf16> to vector<11x402xbf16>
    %swap3A_98 = vector.shape_cast %convert_element_type3A : vector<11x402xbf16> to vector<1x11x1x402xbf16>
    tpu.vector_store %arg13[%swap3A_92, %swap3A_93, %swap3A_94, %swap3A_95], %swap3A_98 {strides = array<i32>} : memref<1x11x1x402xbf16, #tpu.memory_space<vmem>>, vector<1x11x1x402xbf16>,
    return
  }
  func.func @transform_0(%arg0: i32) -> (i32, i32, i32) {
    %c0_i32 = arith.constant 0 : i32
    %c0_i32_0 = arith.constant 0 : i32
    %c0_i32_1 = arith.constant 0 : i32
    return %arg0, %c0_i32, %c0_i32_0 : i32, i32, i32
  }
  func.func @transform_1(%arg0: i32) -> (i32, i32, i32, i32) {
    %c0_i32 = arith.constant 0 : i32
    %c0_i32_0 = arith.constant 0 : i32
    %c0_i32_1 = arith.constant 0 : i32
    %c0_i32_2 = arith.constant 0 : i32
    return %arg0, %c0_i32, %c0_i32_0, %c0_i32_1 : i32, i32, i32, i32
  }
  func.func @transform_2(%arg0: i32) -> (i32, i32, i32, i32) {
    %c0_i32 = arith.constant 0 : i32
    %c0_i32_0 = arith.constant 0 : i32
    %c0_i32_1 = arith.constant 0 : i32
    %c0_i32_2 = arith.constant 0 : i32
    return %arg0, %c0_i32, %c0_i32_0, %c0_i32_1 : i32, i32, i32, i32
  }
  func.func @transform_3(%arg0: i32) -> (i32, i32, i32, i32) {
    %c0_i32 = arith.constant 0 : i32
    %c0_i32_0 = arith.constant 0 : i32
    %c0_i32_1 = arith.constant 0 : i32
    %c0_i32_2 = arith.constant 0 : i32
    return %arg0, %c0_i32, %c0_i32_0, %c0_i32_1 : i32, i32, i32, i32
  }
  func.func @transform_4(%arg0: i32) -> (i32, i32, i32, i32) {
    %c0_i32 = arith.constant 0 : i32
    %c0_i32_0 = arith.constant 0 : i32
    %c0_i32_1 = arith.constant 0 : i32
    %c0_i32_2 = arith.constant 0 : i32
    return %arg0, %c0_i32, %c0_i32_0, %c0_i32_1 : i32, i32, i32, i32
  }
  func.func @transform_5(%arg0: i32) -> (i32, i32, i32, i32) {
    %c0_i32 = arith.constant 0 : i32
    %c0_i32_0 = arith.constant 0 : i32
    %c0_i32_1 = arith.constant 0 : i32
    %c0_i32_2 = arith.constant 0 : i32
    return %arg0, %c0_i32, %c0_i32_0, %c0_i32_1 : i32, i32, i32, i32
  }
  func.func @transform_6(%arg0: i32) -> (i32, i32, i32, i32) {
    %c0_i32 = arith.constant 0 : i32
    %c0_i32_0 = arith.constant 0 : i32
    %c0_i32_1 = arith.constant 0 : i32
    %c0_i32_2 = arith.constant 0 : i32
    return %arg0, %c0_i32, %c0_i32_0, %c0_i32_1 : i32, i32, i32, i32
  }
  func.func @transform_7(%arg0: i32) -> (i32, i32, i32, i32) {
    %c0_i32 = arith.constant 0 : i32
    %c0_i32_0 = arith.constant 0 : i32
    %c0_i32_1 = arith.constant 0 : i32
    %c0_i32_2 = arith.constant 0 : i32
    return %arg0, %c0_i32, %c0_i32_0, %c0_i32_1 : i32, i32, i32, i32
  }
  func.func @transform_8(%arg0: i32) -> (i32, i32, i32, i32) {
    %c0_i32 = arith.constant 0 : i32
    %c0_i32_0 = arith.constant 0 : i32
    %c0_i32_1 = arith.constant 0 : i32
    %c0_i32_2 = arith.constant 0 : i32
    return %arg0, %c0_i32, %c0_i32_0, %c0_i32_1 : i32, i32, i32, i32
  }
  func.func @transform_9(%arg0: i32) -> (i32, i32, i32, i32) {
    %c0_i32 = arith.constant 0 : i32
    %c0_i32_0 = arith.constant 0 : i32
    %c0_i32_1 = arith.constant 0 : i32
    %c0_i32_2 = arith.constant 0 : i32
    return %arg0, %c0_i32, %c0_i32_0, %c0_i32_1 : i32, i32, i32, i32
  }
  func.func @transform_10(%arg0: i32) -> (i32, i32, i32, i32) {
    %c0_i32 = arith.constant 0 : i32
    %c0_i32_0 = arith.constant 0 : i32
    %c0_i32_1 = arith.constant 0 : i32
    %c0_i32_2 = arith.constant 0 : i32
    return %arg0, %c0_i32, %c0_i32_0, %c0_i32_1 : i32, i32, i32, i32
  }
  func.func @transform_11(%arg0: i32) -> (i32, i32, i32, i32) {
    %c0_i32 = arith.constant 0 : i32
    %c0_i32_0 = arith.constant 0 : i32
    %c0_i32_1 = arith.constant 0 : i32
    %c0_i32_2 = arith.constant 0 : i32
    return %arg0, %c0_i32, %c0_i32_0, %c0_i32_1 : i32, i32, i32, i32
  }
  func.func @transform_12(%arg0: i32) -> (i32, i32, i32, i32) {
    %c0_i32 = arith.constant 0 : i32
    %c0_i32_0 = arith.constant 0 : i32
    %c0_i32_1 = arith.constant 0 : i32
    %c0_i32_2 = arith.constant 0 : i32
    return %arg0, %c0_i32, %c0_i32_0, %c0_i32_1 : i32, i32, i32, i32
  }
}

module attributes {stable_mosaic.version = 14 : i64} {
  func.func @_fused_body(%arg0: i32, %arg1: i32, %arg2: memref<34x16xi32, #tpu.memory_space<smem>>, %arg3: memref<16x1x1x336xbf16, #tpu.memory_space<vmem>>, %arg4: memref<16x1x1x338xbf16, #tpu.memory_space<vmem>>, %arg5: memref<16x1x1x340xbf16, #tpu.memory_space<vmem>>, %arg6: memref<16x1x1x341xbf16, #tpu.memory_space<vmem>>, %arg7: memref<16x1x1x342xbf16, #tpu.memory_space<vmem>>, %arg8: memref<16x1x1x345xbf16, #tpu.memory_space<vmem>>, %arg9: memref<16x1x1x350xbf16, #tpu.memory_space<vmem>>, %arg10: memref<16x1x1x352xbf16, #tpu.memory_space<vmem>>, %arg11: memref<16x1x1x360xbf16, #tpu.memory_space<vmem>>, %arg12: memref<16x1x1x363xbf16, #tpu.memory_space<vmem>>, %arg13: memref<16x1x1x370xbf16, #tpu.memory_space<vmem>>, %arg14: memref<16x1x1x402xbf16, #tpu.memory_space<vmem>>, %arg15: memref<8312x512xbf16, #tpu.memory_space<vmem>>, %arg16: memref<400x402xbf16, #tpu.memory_space<vmem>>, %arg17: memref<1344x8xbf16, #tpu.memory_space<vmem>>, %arg18: memref<1x1x256xf32, #tpu.memory_space<vmem>>, %arg19: memref<400x256xf32, #tpu.memory_space<vmem>>, %arg20: memref<1x1x8x512xf32, #tpu.memory_space<vmem>>, %arg21: memref<1x2x8x512xf32, #tpu.memory_space<vmem>>, %arg22: memref<1x3x8x512xf32, #tpu.memory_space<vmem>>, %arg23: memref<1x4x8x512xf32, #tpu.memory_space<vmem>>, %arg24: memref<1x6x8x512xf32, #tpu.memory_space<vmem>>, %arg25: memref<1x6x8x512xf32, #tpu.memory_space<vmem>>, %arg26: memref<1x7x8x512xf32, #tpu.memory_space<vmem>>, %arg27: memref<1x8x8x512xf32, #tpu.memory_space<vmem>>, %arg28: memref<1x10x8x512xf32, #tpu.memory_space<vmem>>, %arg29: memref<1x11x8x512xf32, #tpu.memory_space<vmem>>, %arg30: memref<1x12x8x512xf32, #tpu.memory_space<vmem>>, %arg31: memref<1x12x8x512xf32, #tpu.memory_space<vmem>>, %arg32: memref<1x14x8x512xf32, #tpu.memory_space<vmem>>, %arg33: memref<1x14x8x512xf32, #tpu.memory_space<vmem>>, %arg34: memref<1x16x8x512xf32, #tpu.memory_space<vmem>>, %arg35: memref<1x16x8x512xf32, #tpu.memory_space<vmem>>, %arg36: memref<1x18x8x512xf32, #tpu.memory_space<vmem>>, %arg37: memref<1x19x8x512xf32, #tpu.memory_space<vmem>>, %arg38: memref<1x20x8x512xf32, #tpu.memory_space<vmem>>, %arg39: memref<1x21x8x512xf32, #tpu.memory_space<vmem>>, %arg40: memref<1x23x8x512xf32, #tpu.memory_space<vmem>>, %arg41: memref<1x24x8x512xf32, #tpu.memory_space<vmem>>, %arg42: memref<1x26x8x512xf32, #tpu.memory_space<vmem>>, %arg43: memref<1x28x8x512xf32, #tpu.memory_space<vmem>>) attributes {dimension_semantics = [#tpu.dimension_semantics<arbitrary>, #tpu.dimension_semantics<arbitrary>], iteration_bounds = array<i64: 11, 2>, scalar_prefetch = 1 : i64, scratch_operands = 0 : i64, tpu.core_type = #tpu.core_type<tc>, window_params = [{transform_indices = @transform_0, window_bounds = array<i64: 16, 1, 1, 336>}, {transform_indices = @transform_1, window_bounds = array<i64: 16, 1, 1, 338>}, {transform_indices = @transform_2, window_bounds = array<i64: 16, 1, 1, 340>}, {transform_indices = @transform_3, window_bounds = array<i64: 16, 1, 1, 341>}, {transform_indices = @transform_4, window_bounds = array<i64: 16, 1, 1, 342>}, {transform_indices = @transform_5, window_bounds = array<i64: 16, 1, 1, 345>}, {transform_indices = @transform_6, window_bounds = array<i64: 16, 1, 1, 350>}, {transform_indices = @transform_7, window_bounds = array<i64: 16, 1, 1, 352>}, {transform_indices = @transform_8, window_bounds = array<i64: 16, 1, 1, 360>}, {transform_indices = @transform_9, window_bounds = array<i64: 16, 1, 1, 363>}, {transform_indices = @transform_10, window_bounds = array<i64: 16, 1, 1, 370>}, {transform_indices = @transform_11, window_bounds = array<i64: 16, 1, 1, 402>}, {pipeline_mode = #tpu.pipeline_mode<synchronous>, transform_indices = @transform_12, window_bounds = array<i64: 8312, 512>}, {pipeline_mode = #tpu.pipeline_mode<synchronous>, transform_indices = @transform_13, window_bounds = array<i64: 400, 402>}, {pipeline_mode = #tpu.pipeline_mode<synchronous>, transform_indices = @transform_14, window_bounds = array<i64: 1344, 8>}, {transform_indices = @transform_15, window_bounds = array<i64: 1, 1, 256>}, {pipeline_mode = #tpu.pipeline_mode<synchronous>, transform_indices = @transform_16, window_bounds = array<i64: 400, 256>}, {transform_indices = @transform_17, window_bounds = array<i64: 1, 1, 8, 512>}, {transform_indices = @transform_18, window_bounds = array<i64: 1, 2, 8, 512>}, {transform_indices = @transform_19, window_bounds = array<i64: 1, 3, 8, 512>}, {transform_indices = @transform_20, window_bounds = array<i64: 1, 4, 8, 512>}, {transform_indices = @transform_21, window_bounds = array<i64: 1, 6, 8, 512>}, {transform_indices = @transform_22, window_bounds = array<i64: 1, 6, 8, 512>}, {transform_indices = @transform_23, window_bounds = array<i64: 1, 7, 8, 512>}, {transform_indices = @transform_24, window_bounds = array<i64: 1, 8, 8, 512>}, {transform_indices = @transform_25, window_bounds = array<i64: 1, 10, 8, 512>}, {transform_indices = @transform_26, window_bounds = array<i64: 1, 11, 8, 512>}, {transform_indices = @transform_27, window_bounds = array<i64: 1, 12, 8, 512>}, {transform_indices = @transform_28, window_bounds = array<i64: 1, 12, 8, 512>}, {transform_indices = @transform_29, window_bounds = array<i64: 1, 14, 8, 512>}, {transform_indices = @transform_30, window_bounds = array<i64: 1, 14, 8, 512>}, {transform_indices = @transform_31, window_bounds = array<i64: 1, 16, 8, 512>}, {transform_indices = @transform_32, window_bounds = array<i64: 1, 16, 8, 512>}, {transform_indices = @transform_33, window_bounds = array<i64: 1, 18, 8, 512>}, {transform_indices = @transform_34, window_bounds = array<i64: 1, 19, 8, 512>}, {transform_indices = @transform_35, window_bounds = array<i64: 1, 20, 8, 512>}, {transform_indices = @transform_36, window_bounds = array<i64: 1, 21, 8, 512>}, {transform_indices = @transform_37, window_bounds = array<i64: 1, 23, 8, 512>}, {transform_indices = @transform_38, window_bounds = array<i64: 1, 24, 8, 512>}, {transform_indices = @transform_39, window_bounds = array<i64: 1, 26, 8, 512>}, {transform_indices = @transform_40, window_bounds = array<i64: 1, 28, 8, 512>}]} {
    %mul3A = arith.constant 8 : i32
    %mul3A_0 = arith.muli %arg1, %mul3A : i32
    %get3A = arith.constant 0 : index
    %get3A_1 = arith.constant 0 : index
    %get3A_2 = arith.constant 0 : index
    %get3A_3 = vector.load %arg18[%get3A, %get3A_1, %get3A_2] : memref<1x1x256xf32, #tpu.memory_space<vmem>>, vector<1x1x256xf32>
    %get3A_4 = vector.shape_cast %get3A_3 : vector<1x1x256xf32> to vector<1x256xf32>
    %add3A = arith.constant 0 : i32
    %add3A_5 = arith.addi %mul3A_0, %add3A : i32
    %get3A_6 = arith.constant 0 : index
    %get3A_7 = arith.index_cast %add3A_5 : i32 to index
    %get3A_8 = memref.load %arg2[%get3A_6, %get3A_7] : memref<34x16xi32, #tpu.memory_space<smem>>
    %get3A_9 = arith.index_cast %get3A_8 : i32 to index
    %get3A_10 = arith.constant 0 : index
    %get3A_11 = arith.constant 0 : index
    %get3A_12 = arith.constant 0 : index
    %get3A_13 = vector.load %arg3[%get3A_9, %get3A_10, %get3A_11, %get3A_12] : memref<16x1x1x336xbf16, #tpu.memory_space<vmem>>, vector<1x1x1x336xbf16>
    %get3A_14 = vector.shape_cast %get3A_13 : vector<1x1x1x336xbf16> to vector<336xbf16>
    %broadcast_in_dim3A = vector.shape_cast %get3A_14 : vector<336xbf16> to vector<1x336xbf16>
    %add3A_15 = arith.constant 1 : i32
    %add3A_16 = arith.addi %mul3A_0, %add3A_15 : i32
    %get3A_17 = arith.constant 0 : index
    %get3A_18 = arith.index_cast %add3A_16 : i32 to index
    %get3A_19 = memref.load %arg2[%get3A_17, %get3A_18] : memref<34x16xi32, #tpu.memory_space<smem>>
    %get3A_20 = arith.index_cast %get3A_19 : i32 to index
    %get3A_21 = arith.constant 0 : index
    %get3A_22 = arith.constant 0 : index
    %get3A_23 = arith.constant 0 : index
    %get3A_24 = vector.load %arg3[%get3A_20, %get3A_21, %get3A_22, %get3A_23] : memref<16x1x1x336xbf16, #tpu.memory_space<vmem>>, vector<1x1x1x336xbf16>
    %get3A_25 = vector.shape_cast %get3A_24 : vector<1x1x1x336xbf16> to vector<336xbf16>
    %broadcast_in_dim3A_26 = vector.shape_cast %get3A_25 : vector<336xbf16> to vector<1x336xbf16>
    %add3A_27 = arith.constant 2 : i32
    %add3A_28 = arith.addi %mul3A_0, %add3A_27 : i32
    %get3A_29 = arith.constant 0 : index
    %get3A_30 = arith.index_cast %add3A_28 : i32 to index
    %get3A_31 = memref.load %arg2[%get3A_29, %get3A_30] : memref<34x16xi32, #tpu.memory_space<smem>>
    %get3A_32 = arith.index_cast %get3A_31 : i32 to index
    %get3A_33 = arith.constant 0 : index
    %get3A_34 = arith.constant 0 : index
    %get3A_35 = arith.constant 0 : index
    %get3A_36 = vector.load %arg3[%get3A_32, %get3A_33, %get3A_34, %get3A_35] : memref<16x1x1x336xbf16, #tpu.memory_space<vmem>>, vector<1x1x1x336xbf16>
    %get3A_37 = vector.shape_cast %get3A_36 : vector<1x1x1x336xbf16> to vector<336xbf16>
    %broadcast_in_dim3A_38 = vector.shape_cast %get3A_37 : vector<336xbf16> to vector<1x336xbf16>
    %add3A_39 = arith.constant 3 : i32
    %add3A_40 = arith.addi %mul3A_0, %add3A_39 : i32
    %get3A_41 = arith.constant 0 : index
    %get3A_42 = arith.index_cast %add3A_40 : i32 to index
    %get3A_43 = memref.load %arg2[%get3A_41, %get3A_42] : memref<34x16xi32, #tpu.memory_space<smem>>
    %get3A_44 = arith.index_cast %get3A_43 : i32 to index
    %get3A_45 = arith.constant 0 : index
    %get3A_46 = arith.constant 0 : index
    %get3A_47 = arith.constant 0 : index
    %get3A_48 = vector.load %arg3[%get3A_44, %get3A_45, %get3A_46, %get3A_47] : memref<16x1x1x336xbf16, #tpu.memory_space<vmem>>, vector<1x1x1x336xbf16>
    %get3A_49 = vector.shape_cast %get3A_48 : vector<1x1x1x336xbf16> to vector<336xbf16>
    %broadcast_in_dim3A_50 = vector.shape_cast %get3A_49 : vector<336xbf16> to vector<1x336xbf16>
    %add3A_51 = arith.constant 4 : i32
    %add3A_52 = arith.addi %mul3A_0, %add3A_51 : i32
    %get3A_53 = arith.constant 0 : index
    %get3A_54 = arith.index_cast %add3A_52 : i32 to index
    %get3A_55 = memref.load %arg2[%get3A_53, %get3A_54] : memref<34x16xi32, #tpu.memory_space<smem>>
    %get3A_56 = arith.index_cast %get3A_55 : i32 to index
    %get3A_57 = arith.constant 0 : index
    %get3A_58 = arith.constant 0 : index
    %get3A_59 = arith.constant 0 : index
    %get3A_60 = vector.load %arg3[%get3A_56, %get3A_57, %get3A_58, %get3A_59] : memref<16x1x1x336xbf16, #tpu.memory_space<vmem>>, vector<1x1x1x336xbf16>
    %get3A_61 = vector.shape_cast %get3A_60 : vector<1x1x1x336xbf16> to vector<336xbf16>
    %broadcast_in_dim3A_62 = vector.shape_cast %get3A_61 : vector<336xbf16> to vector<1x336xbf16>
    %add3A_63 = arith.constant 5 : i32
    %add3A_64 = arith.addi %mul3A_0, %add3A_63 : i32
    %get3A_65 = arith.constant 0 : index
    %get3A_66 = arith.index_cast %add3A_64 : i32 to index
    %get3A_67 = memref.load %arg2[%get3A_65, %get3A_66] : memref<34x16xi32, #tpu.memory_space<smem>>
    %get3A_68 = arith.index_cast %get3A_67 : i32 to index
    %get3A_69 = arith.constant 0 : index
    %get3A_70 = arith.constant 0 : index
    %get3A_71 = arith.constant 0 : index
    %get3A_72 = vector.load %arg3[%get3A_68, %get3A_69, %get3A_70, %get3A_71] : memref<16x1x1x336xbf16, #tpu.memory_space<vmem>>, vector<1x1x1x336xbf16>
    %get3A_73 = vector.shape_cast %get3A_72 : vector<1x1x1x336xbf16> to vector<336xbf16>
    %broadcast_in_dim3A_74 = vector.shape_cast %get3A_73 : vector<336xbf16> to vector<1x336xbf16>
    %add3A_75 = arith.constant 6 : i32
    %add3A_76 = arith.addi %mul3A_0, %add3A_75 : i32
    %get3A_77 = arith.constant 0 : index
    %get3A_78 = arith.index_cast %add3A_76 : i32 to index
    %get3A_79 = memref.load %arg2[%get3A_77, %get3A_78] : memref<34x16xi32, #tpu.memory_space<smem>>
    %get3A_80 = arith.index_cast %get3A_79 : i32 to index
    %get3A_81 = arith.constant 0 : index
    %get3A_82 = arith.constant 0 : index
    %get3A_83 = arith.constant 0 : index
    %get3A_84 = vector.load %arg3[%get3A_80, %get3A_81, %get3A_82, %get3A_83] : memref<16x1x1x336xbf16, #tpu.memory_space<vmem>>, vector<1x1x1x336xbf16>
    %get3A_85 = vector.shape_cast %get3A_84 : vector<1x1x1x336xbf16> to vector<336xbf16>
    %broadcast_in_dim3A_86 = vector.shape_cast %get3A_85 : vector<336xbf16> to vector<1x336xbf16>
    %add3A_87 = arith.constant 7 : i32
    %add3A_88 = arith.addi %mul3A_0, %add3A_87 : i32
    %get3A_89 = arith.constant 0 : index
    %get3A_90 = arith.index_cast %add3A_88 : i32 to index
    %get3A_91 = memref.load %arg2[%get3A_89, %get3A_90] : memref<34x16xi32, #tpu.memory_space<smem>>
    %get3A_92 = arith.index_cast %get3A_91 : i32 to index
    %get3A_93 = arith.constant 0 : index
    %get3A_94 = arith.constant 0 : index
    %get3A_95 = arith.constant 0 : index
    %get3A_96 = vector.load %arg3[%get3A_92, %get3A_93, %get3A_94, %get3A_95] : memref<16x1x1x336xbf16, #tpu.memory_space<vmem>>, vector<1x1x1x336xbf16>
    %get3A_97 = vector.shape_cast %get3A_96 : vector<1x1x1x336xbf16> to vector<336xbf16>
    %broadcast_in_dim3A_98 = vector.shape_cast %get3A_97 : vector<336xbf16> to vector<1x336xbf16>
    %concatenate3A = tpu.concatenate %broadcast_in_dim3A, %broadcast_in_dim3A_26, %broadcast_in_dim3A_38, %broadcast_in_dim3A_50, %broadcast_in_dim3A_62, %broadcast_in_dim3A_74, %broadcast_in_dim3A_86, %broadcast_in_dim3A_98 in 0 : vector<1x336xbf16>, vector<1x336xbf16>, vector<1x336xbf16>, vector<1x336xbf16>, vector<1x336xbf16>, vector<1x336xbf16>, vector<1x336xbf16>, vector<1x336xbf16> -> vector<8x336xbf16>
    %get3A_99 = arith.constant 0 : index
    %get3A_100 = arith.constant 0 : index
    %get3A_101 = vector.load %arg17[%get3A_99, %get3A_100] : memref<1344x8xbf16, #tpu.memory_space<vmem>>, vector<8x8xbf16>
    %dot_general3A = arith.constant dense<0.000000e+00> : vector<8x336xf32>
    %dot_general3A_102 = tpu.matmul %get3A_101, %concatenate3A, %dot_general3A {dimension_numbers = #tpu.dot_dimension_numbers<[1], [0], [0], [1], [0, 0, 1, 1], [], []>, transpose_lhs_hint = false} : vector<8x8xbf16>, vector<8x336xbf16>, vector<8x336xf32> -> vector<8x336xf32>
    %convert_element_type3A = arith.truncf %dot_general3A_102 : vector<8x336xf32> to vector<8x336xbf16>
    %get3A_103 = arith.constant 0 : index
    %get3A_104 = arith.constant 0 : index
    %get3A_105 = vector.load %arg16[%get3A_103, %get3A_104] : memref<400x402xbf16, #tpu.memory_space<vmem>>, vector<1x336xbf16>
    %broadcast_in_dim3A_106 = vector.shape_cast %get3A_105 : vector<1x336xbf16> to vector<1x1x336xbf16>
    %broadcast_in_dim3A_107 = vector.shape_cast %broadcast_in_dim3A_106 : vector<1x1x336xbf16> to vector<1x1x336xbf16>
    %broadcast_in_dim3A_108 = vector.broadcast %broadcast_in_dim3A_107 : vector<1x1x336xbf16> to vector<1x8x336xbf16>
    %reshape3A = vector.shape_cast %broadcast_in_dim3A_108 : vector<1x8x336xbf16> to vector<8x336xbf16>
    %mul3A_109 = arith.mulf %reshape3A, %convert_element_type3A : vector<8x336xbf16>
    %get3A_110 = arith.constant 0 : index
    %get3A_111 = arith.constant 0 : index
    %get3A_112 = vector.load %arg15[%get3A_110, %get3A_111] : memref<8312x512xbf16, #tpu.memory_space<vmem>>, vector<336x512xbf16>
    %dot_general3A_113 = arith.constant dense<0.000000e+00> : vector<8x512xf32>
    %dot_general3A_114 = tpu.matmul %mul3A_109, %get3A_112, %dot_general3A_113 {dimension_numbers = #tpu.dot_dimension_numbers<[1], [0], [0], [1], [0, 0, 1, 1], [], []>, transpose_lhs_hint = false} : vector<8x336xbf16>, vector<336x512xbf16>, vector<8x512xf32> -> vector<8x512xf32>
    %get3A_115 = arith.constant 0 : index
    %get3A_116 = arith.constant 0 : index
    %get3A_117 = vector.load %arg19[%get3A_115, %get3A_116] : memref<400x256xf32, #tpu.memory_space<vmem>>, vector<1x256xf32>
    %broadcast_in_dim3A_118 = vector.shape_cast %get3A_117 : vector<1x256xf32> to vector<1x1x256xf32>
    %broadcast_in_dim3A_119 = vector.shape_cast %broadcast_in_dim3A_118 : vector<1x1x256xf32> to vector<1x1x256xf32>
    %broadcast_in_dim3A_120 = vector.broadcast %broadcast_in_dim3A_119 : vector<1x1x256xf32> to vector<1x8x256xf32>
    %reshape3A_121 = vector.shape_cast %broadcast_in_dim3A_120 : vector<1x8x256xf32> to vector<8x256xf32>
    %broadcast_in_dim3A_122 = vector.shape_cast %get3A_4 : vector<1x256xf32> to vector<1x256xf32>
    %broadcast_in_dim3A_123 = vector.broadcast %broadcast_in_dim3A_122 : vector<1x256xf32> to vector<8x256xf32>
    %concatenate3A_124 = tpu.concatenate %broadcast_in_dim3A_123, %reshape3A_121 in 1 : vector<8x256xf32>, vector<8x256xf32> -> vector<8x512xf32>
    %add3A_125 = arith.addf %dot_general3A_114, %concatenate3A_124 : vector<8x512xf32>
    %reshape3A_126 = vector.shape_cast %add3A_125 : vector<8x512xf32> to vector<1x8x512xf32>
    %swap3A = arith.constant 0 : index
    %swap3A_127 = arith.constant 0 : index
    %swap3A_128 = arith.constant 0 : index
    %swap3A_129 = arith.constant 0 : index
    %swap3A_130 = vector.load %arg20[%swap3A, %swap3A_127, %swap3A_128, %swap3A_129] : memref<1x1x8x512xf32, #tpu.memory_space<vmem>>, vector<1x1x8x512xf32>
    %swap3A_131 = vector.shape_cast %swap3A_130 : vector<1x1x8x512xf32> to vector<1x8x512xf32>
    %swap3A_132 = vector.shape_cast %reshape3A_126 : vector<1x8x512xf32> to vector<1x1x8x512xf32>
    tpu.vector_store %arg20[%swap3A, %swap3A_127, %swap3A_128, %swap3A_129], %swap3A_132 {strides = array<i32>} : memref<1x1x8x512xf32, #tpu.memory_space<vmem>>, vector<1x1x8x512xf32>,
    %add3A_133 = arith.constant 0 : i32
    %add3A_134 = arith.addi %mul3A_0, %add3A_133 : i32
    %get3A_135 = arith.constant 1 : index
    %get3A_136 = arith.index_cast %add3A_134 : i32 to index
    %get3A_137 = memref.load %arg2[%get3A_135, %get3A_136] : memref<34x16xi32, #tpu.memory_space<smem>>
    %get3A_138 = arith.index_cast %get3A_137 : i32 to index
    %get3A_139 = arith.constant 0 : index
    %get3A_140 = arith.constant 0 : index
    %get3A_141 = arith.constant 0 : index
    %get3A_142 = vector.load %arg3[%get3A_138, %get3A_139, %get3A_140, %get3A_141] : memref<16x1x1x336xbf16, #tpu.memory_space<vmem>>, vector<1x1x1x336xbf16>
    %get3A_143 = vector.shape_cast %get3A_142 : vector<1x1x1x336xbf16> to vector<336xbf16>
    %broadcast_in_dim3A_144 = vector.shape_cast %get3A_143 : vector<336xbf16> to vector<1x336xbf16>
    %add3A_145 = arith.constant 1 : i32
    %add3A_146 = arith.addi %mul3A_0, %add3A_145 : i32
    %get3A_147 = arith.constant 1 : index
    %get3A_148 = arith.index_cast %add3A_146 : i32 to index
    %get3A_149 = memref.load %arg2[%get3A_147, %get3A_148] : memref<34x16xi32, #tpu.memory_space<smem>>
    %get3A_150 = arith.index_cast %get3A_149 : i32 to index
    %get3A_151 = arith.constant 0 : index
    %get3A_152 = arith.constant 0 : index
    %get3A_153 = arith.constant 0 : index
    %get3A_154 = vector.load %arg3[%get3A_150, %get3A_151, %get3A_152, %get3A_153] : memref<16x1x1x336xbf16, #tpu.memory_space<vmem>>, vector<1x1x1x336xbf16>
    %get3A_155 = vector.shape_cast %get3A_154 : vector<1x1x1x336xbf16> to vector<336xbf16>
    %broadcast_in_dim3A_156 = vector.shape_cast %get3A_155 : vector<336xbf16> to vector<1x336xbf16>
    %add3A_157 = arith.constant 2 : i32
    %add3A_158 = arith.addi %mul3A_0, %add3A_157 : i32
    %get3A_159 = arith.constant 1 : index
    %get3A_160 = arith.index_cast %add3A_158 : i32 to index
    %get3A_161 = memref.load %arg2[%get3A_159, %get3A_160] : memref<34x16xi32, #tpu.memory_space<smem>>
    %get3A_162 = arith.index_cast %get3A_161 : i32 to index
    %get3A_163 = arith.constant 0 : index
    %get3A_164 = arith.constant 0 : index
    %get3A_165 = arith.constant 0 : index
    %get3A_166 = vector.load %arg3[%get3A_162, %get3A_163, %get3A_164, %get3A_165] : memref<16x1x1x336xbf16, #tpu.memory_space<vmem>>, vector<1x1x1x336xbf16>
    %get3A_167 = vector.shape_cast %get3A_166 : vector<1x1x1x336xbf16> to vector<336xbf16>
    %broadcast_in_dim3A_168 = vector.shape_cast %get3A_167 : vector<336xbf16> to vector<1x336xbf16>
    %add3A_169 = arith.constant 3 : i32
    %add3A_170 = arith.addi %mul3A_0, %add3A_169 : i32
    %get3A_171 = arith.constant 1 : index
    %get3A_172 = arith.index_cast %add3A_170 : i32 to index
    %get3A_173 = memref.load %arg2[%get3A_171, %get3A_172] : memref<34x16xi32, #tpu.memory_space<smem>>
    %get3A_174 = arith.index_cast %get3A_173 : i32 to index
    %get3A_175 = arith.constant 0 : index
    %get3A_176 = arith.constant 0 : index
    %get3A_177 = arith.constant 0 : index
    %get3A_178 = vector.load %arg3[%get3A_174, %get3A_175, %get3A_176, %get3A_177] : memref<16x1x1x336xbf16, #tpu.memory_space<vmem>>, vector<1x1x1x336xbf16>
    %get3A_179 = vector.shape_cast %get3A_178 : vector<1x1x1x336xbf16> to vector<336xbf16>
    %broadcast_in_dim3A_180 = vector.shape_cast %get3A_179 : vector<336xbf16> to vector<1x336xbf16>
    %add3A_181 = arith.constant 4 : i32
    %add3A_182 = arith.addi %mul3A_0, %add3A_181 : i32
    %get3A_183 = arith.constant 1 : index
    %get3A_184 = arith.index_cast %add3A_182 : i32 to index
    %get3A_185 = memref.load %arg2[%get3A_183, %get3A_184] : memref<34x16xi32, #tpu.memory_space<smem>>
    %get3A_186 = arith.index_cast %get3A_185 : i32 to index
    %get3A_187 = arith.constant 0 : index
    %get3A_188 = arith.constant 0 : index
    %get3A_189 = arith.constant 0 : index
    %get3A_190 = vector.load %arg3[%get3A_186, %get3A_187, %get3A_188, %get3A_189] : memref<16x1x1x336xbf16, #tpu.memory_space<vmem>>, vector<1x1x1x336xbf16>
    %get3A_191 = vector.shape_cast %get3A_190 : vector<1x1x1x336xbf16> to vector<336xbf16>
    %broadcast_in_dim3A_192 = vector.shape_cast %get3A_191 : vector<336xbf16> to vector<1x336xbf16>
    %add3A_193 = arith.constant 5 : i32
    %add3A_194 = arith.addi %mul3A_0, %add3A_193 : i32
    %get3A_195 = arith.constant 1 : index
    %get3A_196 = arith.index_cast %add3A_194 : i32 to index
    %get3A_197 = memref.load %arg2[%get3A_195, %get3A_196] : memref<34x16xi32, #tpu.memory_space<smem>>
    %get3A_198 = arith.index_cast %get3A_197 : i32 to index
    %get3A_199 = arith.constant 0 : index
    %get3A_200 = arith.constant 0 : index
    %get3A_201 = arith.constant 0 : index
    %get3A_202 = vector.load %arg3[%get3A_198, %get3A_199, %get3A_200, %get3A_201] : memref<16x1x1x336xbf16, #tpu.memory_space<vmem>>, vector<1x1x1x336xbf16>
    %get3A_203 = vector.shape_cast %get3A_202 : vector<1x1x1x336xbf16> to vector<336xbf16>
    %broadcast_in_dim3A_204 = vector.shape_cast %get3A_203 : vector<336xbf16> to vector<1x336xbf16>
    %add3A_205 = arith.constant 6 : i32
    %add3A_206 = arith.addi %mul3A_0, %add3A_205 : i32
    %get3A_207 = arith.constant 1 : index
    %get3A_208 = arith.index_cast %add3A_206 : i32 to index
    %get3A_209 = memref.load %arg2[%get3A_207, %get3A_208] : memref<34x16xi32, #tpu.memory_space<smem>>
    %get3A_210 = arith.index_cast %get3A_209 : i32 to index
    %get3A_211 = arith.constant 0 : index
    %get3A_212 = arith.constant 0 : index
    %get3A_213 = arith.constant 0 : index
    %get3A_214 = vector.load %arg3[%get3A_210, %get3A_211, %get3A_212, %get3A_213] : memref<16x1x1x336xbf16, #tpu.memory_space<vmem>>, vector<1x1x1x336xbf16>
    %get3A_215 = vector.shape_cast %get3A_214 : vector<1x1x1x336xbf16> to vector<336xbf16>
    %broadcast_in_dim3A_216 = vector.shape_cast %get3A_215 : vector<336xbf16> to vector<1x336xbf16>
    %add3A_217 = arith.constant 7 : i32
    %add3A_218 = arith.addi %mul3A_0, %add3A_217 : i32
    %get3A_219 = arith.constant 1 : index
    %get3A_220 = arith.index_cast %add3A_218 : i32 to index
    %get3A_221 = memref.load %arg2[%get3A_219, %get3A_220] : memref<34x16xi32, #tpu.memory_space<smem>>
    %get3A_222 = arith.index_cast %get3A_221 : i32 to index
    %get3A_223 = arith.constant 0 : index
    %get3A_224 = arith.constant 0 : index
    %get3A_225 = arith.constant 0 : index
    %get3A_226 = vector.load %arg3[%get3A_222, %get3A_223, %get3A_224, %get3A_225] : memref<16x1x1x336xbf16, #tpu.memory_space<vmem>>, vector<1x1x1x336xbf16>
    %get3A_227 = vector.shape_cast %get3A_226 : vector<1x1x1x336xbf16> to vector<336xbf16>
    %broadcast_in_dim3A_228 = vector.shape_cast %get3A_227 : vector<336xbf16> to vector<1x336xbf16>
    %concatenate3A_229 = tpu.concatenate %broadcast_in_dim3A_144, %broadcast_in_dim3A_156, %broadcast_in_dim3A_168, %broadcast_in_dim3A_180, %broadcast_in_dim3A_192, %broadcast_in_dim3A_204, %broadcast_in_dim3A_216, %broadcast_in_dim3A_228 in 0 : vector<1x336xbf16>, vector<1x336xbf16>, vector<1x336xbf16>, vector<1x336xbf16>, vector<1x336xbf16>, vector<1x336xbf16>, vector<1x336xbf16>, vector<1x336xbf16> -> vector<8x336xbf16>
    %get3A_230 = arith.constant 0 : index
    %get3A_231 = arith.constant 0 : index
    %get3A_232 = vector.load %arg17[%get3A_230, %get3A_231] : memref<1344x8xbf16, #tpu.memory_space<vmem>>, vector<16x8xbf16>
    %dot_general3A_233 = arith.constant dense<0.000000e+00> : vector<16x336xf32>
    %dot_general3A_234 = tpu.matmul %get3A_232, %concatenate3A_229, %dot_general3A_233 {dimension_numbers = #tpu.dot_dimension_numbers<[1], [0], [0], [1], [0, 0, 1, 1], [], []>, transpose_lhs_hint = false} : vector<16x8xbf16>, vector<8x336xbf16>, vector<16x336xf32> -> vector<16x336xf32>
    %convert_element_type3A_235 = arith.truncf %dot_general3A_234 : vector<16x336xf32> to vector<16x336xbf16>
    %get3A_236 = arith.constant 8 : index
    %get3A_237 = arith.constant 0 : index
    %get3A_238 = vector.load %arg16[%get3A_236, %get3A_237] : memref<400x402xbf16, #tpu.memory_space<vmem>>, vector<2x336xbf16>
    %broadcast_in_dim3A_239 = vector.shape_cast %get3A_238 : vector<2x336xbf16> to vector<2x1x336xbf16>
    %broadcast_in_dim3A_240 = vector.shape_cast %broadcast_in_dim3A_239 : vector<2x1x336xbf16> to vector<2x1x336xbf16>
    %broadcast_in_dim3A_241 = vector.broadcast %broadcast_in_dim3A_240 : vector<2x1x336xbf16> to vector<2x8x336xbf16>
    %reshape3A_242 = vector.shape_cast %broadcast_in_dim3A_241 : vector<2x8x336xbf16> to vector<16x336xbf16>
    %mul3A_243 = arith.mulf %reshape3A_242, %convert_element_type3A_235 : vector<16x336xbf16>
    %get3A_244 = arith.constant 336 : index
    %get3A_245 = arith.constant 0 : index
    %get3A_246 = vector.load %arg15[%get3A_244, %get3A_245] : memref<8312x512xbf16, #tpu.memory_space<vmem>>, vector<336x512xbf16>
    %dot_general3A_247 = arith.constant dense<0.000000e+00> : vector<16x512xf32>
    %dot_general3A_248 = tpu.matmul %mul3A_243, %get3A_246, %dot_general3A_247 {dimension_numbers = #tpu.dot_dimension_numbers<[1], [0], [0], [1], [0, 0, 1, 1], [], []>, transpose_lhs_hint = false} : vector<16x336xbf16>, vector<336x512xbf16>, vector<16x512xf32> -> vector<16x512xf32>
    %get3A_249 = arith.constant 8 : index
    %get3A_250 = arith.constant 0 : index
    %get3A_251 = vector.load %arg19[%get3A_249, %get3A_250] : memref<400x256xf32, #tpu.memory_space<vmem>>, vector<2x256xf32>
    %broadcast_in_dim3A_252 = vector.shape_cast %get3A_251 : vector<2x256xf32> to vector<2x1x256xf32>
    %broadcast_in_dim3A_253 = vector.shape_cast %broadcast_in_dim3A_252 : vector<2x1x256xf32> to vector<2x1x256xf32>
    %broadcast_in_dim3A_254 = vector.broadcast %broadcast_in_dim3A_253 : vector<2x1x256xf32> to vector<2x8x256xf32>
    %reshape3A_255 = vector.shape_cast %broadcast_in_dim3A_254 : vector<2x8x256xf32> to vector<16x256xf32>
    %broadcast_in_dim3A_256 = vector.shape_cast %get3A_4 : vector<1x256xf32> to vector<1x256xf32>
    %broadcast_in_dim3A_257 = vector.broadcast %broadcast_in_dim3A_256 : vector<1x256xf32> to vector<16x256xf32>
    %concatenate3A_258 = tpu.concatenate %broadcast_in_dim3A_257, %reshape3A_255 in 1 : vector<16x256xf32>, vector<16x256xf32> -> vector<16x512xf32>
    %add3A_259 = arith.addf %dot_general3A_248, %concatenate3A_258 : vector<16x512xf32>
    %reshape3A_260 = vector.shape_cast %add3A_259 : vector<16x512xf32> to vector<2x8x512xf32>
    %swap3A_261 = arith.constant 0 : index
    %swap3A_262 = arith.constant 0 : index
    %swap3A_263 = arith.constant 0 : index
    %swap3A_264 = arith.constant 0 : index
    %swap3A_265 = vector.load %arg21[%swap3A_261, %swap3A_262, %swap3A_263, %swap3A_264] : memref<1x2x8x512xf32, #tpu.memory_space<vmem>>, vector<1x2x8x512xf32>
    %swap3A_266 = vector.shape_cast %swap3A_265 : vector<1x2x8x512xf32> to vector<2x8x512xf32>
    %swap3A_267 = vector.shape_cast %reshape3A_260 : vector<2x8x512xf32> to vector<1x2x8x512xf32>
    tpu.vector_store %arg21[%swap3A_261, %swap3A_262, %swap3A_263, %swap3A_264], %swap3A_267 {strides = array<i32>} : memref<1x2x8x512xf32, #tpu.memory_space<vmem>>, vector<1x2x8x512xf32>,
    %add3A_268 = arith.constant 0 : i32
    %add3A_269 = arith.addi %mul3A_0, %add3A_268 : i32
    %get3A_270 = arith.constant 2 : index
    %get3A_271 = arith.index_cast %add3A_269 : i32 to index
    %get3A_272 = memref.load %arg2[%get3A_270, %get3A_271] : memref<34x16xi32, #tpu.memory_space<smem>>
    %get3A_273 = arith.index_cast %get3A_272 : i32 to index
    %get3A_274 = arith.constant 0 : index
    %get3A_275 = arith.constant 0 : index
    %get3A_276 = arith.constant 0 : index
    %get3A_277 = vector.load %arg3[%get3A_273, %get3A_274, %get3A_275, %get3A_276] : memref<16x1x1x336xbf16, #tpu.memory_space<vmem>>, vector<1x1x1x336xbf16>
    %get3A_278 = vector.shape_cast %get3A_277 : vector<1x1x1x336xbf16> to vector<336xbf16>
    %broadcast_in_dim3A_279 = vector.shape_cast %get3A_278 : vector<336xbf16> to vector<1x336xbf16>
    %add3A_280 = arith.constant 1 : i32
    %add3A_281 = arith.addi %mul3A_0, %add3A_280 : i32
    %get3A_282 = arith.constant 2 : index
    %get3A_283 = arith.index_cast %add3A_281 : i32 to index
    %get3A_284 = memref.load %arg2[%get3A_282, %get3A_283] : memref<34x16xi32, #tpu.memory_space<smem>>
    %get3A_285 = arith.index_cast %get3A_284 : i32 to index
    %get3A_286 = arith.constant 0 : index
    %get3A_287 = arith.constant 0 : index
    %get3A_288 = arith.constant 0 : index
    %get3A_289 = vector.load %arg3[%get3A_285, %get3A_286, %get3A_287, %get3A_288] : memref<16x1x1x336xbf16, #tpu.memory_space<vmem>>, vector<1x1x1x336xbf16>
    %get3A_290 = vector.shape_cast %get3A_289 : vector<1x1x1x336xbf16> to vector<336xbf16>
    %broadcast_in_dim3A_291 = vector.shape_cast %get3A_290 : vector<336xbf16> to vector<1x336xbf16>
    %add3A_292 = arith.constant 2 : i32
    %add3A_293 = arith.addi %mul3A_0, %add3A_292 : i32
    %get3A_294 = arith.constant 2 : index
    %get3A_295 = arith.index_cast %add3A_293 : i32 to index
    %get3A_296 = memref.load %arg2[%get3A_294, %get3A_295] : memref<34x16xi32, #tpu.memory_space<smem>>
    %get3A_297 = arith.index_cast %get3A_296 : i32 to index
    %get3A_298 = arith.constant 0 : index
    %get3A_299 = arith.constant 0 : index
    %get3A_300 = arith.constant 0 : index
    %get3A_301 = vector.load %arg3[%get3A_297, %get3A_298, %get3A_299, %get3A_300] : memref<16x1x1x336xbf16, #tpu.memory_space<vmem>>, vector<1x1x1x336xbf16>
    %get3A_302 = vector.shape_cast %get3A_301 : vector<1x1x1x336xbf16> to vector<336xbf16>
    %broadcast_in_dim3A_303 = vector.shape_cast %get3A_302 : vector<336xbf16> to vector<1x336xbf16>
    %add3A_304 = arith.constant 3 : i32
    %add3A_305 = arith.addi %mul3A_0, %add3A_304 : i32
    %get3A_306 = arith.constant 2 : index
    %get3A_307 = arith.index_cast %add3A_305 : i32 to index
    %get3A_308 = memref.load %arg2[%get3A_306, %get3A_307] : memref<34x16xi32, #tpu.memory_space<smem>>
    %get3A_309 = arith.index_cast %get3A_308 : i32 to index
    %get3A_310 = arith.constant 0 : index
    %get3A_311 = arith.constant 0 : index
    %get3A_312 = arith.constant 0 : index
    %get3A_313 = vector.load %arg3[%get3A_309, %get3A_310, %get3A_311, %get3A_312] : memref<16x1x1x336xbf16, #tpu.memory_space<vmem>>, vector<1x1x1x336xbf16>
    %get3A_314 = vector.shape_cast %get3A_313 : vector<1x1x1x336xbf16> to vector<336xbf16>
    %broadcast_in_dim3A_315 = vector.shape_cast %get3A_314 : vector<336xbf16> to vector<1x336xbf16>
    %add3A_316 = arith.constant 4 : i32
    %add3A_317 = arith.addi %mul3A_0, %add3A_316 : i32
    %get3A_318 = arith.constant 2 : index
    %get3A_319 = arith.index_cast %add3A_317 : i32 to index
    %get3A_320 = memref.load %arg2[%get3A_318, %get3A_319] : memref<34x16xi32, #tpu.memory_space<smem>>
    %get3A_321 = arith.index_cast %get3A_320 : i32 to index
    %get3A_322 = arith.constant 0 : index
    %get3A_323 = arith.constant 0 : index
    %get3A_324 = arith.constant 0 : index
    %get3A_325 = vector.load %arg3[%get3A_321, %get3A_322, %get3A_323, %get3A_324] : memref<16x1x1x336xbf16, #tpu.memory_space<vmem>>, vector<1x1x1x336xbf16>
    %get3A_326 = vector.shape_cast %get3A_325 : vector<1x1x1x336xbf16> to vector<336xbf16>
    %broadcast_in_dim3A_327 = vector.shape_cast %get3A_326 : vector<336xbf16> to vector<1x336xbf16>
    %add3A_328 = arith.constant 5 : i32
    %add3A_329 = arith.addi %mul3A_0, %add3A_328 : i32
    %get3A_330 = arith.constant 2 : index
    %get3A_331 = arith.index_cast %add3A_329 : i32 to index
    %get3A_332 = memref.load %arg2[%get3A_330, %get3A_331] : memref<34x16xi32, #tpu.memory_space<smem>>
    %get3A_333 = arith.index_cast %get3A_332 : i32 to index
    %get3A_334 = arith.constant 0 : index
    %get3A_335 = arith.constant 0 : index
    %get3A_336 = arith.constant 0 : index
    %get3A_337 = vector.load %arg3[%get3A_333, %get3A_334, %get3A_335, %get3A_336] : memref<16x1x1x336xbf16, #tpu.memory_space<vmem>>, vector<1x1x1x336xbf16>
    %get3A_338 = vector.shape_cast %get3A_337 : vector<1x1x1x336xbf16> to vector<336xbf16>
    %broadcast_in_dim3A_339 = vector.shape_cast %get3A_338 : vector<336xbf16> to vector<1x336xbf16>
    %add3A_340 = arith.constant 6 : i32
    %add3A_341 = arith.addi %mul3A_0, %add3A_340 : i32
    %get3A_342 = arith.constant 2 : index
    %get3A_343 = arith.index_cast %add3A_341 : i32 to index
    %get3A_344 = memref.load %arg2[%get3A_342, %get3A_343] : memref<34x16xi32, #tpu.memory_space<smem>>
    %get3A_345 = arith.index_cast %get3A_344 : i32 to index
    %get3A_346 = arith.constant 0 : index
    %get3A_347 = arith.constant 0 : index
    %get3A_348 = arith.constant 0 : index
    %get3A_349 = vector.load %arg3[%get3A_345, %get3A_346, %get3A_347, %get3A_348] : memref<16x1x1x336xbf16, #tpu.memory_space<vmem>>, vector<1x1x1x336xbf16>
    %get3A_350 = vector.shape_cast %get3A_349 : vector<1x1x1x336xbf16> to vector<336xbf16>
    %broadcast_in_dim3A_351 = vector.shape_cast %get3A_350 : vector<336xbf16> to vector<1x336xbf16>
    %add3A_352 = arith.constant 7 : i32
    %add3A_353 = arith.addi %mul3A_0, %add3A_352 : i32
    %get3A_354 = arith.constant 2 : index
    %get3A_355 = arith.index_cast %add3A_353 : i32 to index
    %get3A_356 = memref.load %arg2[%get3A_354, %get3A_355] : memref<34x16xi32, #tpu.memory_space<smem>>
    %get3A_357 = arith.index_cast %get3A_356 : i32 to index
    %get3A_358 = arith.constant 0 : index
    %get3A_359 = arith.constant 0 : index
    %get3A_360 = arith.constant 0 : index
    %get3A_361 = vector.load %arg3[%get3A_357, %get3A_358, %get3A_359, %get3A_360] : memref<16x1x1x336xbf16, #tpu.memory_space<vmem>>, vector<1x1x1x336xbf16>
    %get3A_362 = vector.shape_cast %get3A_361 : vector<1x1x1x336xbf16> to vector<336xbf16>
    %broadcast_in_dim3A_363 = vector.shape_cast %get3A_362 : vector<336xbf16> to vector<1x336xbf16>
    %concatenate3A_364 = tpu.concatenate %broadcast_in_dim3A_279, %broadcast_in_dim3A_291, %broadcast_in_dim3A_303, %broadcast_in_dim3A_315, %broadcast_in_dim3A_327, %broadcast_in_dim3A_339, %broadcast_in_dim3A_351, %broadcast_in_dim3A_363 in 0 : vector<1x336xbf16>, vector<1x336xbf16>, vector<1x336xbf16>, vector<1x336xbf16>, vector<1x336xbf16>, vector<1x336xbf16>, vector<1x336xbf16>, vector<1x336xbf16> -> vector<8x336xbf16>
    %get3A_365 = arith.constant 0 : index
    %get3A_366 = arith.constant 0 : index
    %get3A_367 = vector.load %arg17[%get3A_365, %get3A_366] : memref<1344x8xbf16, #tpu.memory_space<vmem>>, vector<24x8xbf16>
    %dot_general3A_368 = arith.constant dense<0.000000e+00> : vector<24x336xf32>
    %dot_general3A_369 = tpu.matmul %get3A_367, %concatenate3A_364, %dot_general3A_368 {dimension_numbers = #tpu.dot_dimension_numbers<[1], [0], [0], [1], [0, 0, 1, 1], [], []>, transpose_lhs_hint = false} : vector<24x8xbf16>, vector<8x336xbf16>, vector<24x336xf32> -> vector<24x336xf32>
    %convert_element_type3A_370 = arith.truncf %dot_general3A_369 : vector<24x336xf32> to vector<24x336xbf16>
    %get3A_371 = arith.constant 16 : index
    %get3A_372 = arith.constant 0 : index
    %get3A_373 = vector.load %arg16[%get3A_371, %get3A_372] : memref<400x402xbf16, #tpu.memory_space<vmem>>, vector<3x336xbf16>
    %broadcast_in_dim3A_374 = vector.shape_cast %get3A_373 : vector<3x336xbf16> to vector<3x1x336xbf16>
    %broadcast_in_dim3A_375 = vector.shape_cast %broadcast_in_dim3A_374 : vector<3x1x336xbf16> to vector<3x1x336xbf16>
    %broadcast_in_dim3A_376 = vector.broadcast %broadcast_in_dim3A_375 : vector<3x1x336xbf16> to vector<3x8x336xbf16>
    %reshape3A_377 = vector.shape_cast %broadcast_in_dim3A_376 : vector<3x8x336xbf16> to vector<24x336xbf16>
    %mul3A_378 = arith.mulf %reshape3A_377, %convert_element_type3A_370 : vector<24x336xbf16>
    %get3A_379 = arith.constant 672 : index
    %get3A_380 = arith.constant 0 : index
    %get3A_381 = vector.load %arg15[%get3A_379, %get3A_380] : memref<8312x512xbf16, #tpu.memory_space<vmem>>, vector<336x512xbf16>
    %dot_general3A_382 = arith.constant dense<0.000000e+00> : vector<24x512xf32>
    %dot_general3A_383 = tpu.matmul %mul3A_378, %get3A_381, %dot_general3A_382 {dimension_numbers = #tpu.dot_dimension_numbers<[1], [0], [0], [1], [0, 0, 1, 1], [], []>, transpose_lhs_hint = false} : vector<24x336xbf16>, vector<336x512xbf16>, vector<24x512xf32> -> vector<24x512xf32>
    %get3A_384 = arith.constant 16 : index
    %get3A_385 = arith.constant 0 : index
    %get3A_386 = vector.load %arg19[%get3A_384, %get3A_385] : memref<400x256xf32, #tpu.memory_space<vmem>>, vector<3x256xf32>
    %broadcast_in_dim3A_387 = vector.shape_cast %get3A_386 : vector<3x256xf32> to vector<3x1x256xf32>
    %broadcast_in_dim3A_388 = vector.shape_cast %broadcast_in_dim3A_387 : vector<3x1x256xf32> to vector<3x1x256xf32>
    %broadcast_in_dim3A_389 = vector.broadcast %broadcast_in_dim3A_388 : vector<3x1x256xf32> to vector<3x8x256xf32>
    %reshape3A_390 = vector.shape_cast %broadcast_in_dim3A_389 : vector<3x8x256xf32> to vector<24x256xf32>
    %broadcast_in_dim3A_391 = vector.shape_cast %get3A_4 : vector<1x256xf32> to vector<1x256xf32>
    %broadcast_in_dim3A_392 = vector.broadcast %broadcast_in_dim3A_391 : vector<1x256xf32> to vector<24x256xf32>
    %concatenate3A_393 = tpu.concatenate %broadcast_in_dim3A_392, %reshape3A_390 in 1 : vector<24x256xf32>, vector<24x256xf32> -> vector<24x512xf32>
    %add3A_394 = arith.addf %dot_general3A_383, %concatenate3A_393 : vector<24x512xf32>
    %reshape3A_395 = vector.shape_cast %add3A_394 : vector<24x512xf32> to vector<3x8x512xf32>
    %swap3A_396 = arith.constant 0 : index
    %swap3A_397 = arith.constant 0 : index
    %swap3A_398 = arith.constant 0 : index
    %swap3A_399 = arith.constant 0 : index
    %swap3A_400 = vector.load %arg22[%swap3A_396, %swap3A_397, %swap3A_398, %swap3A_399] : memref<1x3x8x512xf32, #tpu.memory_space<vmem>>, vector<1x3x8x512xf32>
    %swap3A_401 = vector.shape_cast %swap3A_400 : vector<1x3x8x512xf32> to vector<3x8x512xf32>
    %swap3A_402 = vector.shape_cast %reshape3A_395 : vector<3x8x512xf32> to vector<1x3x8x512xf32>
    tpu.vector_store %arg22[%swap3A_396, %swap3A_397, %swap3A_398, %swap3A_399], %swap3A_402 {strides = array<i32>} : memref<1x3x8x512xf32, #tpu.memory_space<vmem>>, vector<1x3x8x512xf32>,
    %add3A_403 = arith.constant 0 : i32
    %add3A_404 = arith.addi %mul3A_0, %add3A_403 : i32
    %get3A_405 = arith.constant 3 : index
    %get3A_406 = arith.index_cast %add3A_404 : i32 to index
    %get3A_407 = memref.load %arg2[%get3A_405, %get3A_406] : memref<34x16xi32, #tpu.memory_space<smem>>
    %get3A_408 = arith.index_cast %get3A_407 : i32 to index
    %get3A_409 = arith.constant 0 : index
    %get3A_410 = arith.constant 0 : index
    %get3A_411 = arith.constant 0 : index
    %get3A_412 = vector.load %arg3[%get3A_408, %get3A_409, %get3A_410, %get3A_411] : memref<16x1x1x336xbf16, #tpu.memory_space<vmem>>, vector<1x1x1x336xbf16>
    %get3A_413 = vector.shape_cast %get3A_412 : vector<1x1x1x336xbf16> to vector<336xbf16>
    %broadcast_in_dim3A_414 = vector.shape_cast %get3A_413 : vector<336xbf16> to vector<1x336xbf16>
    %add3A_415 = arith.constant 1 : i32
    %add3A_416 = arith.addi %mul3A_0, %add3A_415 : i32
    %get3A_417 = arith.constant 3 : index
    %get3A_418 = arith.index_cast %add3A_416 : i32 to index
    %get3A_419 = memref.load %arg2[%get3A_417, %get3A_418] : memref<34x16xi32, #tpu.memory_space<smem>>
    %get3A_420 = arith.index_cast %get3A_419 : i32 to index
    %get3A_421 = arith.constant 0 : index
    %get3A_422 = arith.constant 0 : index
    %get3A_423 = arith.constant 0 : index
    %get3A_424 = vector.load %arg3[%get3A_420, %get3A_421, %get3A_422, %get3A_423] : memref<16x1x1x336xbf16, #tpu.memory_space<vmem>>, vector<1x1x1x336xbf16>
    %get3A_425 = vector.shape_cast %get3A_424 : vector<1x1x1x336xbf16> to vector<336xbf16>
    %broadcast_in_dim3A_426 = vector.shape_cast %get3A_425 : vector<336xbf16> to vector<1x336xbf16>
    %add3A_427 = arith.constant 2 : i32
    %add3A_428 = arith.addi %mul3A_0, %add3A_427 : i32
    %get3A_429 = arith.constant 3 : index
    %get3A_430 = arith.index_cast %add3A_428 : i32 to index
    %get3A_431 = memref.load %arg2[%get3A_429, %get3A_430] : memref<34x16xi32, #tpu.memory_space<smem>>
    %get3A_432 = arith.index_cast %get3A_431 : i32 to index
    %get3A_433 = arith.constant 0 : index
    %get3A_434 = arith.constant 0 : index
    %get3A_435 = arith.constant 0 : index
    %get3A_436 = vector.load %arg3[%get3A_432, %get3A_433, %get3A_434, %get3A_435] : memref<16x1x1x336xbf16, #tpu.memory_space<vmem>>, vector<1x1x1x336xbf16>
    %get3A_437 = vector.shape_cast %get3A_436 : vector<1x1x1x336xbf16> to vector<336xbf16>
    %broadcast_in_dim3A_438 = vector.shape_cast %get3A_437 : vector<336xbf16> to vector<1x336xbf16>
    %add3A_439 = arith.constant 3 : i32
    %add3A_440 = arith.addi %mul3A_0, %add3A_439 : i32
    %get3A_441 = arith.constant 3 : index
    %get3A_442 = arith.index_cast %add3A_440 : i32 to index
    %get3A_443 = memref.load %arg2[%get3A_441, %get3A_442] : memref<34x16xi32, #tpu.memory_space<smem>>
    %get3A_444 = arith.index_cast %get3A_443 : i32 to index
    %get3A_445 = arith.constant 0 : index
    %get3A_446 = arith.constant 0 : index
    %get3A_447 = arith.constant 0 : index
    %get3A_448 = vector.load %arg3[%get3A_444, %get3A_445, %get3A_446, %get3A_447] : memref<16x1x1x336xbf16, #tpu.memory_space<vmem>>, vector<1x1x1x336xbf16>
    %get3A_449 = vector.shape_cast %get3A_448 : vector<1x1x1x336xbf16> to vector<336xbf16>
    %broadcast_in_dim3A_450 = vector.shape_cast %get3A_449 : vector<336xbf16> to vector<1x336xbf16>
    %add3A_451 = arith.constant 4 : i32
    %add3A_452 = arith.addi %mul3A_0, %add3A_451 : i32
    %get3A_453 = arith.constant 3 : index
    %get3A_454 = arith.index_cast %add3A_452 : i32 to index
    %get3A_455 = memref.load %arg2[%get3A_453, %get3A_454] : memref<34x16xi32, #tpu.memory_space<smem>>
    %get3A_456 = arith.index_cast %get3A_455 : i32 to index
    %get3A_457 = arith.constant 0 : index
    %get3A_458 = arith.constant 0 : index
    %get3A_459 = arith.constant 0 : index
    %get3A_460 = vector.load %arg3[%get3A_456, %get3A_457, %get3A_458, %get3A_459] : memref<16x1x1x336xbf16, #tpu.memory_space<vmem>>, vector<1x1x1x336xbf16>
    %get3A_461 = vector.shape_cast %get3A_460 : vector<1x1x1x336xbf16> to vector<336xbf16>
    %broadcast_in_dim3A_462 = vector.shape_cast %get3A_461 : vector<336xbf16> to vector<1x336xbf16>
    %add3A_463 = arith.constant 5 : i32
    %add3A_464 = arith.addi %mul3A_0, %add3A_463 : i32
    %get3A_465 = arith.constant 3 : index
    %get3A_466 = arith.index_cast %add3A_464 : i32 to index
    %get3A_467 = memref.load %arg2[%get3A_465, %get3A_466] : memref<34x16xi32, #tpu.memory_space<smem>>
    %get3A_468 = arith.index_cast %get3A_467 : i32 to index
    %get3A_469 = arith.constant 0 : index
    %get3A_470 = arith.constant 0 : index
    %get3A_471 = arith.constant 0 : index
    %get3A_472 = vector.load %arg3[%get3A_468, %get3A_469, %get3A_470, %get3A_471] : memref<16x1x1x336xbf16, #tpu.memory_space<vmem>>, vector<1x1x1x336xbf16>
    %get3A_473 = vector.shape_cast %get3A_472 : vector<1x1x1x336xbf16> to vector<336xbf16>
    %broadcast_in_dim3A_474 = vector.shape_cast %get3A_473 : vector<336xbf16> to vector<1x336xbf16>
    %add3A_475 = arith.constant 6 : i32
    %add3A_476 = arith.addi %mul3A_0, %add3A_475 : i32
    %get3A_477 = arith.constant 3 : index
    %get3A_478 = arith.index_cast %add3A_476 : i32 to index
    %get3A_479 = memref.load %arg2[%get3A_477, %get3A_478] : memref<34x16xi32, #tpu.memory_space<smem>>
    %get3A_480 = arith.index_cast %get3A_479 : i32 to index
    %get3A_481 = arith.constant 0 : index
    %get3A_482 = arith.constant 0 : index
    %get3A_483 = arith.constant 0 : index
    %get3A_484 = vector.load %arg3[%get3A_480, %get3A_481, %get3A_482, %get3A_483] : memref<16x1x1x336xbf16, #tpu.memory_space<vmem>>, vector<1x1x1x336xbf16>
    %get3A_485 = vector.shape_cast %get3A_484 : vector<1x1x1x336xbf16> to vector<336xbf16>
    %broadcast_in_dim3A_486 = vector.shape_cast %get3A_485 : vector<336xbf16> to vector<1x336xbf16>
    %add3A_487 = arith.constant 7 : i32
    %add3A_488 = arith.addi %mul3A_0, %add3A_487 : i32
    %get3A_489 = arith.constant 3 : index
    %get3A_490 = arith.index_cast %add3A_488 : i32 to index
    %get3A_491 = memref.load %arg2[%get3A_489, %get3A_490] : memref<34x16xi32, #tpu.memory_space<smem>>
    %get3A_492 = arith.index_cast %get3A_491 : i32 to index
    %get3A_493 = arith.constant 0 : index
    %get3A_494 = arith.constant 0 : index
    %get3A_495 = arith.constant 0 : index
    %get3A_496 = vector.load %arg3[%get3A_492, %get3A_493, %get3A_494, %get3A_495] : memref<16x1x1x336xbf16, #tpu.memory_space<vmem>>, vector<1x1x1x336xbf16>
    %get3A_497 = vector.shape_cast %get3A_496 : vector<1x1x1x336xbf16> to vector<336xbf16>
    %broadcast_in_dim3A_498 = vector.shape_cast %get3A_497 : vector<336xbf16> to vector<1x336xbf16>
    %concatenate3A_499 = tpu.concatenate %broadcast_in_dim3A_414, %broadcast_in_dim3A_426, %broadcast_in_dim3A_438, %broadcast_in_dim3A_450, %broadcast_in_dim3A_462, %broadcast_in_dim3A_474, %broadcast_in_dim3A_486, %broadcast_in_dim3A_498 in 0 : vector<1x336xbf16>, vector<1x336xbf16>, vector<1x336xbf16>, vector<1x336xbf16>, vector<1x336xbf16>, vector<1x336xbf16>, vector<1x336xbf16>, vector<1x336xbf16> -> vector<8x336xbf16>
    %get3A_500 = arith.constant 0 : index
    %get3A_501 = arith.constant 0 : index
    %get3A_502 = vector.load %arg17[%get3A_500, %get3A_501] : memref<1344x8xbf16, #tpu.memory_space<vmem>>, vector<32x8xbf16>
    %dot_general3A_503 = arith.constant dense<0.000000e+00> : vector<32x336xf32>
    %dot_general3A_504 = tpu.matmul %get3A_502, %concatenate3A_499, %dot_general3A_503 {dimension_numbers = #tpu.dot_dimension_numbers<[1], [0], [0], [1], [0, 0, 1, 1], [], []>, transpose_lhs_hint = false} : vector<32x8xbf16>, vector<8x336xbf16>, vector<32x336xf32> -> vector<32x336xf32>
    %convert_element_type3A_505 = arith.truncf %dot_general3A_504 : vector<32x336xf32> to vector<32x336xbf16>
    %get3A_506 = arith.constant 24 : index
    %get3A_507 = arith.constant 0 : index
    %get3A_508 = vector.load %arg16[%get3A_506, %get3A_507] : memref<400x402xbf16, #tpu.memory_space<vmem>>, vector<4x336xbf16>
    %broadcast_in_dim3A_509 = vector.shape_cast %get3A_508 : vector<4x336xbf16> to vector<4x1x336xbf16>
    %broadcast_in_dim3A_510 = vector.shape_cast %broadcast_in_dim3A_509 : vector<4x1x336xbf16> to vector<4x1x336xbf16>
    %broadcast_in_dim3A_511 = vector.broadcast %broadcast_in_dim3A_510 : vector<4x1x336xbf16> to vector<4x8x336xbf16>
    %reshape3A_512 = vector.shape_cast %broadcast_in_dim3A_511 : vector<4x8x336xbf16> to vector<32x336xbf16>
    %mul3A_513 = arith.mulf %reshape3A_512, %convert_element_type3A_505 : vector<32x336xbf16>
    %get3A_514 = arith.constant 1008 : index
    %get3A_515 = arith.constant 0 : index
    %get3A_516 = vector.load %arg15[%get3A_514, %get3A_515] : memref<8312x512xbf16, #tpu.memory_space<vmem>>, vector<336x512xbf16>
    %dot_general3A_517 = arith.constant dense<0.000000e+00> : vector<32x512xf32>
    %dot_general3A_518 = tpu.matmul %mul3A_513, %get3A_516, %dot_general3A_517 {dimension_numbers = #tpu.dot_dimension_numbers<[1], [0], [0], [1], [0, 0, 1, 1], [], []>, transpose_lhs_hint = false} : vector<32x336xbf16>, vector<336x512xbf16>, vector<32x512xf32> -> vector<32x512xf32>
    %get3A_519 = arith.constant 24 : index
    %get3A_520 = arith.constant 0 : index
    %get3A_521 = vector.load %arg19[%get3A_519, %get3A_520] : memref<400x256xf32, #tpu.memory_space<vmem>>, vector<4x256xf32>
    %broadcast_in_dim3A_522 = vector.shape_cast %get3A_521 : vector<4x256xf32> to vector<4x1x256xf32>
    %broadcast_in_dim3A_523 = vector.shape_cast %broadcast_in_dim3A_522 : vector<4x1x256xf32> to vector<4x1x256xf32>
    %broadcast_in_dim3A_524 = vector.broadcast %broadcast_in_dim3A_523 : vector<4x1x256xf32> to vector<4x8x256xf32>
    %reshape3A_525 = vector.shape_cast %broadcast_in_dim3A_524 : vector<4x8x256xf32> to vector<32x256xf32>
    %broadcast_in_dim3A_526 = vector.shape_cast %get3A_4 : vector<1x256xf32> to vector<1x256xf32>
    %broadcast_in_dim3A_527 = vector.broadcast %broadcast_in_dim3A_526 : vector<1x256xf32> to vector<32x256xf32>
    %concatenate3A_528 = tpu.concatenate %broadcast_in_dim3A_527, %reshape3A_525 in 1 : vector<32x256xf32>, vector<32x256xf32> -> vector<32x512xf32>
    %add3A_529 = arith.addf %dot_general3A_518, %concatenate3A_528 : vector<32x512xf32>
    %reshape3A_530 = vector.shape_cast %add3A_529 : vector<32x512xf32> to vector<4x8x512xf32>
    %swap3A_531 = arith.constant 0 : index
    %swap3A_532 = arith.constant 0 : index
    %swap3A_533 = arith.constant 0 : index
    %swap3A_534 = arith.constant 0 : index
    %swap3A_535 = vector.load %arg23[%swap3A_531, %swap3A_532, %swap3A_533, %swap3A_534] : memref<1x4x8x512xf32, #tpu.memory_space<vmem>>, vector<1x4x8x512xf32>
    %swap3A_536 = vector.shape_cast %swap3A_535 : vector<1x4x8x512xf32> to vector<4x8x512xf32>
    %swap3A_537 = vector.shape_cast %reshape3A_530 : vector<4x8x512xf32> to vector<1x4x8x512xf32>
    tpu.vector_store %arg23[%swap3A_531, %swap3A_532, %swap3A_533, %swap3A_534], %swap3A_537 {strides = array<i32>} : memref<1x4x8x512xf32, #tpu.memory_space<vmem>>, vector<1x4x8x512xf32>,
    %add3A_538 = arith.constant 0 : i32
    %add3A_539 = arith.addi %mul3A_0, %add3A_538 : i32
    %get3A_540 = arith.constant 4 : index
    %get3A_541 = arith.index_cast %add3A_539 : i32 to index
    %get3A_542 = memref.load %arg2[%get3A_540, %get3A_541] : memref<34x16xi32, #tpu.memory_space<smem>>
    %get3A_543 = arith.index_cast %get3A_542 : i32 to index
    %get3A_544 = arith.constant 0 : index
    %get3A_545 = arith.constant 0 : index
    %get3A_546 = arith.constant 0 : index
    %get3A_547 = vector.load %arg14[%get3A_543, %get3A_544, %get3A_545, %get3A_546] : memref<16x1x1x402xbf16, #tpu.memory_space<vmem>>, vector<1x1x1x402xbf16>
    %get3A_548 = vector.shape_cast %get3A_547 : vector<1x1x1x402xbf16> to vector<402xbf16>
    %broadcast_in_dim3A_549 = vector.shape_cast %get3A_548 : vector<402xbf16> to vector<1x402xbf16>
    %add3A_550 = arith.constant 1 : i32
    %add3A_551 = arith.addi %mul3A_0, %add3A_550 : i32
    %get3A_552 = arith.constant 4 : index
    %get3A_553 = arith.index_cast %add3A_551 : i32 to index
    %get3A_554 = memref.load %arg2[%get3A_552, %get3A_553] : memref<34x16xi32, #tpu.memory_space<smem>>
    %get3A_555 = arith.index_cast %get3A_554 : i32 to index
    %get3A_556 = arith.constant 0 : index
    %get3A_557 = arith.constant 0 : index
    %get3A_558 = arith.constant 0 : index
    %get3A_559 = vector.load %arg14[%get3A_555, %get3A_556, %get3A_557, %get3A_558] : memref<16x1x1x402xbf16, #tpu.memory_space<vmem>>, vector<1x1x1x402xbf16>
    %get3A_560 = vector.shape_cast %get3A_559 : vector<1x1x1x402xbf16> to vector<402xbf16>
    %broadcast_in_dim3A_561 = vector.shape_cast %get3A_560 : vector<402xbf16> to vector<1x402xbf16>
    %add3A_562 = arith.constant 2 : i32
    %add3A_563 = arith.addi %mul3A_0, %add3A_562 : i32
    %get3A_564 = arith.constant 4 : index
    %get3A_565 = arith.index_cast %add3A_563 : i32 to index
    %get3A_566 = memref.load %arg2[%get3A_564, %get3A_565] : memref<34x16xi32, #tpu.memory_space<smem>>
    %get3A_567 = arith.index_cast %get3A_566 : i32 to index
    %get3A_568 = arith.constant 0 : index
    %get3A_569 = arith.constant 0 : index
    %get3A_570 = arith.constant 0 : index
    %get3A_571 = vector.load %arg14[%get3A_567, %get3A_568, %get3A_569, %get3A_570] : memref<16x1x1x402xbf16, #tpu.memory_space<vmem>>, vector<1x1x1x402xbf16>
    %get3A_572 = vector.shape_cast %get3A_571 : vector<1x1x1x402xbf16> to vector<402xbf16>
    %broadcast_in_dim3A_573 = vector.shape_cast %get3A_572 : vector<402xbf16> to vector<1x402xbf16>
    %add3A_574 = arith.constant 3 : i32
    %add3A_575 = arith.addi %mul3A_0, %add3A_574 : i32
    %get3A_576 = arith.constant 4 : index
    %get3A_577 = arith.index_cast %add3A_575 : i32 to index
    %get3A_578 = memref.load %arg2[%get3A_576, %get3A_577] : memref<34x16xi32, #tpu.memory_space<smem>>
    %get3A_579 = arith.index_cast %get3A_578 : i32 to index
    %get3A_580 = arith.constant 0 : index
    %get3A_581 = arith.constant 0 : index
    %get3A_582 = arith.constant 0 : index
    %get3A_583 = vector.load %arg14[%get3A_579, %get3A_580, %get3A_581, %get3A_582] : memref<16x1x1x402xbf16, #tpu.memory_space<vmem>>, vector<1x1x1x402xbf16>
    %get3A_584 = vector.shape_cast %get3A_583 : vector<1x1x1x402xbf16> to vector<402xbf16>
    %broadcast_in_dim3A_585 = vector.shape_cast %get3A_584 : vector<402xbf16> to vector<1x402xbf16>
    %add3A_586 = arith.constant 4 : i32
    %add3A_587 = arith.addi %mul3A_0, %add3A_586 : i32
    %get3A_588 = arith.constant 4 : index
    %get3A_589 = arith.index_cast %add3A_587 : i32 to index
    %get3A_590 = memref.load %arg2[%get3A_588, %get3A_589] : memref<34x16xi32, #tpu.memory_space<smem>>
    %get3A_591 = arith.index_cast %get3A_590 : i32 to index
    %get3A_592 = arith.constant 0 : index
    %get3A_593 = arith.constant 0 : index
    %get3A_594 = arith.constant 0 : index
    %get3A_595 = vector.load %arg14[%get3A_591, %get3A_592, %get3A_593, %get3A_594] : memref<16x1x1x402xbf16, #tpu.memory_space<vmem>>, vector<1x1x1x402xbf16>
    %get3A_596 = vector.shape_cast %get3A_595 : vector<1x1x1x402xbf16> to vector<402xbf16>
    %broadcast_in_dim3A_597 = vector.shape_cast %get3A_596 : vector<402xbf16> to vector<1x402xbf16>
    %add3A_598 = arith.constant 5 : i32
    %add3A_599 = arith.addi %mul3A_0, %add3A_598 : i32
    %get3A_600 = arith.constant 4 : index
    %get3A_601 = arith.index_cast %add3A_599 : i32 to index
    %get3A_602 = memref.load %arg2[%get3A_600, %get3A_601] : memref<34x16xi32, #tpu.memory_space<smem>>
    %get3A_603 = arith.index_cast %get3A_602 : i32 to index
    %get3A_604 = arith.constant 0 : index
    %get3A_605 = arith.constant 0 : index
    %get3A_606 = arith.constant 0 : index
    %get3A_607 = vector.load %arg14[%get3A_603, %get3A_604, %get3A_605, %get3A_606] : memref<16x1x1x402xbf16, #tpu.memory_space<vmem>>, vector<1x1x1x402xbf16>
    %get3A_608 = vector.shape_cast %get3A_607 : vector<1x1x1x402xbf16> to vector<402xbf16>
    %broadcast_in_dim3A_609 = vector.shape_cast %get3A_608 : vector<402xbf16> to vector<1x402xbf16>
    %add3A_610 = arith.constant 6 : i32
    %add3A_611 = arith.addi %mul3A_0, %add3A_610 : i32
    %get3A_612 = arith.constant 4 : index
    %get3A_613 = arith.index_cast %add3A_611 : i32 to index
    %get3A_614 = memref.load %arg2[%get3A_612, %get3A_613] : memref<34x16xi32, #tpu.memory_space<smem>>
    %get3A_615 = arith.index_cast %get3A_614 : i32 to index
    %get3A_616 = arith.constant 0 : index
    %get3A_617 = arith.constant 0 : index
    %get3A_618 = arith.constant 0 : index
    %get3A_619 = vector.load %arg14[%get3A_615, %get3A_616, %get3A_617, %get3A_618] : memref<16x1x1x402xbf16, #tpu.memory_space<vmem>>, vector<1x1x1x402xbf16>
    %get3A_620 = vector.shape_cast %get3A_619 : vector<1x1x1x402xbf16> to vector<402xbf16>
    %broadcast_in_dim3A_621 = vector.shape_cast %get3A_620 : vector<402xbf16> to vector<1x402xbf16>
    %add3A_622 = arith.constant 7 : i32
    %add3A_623 = arith.addi %mul3A_0, %add3A_622 : i32
    %get3A_624 = arith.constant 4 : index
    %get3A_625 = arith.index_cast %add3A_623 : i32 to index
    %get3A_626 = memref.load %arg2[%get3A_624, %get3A_625] : memref<34x16xi32, #tpu.memory_space<smem>>
    %get3A_627 = arith.index_cast %get3A_626 : i32 to index
    %get3A_628 = arith.constant 0 : index
    %get3A_629 = arith.constant 0 : index
    %get3A_630 = arith.constant 0 : index
    %get3A_631 = vector.load %arg14[%get3A_627, %get3A_628, %get3A_629, %get3A_630] : memref<16x1x1x402xbf16, #tpu.memory_space<vmem>>, vector<1x1x1x402xbf16>
    %get3A_632 = vector.shape_cast %get3A_631 : vector<1x1x1x402xbf16> to vector<402xbf16>
    %broadcast_in_dim3A_633 = vector.shape_cast %get3A_632 : vector<402xbf16> to vector<1x402xbf16>
    %concatenate3A_634 = tpu.concatenate %broadcast_in_dim3A_549, %broadcast_in_dim3A_561, %broadcast_in_dim3A_573, %broadcast_in_dim3A_585, %broadcast_in_dim3A_597, %broadcast_in_dim3A_609, %broadcast_in_dim3A_621, %broadcast_in_dim3A_633 in 0 : vector<1x402xbf16>, vector<1x402xbf16>, vector<1x402xbf16>, vector<1x402xbf16>, vector<1x402xbf16>, vector<1x402xbf16>, vector<1x402xbf16>, vector<1x402xbf16> -> vector<8x402xbf16>
    %get3A_635 = arith.constant 0 : index
    %get3A_636 = arith.constant 0 : index
    %get3A_637 = vector.load %arg17[%get3A_635, %get3A_636] : memref<1344x8xbf16, #tpu.memory_space<vmem>>, vector<48x8xbf16>
    %dot_general3A_638 = arith.constant dense<0.000000e+00> : vector<48x402xf32>
    %dot_general3A_639 = tpu.matmul %get3A_637, %concatenate3A_634, %dot_general3A_638 {dimension_numbers = #tpu.dot_dimension_numbers<[1], [0], [0], [1], [0, 0, 1, 1], [], []>, transpose_lhs_hint = false} : vector<48x8xbf16>, vector<8x402xbf16>, vector<48x402xf32> -> vector<48x402xf32>
    %convert_element_type3A_640 = arith.truncf %dot_general3A_639 : vector<48x402xf32> to vector<48x402xbf16>
    %get3A_641 = arith.constant 32 : index
    %get3A_642 = arith.constant 0 : index
    %get3A_643 = vector.load %arg16[%get3A_641, %get3A_642] : memref<400x402xbf16, #tpu.memory_space<vmem>>, vector<6x402xbf16>
    %broadcast_in_dim3A_644 = vector.shape_cast %get3A_643 : vector<6x402xbf16> to vector<6x1x402xbf16>
    %broadcast_in_dim3A_645 = vector.shape_cast %broadcast_in_dim3A_644 : vector<6x1x402xbf16> to vector<6x1x402xbf16>
    %broadcast_in_dim3A_646 = vector.broadcast %broadcast_in_dim3A_645 : vector<6x1x402xbf16> to vector<6x8x402xbf16>
    %reshape3A_647 = vector.shape_cast %broadcast_in_dim3A_646 : vector<6x8x402xbf16> to vector<48x402xbf16>
    %mul3A_648 = arith.mulf %reshape3A_647, %convert_element_type3A_640 : vector<48x402xbf16>
    %get3A_649 = arith.constant 1344 : index
    %get3A_650 = arith.constant 0 : index
    %get3A_651 = vector.load %arg15[%get3A_649, %get3A_650] : memref<8312x512xbf16, #tpu.memory_space<vmem>>, vector<402x512xbf16>
    %dot_general3A_652 = arith.constant dense<0.000000e+00> : vector<48x512xf32>
    %dot_general3A_653 = tpu.matmul %mul3A_648, %get3A_651, %dot_general3A_652 {dimension_numbers = #tpu.dot_dimension_numbers<[1], [0], [0], [1], [0, 0, 1, 1], [], []>, transpose_lhs_hint = false} : vector<48x402xbf16>, vector<402x512xbf16>, vector<48x512xf32> -> vector<48x512xf32>
    %get3A_654 = arith.constant 32 : index
    %get3A_655 = arith.constant 0 : index
    %get3A_656 = vector.load %arg19[%get3A_654, %get3A_655] : memref<400x256xf32, #tpu.memory_space<vmem>>, vector<6x256xf32>
    %broadcast_in_dim3A_657 = vector.shape_cast %get3A_656 : vector<6x256xf32> to vector<6x1x256xf32>
    %broadcast_in_dim3A_658 = vector.shape_cast %broadcast_in_dim3A_657 : vector<6x1x256xf32> to vector<6x1x256xf32>
    %broadcast_in_dim3A_659 = vector.broadcast %broadcast_in_dim3A_658 : vector<6x1x256xf32> to vector<6x8x256xf32>
    %reshape3A_660 = vector.shape_cast %broadcast_in_dim3A_659 : vector<6x8x256xf32> to vector<48x256xf32>
    %broadcast_in_dim3A_661 = vector.shape_cast %get3A_4 : vector<1x256xf32> to vector<1x256xf32>
    %broadcast_in_dim3A_662 = vector.broadcast %broadcast_in_dim3A_661 : vector<1x256xf32> to vector<48x256xf32>
    %concatenate3A_663 = tpu.concatenate %broadcast_in_dim3A_662, %reshape3A_660 in 1 : vector<48x256xf32>, vector<48x256xf32> -> vector<48x512xf32>
    %add3A_664 = arith.addf %dot_general3A_653, %concatenate3A_663 : vector<48x512xf32>
    %reshape3A_665 = vector.shape_cast %add3A_664 : vector<48x512xf32> to vector<6x8x512xf32>
    %swap3A_666 = arith.constant 0 : index
    %swap3A_667 = arith.constant 0 : index
    %swap3A_668 = arith.constant 0 : index
    %swap3A_669 = arith.constant 0 : index
    %swap3A_670 = vector.load %arg24[%swap3A_666, %swap3A_667, %swap3A_668, %swap3A_669] : memref<1x6x8x512xf32, #tpu.memory_space<vmem>>, vector<1x6x8x512xf32>
    %swap3A_671 = vector.shape_cast %swap3A_670 : vector<1x6x8x512xf32> to vector<6x8x512xf32>
    %swap3A_672 = vector.shape_cast %reshape3A_665 : vector<6x8x512xf32> to vector<1x6x8x512xf32>
    tpu.vector_store %arg24[%swap3A_666, %swap3A_667, %swap3A_668, %swap3A_669], %swap3A_672 {strides = array<i32>} : memref<1x6x8x512xf32, #tpu.memory_space<vmem>>, vector<1x6x8x512xf32>,
    %add3A_673 = arith.constant 0 : i32
    %add3A_674 = arith.addi %mul3A_0, %add3A_673 : i32
    %get3A_675 = arith.constant 5 : index
    %get3A_676 = arith.index_cast %add3A_674 : i32 to index
    %get3A_677 = memref.load %arg2[%get3A_675, %get3A_676] : memref<34x16xi32, #tpu.memory_space<smem>>
    %get3A_678 = arith.index_cast %get3A_677 : i32 to index
    %get3A_679 = arith.constant 0 : index
    %get3A_680 = arith.constant 0 : index
    %get3A_681 = arith.constant 0 : index
    %get3A_682 = vector.load %arg3[%get3A_678, %get3A_679, %get3A_680, %get3A_681] : memref<16x1x1x336xbf16, #tpu.memory_space<vmem>>, vector<1x1x1x336xbf16>
    %get3A_683 = vector.shape_cast %get3A_682 : vector<1x1x1x336xbf16> to vector<336xbf16>
    %broadcast_in_dim3A_684 = vector.shape_cast %get3A_683 : vector<336xbf16> to vector<1x336xbf16>
    %add3A_685 = arith.constant 1 : i32
    %add3A_686 = arith.addi %mul3A_0, %add3A_685 : i32
    %get3A_687 = arith.constant 5 : index
    %get3A_688 = arith.index_cast %add3A_686 : i32 to index
    %get3A_689 = memref.load %arg2[%get3A_687, %get3A_688] : memref<34x16xi32, #tpu.memory_space<smem>>
    %get3A_690 = arith.index_cast %get3A_689 : i32 to index
    %get3A_691 = arith.constant 0 : index
    %get3A_692 = arith.constant 0 : index
    %get3A_693 = arith.constant 0 : index
    %get3A_694 = vector.load %arg3[%get3A_690, %get3A_691, %get3A_692, %get3A_693] : memref<16x1x1x336xbf16, #tpu.memory_space<vmem>>, vector<1x1x1x336xbf16>
    %get3A_695 = vector.shape_cast %get3A_694 : vector<1x1x1x336xbf16> to vector<336xbf16>
    %broadcast_in_dim3A_696 = vector.shape_cast %get3A_695 : vector<336xbf16> to vector<1x336xbf16>
    %add3A_697 = arith.constant 2 : i32
    %add3A_698 = arith.addi %mul3A_0, %add3A_697 : i32
    %get3A_699 = arith.constant 5 : index
    %get3A_700 = arith.index_cast %add3A_698 : i32 to index
    %get3A_701 = memref.load %arg2[%get3A_699, %get3A_700] : memref<34x16xi32, #tpu.memory_space<smem>>
    %get3A_702 = arith.index_cast %get3A_701 : i32 to index
    %get3A_703 = arith.constant 0 : index
    %get3A_704 = arith.constant 0 : index
    %get3A_705 = arith.constant 0 : index
    %get3A_706 = vector.load %arg3[%get3A_702, %get3A_703, %get3A_704, %get3A_705] : memref<16x1x1x336xbf16, #tpu.memory_space<vmem>>, vector<1x1x1x336xbf16>
    %get3A_707 = vector.shape_cast %get3A_706 : vector<1x1x1x336xbf16> to vector<336xbf16>
    %broadcast_in_dim3A_708 = vector.shape_cast %get3A_707 : vector<336xbf16> to vector<1x336xbf16>
    %add3A_709 = arith.constant 3 : i32
    %add3A_710 = arith.addi %mul3A_0, %add3A_709 : i32
    %get3A_711 = arith.constant 5 : index
    %get3A_712 = arith.index_cast %add3A_710 : i32 to index
    %get3A_713 = memref.load %arg2[%get3A_711, %get3A_712] : memref<34x16xi32, #tpu.memory_space<smem>>
    %get3A_714 = arith.index_cast %get3A_713 : i32 to index
    %get3A_715 = arith.constant 0 : index
    %get3A_716 = arith.constant 0 : index
    %get3A_717 = arith.constant 0 : index
    %get3A_718 = vector.load %arg3[%get3A_714, %get3A_715, %get3A_716, %get3A_717] : memref<16x1x1x336xbf16, #tpu.memory_space<vmem>>, vector<1x1x1x336xbf16>
    %get3A_719 = vector.shape_cast %get3A_718 : vector<1x1x1x336xbf16> to vector<336xbf16>
    %broadcast_in_dim3A_720 = vector.shape_cast %get3A_719 : vector<336xbf16> to vector<1x336xbf16>
    %add3A_721 = arith.constant 4 : i32
    %add3A_722 = arith.addi %mul3A_0, %add3A_721 : i32
    %get3A_723 = arith.constant 5 : index
    %get3A_724 = arith.index_cast %add3A_722 : i32 to index
    %get3A_725 = memref.load %arg2[%get3A_723, %get3A_724] : memref<34x16xi32, #tpu.memory_space<smem>>
    %get3A_726 = arith.index_cast %get3A_725 : i32 to index
    %get3A_727 = arith.constant 0 : index
    %get3A_728 = arith.constant 0 : index
    %get3A_729 = arith.constant 0 : index
    %get3A_730 = vector.load %arg3[%get3A_726, %get3A_727, %get3A_728, %get3A_729] : memref<16x1x1x336xbf16, #tpu.memory_space<vmem>>, vector<1x1x1x336xbf16>
    %get3A_731 = vector.shape_cast %get3A_730 : vector<1x1x1x336xbf16> to vector<336xbf16>
    %broadcast_in_dim3A_732 = vector.shape_cast %get3A_731 : vector<336xbf16> to vector<1x336xbf16>
    %add3A_733 = arith.constant 5 : i32
    %add3A_734 = arith.addi %mul3A_0, %add3A_733 : i32
    %get3A_735 = arith.constant 5 : index
    %get3A_736 = arith.index_cast %add3A_734 : i32 to index
    %get3A_737 = memref.load %arg2[%get3A_735, %get3A_736] : memref<34x16xi32, #tpu.memory_space<smem>>
    %get3A_738 = arith.index_cast %get3A_737 : i32 to index
    %get3A_739 = arith.constant 0 : index
    %get3A_740 = arith.constant 0 : index
    %get3A_741 = arith.constant 0 : index
    %get3A_742 = vector.load %arg3[%get3A_738, %get3A_739, %get3A_740, %get3A_741] : memref<16x1x1x336xbf16, #tpu.memory_space<vmem>>, vector<1x1x1x336xbf16>
    %get3A_743 = vector.shape_cast %get3A_742 : vector<1x1x1x336xbf16> to vector<336xbf16>
    %broadcast_in_dim3A_744 = vector.shape_cast %get3A_743 : vector<336xbf16> to vector<1x336xbf16>
    %add3A_745 = arith.constant 6 : i32
    %add3A_746 = arith.addi %mul3A_0, %add3A_745 : i32
    %get3A_747 = arith.constant 5 : index
    %get3A_748 = arith.index_cast %add3A_746 : i32 to index
    %get3A_749 = memref.load %arg2[%get3A_747, %get3A_748] : memref<34x16xi32, #tpu.memory_space<smem>>
    %get3A_750 = arith.index_cast %get3A_749 : i32 to index
    %get3A_751 = arith.constant 0 : index
    %get3A_752 = arith.constant 0 : index
    %get3A_753 = arith.constant 0 : index
    %get3A_754 = vector.load %arg3[%get3A_750, %get3A_751, %get3A_752, %get3A_753] : memref<16x1x1x336xbf16, #tpu.memory_space<vmem>>, vector<1x1x1x336xbf16>
    %get3A_755 = vector.shape_cast %get3A_754 : vector<1x1x1x336xbf16> to vector<336xbf16>
    %broadcast_in_dim3A_756 = vector.shape_cast %get3A_755 : vector<336xbf16> to vector<1x336xbf16>
    %add3A_757 = arith.constant 7 : i32
    %add3A_758 = arith.addi %mul3A_0, %add3A_757 : i32
    %get3A_759 = arith.constant 5 : index
    %get3A_760 = arith.index_cast %add3A_758 : i32 to index
    %get3A_761 = memref.load %arg2[%get3A_759, %get3A_760] : memref<34x16xi32, #tpu.memory_space<smem>>
    %get3A_762 = arith.index_cast %get3A_761 : i32 to index
    %get3A_763 = arith.constant 0 : index
    %get3A_764 = arith.constant 0 : index
    %get3A_765 = arith.constant 0 : index
    %get3A_766 = vector.load %arg3[%get3A_762, %get3A_763, %get3A_764, %get3A_765] : memref<16x1x1x336xbf16, #tpu.memory_space<vmem>>, vector<1x1x1x336xbf16>
    %get3A_767 = vector.shape_cast %get3A_766 : vector<1x1x1x336xbf16> to vector<336xbf16>
    %broadcast_in_dim3A_768 = vector.shape_cast %get3A_767 : vector<336xbf16> to vector<1x336xbf16>
    %concatenate3A_769 = tpu.concatenate %broadcast_in_dim3A_684, %broadcast_in_dim3A_696, %broadcast_in_dim3A_708, %broadcast_in_dim3A_720, %broadcast_in_dim3A_732, %broadcast_in_dim3A_744, %broadcast_in_dim3A_756, %broadcast_in_dim3A_768 in 0 : vector<1x336xbf16>, vector<1x336xbf16>, vector<1x336xbf16>, vector<1x336xbf16>, vector<1x336xbf16>, vector<1x336xbf16>, vector<1x336xbf16>, vector<1x336xbf16> -> vector<8x336xbf16>
    %get3A_770 = arith.constant 0 : index
    %get3A_771 = arith.constant 0 : index
    %get3A_772 = vector.load %arg17[%get3A_770, %get3A_771] : memref<1344x8xbf16, #tpu.memory_space<vmem>>, vector<48x8xbf16>
    %dot_general3A_773 = arith.constant dense<0.000000e+00> : vector<48x336xf32>
    %dot_general3A_774 = tpu.matmul %get3A_772, %concatenate3A_769, %dot_general3A_773 {dimension_numbers = #tpu.dot_dimension_numbers<[1], [0], [0], [1], [0, 0, 1, 1], [], []>, transpose_lhs_hint = false} : vector<48x8xbf16>, vector<8x336xbf16>, vector<48x336xf32> -> vector<48x336xf32>
    %convert_element_type3A_775 = arith.truncf %dot_general3A_774 : vector<48x336xf32> to vector<48x336xbf16>
    %get3A_776 = arith.constant 40 : index
    %get3A_777 = arith.constant 0 : index
    %get3A_778 = vector.load %arg16[%get3A_776, %get3A_777] : memref<400x402xbf16, #tpu.memory_space<vmem>>, vector<6x336xbf16>
    %broadcast_in_dim3A_779 = vector.shape_cast %get3A_778 : vector<6x336xbf16> to vector<6x1x336xbf16>
    %broadcast_in_dim3A_780 = vector.shape_cast %broadcast_in_dim3A_779 : vector<6x1x336xbf16> to vector<6x1x336xbf16>
    %broadcast_in_dim3A_781 = vector.broadcast %broadcast_in_dim3A_780 : vector<6x1x336xbf16> to vector<6x8x336xbf16>
    %reshape3A_782 = vector.shape_cast %broadcast_in_dim3A_781 : vector<6x8x336xbf16> to vector<48x336xbf16>
    %mul3A_783 = arith.mulf %reshape3A_782, %convert_element_type3A_775 : vector<48x336xbf16>
    %get3A_784 = arith.constant 1752 : index
    %get3A_785 = arith.constant 0 : index
    %get3A_786 = vector.load %arg15[%get3A_784, %get3A_785] : memref<8312x512xbf16, #tpu.memory_space<vmem>>, vector<336x512xbf16>
    %dot_general3A_787 = arith.constant dense<0.000000e+00> : vector<48x512xf32>
    %dot_general3A_788 = tpu.matmul %mul3A_783, %get3A_786, %dot_general3A_787 {dimension_numbers = #tpu.dot_dimension_numbers<[1], [0], [0], [1], [0, 0, 1, 1], [], []>, transpose_lhs_hint = false} : vector<48x336xbf16>, vector<336x512xbf16>, vector<48x512xf32> -> vector<48x512xf32>
    %get3A_789 = arith.constant 40 : index
    %get3A_790 = arith.constant 0 : index
    %get3A_791 = vector.load %arg19[%get3A_789, %get3A_790] : memref<400x256xf32, #tpu.memory_space<vmem>>, vector<6x256xf32>
    %broadcast_in_dim3A_792 = vector.shape_cast %get3A_791 : vector<6x256xf32> to vector<6x1x256xf32>
    %broadcast_in_dim3A_793 = vector.shape_cast %broadcast_in_dim3A_792 : vector<6x1x256xf32> to vector<6x1x256xf32>
    %broadcast_in_dim3A_794 = vector.broadcast %broadcast_in_dim3A_793 : vector<6x1x256xf32> to vector<6x8x256xf32>
    %reshape3A_795 = vector.shape_cast %broadcast_in_dim3A_794 : vector<6x8x256xf32> to vector<48x256xf32>
    %broadcast_in_dim3A_796 = vector.shape_cast %get3A_4 : vector<1x256xf32> to vector<1x256xf32>
    %broadcast_in_dim3A_797 = vector.broadcast %broadcast_in_dim3A_796 : vector<1x256xf32> to vector<48x256xf32>
    %concatenate3A_798 = tpu.concatenate %broadcast_in_dim3A_797, %reshape3A_795 in 1 : vector<48x256xf32>, vector<48x256xf32> -> vector<48x512xf32>
    %add3A_799 = arith.addf %dot_general3A_788, %concatenate3A_798 : vector<48x512xf32>
    %reshape3A_800 = vector.shape_cast %add3A_799 : vector<48x512xf32> to vector<6x8x512xf32>
    %swap3A_801 = arith.constant 0 : index
    %swap3A_802 = arith.constant 0 : index
    %swap3A_803 = arith.constant 0 : index
    %swap3A_804 = arith.constant 0 : index
    %swap3A_805 = vector.load %arg25[%swap3A_801, %swap3A_802, %swap3A_803, %swap3A_804] : memref<1x6x8x512xf32, #tpu.memory_space<vmem>>, vector<1x6x8x512xf32>
    %swap3A_806 = vector.shape_cast %swap3A_805 : vector<1x6x8x512xf32> to vector<6x8x512xf32>
    %swap3A_807 = vector.shape_cast %reshape3A_800 : vector<6x8x512xf32> to vector<1x6x8x512xf32>
    tpu.vector_store %arg25[%swap3A_801, %swap3A_802, %swap3A_803, %swap3A_804], %swap3A_807 {strides = array<i32>} : memref<1x6x8x512xf32, #tpu.memory_space<vmem>>, vector<1x6x8x512xf32>,
    %add3A_808 = arith.constant 0 : i32
    %add3A_809 = arith.addi %mul3A_0, %add3A_808 : i32
    %get3A_810 = arith.constant 6 : index
    %get3A_811 = arith.index_cast %add3A_809 : i32 to index
    %get3A_812 = memref.load %arg2[%get3A_810, %get3A_811] : memref<34x16xi32, #tpu.memory_space<smem>>
    %get3A_813 = arith.index_cast %get3A_812 : i32 to index
    %get3A_814 = arith.constant 0 : index
    %get3A_815 = arith.constant 0 : index
    %get3A_816 = arith.constant 0 : index
    %get3A_817 = vector.load %arg3[%get3A_813, %get3A_814, %get3A_815, %get3A_816] : memref<16x1x1x336xbf16, #tpu.memory_space<vmem>>, vector<1x1x1x336xbf16>
    %get3A_818 = vector.shape_cast %get3A_817 : vector<1x1x1x336xbf16> to vector<336xbf16>
    %broadcast_in_dim3A_819 = vector.shape_cast %get3A_818 : vector<336xbf16> to vector<1x336xbf16>
    %add3A_820 = arith.constant 1 : i32
    %add3A_821 = arith.addi %mul3A_0, %add3A_820 : i32
    %get3A_822 = arith.constant 6 : index
    %get3A_823 = arith.index_cast %add3A_821 : i32 to index
    %get3A_824 = memref.load %arg2[%get3A_822, %get3A_823] : memref<34x16xi32, #tpu.memory_space<smem>>
    %get3A_825 = arith.index_cast %get3A_824 : i32 to index
    %get3A_826 = arith.constant 0 : index
    %get3A_827 = arith.constant 0 : index
    %get3A_828 = arith.constant 0 : index
    %get3A_829 = vector.load %arg3[%get3A_825, %get3A_826, %get3A_827, %get3A_828] : memref<16x1x1x336xbf16, #tpu.memory_space<vmem>>, vector<1x1x1x336xbf16>
    %get3A_830 = vector.shape_cast %get3A_829 : vector<1x1x1x336xbf16> to vector<336xbf16>
    %broadcast_in_dim3A_831 = vector.shape_cast %get3A_830 : vector<336xbf16> to vector<1x336xbf16>
    %add3A_832 = arith.constant 2 : i32
    %add3A_833 = arith.addi %mul3A_0, %add3A_832 : i32
    %get3A_834 = arith.constant 6 : index
    %get3A_835 = arith.index_cast %add3A_833 : i32 to index
    %get3A_836 = memref.load %arg2[%get3A_834, %get3A_835] : memref<34x16xi32, #tpu.memory_space<smem>>
    %get3A_837 = arith.index_cast %get3A_836 : i32 to index
    %get3A_838 = arith.constant 0 : index
    %get3A_839 = arith.constant 0 : index
    %get3A_840 = arith.constant 0 : index
    %get3A_841 = vector.load %arg3[%get3A_837, %get3A_838, %get3A_839, %get3A_840] : memref<16x1x1x336xbf16, #tpu.memory_space<vmem>>, vector<1x1x1x336xbf16>
    %get3A_842 = vector.shape_cast %get3A_841 : vector<1x1x1x336xbf16> to vector<336xbf16>
    %broadcast_in_dim3A_843 = vector.shape_cast %get3A_842 : vector<336xbf16> to vector<1x336xbf16>
    %add3A_844 = arith.constant 3 : i32
    %add3A_845 = arith.addi %mul3A_0, %add3A_844 : i32
    %get3A_846 = arith.constant 6 : index
    %get3A_847 = arith.index_cast %add3A_845 : i32 to index
    %get3A_848 = memref.load %arg2[%get3A_846, %get3A_847] : memref<34x16xi32, #tpu.memory_space<smem>>
    %get3A_849 = arith.index_cast %get3A_848 : i32 to index
    %get3A_850 = arith.constant 0 : index
    %get3A_851 = arith.constant 0 : index
    %get3A_852 = arith.constant 0 : index
    %get3A_853 = vector.load %arg3[%get3A_849, %get3A_850, %get3A_851, %get3A_852] : memref<16x1x1x336xbf16, #tpu.memory_space<vmem>>, vector<1x1x1x336xbf16>
    %get3A_854 = vector.shape_cast %get3A_853 : vector<1x1x1x336xbf16> to vector<336xbf16>
    %broadcast_in_dim3A_855 = vector.shape_cast %get3A_854 : vector<336xbf16> to vector<1x336xbf16>
    %add3A_856 = arith.constant 4 : i32
    %add3A_857 = arith.addi %mul3A_0, %add3A_856 : i32
    %get3A_858 = arith.constant 6 : index
    %get3A_859 = arith.index_cast %add3A_857 : i32 to index
    %get3A_860 = memref.load %arg2[%get3A_858, %get3A_859] : memref<34x16xi32, #tpu.memory_space<smem>>
    %get3A_861 = arith.index_cast %get3A_860 : i32 to index
    %get3A_862 = arith.constant 0 : index
    %get3A_863 = arith.constant 0 : index
    %get3A_864 = arith.constant 0 : index
    %get3A_865 = vector.load %arg3[%get3A_861, %get3A_862, %get3A_863, %get3A_864] : memref<16x1x1x336xbf16, #tpu.memory_space<vmem>>, vector<1x1x1x336xbf16>
    %get3A_866 = vector.shape_cast %get3A_865 : vector<1x1x1x336xbf16> to vector<336xbf16>
    %broadcast_in_dim3A_867 = vector.shape_cast %get3A_866 : vector<336xbf16> to vector<1x336xbf16>
    %add3A_868 = arith.constant 5 : i32
    %add3A_869 = arith.addi %mul3A_0, %add3A_868 : i32
    %get3A_870 = arith.constant 6 : index
    %get3A_871 = arith.index_cast %add3A_869 : i32 to index
    %get3A_872 = memref.load %arg2[%get3A_870, %get3A_871] : memref<34x16xi32, #tpu.memory_space<smem>>
    %get3A_873 = arith.index_cast %get3A_872 : i32 to index
    %get3A_874 = arith.constant 0 : index
    %get3A_875 = arith.constant 0 : index
    %get3A_876 = arith.constant 0 : index
    %get3A_877 = vector.load %arg3[%get3A_873, %get3A_874, %get3A_875, %get3A_876] : memref<16x1x1x336xbf16, #tpu.memory_space<vmem>>, vector<1x1x1x336xbf16>
    %get3A_878 = vector.shape_cast %get3A_877 : vector<1x1x1x336xbf16> to vector<336xbf16>
    %broadcast_in_dim3A_879 = vector.shape_cast %get3A_878 : vector<336xbf16> to vector<1x336xbf16>
    %add3A_880 = arith.constant 6 : i32
    %add3A_881 = arith.addi %mul3A_0, %add3A_880 : i32
    %get3A_882 = arith.constant 6 : index
    %get3A_883 = arith.index_cast %add3A_881 : i32 to index
    %get3A_884 = memref.load %arg2[%get3A_882, %get3A_883] : memref<34x16xi32, #tpu.memory_space<smem>>
    %get3A_885 = arith.index_cast %get3A_884 : i32 to index
    %get3A_886 = arith.constant 0 : index
    %get3A_887 = arith.constant 0 : index
    %get3A_888 = arith.constant 0 : index
    %get3A_889 = vector.load %arg3[%get3A_885, %get3A_886, %get3A_887, %get3A_888] : memref<16x1x1x336xbf16, #tpu.memory_space<vmem>>, vector<1x1x1x336xbf16>
    %get3A_890 = vector.shape_cast %get3A_889 : vector<1x1x1x336xbf16> to vector<336xbf16>
    %broadcast_in_dim3A_891 = vector.shape_cast %get3A_890 : vector<336xbf16> to vector<1x336xbf16>
    %add3A_892 = arith.constant 7 : i32
    %add3A_893 = arith.addi %mul3A_0, %add3A_892 : i32
    %get3A_894 = arith.constant 6 : index
    %get3A_895 = arith.index_cast %add3A_893 : i32 to index
    %get3A_896 = memref.load %arg2[%get3A_894, %get3A_895] : memref<34x16xi32, #tpu.memory_space<smem>>
    %get3A_897 = arith.index_cast %get3A_896 : i32 to index
    %get3A_898 = arith.constant 0 : index
    %get3A_899 = arith.constant 0 : index
    %get3A_900 = arith.constant 0 : index
    %get3A_901 = vector.load %arg3[%get3A_897, %get3A_898, %get3A_899, %get3A_900] : memref<16x1x1x336xbf16, #tpu.memory_space<vmem>>, vector<1x1x1x336xbf16>
    %get3A_902 = vector.shape_cast %get3A_901 : vector<1x1x1x336xbf16> to vector<336xbf16>
    %broadcast_in_dim3A_903 = vector.shape_cast %get3A_902 : vector<336xbf16> to vector<1x336xbf16>
    %concatenate3A_904 = tpu.concatenate %broadcast_in_dim3A_819, %broadcast_in_dim3A_831, %broadcast_in_dim3A_843, %broadcast_in_dim3A_855, %broadcast_in_dim3A_867, %broadcast_in_dim3A_879, %broadcast_in_dim3A_891, %broadcast_in_dim3A_903 in 0 : vector<1x336xbf16>, vector<1x336xbf16>, vector<1x336xbf16>, vector<1x336xbf16>, vector<1x336xbf16>, vector<1x336xbf16>, vector<1x336xbf16>, vector<1x336xbf16> -> vector<8x336xbf16>
    %get3A_905 = arith.constant 0 : index
    %get3A_906 = arith.constant 0 : index
    %get3A_907 = vector.load %arg17[%get3A_905, %get3A_906] : memref<1344x8xbf16, #tpu.memory_space<vmem>>, vector<56x8xbf16>
    %dot_general3A_908 = arith.constant dense<0.000000e+00> : vector<56x336xf32>
    %dot_general3A_909 = tpu.matmul %get3A_907, %concatenate3A_904, %dot_general3A_908 {dimension_numbers = #tpu.dot_dimension_numbers<[1], [0], [0], [1], [0, 0, 1, 1], [], []>, transpose_lhs_hint = false} : vector<56x8xbf16>, vector<8x336xbf16>, vector<56x336xf32> -> vector<56x336xf32>
    %convert_element_type3A_910 = arith.truncf %dot_general3A_909 : vector<56x336xf32> to vector<56x336xbf16>
    %get3A_911 = arith.constant 48 : index
    %get3A_912 = arith.constant 0 : index
    %get3A_913 = vector.load %arg16[%get3A_911, %get3A_912] : memref<400x402xbf16, #tpu.memory_space<vmem>>, vector<7x336xbf16>
    %broadcast_in_dim3A_914 = vector.shape_cast %get3A_913 : vector<7x336xbf16> to vector<7x1x336xbf16>
    %broadcast_in_dim3A_915 = vector.shape_cast %broadcast_in_dim3A_914 : vector<7x1x336xbf16> to vector<7x1x336xbf16>
    %broadcast_in_dim3A_916 = vector.broadcast %broadcast_in_dim3A_915 : vector<7x1x336xbf16> to vector<7x8x336xbf16>
    %reshape3A_917 = vector.shape_cast %broadcast_in_dim3A_916 : vector<7x8x336xbf16> to vector<56x336xbf16>
    %mul3A_918 = arith.mulf %reshape3A_917, %convert_element_type3A_910 : vector<56x336xbf16>
    %get3A_919 = arith.constant 2088 : index
    %get3A_920 = arith.constant 0 : index
    %get3A_921 = vector.load %arg15[%get3A_919, %get3A_920] : memref<8312x512xbf16, #tpu.memory_space<vmem>>, vector<336x512xbf16>
    %dot_general3A_922 = arith.constant dense<0.000000e+00> : vector<56x512xf32>
    %dot_general3A_923 = tpu.matmul %mul3A_918, %get3A_921, %dot_general3A_922 {dimension_numbers = #tpu.dot_dimension_numbers<[1], [0], [0], [1], [0, 0, 1, 1], [], []>, transpose_lhs_hint = false} : vector<56x336xbf16>, vector<336x512xbf16>, vector<56x512xf32> -> vector<56x512xf32>
    %get3A_924 = arith.constant 48 : index
    %get3A_925 = arith.constant 0 : index
    %get3A_926 = vector.load %arg19[%get3A_924, %get3A_925] : memref<400x256xf32, #tpu.memory_space<vmem>>, vector<7x256xf32>
    %broadcast_in_dim3A_927 = vector.shape_cast %get3A_926 : vector<7x256xf32> to vector<7x1x256xf32>
    %broadcast_in_dim3A_928 = vector.shape_cast %broadcast_in_dim3A_927 : vector<7x1x256xf32> to vector<7x1x256xf32>
    %broadcast_in_dim3A_929 = vector.broadcast %broadcast_in_dim3A_928 : vector<7x1x256xf32> to vector<7x8x256xf32>
    %reshape3A_930 = vector.shape_cast %broadcast_in_dim3A_929 : vector<7x8x256xf32> to vector<56x256xf32>
    %broadcast_in_dim3A_931 = vector.shape_cast %get3A_4 : vector<1x256xf32> to vector<1x256xf32>
    %broadcast_in_dim3A_932 = vector.broadcast %broadcast_in_dim3A_931 : vector<1x256xf32> to vector<56x256xf32>
    %concatenate3A_933 = tpu.concatenate %broadcast_in_dim3A_932, %reshape3A_930 in 1 : vector<56x256xf32>, vector<56x256xf32> -> vector<56x512xf32>
    %add3A_934 = arith.addf %dot_general3A_923, %concatenate3A_933 : vector<56x512xf32>
    %reshape3A_935 = vector.shape_cast %add3A_934 : vector<56x512xf32> to vector<7x8x512xf32>
    %swap3A_936 = arith.constant 0 : index
    %swap3A_937 = arith.constant 0 : index
    %swap3A_938 = arith.constant 0 : index
    %swap3A_939 = arith.constant 0 : index
    %swap3A_940 = vector.load %arg26[%swap3A_936, %swap3A_937, %swap3A_938, %swap3A_939] : memref<1x7x8x512xf32, #tpu.memory_space<vmem>>, vector<1x7x8x512xf32>
    %swap3A_941 = vector.shape_cast %swap3A_940 : vector<1x7x8x512xf32> to vector<7x8x512xf32>
    %swap3A_942 = vector.shape_cast %reshape3A_935 : vector<7x8x512xf32> to vector<1x7x8x512xf32>
    tpu.vector_store %arg26[%swap3A_936, %swap3A_937, %swap3A_938, %swap3A_939], %swap3A_942 {strides = array<i32>} : memref<1x7x8x512xf32, #tpu.memory_space<vmem>>, vector<1x7x8x512xf32>,
    %add3A_943 = arith.constant 0 : i32
    %add3A_944 = arith.addi %mul3A_0, %add3A_943 : i32
    %get3A_945 = arith.constant 7 : index
    %get3A_946 = arith.index_cast %add3A_944 : i32 to index
    %get3A_947 = memref.load %arg2[%get3A_945, %get3A_946] : memref<34x16xi32, #tpu.memory_space<smem>>
    %get3A_948 = arith.index_cast %get3A_947 : i32 to index
    %get3A_949 = arith.constant 0 : index
    %get3A_950 = arith.constant 0 : index
    %get3A_951 = arith.constant 0 : index
    %get3A_952 = vector.load %arg3[%get3A_948, %get3A_949, %get3A_950, %get3A_951] : memref<16x1x1x336xbf16, #tpu.memory_space<vmem>>, vector<1x1x1x336xbf16>
    %get3A_953 = vector.shape_cast %get3A_952 : vector<1x1x1x336xbf16> to vector<336xbf16>
    %broadcast_in_dim3A_954 = vector.shape_cast %get3A_953 : vector<336xbf16> to vector<1x336xbf16>
    %add3A_955 = arith.constant 1 : i32
    %add3A_956 = arith.addi %mul3A_0, %add3A_955 : i32
    %get3A_957 = arith.constant 7 : index
    %get3A_958 = arith.index_cast %add3A_956 : i32 to index
    %get3A_959 = memref.load %arg2[%get3A_957, %get3A_958] : memref<34x16xi32, #tpu.memory_space<smem>>
    %get3A_960 = arith.index_cast %get3A_959 : i32 to index
    %get3A_961 = arith.constant 0 : index
    %get3A_962 = arith.constant 0 : index
    %get3A_963 = arith.constant 0 : index
    %get3A_964 = vector.load %arg3[%get3A_960, %get3A_961, %get3A_962, %get3A_963] : memref<16x1x1x336xbf16, #tpu.memory_space<vmem>>, vector<1x1x1x336xbf16>
    %get3A_965 = vector.shape_cast %get3A_964 : vector<1x1x1x336xbf16> to vector<336xbf16>
    %broadcast_in_dim3A_966 = vector.shape_cast %get3A_965 : vector<336xbf16> to vector<1x336xbf16>
    %add3A_967 = arith.constant 2 : i32
    %add3A_968 = arith.addi %mul3A_0, %add3A_967 : i32
    %get3A_969 = arith.constant 7 : index
    %get3A_970 = arith.index_cast %add3A_968 : i32 to index
    %get3A_971 = memref.load %arg2[%get3A_969, %get3A_970] : memref<34x16xi32, #tpu.memory_space<smem>>
    %get3A_972 = arith.index_cast %get3A_971 : i32 to index
    %get3A_973 = arith.constant 0 : index
    %get3A_974 = arith.constant 0 : index
    %get3A_975 = arith.constant 0 : index
    %get3A_976 = vector.load %arg3[%get3A_972, %get3A_973, %get3A_974, %get3A_975] : memref<16x1x1x336xbf16, #tpu.memory_space<vmem>>, vector<1x1x1x336xbf16>
    %get3A_977 = vector.shape_cast %get3A_976 : vector<1x1x1x336xbf16> to vector<336xbf16>
    %broadcast_in_dim3A_978 = vector.shape_cast %get3A_977 : vector<336xbf16> to vector<1x336xbf16>
    %add3A_979 = arith.constant 3 : i32
    %add3A_980 = arith.addi %mul3A_0, %add3A_979 : i32
    %get3A_981 = arith.constant 7 : index
    %get3A_982 = arith.index_cast %add3A_980 : i32 to index
    %get3A_983 = memref.load %arg2[%get3A_981, %get3A_982] : memref<34x16xi32, #tpu.memory_space<smem>>
    %get3A_984 = arith.index_cast %get3A_983 : i32 to index
    %get3A_985 = arith.constant 0 : index
    %get3A_986 = arith.constant 0 : index
    %get3A_987 = arith.constant 0 : index
    %get3A_988 = vector.load %arg3[%get3A_984, %get3A_985, %get3A_986, %get3A_987] : memref<16x1x1x336xbf16, #tpu.memory_space<vmem>>, vector<1x1x1x336xbf16>
    %get3A_989 = vector.shape_cast %get3A_988 : vector<1x1x1x336xbf16> to vector<336xbf16>
    %broadcast_in_dim3A_990 = vector.shape_cast %get3A_989 : vector<336xbf16> to vector<1x336xbf16>
    %add3A_991 = arith.constant 4 : i32
    %add3A_992 = arith.addi %mul3A_0, %add3A_991 : i32
    %get3A_993 = arith.constant 7 : index
    %get3A_994 = arith.index_cast %add3A_992 : i32 to index
    %get3A_995 = memref.load %arg2[%get3A_993, %get3A_994] : memref<34x16xi32, #tpu.memory_space<smem>>
    %get3A_996 = arith.index_cast %get3A_995 : i32 to index
    %get3A_997 = arith.constant 0 : index
    %get3A_998 = arith.constant 0 : index
    %get3A_999 = arith.constant 0 : index
    %get3A_1000 = vector.load %arg3[%get3A_996, %get3A_997, %get3A_998, %get3A_999] : memref<16x1x1x336xbf16, #tpu.memory_space<vmem>>, vector<1x1x1x336xbf16>
    %get3A_1001 = vector.shape_cast %get3A_1000 : vector<1x1x1x336xbf16> to vector<336xbf16>
    %broadcast_in_dim3A_1002 = vector.shape_cast %get3A_1001 : vector<336xbf16> to vector<1x336xbf16>
    %add3A_1003 = arith.constant 5 : i32
    %add3A_1004 = arith.addi %mul3A_0, %add3A_1003 : i32
    %get3A_1005 = arith.constant 7 : index
    %get3A_1006 = arith.index_cast %add3A_1004 : i32 to index
    %get3A_1007 = memref.load %arg2[%get3A_1005, %get3A_1006] : memref<34x16xi32, #tpu.memory_space<smem>>
    %get3A_1008 = arith.index_cast %get3A_1007 : i32 to index
    %get3A_1009 = arith.constant 0 : index
    %get3A_1010 = arith.constant 0 : index
    %get3A_1011 = arith.constant 0 : index
    %get3A_1012 = vector.load %arg3[%get3A_1008, %get3A_1009, %get3A_1010, %get3A_1011] : memref<16x1x1x336xbf16, #tpu.memory_space<vmem>>, vector<1x1x1x336xbf16>
    %get3A_1013 = vector.shape_cast %get3A_1012 : vector<1x1x1x336xbf16> to vector<336xbf16>
    %broadcast_in_dim3A_1014 = vector.shape_cast %get3A_1013 : vector<336xbf16> to vector<1x336xbf16>
    %add3A_1015 = arith.constant 6 : i32
    %add3A_1016 = arith.addi %mul3A_0, %add3A_1015 : i32
    %get3A_1017 = arith.constant 7 : index
    %get3A_1018 = arith.index_cast %add3A_1016 : i32 to index
    %get3A_1019 = memref.load %arg2[%get3A_1017, %get3A_1018] : memref<34x16xi32, #tpu.memory_space<smem>>
    %get3A_1020 = arith.index_cast %get3A_1019 : i32 to index
    %get3A_1021 = arith.constant 0 : index
    %get3A_1022 = arith.constant 0 : index
    %get3A_1023 = arith.constant 0 : index
    %get3A_1024 = vector.load %arg3[%get3A_1020, %get3A_1021, %get3A_1022, %get3A_1023] : memref<16x1x1x336xbf16, #tpu.memory_space<vmem>>, vector<1x1x1x336xbf16>
    %get3A_1025 = vector.shape_cast %get3A_1024 : vector<1x1x1x336xbf16> to vector<336xbf16>
    %broadcast_in_dim3A_1026 = vector.shape_cast %get3A_1025 : vector<336xbf16> to vector<1x336xbf16>
    %add3A_1027 = arith.constant 7 : i32
    %add3A_1028 = arith.addi %mul3A_0, %add3A_1027 : i32
    %get3A_1029 = arith.constant 7 : index
    %get3A_1030 = arith.index_cast %add3A_1028 : i32 to index
    %get3A_1031 = memref.load %arg2[%get3A_1029, %get3A_1030] : memref<34x16xi32, #tpu.memory_space<smem>>
    %get3A_1032 = arith.index_cast %get3A_1031 : i32 to index
    %get3A_1033 = arith.constant 0 : index
    %get3A_1034 = arith.constant 0 : index
    %get3A_1035 = arith.constant 0 : index
    %get3A_1036 = vector.load %arg3[%get3A_1032, %get3A_1033, %get3A_1034, %get3A_1035] : memref<16x1x1x336xbf16, #tpu.memory_space<vmem>>, vector<1x1x1x336xbf16>
    %get3A_1037 = vector.shape_cast %get3A_1036 : vector<1x1x1x336xbf16> to vector<336xbf16>
    %broadcast_in_dim3A_1038 = vector.shape_cast %get3A_1037 : vector<336xbf16> to vector<1x336xbf16>
    %concatenate3A_1039 = tpu.concatenate %broadcast_in_dim3A_954, %broadcast_in_dim3A_966, %broadcast_in_dim3A_978, %broadcast_in_dim3A_990, %broadcast_in_dim3A_1002, %broadcast_in_dim3A_1014, %broadcast_in_dim3A_1026, %broadcast_in_dim3A_1038 in 0 : vector<1x336xbf16>, vector<1x336xbf16>, vector<1x336xbf16>, vector<1x336xbf16>, vector<1x336xbf16>, vector<1x336xbf16>, vector<1x336xbf16>, vector<1x336xbf16> -> vector<8x336xbf16>
    %get3A_1040 = arith.constant 0 : index
    %get3A_1041 = arith.constant 0 : index
    %get3A_1042 = vector.load %arg17[%get3A_1040, %get3A_1041] : memref<1344x8xbf16, #tpu.memory_space<vmem>>, vector<64x8xbf16>
    %dot_general3A_1043 = arith.constant dense<0.000000e+00> : vector<64x336xf32>
    %dot_general3A_1044 = tpu.matmul %get3A_1042, %concatenate3A_1039, %dot_general3A_1043 {dimension_numbers = #tpu.dot_dimension_numbers<[1], [0], [0], [1], [0, 0, 1, 1], [], []>, transpose_lhs_hint = false} : vector<64x8xbf16>, vector<8x336xbf16>, vector<64x336xf32> -> vector<64x336xf32>
    %convert_element_type3A_1045 = arith.truncf %dot_general3A_1044 : vector<64x336xf32> to vector<64x336xbf16>
    %get3A_1046 = arith.constant 56 : index
    %get3A_1047 = arith.constant 0 : index
    %get3A_1048 = vector.load %arg16[%get3A_1046, %get3A_1047] : memref<400x402xbf16, #tpu.memory_space<vmem>>, vector<8x336xbf16>
    %broadcast_in_dim3A_1049 = vector.shape_cast %get3A_1048 : vector<8x336xbf16> to vector<8x1x336xbf16>
    %broadcast_in_dim3A_1050 = vector.shape_cast %broadcast_in_dim3A_1049 : vector<8x1x336xbf16> to vector<8x1x336xbf16>
    %broadcast_in_dim3A_1051 = vector.broadcast %broadcast_in_dim3A_1050 : vector<8x1x336xbf16> to vector<8x8x336xbf16>
    %reshape3A_1052 = vector.shape_cast %broadcast_in_dim3A_1051 : vector<8x8x336xbf16> to vector<64x336xbf16>
    %mul3A_1053 = arith.mulf %reshape3A_1052, %convert_element_type3A_1045 : vector<64x336xbf16>
    %get3A_1054 = arith.constant 2424 : index
    %get3A_1055 = arith.constant 0 : index
    %get3A_1056 = vector.load %arg15[%get3A_1054, %get3A_1055] : memref<8312x512xbf16, #tpu.memory_space<vmem>>, vector<336x512xbf16>
    %dot_general3A_1057 = arith.constant dense<0.000000e+00> : vector<64x512xf32>
    %dot_general3A_1058 = tpu.matmul %mul3A_1053, %get3A_1056, %dot_general3A_1057 {dimension_numbers = #tpu.dot_dimension_numbers<[1], [0], [0], [1], [0, 0, 1, 1], [], []>, transpose_lhs_hint = false} : vector<64x336xbf16>, vector<336x512xbf16>, vector<64x512xf32> -> vector<64x512xf32>
    %get3A_1059 = arith.constant 56 : index
    %get3A_1060 = arith.constant 0 : index
    %get3A_1061 = vector.load %arg19[%get3A_1059, %get3A_1060] : memref<400x256xf32, #tpu.memory_space<vmem>>, vector<8x256xf32>
    %broadcast_in_dim3A_1062 = vector.shape_cast %get3A_1061 : vector<8x256xf32> to vector<8x1x256xf32>
    %broadcast_in_dim3A_1063 = vector.shape_cast %broadcast_in_dim3A_1062 : vector<8x1x256xf32> to vector<8x1x256xf32>
    %broadcast_in_dim3A_1064 = vector.broadcast %broadcast_in_dim3A_1063 : vector<8x1x256xf32> to vector<8x8x256xf32>
    %reshape3A_1065 = vector.shape_cast %broadcast_in_dim3A_1064 : vector<8x8x256xf32> to vector<64x256xf32>
    %broadcast_in_dim3A_1066 = vector.shape_cast %get3A_4 : vector<1x256xf32> to vector<1x256xf32>
    %broadcast_in_dim3A_1067 = vector.broadcast %broadcast_in_dim3A_1066 : vector<1x256xf32> to vector<64x256xf32>
    %concatenate3A_1068 = tpu.concatenate %broadcast_in_dim3A_1067, %reshape3A_1065 in 1 : vector<64x256xf32>, vector<64x256xf32> -> vector<64x512xf32>
    %add3A_1069 = arith.addf %dot_general3A_1058, %concatenate3A_1068 : vector<64x512xf32>
    %reshape3A_1070 = vector.shape_cast %add3A_1069 : vector<64x512xf32> to vector<8x8x512xf32>
    %swap3A_1071 = arith.constant 0 : index
    %swap3A_1072 = arith.constant 0 : index
    %swap3A_1073 = arith.constant 0 : index
    %swap3A_1074 = arith.constant 0 : index
    %swap3A_1075 = vector.load %arg27[%swap3A_1071, %swap3A_1072, %swap3A_1073, %swap3A_1074] : memref<1x8x8x512xf32, #tpu.memory_space<vmem>>, vector<1x8x8x512xf32>
    %swap3A_1076 = vector.shape_cast %swap3A_1075 : vector<1x8x8x512xf32> to vector<8x8x512xf32>
    %swap3A_1077 = vector.shape_cast %reshape3A_1070 : vector<8x8x512xf32> to vector<1x8x8x512xf32>
    tpu.vector_store %arg27[%swap3A_1071, %swap3A_1072, %swap3A_1073, %swap3A_1074], %swap3A_1077 {strides = array<i32>} : memref<1x8x8x512xf32, #tpu.memory_space<vmem>>, vector<1x8x8x512xf32>,
    %add3A_1078 = arith.constant 0 : i32
    %add3A_1079 = arith.addi %mul3A_0, %add3A_1078 : i32
    %get3A_1080 = arith.constant 8 : index
    %get3A_1081 = arith.index_cast %add3A_1079 : i32 to index
    %get3A_1082 = memref.load %arg2[%get3A_1080, %get3A_1081] : memref<34x16xi32, #tpu.memory_space<smem>>
    %get3A_1083 = arith.index_cast %get3A_1082 : i32 to index
    %get3A_1084 = arith.constant 0 : index
    %get3A_1085 = arith.constant 0 : index
    %get3A_1086 = arith.constant 0 : index
    %get3A_1087 = vector.load %arg13[%get3A_1083, %get3A_1084, %get3A_1085, %get3A_1086] : memref<16x1x1x370xbf16, #tpu.memory_space<vmem>>, vector<1x1x1x370xbf16>
    %get3A_1088 = vector.shape_cast %get3A_1087 : vector<1x1x1x370xbf16> to vector<370xbf16>
    %broadcast_in_dim3A_1089 = vector.shape_cast %get3A_1088 : vector<370xbf16> to vector<1x370xbf16>
    %add3A_1090 = arith.constant 1 : i32
    %add3A_1091 = arith.addi %mul3A_0, %add3A_1090 : i32
    %get3A_1092 = arith.constant 8 : index
    %get3A_1093 = arith.index_cast %add3A_1091 : i32 to index
    %get3A_1094 = memref.load %arg2[%get3A_1092, %get3A_1093] : memref<34x16xi32, #tpu.memory_space<smem>>
    %get3A_1095 = arith.index_cast %get3A_1094 : i32 to index
    %get3A_1096 = arith.constant 0 : index
    %get3A_1097 = arith.constant 0 : index
    %get3A_1098 = arith.constant 0 : index
    %get3A_1099 = vector.load %arg13[%get3A_1095, %get3A_1096, %get3A_1097, %get3A_1098] : memref<16x1x1x370xbf16, #tpu.memory_space<vmem>>, vector<1x1x1x370xbf16>
    %get3A_1100 = vector.shape_cast %get3A_1099 : vector<1x1x1x370xbf16> to vector<370xbf16>
    %broadcast_in_dim3A_1101 = vector.shape_cast %get3A_1100 : vector<370xbf16> to vector<1x370xbf16>
    %add3A_1102 = arith.constant 2 : i32
    %add3A_1103 = arith.addi %mul3A_0, %add3A_1102 : i32
    %get3A_1104 = arith.constant 8 : index
    %get3A_1105 = arith.index_cast %add3A_1103 : i32 to index
    %get3A_1106 = memref.load %arg2[%get3A_1104, %get3A_1105] : memref<34x16xi32, #tpu.memory_space<smem>>
    %get3A_1107 = arith.index_cast %get3A_1106 : i32 to index
    %get3A_1108 = arith.constant 0 : index
    %get3A_1109 = arith.constant 0 : index
    %get3A_1110 = arith.constant 0 : index
    %get3A_1111 = vector.load %arg13[%get3A_1107, %get3A_1108, %get3A_1109, %get3A_1110] : memref<16x1x1x370xbf16, #tpu.memory_space<vmem>>, vector<1x1x1x370xbf16>
    %get3A_1112 = vector.shape_cast %get3A_1111 : vector<1x1x1x370xbf16> to vector<370xbf16>
    %broadcast_in_dim3A_1113 = vector.shape_cast %get3A_1112 : vector<370xbf16> to vector<1x370xbf16>
    %add3A_1114 = arith.constant 3 : i32
    %add3A_1115 = arith.addi %mul3A_0, %add3A_1114 : i32
    %get3A_1116 = arith.constant 8 : index
    %get3A_1117 = arith.index_cast %add3A_1115 : i32 to index
    %get3A_1118 = memref.load %arg2[%get3A_1116, %get3A_1117] : memref<34x16xi32, #tpu.memory_space<smem>>
    %get3A_1119 = arith.index_cast %get3A_1118 : i32 to index
    %get3A_1120 = arith.constant 0 : index
    %get3A_1121 = arith.constant 0 : index
    %get3A_1122 = arith.constant 0 : index
    %get3A_1123 = vector.load %arg13[%get3A_1119, %get3A_1120, %get3A_1121, %get3A_1122] : memref<16x1x1x370xbf16, #tpu.memory_space<vmem>>, vector<1x1x1x370xbf16>
    %get3A_1124 = vector.shape_cast %get3A_1123 : vector<1x1x1x370xbf16> to vector<370xbf16>
    %broadcast_in_dim3A_1125 = vector.shape_cast %get3A_1124 : vector<370xbf16> to vector<1x370xbf16>
    %add3A_1126 = arith.constant 4 : i32
    %add3A_1127 = arith.addi %mul3A_0, %add3A_1126 : i32
    %get3A_1128 = arith.constant 8 : index
    %get3A_1129 = arith.index_cast %add3A_1127 : i32 to index
    %get3A_1130 = memref.load %arg2[%get3A_1128, %get3A_1129] : memref<34x16xi32, #tpu.memory_space<smem>>
    %get3A_1131 = arith.index_cast %get3A_1130 : i32 to index
    %get3A_1132 = arith.constant 0 : index
    %get3A_1133 = arith.constant 0 : index
    %get3A_1134 = arith.constant 0 : index
    %get3A_1135 = vector.load %arg13[%get3A_1131, %get3A_1132, %get3A_1133, %get3A_1134] : memref<16x1x1x370xbf16, #tpu.memory_space<vmem>>, vector<1x1x1x370xbf16>
    %get3A_1136 = vector.shape_cast %get3A_1135 : vector<1x1x1x370xbf16> to vector<370xbf16>
    %broadcast_in_dim3A_1137 = vector.shape_cast %get3A_1136 : vector<370xbf16> to vector<1x370xbf16>
    %add3A_1138 = arith.constant 5 : i32
    %add3A_1139 = arith.addi %mul3A_0, %add3A_1138 : i32
    %get3A_1140 = arith.constant 8 : index
    %get3A_1141 = arith.index_cast %add3A_1139 : i32 to index
    %get3A_1142 = memref.load %arg2[%get3A_1140, %get3A_1141] : memref<34x16xi32, #tpu.memory_space<smem>>
    %get3A_1143 = arith.index_cast %get3A_1142 : i32 to index
    %get3A_1144 = arith.constant 0 : index
    %get3A_1145 = arith.constant 0 : index
    %get3A_1146 = arith.constant 0 : index
    %get3A_1147 = vector.load %arg13[%get3A_1143, %get3A_1144, %get3A_1145, %get3A_1146] : memref<16x1x1x370xbf16, #tpu.memory_space<vmem>>, vector<1x1x1x370xbf16>
    %get3A_1148 = vector.shape_cast %get3A_1147 : vector<1x1x1x370xbf16> to vector<370xbf16>
    %broadcast_in_dim3A_1149 = vector.shape_cast %get3A_1148 : vector<370xbf16> to vector<1x370xbf16>
    %add3A_1150 = arith.constant 6 : i32
    %add3A_1151 = arith.addi %mul3A_0, %add3A_1150 : i32
    %get3A_1152 = arith.constant 8 : index
    %get3A_1153 = arith.index_cast %add3A_1151 : i32 to index
    %get3A_1154 = memref.load %arg2[%get3A_1152, %get3A_1153] : memref<34x16xi32, #tpu.memory_space<smem>>
    %get3A_1155 = arith.index_cast %get3A_1154 : i32 to index
    %get3A_1156 = arith.constant 0 : index
    %get3A_1157 = arith.constant 0 : index
    %get3A_1158 = arith.constant 0 : index
    %get3A_1159 = vector.load %arg13[%get3A_1155, %get3A_1156, %get3A_1157, %get3A_1158] : memref<16x1x1x370xbf16, #tpu.memory_space<vmem>>, vector<1x1x1x370xbf16>
    %get3A_1160 = vector.shape_cast %get3A_1159 : vector<1x1x1x370xbf16> to vector<370xbf16>
    %broadcast_in_dim3A_1161 = vector.shape_cast %get3A_1160 : vector<370xbf16> to vector<1x370xbf16>
    %add3A_1162 = arith.constant 7 : i32
    %add3A_1163 = arith.addi %mul3A_0, %add3A_1162 : i32
    %get3A_1164 = arith.constant 8 : index
    %get3A_1165 = arith.index_cast %add3A_1163 : i32 to index
    %get3A_1166 = memref.load %arg2[%get3A_1164, %get3A_1165] : memref<34x16xi32, #tpu.memory_space<smem>>
    %get3A_1167 = arith.index_cast %get3A_1166 : i32 to index
    %get3A_1168 = arith.constant 0 : index
    %get3A_1169 = arith.constant 0 : index
    %get3A_1170 = arith.constant 0 : index
    %get3A_1171 = vector.load %arg13[%get3A_1167, %get3A_1168, %get3A_1169, %get3A_1170] : memref<16x1x1x370xbf16, #tpu.memory_space<vmem>>, vector<1x1x1x370xbf16>
    %get3A_1172 = vector.shape_cast %get3A_1171 : vector<1x1x1x370xbf16> to vector<370xbf16>
    %broadcast_in_dim3A_1173 = vector.shape_cast %get3A_1172 : vector<370xbf16> to vector<1x370xbf16>
    %concatenate3A_1174 = tpu.concatenate %broadcast_in_dim3A_1089, %broadcast_in_dim3A_1101, %broadcast_in_dim3A_1113, %broadcast_in_dim3A_1125, %broadcast_in_dim3A_1137, %broadcast_in_dim3A_1149, %broadcast_in_dim3A_1161, %broadcast_in_dim3A_1173 in 0 : vector<1x370xbf16>, vector<1x370xbf16>, vector<1x370xbf16>, vector<1x370xbf16>, vector<1x370xbf16>, vector<1x370xbf16>, vector<1x370xbf16>, vector<1x370xbf16> -> vector<8x370xbf16>
    %get3A_1175 = arith.constant 0 : index
    %get3A_1176 = arith.constant 0 : index
    %get3A_1177 = vector.load %arg17[%get3A_1175, %get3A_1176] : memref<1344x8xbf16, #tpu.memory_space<vmem>>, vector<80x8xbf16>
    %dot_general3A_1178 = arith.constant dense<0.000000e+00> : vector<80x370xf32>
    %dot_general3A_1179 = tpu.matmul %get3A_1177, %concatenate3A_1174, %dot_general3A_1178 {dimension_numbers = #tpu.dot_dimension_numbers<[1], [0], [0], [1], [0, 0, 1, 1], [], []>, transpose_lhs_hint = false} : vector<80x8xbf16>, vector<8x370xbf16>, vector<80x370xf32> -> vector<80x370xf32>
    %convert_element_type3A_1180 = arith.truncf %dot_general3A_1179 : vector<80x370xf32> to vector<80x370xbf16>
    %get3A_1181 = arith.constant 64 : index
    %get3A_1182 = arith.constant 0 : index
    %get3A_1183 = vector.load %arg16[%get3A_1181, %get3A_1182] : memref<400x402xbf16, #tpu.memory_space<vmem>>, vector<10x370xbf16>
    %broadcast_in_dim3A_1184 = vector.shape_cast %get3A_1183 : vector<10x370xbf16> to vector<10x1x370xbf16>
    %broadcast_in_dim3A_1185 = vector.shape_cast %broadcast_in_dim3A_1184 : vector<10x1x370xbf16> to vector<10x1x370xbf16>
    %broadcast_in_dim3A_1186 = vector.broadcast %broadcast_in_dim3A_1185 : vector<10x1x370xbf16> to vector<10x8x370xbf16>
    %reshape3A_1187 = vector.shape_cast %broadcast_in_dim3A_1186 : vector<10x8x370xbf16> to vector<80x370xbf16>
    %mul3A_1188 = arith.mulf %reshape3A_1187, %convert_element_type3A_1180 : vector<80x370xbf16>
    %get3A_1189 = arith.constant 2760 : index
    %get3A_1190 = arith.constant 0 : index
    %get3A_1191 = vector.load %arg15[%get3A_1189, %get3A_1190] : memref<8312x512xbf16, #tpu.memory_space<vmem>>, vector<370x512xbf16>
    %dot_general3A_1192 = arith.constant dense<0.000000e+00> : vector<80x512xf32>
    %dot_general3A_1193 = tpu.matmul %mul3A_1188, %get3A_1191, %dot_general3A_1192 {dimension_numbers = #tpu.dot_dimension_numbers<[1], [0], [0], [1], [0, 0, 1, 1], [], []>, transpose_lhs_hint = false} : vector<80x370xbf16>, vector<370x512xbf16>, vector<80x512xf32> -> vector<80x512xf32>
    %get3A_1194 = arith.constant 64 : index
    %get3A_1195 = arith.constant 0 : index
    %get3A_1196 = vector.load %arg19[%get3A_1194, %get3A_1195] : memref<400x256xf32, #tpu.memory_space<vmem>>, vector<10x256xf32>
    %broadcast_in_dim3A_1197 = vector.shape_cast %get3A_1196 : vector<10x256xf32> to vector<10x1x256xf32>
    %broadcast_in_dim3A_1198 = vector.shape_cast %broadcast_in_dim3A_1197 : vector<10x1x256xf32> to vector<10x1x256xf32>
    %broadcast_in_dim3A_1199 = vector.broadcast %broadcast_in_dim3A_1198 : vector<10x1x256xf32> to vector<10x8x256xf32>
    %reshape3A_1200 = vector.shape_cast %broadcast_in_dim3A_1199 : vector<10x8x256xf32> to vector<80x256xf32>
    %broadcast_in_dim3A_1201 = vector.shape_cast %get3A_4 : vector<1x256xf32> to vector<1x256xf32>
    %broadcast_in_dim3A_1202 = vector.broadcast %broadcast_in_dim3A_1201 : vector<1x256xf32> to vector<80x256xf32>
    %concatenate3A_1203 = tpu.concatenate %broadcast_in_dim3A_1202, %reshape3A_1200 in 1 : vector<80x256xf32>, vector<80x256xf32> -> vector<80x512xf32>
    %add3A_1204 = arith.addf %dot_general3A_1193, %concatenate3A_1203 : vector<80x512xf32>
    %reshape3A_1205 = vector.shape_cast %add3A_1204 : vector<80x512xf32> to vector<10x8x512xf32>
    %swap3A_1206 = arith.constant 0 : index
    %swap3A_1207 = arith.constant 0 : index
    %swap3A_1208 = arith.constant 0 : index
    %swap3A_1209 = arith.constant 0 : index
    %swap3A_1210 = vector.load %arg28[%swap3A_1206, %swap3A_1207, %swap3A_1208, %swap3A_1209] : memref<1x10x8x512xf32, #tpu.memory_space<vmem>>, vector<1x10x8x512xf32>
    %swap3A_1211 = vector.shape_cast %swap3A_1210 : vector<1x10x8x512xf32> to vector<10x8x512xf32>
    %swap3A_1212 = vector.shape_cast %reshape3A_1205 : vector<10x8x512xf32> to vector<1x10x8x512xf32>
    tpu.vector_store %arg28[%swap3A_1206, %swap3A_1207, %swap3A_1208, %swap3A_1209], %swap3A_1212 {strides = array<i32>} : memref<1x10x8x512xf32, #tpu.memory_space<vmem>>, vector<1x10x8x512xf32>,
    %add3A_1213 = arith.constant 0 : i32
    %add3A_1214 = arith.addi %mul3A_0, %add3A_1213 : i32
    %get3A_1215 = arith.constant 9 : index
    %get3A_1216 = arith.index_cast %add3A_1214 : i32 to index
    %get3A_1217 = memref.load %arg2[%get3A_1215, %get3A_1216] : memref<34x16xi32, #tpu.memory_space<smem>>
    %get3A_1218 = arith.index_cast %get3A_1217 : i32 to index
    %get3A_1219 = arith.constant 0 : index
    %get3A_1220 = arith.constant 0 : index
    %get3A_1221 = arith.constant 0 : index
    %get3A_1222 = vector.load %arg12[%get3A_1218, %get3A_1219, %get3A_1220, %get3A_1221] : memref<16x1x1x363xbf16, #tpu.memory_space<vmem>>, vector<1x1x1x363xbf16>
    %get3A_1223 = vector.shape_cast %get3A_1222 : vector<1x1x1x363xbf16> to vector<363xbf16>
    %broadcast_in_dim3A_1224 = vector.shape_cast %get3A_1223 : vector<363xbf16> to vector<1x363xbf16>
    %add3A_1225 = arith.constant 1 : i32
    %add3A_1226 = arith.addi %mul3A_0, %add3A_1225 : i32
    %get3A_1227 = arith.constant 9 : index
    %get3A_1228 = arith.index_cast %add3A_1226 : i32 to index
    %get3A_1229 = memref.load %arg2[%get3A_1227, %get3A_1228] : memref<34x16xi32, #tpu.memory_space<smem>>
    %get3A_1230 = arith.index_cast %get3A_1229 : i32 to index
    %get3A_1231 = arith.constant 0 : index
    %get3A_1232 = arith.constant 0 : index
    %get3A_1233 = arith.constant 0 : index
    %get3A_1234 = vector.load %arg12[%get3A_1230, %get3A_1231, %get3A_1232, %get3A_1233] : memref<16x1x1x363xbf16, #tpu.memory_space<vmem>>, vector<1x1x1x363xbf16>
    %get3A_1235 = vector.shape_cast %get3A_1234 : vector<1x1x1x363xbf16> to vector<363xbf16>
    %broadcast_in_dim3A_1236 = vector.shape_cast %get3A_1235 : vector<363xbf16> to vector<1x363xbf16>
    %add3A_1237 = arith.constant 2 : i32
    %add3A_1238 = arith.addi %mul3A_0, %add3A_1237 : i32
    %get3A_1239 = arith.constant 9 : index
    %get3A_1240 = arith.index_cast %add3A_1238 : i32 to index
    %get3A_1241 = memref.load %arg2[%get3A_1239, %get3A_1240] : memref<34x16xi32, #tpu.memory_space<smem>>
    %get3A_1242 = arith.index_cast %get3A_1241 : i32 to index
    %get3A_1243 = arith.constant 0 : index
    %get3A_1244 = arith.constant 0 : index
    %get3A_1245 = arith.constant 0 : index
    %get3A_1246 = vector.load %arg12[%get3A_1242, %get3A_1243, %get3A_1244, %get3A_1245] : memref<16x1x1x363xbf16, #tpu.memory_space<vmem>>, vector<1x1x1x363xbf16>
    %get3A_1247 = vector.shape_cast %get3A_1246 : vector<1x1x1x363xbf16> to vector<363xbf16>
    %broadcast_in_dim3A_1248 = vector.shape_cast %get3A_1247 : vector<363xbf16> to vector<1x363xbf16>
    %add3A_1249 = arith.constant 3 : i32
    %add3A_1250 = arith.addi %mul3A_0, %add3A_1249 : i32
    %get3A_1251 = arith.constant 9 : index
    %get3A_1252 = arith.index_cast %add3A_1250 : i32 to index
    %get3A_1253 = memref.load %arg2[%get3A_1251, %get3A_1252] : memref<34x16xi32, #tpu.memory_space<smem>>
    %get3A_1254 = arith.index_cast %get3A_1253 : i32 to index
    %get3A_1255 = arith.constant 0 : index
    %get3A_1256 = arith.constant 0 : index
    %get3A_1257 = arith.constant 0 : index
    %get3A_1258 = vector.load %arg12[%get3A_1254, %get3A_1255, %get3A_1256, %get3A_1257] : memref<16x1x1x363xbf16, #tpu.memory_space<vmem>>, vector<1x1x1x363xbf16>
    %get3A_1259 = vector.shape_cast %get3A_1258 : vector<1x1x1x363xbf16> to vector<363xbf16>
    %broadcast_in_dim3A_1260 = vector.shape_cast %get3A_1259 : vector<363xbf16> to vector<1x363xbf16>
    %add3A_1261 = arith.constant 4 : i32
    %add3A_1262 = arith.addi %mul3A_0, %add3A_1261 : i32
    %get3A_1263 = arith.constant 9 : index
    %get3A_1264 = arith.index_cast %add3A_1262 : i32 to index
    %get3A_1265 = memref.load %arg2[%get3A_1263, %get3A_1264] : memref<34x16xi32, #tpu.memory_space<smem>>
    %get3A_1266 = arith.index_cast %get3A_1265 : i32 to index
    %get3A_1267 = arith.constant 0 : index
    %get3A_1268 = arith.constant 0 : index
    %get3A_1269 = arith.constant 0 : index
    %get3A_1270 = vector.load %arg12[%get3A_1266, %get3A_1267, %get3A_1268, %get3A_1269] : memref<16x1x1x363xbf16, #tpu.memory_space<vmem>>, vector<1x1x1x363xbf16>
    %get3A_1271 = vector.shape_cast %get3A_1270 : vector<1x1x1x363xbf16> to vector<363xbf16>
    %broadcast_in_dim3A_1272 = vector.shape_cast %get3A_1271 : vector<363xbf16> to vector<1x363xbf16>
    %add3A_1273 = arith.constant 5 : i32
    %add3A_1274 = arith.addi %mul3A_0, %add3A_1273 : i32
    %get3A_1275 = arith.constant 9 : index
    %get3A_1276 = arith.index_cast %add3A_1274 : i32 to index
    %get3A_1277 = memref.load %arg2[%get3A_1275, %get3A_1276] : memref<34x16xi32, #tpu.memory_space<smem>>
    %get3A_1278 = arith.index_cast %get3A_1277 : i32 to index
    %get3A_1279 = arith.constant 0 : index
    %get3A_1280 = arith.constant 0 : index
    %get3A_1281 = arith.constant 0 : index
    %get3A_1282 = vector.load %arg12[%get3A_1278, %get3A_1279, %get3A_1280, %get3A_1281] : memref<16x1x1x363xbf16, #tpu.memory_space<vmem>>, vector<1x1x1x363xbf16>
    %get3A_1283 = vector.shape_cast %get3A_1282 : vector<1x1x1x363xbf16> to vector<363xbf16>
    %broadcast_in_dim3A_1284 = vector.shape_cast %get3A_1283 : vector<363xbf16> to vector<1x363xbf16>
    %add3A_1285 = arith.constant 6 : i32
    %add3A_1286 = arith.addi %mul3A_0, %add3A_1285 : i32
    %get3A_1287 = arith.constant 9 : index
    %get3A_1288 = arith.index_cast %add3A_1286 : i32 to index
    %get3A_1289 = memref.load %arg2[%get3A_1287, %get3A_1288] : memref<34x16xi32, #tpu.memory_space<smem>>
    %get3A_1290 = arith.index_cast %get3A_1289 : i32 to index
    %get3A_1291 = arith.constant 0 : index
    %get3A_1292 = arith.constant 0 : index
    %get3A_1293 = arith.constant 0 : index
    %get3A_1294 = vector.load %arg12[%get3A_1290, %get3A_1291, %get3A_1292, %get3A_1293] : memref<16x1x1x363xbf16, #tpu.memory_space<vmem>>, vector<1x1x1x363xbf16>
    %get3A_1295 = vector.shape_cast %get3A_1294 : vector<1x1x1x363xbf16> to vector<363xbf16>
    %broadcast_in_dim3A_1296 = vector.shape_cast %get3A_1295 : vector<363xbf16> to vector<1x363xbf16>
    %add3A_1297 = arith.constant 7 : i32
    %add3A_1298 = arith.addi %mul3A_0, %add3A_1297 : i32
    %get3A_1299 = arith.constant 9 : index
    %get3A_1300 = arith.index_cast %add3A_1298 : i32 to index
    %get3A_1301 = memref.load %arg2[%get3A_1299, %get3A_1300] : memref<34x16xi32, #tpu.memory_space<smem>>
    %get3A_1302 = arith.index_cast %get3A_1301 : i32 to index
    %get3A_1303 = arith.constant 0 : index
    %get3A_1304 = arith.constant 0 : index
    %get3A_1305 = arith.constant 0 : index
    %get3A_1306 = vector.load %arg12[%get3A_1302, %get3A_1303, %get3A_1304, %get3A_1305] : memref<16x1x1x363xbf16, #tpu.memory_space<vmem>>, vector<1x1x1x363xbf16>
    %get3A_1307 = vector.shape_cast %get3A_1306 : vector<1x1x1x363xbf16> to vector<363xbf16>
    %broadcast_in_dim3A_1308 = vector.shape_cast %get3A_1307 : vector<363xbf16> to vector<1x363xbf16>
    %concatenate3A_1309 = tpu.concatenate %broadcast_in_dim3A_1224, %broadcast_in_dim3A_1236, %broadcast_in_dim3A_1248, %broadcast_in_dim3A_1260, %broadcast_in_dim3A_1272, %broadcast_in_dim3A_1284, %broadcast_in_dim3A_1296, %broadcast_in_dim3A_1308 in 0 : vector<1x363xbf16>, vector<1x363xbf16>, vector<1x363xbf16>, vector<1x363xbf16>, vector<1x363xbf16>, vector<1x363xbf16>, vector<1x363xbf16>, vector<1x363xbf16> -> vector<8x363xbf16>
    %get3A_1310 = arith.constant 0 : index
    %get3A_1311 = arith.constant 0 : index
    %get3A_1312 = vector.load %arg17[%get3A_1310, %get3A_1311] : memref<1344x8xbf16, #tpu.memory_space<vmem>>, vector<88x8xbf16>
    %dot_general3A_1313 = arith.constant dense<0.000000e+00> : vector<88x363xf32>
    %dot_general3A_1314 = tpu.matmul %get3A_1312, %concatenate3A_1309, %dot_general3A_1313 {dimension_numbers = #tpu.dot_dimension_numbers<[1], [0], [0], [1], [0, 0, 1, 1], [], []>, transpose_lhs_hint = false} : vector<88x8xbf16>, vector<8x363xbf16>, vector<88x363xf32> -> vector<88x363xf32>
    %convert_element_type3A_1315 = arith.truncf %dot_general3A_1314 : vector<88x363xf32> to vector<88x363xbf16>
    %get3A_1316 = arith.constant 80 : index
    %get3A_1317 = arith.constant 0 : index
    %get3A_1318 = vector.load %arg16[%get3A_1316, %get3A_1317] : memref<400x402xbf16, #tpu.memory_space<vmem>>, vector<11x363xbf16>
    %broadcast_in_dim3A_1319 = vector.shape_cast %get3A_1318 : vector<11x363xbf16> to vector<11x1x363xbf16>
    %broadcast_in_dim3A_1320 = vector.shape_cast %broadcast_in_dim3A_1319 : vector<11x1x363xbf16> to vector<11x1x363xbf16>
    %broadcast_in_dim3A_1321 = vector.broadcast %broadcast_in_dim3A_1320 : vector<11x1x363xbf16> to vector<11x8x363xbf16>
    %reshape3A_1322 = vector.shape_cast %broadcast_in_dim3A_1321 : vector<11x8x363xbf16> to vector<88x363xbf16>
    %mul3A_1323 = arith.mulf %reshape3A_1322, %convert_element_type3A_1315 : vector<88x363xbf16>
    %get3A_1324 = arith.constant 3136 : index
    %get3A_1325 = arith.constant 0 : index
    %get3A_1326 = vector.load %arg15[%get3A_1324, %get3A_1325] : memref<8312x512xbf16, #tpu.memory_space<vmem>>, vector<363x512xbf16>
    %dot_general3A_1327 = arith.constant dense<0.000000e+00> : vector<88x512xf32>
    %dot_general3A_1328 = tpu.matmul %mul3A_1323, %get3A_1326, %dot_general3A_1327 {dimension_numbers = #tpu.dot_dimension_numbers<[1], [0], [0], [1], [0, 0, 1, 1], [], []>, transpose_lhs_hint = false} : vector<88x363xbf16>, vector<363x512xbf16>, vector<88x512xf32> -> vector<88x512xf32>
    %get3A_1329 = arith.constant 80 : index
    %get3A_1330 = arith.constant 0 : index
    %get3A_1331 = vector.load %arg19[%get3A_1329, %get3A_1330] : memref<400x256xf32, #tpu.memory_space<vmem>>, vector<11x256xf32>
    %broadcast_in_dim3A_1332 = vector.shape_cast %get3A_1331 : vector<11x256xf32> to vector<11x1x256xf32>
    %broadcast_in_dim3A_1333 = vector.shape_cast %broadcast_in_dim3A_1332 : vector<11x1x256xf32> to vector<11x1x256xf32>
    %broadcast_in_dim3A_1334 = vector.broadcast %broadcast_in_dim3A_1333 : vector<11x1x256xf32> to vector<11x8x256xf32>
    %reshape3A_1335 = vector.shape_cast %broadcast_in_dim3A_1334 : vector<11x8x256xf32> to vector<88x256xf32>
    %broadcast_in_dim3A_1336 = vector.shape_cast %get3A_4 : vector<1x256xf32> to vector<1x256xf32>
    %broadcast_in_dim3A_1337 = vector.broadcast %broadcast_in_dim3A_1336 : vector<1x256xf32> to vector<88x256xf32>
    %concatenate3A_1338 = tpu.concatenate %broadcast_in_dim3A_1337, %reshape3A_1335 in 1 : vector<88x256xf32>, vector<88x256xf32> -> vector<88x512xf32>
    %add3A_1339 = arith.addf %dot_general3A_1328, %concatenate3A_1338 : vector<88x512xf32>
    %reshape3A_1340 = vector.shape_cast %add3A_1339 : vector<88x512xf32> to vector<11x8x512xf32>
    %swap3A_1341 = arith.constant 0 : index
    %swap3A_1342 = arith.constant 0 : index
    %swap3A_1343 = arith.constant 0 : index
    %swap3A_1344 = arith.constant 0 : index
    %swap3A_1345 = vector.load %arg29[%swap3A_1341, %swap3A_1342, %swap3A_1343, %swap3A_1344] : memref<1x11x8x512xf32, #tpu.memory_space<vmem>>, vector<1x11x8x512xf32>
    %swap3A_1346 = vector.shape_cast %swap3A_1345 : vector<1x11x8x512xf32> to vector<11x8x512xf32>
    %swap3A_1347 = vector.shape_cast %reshape3A_1340 : vector<11x8x512xf32> to vector<1x11x8x512xf32>
    tpu.vector_store %arg29[%swap3A_1341, %swap3A_1342, %swap3A_1343, %swap3A_1344], %swap3A_1347 {strides = array<i32>} : memref<1x11x8x512xf32, #tpu.memory_space<vmem>>, vector<1x11x8x512xf32>,
    %add3A_1348 = arith.constant 0 : i32
    %add3A_1349 = arith.addi %mul3A_0, %add3A_1348 : i32
    %get3A_1350 = arith.constant 10 : index
    %get3A_1351 = arith.index_cast %add3A_1349 : i32 to index
    %get3A_1352 = memref.load %arg2[%get3A_1350, %get3A_1351] : memref<34x16xi32, #tpu.memory_space<smem>>
    %get3A_1353 = arith.index_cast %get3A_1352 : i32 to index
    %get3A_1354 = arith.constant 0 : index
    %get3A_1355 = arith.constant 0 : index
    %get3A_1356 = arith.constant 0 : index
    %get3A_1357 = vector.load %arg11[%get3A_1353, %get3A_1354, %get3A_1355, %get3A_1356] : memref<16x1x1x360xbf16, #tpu.memory_space<vmem>>, vector<1x1x1x360xbf16>
    %get3A_1358 = vector.shape_cast %get3A_1357 : vector<1x1x1x360xbf16> to vector<360xbf16>
    %broadcast_in_dim3A_1359 = vector.shape_cast %get3A_1358 : vector<360xbf16> to vector<1x360xbf16>
    %add3A_1360 = arith.constant 1 : i32
    %add3A_1361 = arith.addi %mul3A_0, %add3A_1360 : i32
    %get3A_1362 = arith.constant 10 : index
    %get3A_1363 = arith.index_cast %add3A_1361 : i32 to index
    %get3A_1364 = memref.load %arg2[%get3A_1362, %get3A_1363] : memref<34x16xi32, #tpu.memory_space<smem>>
    %get3A_1365 = arith.index_cast %get3A_1364 : i32 to index
    %get3A_1366 = arith.constant 0 : index
    %get3A_1367 = arith.constant 0 : index
    %get3A_1368 = arith.constant 0 : index
    %get3A_1369 = vector.load %arg11[%get3A_1365, %get3A_1366, %get3A_1367, %get3A_1368] : memref<16x1x1x360xbf16, #tpu.memory_space<vmem>>, vector<1x1x1x360xbf16>
    %get3A_1370 = vector.shape_cast %get3A_1369 : vector<1x1x1x360xbf16> to vector<360xbf16>
    %broadcast_in_dim3A_1371 = vector.shape_cast %get3A_1370 : vector<360xbf16> to vector<1x360xbf16>
    %add3A_1372 = arith.constant 2 : i32
    %add3A_1373 = arith.addi %mul3A_0, %add3A_1372 : i32
    %get3A_1374 = arith.constant 10 : index
    %get3A_1375 = arith.index_cast %add3A_1373 : i32 to index
    %get3A_1376 = memref.load %arg2[%get3A_1374, %get3A_1375] : memref<34x16xi32, #tpu.memory_space<smem>>
    %get3A_1377 = arith.index_cast %get3A_1376 : i32 to index
    %get3A_1378 = arith.constant 0 : index
    %get3A_1379 = arith.constant 0 : index
    %get3A_1380 = arith.constant 0 : index
    %get3A_1381 = vector.load %arg11[%get3A_1377, %get3A_1378, %get3A_1379, %get3A_1380] : memref<16x1x1x360xbf16, #tpu.memory_space<vmem>>, vector<1x1x1x360xbf16>
    %get3A_1382 = vector.shape_cast %get3A_1381 : vector<1x1x1x360xbf16> to vector<360xbf16>
    %broadcast_in_dim3A_1383 = vector.shape_cast %get3A_1382 : vector<360xbf16> to vector<1x360xbf16>
    %add3A_1384 = arith.constant 3 : i32
    %add3A_1385 = arith.addi %mul3A_0, %add3A_1384 : i32
    %get3A_1386 = arith.constant 10 : index
    %get3A_1387 = arith.index_cast %add3A_1385 : i32 to index
    %get3A_1388 = memref.load %arg2[%get3A_1386, %get3A_1387] : memref<34x16xi32, #tpu.memory_space<smem>>
    %get3A_1389 = arith.index_cast %get3A_1388 : i32 to index
    %get3A_1390 = arith.constant 0 : index
    %get3A_1391 = arith.constant 0 : index
    %get3A_1392 = arith.constant 0 : index
    %get3A_1393 = vector.load %arg11[%get3A_1389, %get3A_1390, %get3A_1391, %get3A_1392] : memref<16x1x1x360xbf16, #tpu.memory_space<vmem>>, vector<1x1x1x360xbf16>
    %get3A_1394 = vector.shape_cast %get3A_1393 : vector<1x1x1x360xbf16> to vector<360xbf16>
    %broadcast_in_dim3A_1395 = vector.shape_cast %get3A_1394 : vector<360xbf16> to vector<1x360xbf16>
    %add3A_1396 = arith.constant 4 : i32
    %add3A_1397 = arith.addi %mul3A_0, %add3A_1396 : i32
    %get3A_1398 = arith.constant 10 : index
    %get3A_1399 = arith.index_cast %add3A_1397 : i32 to index
    %get3A_1400 = memref.load %arg2[%get3A_1398, %get3A_1399] : memref<34x16xi32, #tpu.memory_space<smem>>
    %get3A_1401 = arith.index_cast %get3A_1400 : i32 to index
    %get3A_1402 = arith.constant 0 : index
    %get3A_1403 = arith.constant 0 : index
    %get3A_1404 = arith.constant 0 : index
    %get3A_1405 = vector.load %arg11[%get3A_1401, %get3A_1402, %get3A_1403, %get3A_1404] : memref<16x1x1x360xbf16, #tpu.memory_space<vmem>>, vector<1x1x1x360xbf16>
    %get3A_1406 = vector.shape_cast %get3A_1405 : vector<1x1x1x360xbf16> to vector<360xbf16>
    %broadcast_in_dim3A_1407 = vector.shape_cast %get3A_1406 : vector<360xbf16> to vector<1x360xbf16>
    %add3A_1408 = arith.constant 5 : i32
    %add3A_1409 = arith.addi %mul3A_0, %add3A_1408 : i32
    %get3A_1410 = arith.constant 10 : index
    %get3A_1411 = arith.index_cast %add3A_1409 : i32 to index
    %get3A_1412 = memref.load %arg2[%get3A_1410, %get3A_1411] : memref<34x16xi32, #tpu.memory_space<smem>>
    %get3A_1413 = arith.index_cast %get3A_1412 : i32 to index
    %get3A_1414 = arith.constant 0 : index
    %get3A_1415 = arith.constant 0 : index
    %get3A_1416 = arith.constant 0 : index
    %get3A_1417 = vector.load %arg11[%get3A_1413, %get3A_1414, %get3A_1415, %get3A_1416] : memref<16x1x1x360xbf16, #tpu.memory_space<vmem>>, vector<1x1x1x360xbf16>
    %get3A_1418 = vector.shape_cast %get3A_1417 : vector<1x1x1x360xbf16> to vector<360xbf16>
    %broadcast_in_dim3A_1419 = vector.shape_cast %get3A_1418 : vector<360xbf16> to vector<1x360xbf16>
    %add3A_1420 = arith.constant 6 : i32
    %add3A_1421 = arith.addi %mul3A_0, %add3A_1420 : i32
    %get3A_1422 = arith.constant 10 : index
    %get3A_1423 = arith.index_cast %add3A_1421 : i32 to index
    %get3A_1424 = memref.load %arg2[%get3A_1422, %get3A_1423] : memref<34x16xi32, #tpu.memory_space<smem>>
    %get3A_1425 = arith.index_cast %get3A_1424 : i32 to index
    %get3A_1426 = arith.constant 0 : index
    %get3A_1427 = arith.constant 0 : index
    %get3A_1428 = arith.constant 0 : index
    %get3A_1429 = vector.load %arg11[%get3A_1425, %get3A_1426, %get3A_1427, %get3A_1428] : memref<16x1x1x360xbf16, #tpu.memory_space<vmem>>, vector<1x1x1x360xbf16>
    %get3A_1430 = vector.shape_cast %get3A_1429 : vector<1x1x1x360xbf16> to vector<360xbf16>
    %broadcast_in_dim3A_1431 = vector.shape_cast %get3A_1430 : vector<360xbf16> to vector<1x360xbf16>
    %add3A_1432 = arith.constant 7 : i32
    %add3A_1433 = arith.addi %mul3A_0, %add3A_1432 : i32
    %get3A_1434 = arith.constant 10 : index
    %get3A_1435 = arith.index_cast %add3A_1433 : i32 to index
    %get3A_1436 = memref.load %arg2[%get3A_1434, %get3A_1435] : memref<34x16xi32, #tpu.memory_space<smem>>
    %get3A_1437 = arith.index_cast %get3A_1436 : i32 to index
    %get3A_1438 = arith.constant 0 : index
    %get3A_1439 = arith.constant 0 : index
    %get3A_1440 = arith.constant 0 : index
    %get3A_1441 = vector.load %arg11[%get3A_1437, %get3A_1438, %get3A_1439, %get3A_1440] : memref<16x1x1x360xbf16, #tpu.memory_space<vmem>>, vector<1x1x1x360xbf16>
    %get3A_1442 = vector.shape_cast %get3A_1441 : vector<1x1x1x360xbf16> to vector<360xbf16>
    %broadcast_in_dim3A_1443 = vector.shape_cast %get3A_1442 : vector<360xbf16> to vector<1x360xbf16>
    %concatenate3A_1444 = tpu.concatenate %broadcast_in_dim3A_1359, %broadcast_in_dim3A_1371, %broadcast_in_dim3A_1383, %broadcast_in_dim3A_1395, %broadcast_in_dim3A_1407, %broadcast_in_dim3A_1419, %broadcast_in_dim3A_1431, %broadcast_in_dim3A_1443 in 0 : vector<1x360xbf16>, vector<1x360xbf16>, vector<1x360xbf16>, vector<1x360xbf16>, vector<1x360xbf16>, vector<1x360xbf16>, vector<1x360xbf16>, vector<1x360xbf16> -> vector<8x360xbf16>
    %get3A_1445 = arith.constant 0 : index
    %get3A_1446 = arith.constant 0 : index
    %get3A_1447 = vector.load %arg17[%get3A_1445, %get3A_1446] : memref<1344x8xbf16, #tpu.memory_space<vmem>>, vector<96x8xbf16>
    %dot_general3A_1448 = arith.constant dense<0.000000e+00> : vector<96x360xf32>
    %dot_general3A_1449 = tpu.matmul %get3A_1447, %concatenate3A_1444, %dot_general3A_1448 {dimension_numbers = #tpu.dot_dimension_numbers<[1], [0], [0], [1], [0, 0, 1, 1], [], []>, transpose_lhs_hint = false} : vector<96x8xbf16>, vector<8x360xbf16>, vector<96x360xf32> -> vector<96x360xf32>
    %convert_element_type3A_1450 = arith.truncf %dot_general3A_1449 : vector<96x360xf32> to vector<96x360xbf16>
    %get3A_1451 = arith.constant 96 : index
    %get3A_1452 = arith.constant 0 : index
    %get3A_1453 = vector.load %arg16[%get3A_1451, %get3A_1452] : memref<400x402xbf16, #tpu.memory_space<vmem>>, vector<12x360xbf16>
    %broadcast_in_dim3A_1454 = vector.shape_cast %get3A_1453 : vector<12x360xbf16> to vector<12x1x360xbf16>
    %broadcast_in_dim3A_1455 = vector.shape_cast %broadcast_in_dim3A_1454 : vector<12x1x360xbf16> to vector<12x1x360xbf16>
    %broadcast_in_dim3A_1456 = vector.broadcast %broadcast_in_dim3A_1455 : vector<12x1x360xbf16> to vector<12x8x360xbf16>
    %reshape3A_1457 = vector.shape_cast %broadcast_in_dim3A_1456 : vector<12x8x360xbf16> to vector<96x360xbf16>
    %mul3A_1458 = arith.mulf %reshape3A_1457, %convert_element_type3A_1450 : vector<96x360xbf16>
    %get3A_1459 = arith.constant 3504 : index
    %get3A_1460 = arith.constant 0 : index
    %get3A_1461 = vector.load %arg15[%get3A_1459, %get3A_1460] : memref<8312x512xbf16, #tpu.memory_space<vmem>>, vector<360x512xbf16>
    %dot_general3A_1462 = arith.constant dense<0.000000e+00> : vector<96x512xf32>
    %dot_general3A_1463 = tpu.matmul %mul3A_1458, %get3A_1461, %dot_general3A_1462 {dimension_numbers = #tpu.dot_dimension_numbers<[1], [0], [0], [1], [0, 0, 1, 1], [], []>, transpose_lhs_hint = false} : vector<96x360xbf16>, vector<360x512xbf16>, vector<96x512xf32> -> vector<96x512xf32>
    %get3A_1464 = arith.constant 96 : index
    %get3A_1465 = arith.constant 0 : index
    %get3A_1466 = vector.load %arg19[%get3A_1464, %get3A_1465] : memref<400x256xf32, #tpu.memory_space<vmem>>, vector<12x256xf32>
    %broadcast_in_dim3A_1467 = vector.shape_cast %get3A_1466 : vector<12x256xf32> to vector<12x1x256xf32>
    %broadcast_in_dim3A_1468 = vector.shape_cast %broadcast_in_dim3A_1467 : vector<12x1x256xf32> to vector<12x1x256xf32>
    %broadcast_in_dim3A_1469 = vector.broadcast %broadcast_in_dim3A_1468 : vector<12x1x256xf32> to vector<12x8x256xf32>
    %reshape3A_1470 = vector.shape_cast %broadcast_in_dim3A_1469 : vector<12x8x256xf32> to vector<96x256xf32>
    %broadcast_in_dim3A_1471 = vector.shape_cast %get3A_4 : vector<1x256xf32> to vector<1x256xf32>
    %broadcast_in_dim3A_1472 = vector.broadcast %broadcast_in_dim3A_1471 : vector<1x256xf32> to vector<96x256xf32>
    %concatenate3A_1473 = tpu.concatenate %broadcast_in_dim3A_1472, %reshape3A_1470 in 1 : vector<96x256xf32>, vector<96x256xf32> -> vector<96x512xf32>
    %add3A_1474 = arith.addf %dot_general3A_1463, %concatenate3A_1473 : vector<96x512xf32>
    %reshape3A_1475 = vector.shape_cast %add3A_1474 : vector<96x512xf32> to vector<12x8x512xf32>
    %swap3A_1476 = arith.constant 0 : index
    %swap3A_1477 = arith.constant 0 : index
    %swap3A_1478 = arith.constant 0 : index
    %swap3A_1479 = arith.constant 0 : index
    %swap3A_1480 = vector.load %arg30[%swap3A_1476, %swap3A_1477, %swap3A_1478, %swap3A_1479] : memref<1x12x8x512xf32, #tpu.memory_space<vmem>>, vector<1x12x8x512xf32>
    %swap3A_1481 = vector.shape_cast %swap3A_1480 : vector<1x12x8x512xf32> to vector<12x8x512xf32>
    %swap3A_1482 = vector.shape_cast %reshape3A_1475 : vector<12x8x512xf32> to vector<1x12x8x512xf32>
    tpu.vector_store %arg30[%swap3A_1476, %swap3A_1477, %swap3A_1478, %swap3A_1479], %swap3A_1482 {strides = array<i32>} : memref<1x12x8x512xf32, #tpu.memory_space<vmem>>, vector<1x12x8x512xf32>,
    %add3A_1483 = arith.constant 0 : i32
    %add3A_1484 = arith.addi %mul3A_0, %add3A_1483 : i32
    %get3A_1485 = arith.constant 11 : index
    %get3A_1486 = arith.index_cast %add3A_1484 : i32 to index
    %get3A_1487 = memref.load %arg2[%get3A_1485, %get3A_1486] : memref<34x16xi32, #tpu.memory_space<smem>>
    %get3A_1488 = arith.index_cast %get3A_1487 : i32 to index
    %get3A_1489 = arith.constant 0 : index
    %get3A_1490 = arith.constant 0 : index
    %get3A_1491 = arith.constant 0 : index
    %get3A_1492 = vector.load %arg3[%get3A_1488, %get3A_1489, %get3A_1490, %get3A_1491] : memref<16x1x1x336xbf16, #tpu.memory_space<vmem>>, vector<1x1x1x336xbf16>
    %get3A_1493 = vector.shape_cast %get3A_1492 : vector<1x1x1x336xbf16> to vector<336xbf16>
    %broadcast_in_dim3A_1494 = vector.shape_cast %get3A_1493 : vector<336xbf16> to vector<1x336xbf16>
    %add3A_1495 = arith.constant 1 : i32
    %add3A_1496 = arith.addi %mul3A_0, %add3A_1495 : i32
    %get3A_1497 = arith.constant 11 : index
    %get3A_1498 = arith.index_cast %add3A_1496 : i32 to index
    %get3A_1499 = memref.load %arg2[%get3A_1497, %get3A_1498] : memref<34x16xi32, #tpu.memory_space<smem>>
    %get3A_1500 = arith.index_cast %get3A_1499 : i32 to index
    %get3A_1501 = arith.constant 0 : index
    %get3A_1502 = arith.constant 0 : index
    %get3A_1503 = arith.constant 0 : index
    %get3A_1504 = vector.load %arg3[%get3A_1500, %get3A_1501, %get3A_1502, %get3A_1503] : memref<16x1x1x336xbf16, #tpu.memory_space<vmem>>, vector<1x1x1x336xbf16>
    %get3A_1505 = vector.shape_cast %get3A_1504 : vector<1x1x1x336xbf16> to vector<336xbf16>
    %broadcast_in_dim3A_1506 = vector.shape_cast %get3A_1505 : vector<336xbf16> to vector<1x336xbf16>
    %add3A_1507 = arith.constant 2 : i32
    %add3A_1508 = arith.addi %mul3A_0, %add3A_1507 : i32
    %get3A_1509 = arith.constant 11 : index
    %get3A_1510 = arith.index_cast %add3A_1508 : i32 to index
    %get3A_1511 = memref.load %arg2[%get3A_1509, %get3A_1510] : memref<34x16xi32, #tpu.memory_space<smem>>
    %get3A_1512 = arith.index_cast %get3A_1511 : i32 to index
    %get3A_1513 = arith.constant 0 : index
    %get3A_1514 = arith.constant 0 : index
    %get3A_1515 = arith.constant 0 : index
    %get3A_1516 = vector.load %arg3[%get3A_1512, %get3A_1513, %get3A_1514, %get3A_1515] : memref<16x1x1x336xbf16, #tpu.memory_space<vmem>>, vector<1x1x1x336xbf16>
    %get3A_1517 = vector.shape_cast %get3A_1516 : vector<1x1x1x336xbf16> to vector<336xbf16>
    %broadcast_in_dim3A_1518 = vector.shape_cast %get3A_1517 : vector<336xbf16> to vector<1x336xbf16>
    %add3A_1519 = arith.constant 3 : i32
    %add3A_1520 = arith.addi %mul3A_0, %add3A_1519 : i32
    %get3A_1521 = arith.constant 11 : index
    %get3A_1522 = arith.index_cast %add3A_1520 : i32 to index
    %get3A_1523 = memref.load %arg2[%get3A_1521, %get3A_1522] : memref<34x16xi32, #tpu.memory_space<smem>>
    %get3A_1524 = arith.index_cast %get3A_1523 : i32 to index
    %get3A_1525 = arith.constant 0 : index
    %get3A_1526 = arith.constant 0 : index
    %get3A_1527 = arith.constant 0 : index
    %get3A_1528 = vector.load %arg3[%get3A_1524, %get3A_1525, %get3A_1526, %get3A_1527] : memref<16x1x1x336xbf16, #tpu.memory_space<vmem>>, vector<1x1x1x336xbf16>
    %get3A_1529 = vector.shape_cast %get3A_1528 : vector<1x1x1x336xbf16> to vector<336xbf16>
    %broadcast_in_dim3A_1530 = vector.shape_cast %get3A_1529 : vector<336xbf16> to vector<1x336xbf16>
    %add3A_1531 = arith.constant 4 : i32
    %add3A_1532 = arith.addi %mul3A_0, %add3A_1531 : i32
    %get3A_1533 = arith.constant 11 : index
    %get3A_1534 = arith.index_cast %add3A_1532 : i32 to index
    %get3A_1535 = memref.load %arg2[%get3A_1533, %get3A_1534] : memref<34x16xi32, #tpu.memory_space<smem>>
    %get3A_1536 = arith.index_cast %get3A_1535 : i32 to index
    %get3A_1537 = arith.constant 0 : index
    %get3A_1538 = arith.constant 0 : index
    %get3A_1539 = arith.constant 0 : index
    %get3A_1540 = vector.load %arg3[%get3A_1536, %get3A_1537, %get3A_1538, %get3A_1539] : memref<16x1x1x336xbf16, #tpu.memory_space<vmem>>, vector<1x1x1x336xbf16>
    %get3A_1541 = vector.shape_cast %get3A_1540 : vector<1x1x1x336xbf16> to vector<336xbf16>
    %broadcast_in_dim3A_1542 = vector.shape_cast %get3A_1541 : vector<336xbf16> to vector<1x336xbf16>
    %add3A_1543 = arith.constant 5 : i32
    %add3A_1544 = arith.addi %mul3A_0, %add3A_1543 : i32
    %get3A_1545 = arith.constant 11 : index
    %get3A_1546 = arith.index_cast %add3A_1544 : i32 to index
    %get3A_1547 = memref.load %arg2[%get3A_1545, %get3A_1546] : memref<34x16xi32, #tpu.memory_space<smem>>
    %get3A_1548 = arith.index_cast %get3A_1547 : i32 to index
    %get3A_1549 = arith.constant 0 : index
    %get3A_1550 = arith.constant 0 : index
    %get3A_1551 = arith.constant 0 : index
    %get3A_1552 = vector.load %arg3[%get3A_1548, %get3A_1549, %get3A_1550, %get3A_1551] : memref<16x1x1x336xbf16, #tpu.memory_space<vmem>>, vector<1x1x1x336xbf16>
    %get3A_1553 = vector.shape_cast %get3A_1552 : vector<1x1x1x336xbf16> to vector<336xbf16>
    %broadcast_in_dim3A_1554 = vector.shape_cast %get3A_1553 : vector<336xbf16> to vector<1x336xbf16>
    %add3A_1555 = arith.constant 6 : i32
    %add3A_1556 = arith.addi %mul3A_0, %add3A_1555 : i32
    %get3A_1557 = arith.constant 11 : index
    %get3A_1558 = arith.index_cast %add3A_1556 : i32 to index
    %get3A_1559 = memref.load %arg2[%get3A_1557, %get3A_1558] : memref<34x16xi32, #tpu.memory_space<smem>>
    %get3A_1560 = arith.index_cast %get3A_1559 : i32 to index
    %get3A_1561 = arith.constant 0 : index
    %get3A_1562 = arith.constant 0 : index
    %get3A_1563 = arith.constant 0 : index
    %get3A_1564 = vector.load %arg3[%get3A_1560, %get3A_1561, %get3A_1562, %get3A_1563] : memref<16x1x1x336xbf16, #tpu.memory_space<vmem>>, vector<1x1x1x336xbf16>
    %get3A_1565 = vector.shape_cast %get3A_1564 : vector<1x1x1x336xbf16> to vector<336xbf16>
    %broadcast_in_dim3A_1566 = vector.shape_cast %get3A_1565 : vector<336xbf16> to vector<1x336xbf16>
    %add3A_1567 = arith.constant 7 : i32
    %add3A_1568 = arith.addi %mul3A_0, %add3A_1567 : i32
    %get3A_1569 = arith.constant 11 : index
    %get3A_1570 = arith.index_cast %add3A_1568 : i32 to index
    %get3A_1571 = memref.load %arg2[%get3A_1569, %get3A_1570] : memref<34x16xi32, #tpu.memory_space<smem>>
    %get3A_1572 = arith.index_cast %get3A_1571 : i32 to index
    %get3A_1573 = arith.constant 0 : index
    %get3A_1574 = arith.constant 0 : index
    %get3A_1575 = arith.constant 0 : index
    %get3A_1576 = vector.load %arg3[%get3A_1572, %get3A_1573, %get3A_1574, %get3A_1575] : memref<16x1x1x336xbf16, #tpu.memory_space<vmem>>, vector<1x1x1x336xbf16>
    %get3A_1577 = vector.shape_cast %get3A_1576 : vector<1x1x1x336xbf16> to vector<336xbf16>
    %broadcast_in_dim3A_1578 = vector.shape_cast %get3A_1577 : vector<336xbf16> to vector<1x336xbf16>
    %concatenate3A_1579 = tpu.concatenate %broadcast_in_dim3A_1494, %broadcast_in_dim3A_1506, %broadcast_in_dim3A_1518, %broadcast_in_dim3A_1530, %broadcast_in_dim3A_1542, %broadcast_in_dim3A_1554, %broadcast_in_dim3A_1566, %broadcast_in_dim3A_1578 in 0 : vector<1x336xbf16>, vector<1x336xbf16>, vector<1x336xbf16>, vector<1x336xbf16>, vector<1x336xbf16>, vector<1x336xbf16>, vector<1x336xbf16>, vector<1x336xbf16> -> vector<8x336xbf16>
    %get3A_1580 = arith.constant 0 : index
    %get3A_1581 = arith.constant 0 : index
    %get3A_1582 = vector.load %arg17[%get3A_1580, %get3A_1581] : memref<1344x8xbf16, #tpu.memory_space<vmem>>, vector<96x8xbf16>
    %dot_general3A_1583 = arith.constant dense<0.000000e+00> : vector<96x336xf32>
    %dot_general3A_1584 = tpu.matmul %get3A_1582, %concatenate3A_1579, %dot_general3A_1583 {dimension_numbers = #tpu.dot_dimension_numbers<[1], [0], [0], [1], [0, 0, 1, 1], [], []>, transpose_lhs_hint = false} : vector<96x8xbf16>, vector<8x336xbf16>, vector<96x336xf32> -> vector<96x336xf32>
    %convert_element_type3A_1585 = arith.truncf %dot_general3A_1584 : vector<96x336xf32> to vector<96x336xbf16>
    %get3A_1586 = arith.constant 112 : index
    %get3A_1587 = arith.constant 0 : index
    %get3A_1588 = vector.load %arg16[%get3A_1586, %get3A_1587] : memref<400x402xbf16, #tpu.memory_space<vmem>>, vector<12x336xbf16>
    %broadcast_in_dim3A_1589 = vector.shape_cast %get3A_1588 : vector<12x336xbf16> to vector<12x1x336xbf16>
    %broadcast_in_dim3A_1590 = vector.shape_cast %broadcast_in_dim3A_1589 : vector<12x1x336xbf16> to vector<12x1x336xbf16>
    %broadcast_in_dim3A_1591 = vector.broadcast %broadcast_in_dim3A_1590 : vector<12x1x336xbf16> to vector<12x8x336xbf16>
    %reshape3A_1592 = vector.shape_cast %broadcast_in_dim3A_1591 : vector<12x8x336xbf16> to vector<96x336xbf16>
    %mul3A_1593 = arith.mulf %reshape3A_1592, %convert_element_type3A_1585 : vector<96x336xbf16>
    %get3A_1594 = arith.constant 3864 : index
    %get3A_1595 = arith.constant 0 : index
    %get3A_1596 = vector.load %arg15[%get3A_1594, %get3A_1595] : memref<8312x512xbf16, #tpu.memory_space<vmem>>, vector<336x512xbf16>
    %dot_general3A_1597 = arith.constant dense<0.000000e+00> : vector<96x512xf32>
    %dot_general3A_1598 = tpu.matmul %mul3A_1593, %get3A_1596, %dot_general3A_1597 {dimension_numbers = #tpu.dot_dimension_numbers<[1], [0], [0], [1], [0, 0, 1, 1], [], []>, transpose_lhs_hint = false} : vector<96x336xbf16>, vector<336x512xbf16>, vector<96x512xf32> -> vector<96x512xf32>
    %get3A_1599 = arith.constant 112 : index
    %get3A_1600 = arith.constant 0 : index
    %get3A_1601 = vector.load %arg19[%get3A_1599, %get3A_1600] : memref<400x256xf32, #tpu.memory_space<vmem>>, vector<12x256xf32>
    %broadcast_in_dim3A_1602 = vector.shape_cast %get3A_1601 : vector<12x256xf32> to vector<12x1x256xf32>
    %broadcast_in_dim3A_1603 = vector.shape_cast %broadcast_in_dim3A_1602 : vector<12x1x256xf32> to vector<12x1x256xf32>
    %broadcast_in_dim3A_1604 = vector.broadcast %broadcast_in_dim3A_1603 : vector<12x1x256xf32> to vector<12x8x256xf32>
    %reshape3A_1605 = vector.shape_cast %broadcast_in_dim3A_1604 : vector<12x8x256xf32> to vector<96x256xf32>
    %broadcast_in_dim3A_1606 = vector.shape_cast %get3A_4 : vector<1x256xf32> to vector<1x256xf32>
    %broadcast_in_dim3A_1607 = vector.broadcast %broadcast_in_dim3A_1606 : vector<1x256xf32> to vector<96x256xf32>
    %concatenate3A_1608 = tpu.concatenate %broadcast_in_dim3A_1607, %reshape3A_1605 in 1 : vector<96x256xf32>, vector<96x256xf32> -> vector<96x512xf32>
    %add3A_1609 = arith.addf %dot_general3A_1598, %concatenate3A_1608 : vector<96x512xf32>
    %reshape3A_1610 = vector.shape_cast %add3A_1609 : vector<96x512xf32> to vector<12x8x512xf32>
    %swap3A_1611 = arith.constant 0 : index
    %swap3A_1612 = arith.constant 0 : index
    %swap3A_1613 = arith.constant 0 : index
    %swap3A_1614 = arith.constant 0 : index
    %swap3A_1615 = vector.load %arg31[%swap3A_1611, %swap3A_1612, %swap3A_1613, %swap3A_1614] : memref<1x12x8x512xf32, #tpu.memory_space<vmem>>, vector<1x12x8x512xf32>
    %swap3A_1616 = vector.shape_cast %swap3A_1615 : vector<1x12x8x512xf32> to vector<12x8x512xf32>
    %swap3A_1617 = vector.shape_cast %reshape3A_1610 : vector<12x8x512xf32> to vector<1x12x8x512xf32>
    tpu.vector_store %arg31[%swap3A_1611, %swap3A_1612, %swap3A_1613, %swap3A_1614], %swap3A_1617 {strides = array<i32>} : memref<1x12x8x512xf32, #tpu.memory_space<vmem>>, vector<1x12x8x512xf32>,
    %add3A_1618 = arith.constant 0 : i32
    %add3A_1619 = arith.addi %mul3A_0, %add3A_1618 : i32
    %get3A_1620 = arith.constant 12 : index
    %get3A_1621 = arith.index_cast %add3A_1619 : i32 to index
    %get3A_1622 = memref.load %arg2[%get3A_1620, %get3A_1621] : memref<34x16xi32, #tpu.memory_space<smem>>
    %get3A_1623 = arith.index_cast %get3A_1622 : i32 to index
    %get3A_1624 = arith.constant 0 : index
    %get3A_1625 = arith.constant 0 : index
    %get3A_1626 = arith.constant 0 : index
    %get3A_1627 = vector.load %arg9[%get3A_1623, %get3A_1624, %get3A_1625, %get3A_1626] : memref<16x1x1x350xbf16, #tpu.memory_space<vmem>>, vector<1x1x1x350xbf16>
    %get3A_1628 = vector.shape_cast %get3A_1627 : vector<1x1x1x350xbf16> to vector<350xbf16>
    %broadcast_in_dim3A_1629 = vector.shape_cast %get3A_1628 : vector<350xbf16> to vector<1x350xbf16>
    %add3A_1630 = arith.constant 1 : i32
    %add3A_1631 = arith.addi %mul3A_0, %add3A_1630 : i32
    %get3A_1632 = arith.constant 12 : index
    %get3A_1633 = arith.index_cast %add3A_1631 : i32 to index
    %get3A_1634 = memref.load %arg2[%get3A_1632, %get3A_1633] : memref<34x16xi32, #tpu.memory_space<smem>>
    %get3A_1635 = arith.index_cast %get3A_1634 : i32 to index
    %get3A_1636 = arith.constant 0 : index
    %get3A_1637 = arith.constant 0 : index
    %get3A_1638 = arith.constant 0 : index
    %get3A_1639 = vector.load %arg9[%get3A_1635, %get3A_1636, %get3A_1637, %get3A_1638] : memref<16x1x1x350xbf16, #tpu.memory_space<vmem>>, vector<1x1x1x350xbf16>
    %get3A_1640 = vector.shape_cast %get3A_1639 : vector<1x1x1x350xbf16> to vector<350xbf16>
    %broadcast_in_dim3A_1641 = vector.shape_cast %get3A_1640 : vector<350xbf16> to vector<1x350xbf16>
    %add3A_1642 = arith.constant 2 : i32
    %add3A_1643 = arith.addi %mul3A_0, %add3A_1642 : i32
    %get3A_1644 = arith.constant 12 : index
    %get3A_1645 = arith.index_cast %add3A_1643 : i32 to index
    %get3A_1646 = memref.load %arg2[%get3A_1644, %get3A_1645] : memref<34x16xi32, #tpu.memory_space<smem>>
    %get3A_1647 = arith.index_cast %get3A_1646 : i32 to index
    %get3A_1648 = arith.constant 0 : index
    %get3A_1649 = arith.constant 0 : index
    %get3A_1650 = arith.constant 0 : index
    %get3A_1651 = vector.load %arg9[%get3A_1647, %get3A_1648, %get3A_1649, %get3A_1650] : memref<16x1x1x350xbf16, #tpu.memory_space<vmem>>, vector<1x1x1x350xbf16>
    %get3A_1652 = vector.shape_cast %get3A_1651 : vector<1x1x1x350xbf16> to vector<350xbf16>
    %broadcast_in_dim3A_1653 = vector.shape_cast %get3A_1652 : vector<350xbf16> to vector<1x350xbf16>
    %add3A_1654 = arith.constant 3 : i32
    %add3A_1655 = arith.addi %mul3A_0, %add3A_1654 : i32
    %get3A_1656 = arith.constant 12 : index
    %get3A_1657 = arith.index_cast %add3A_1655 : i32 to index
    %get3A_1658 = memref.load %arg2[%get3A_1656, %get3A_1657] : memref<34x16xi32, #tpu.memory_space<smem>>
    %get3A_1659 = arith.index_cast %get3A_1658 : i32 to index
    %get3A_1660 = arith.constant 0 : index
    %get3A_1661 = arith.constant 0 : index
    %get3A_1662 = arith.constant 0 : index
    %get3A_1663 = vector.load %arg9[%get3A_1659, %get3A_1660, %get3A_1661, %get3A_1662] : memref<16x1x1x350xbf16, #tpu.memory_space<vmem>>, vector<1x1x1x350xbf16>
    %get3A_1664 = vector.shape_cast %get3A_1663 : vector<1x1x1x350xbf16> to vector<350xbf16>
    %broadcast_in_dim3A_1665 = vector.shape_cast %get3A_1664 : vector<350xbf16> to vector<1x350xbf16>
    %add3A_1666 = arith.constant 4 : i32
    %add3A_1667 = arith.addi %mul3A_0, %add3A_1666 : i32
    %get3A_1668 = arith.constant 12 : index
    %get3A_1669 = arith.index_cast %add3A_1667 : i32 to index
    %get3A_1670 = memref.load %arg2[%get3A_1668, %get3A_1669] : memref<34x16xi32, #tpu.memory_space<smem>>
    %get3A_1671 = arith.index_cast %get3A_1670 : i32 to index
    %get3A_1672 = arith.constant 0 : index
    %get3A_1673 = arith.constant 0 : index
    %get3A_1674 = arith.constant 0 : index
    %get3A_1675 = vector.load %arg9[%get3A_1671, %get3A_1672, %get3A_1673, %get3A_1674] : memref<16x1x1x350xbf16, #tpu.memory_space<vmem>>, vector<1x1x1x350xbf16>
    %get3A_1676 = vector.shape_cast %get3A_1675 : vector<1x1x1x350xbf16> to vector<350xbf16>
    %broadcast_in_dim3A_1677 = vector.shape_cast %get3A_1676 : vector<350xbf16> to vector<1x350xbf16>
    %add3A_1678 = arith.constant 5 : i32
    %add3A_1679 = arith.addi %mul3A_0, %add3A_1678 : i32
    %get3A_1680 = arith.constant 12 : index
    %get3A_1681 = arith.index_cast %add3A_1679 : i32 to index
    %get3A_1682 = memref.load %arg2[%get3A_1680, %get3A_1681] : memref<34x16xi32, #tpu.memory_space<smem>>
    %get3A_1683 = arith.index_cast %get3A_1682 : i32 to index
    %get3A_1684 = arith.constant 0 : index
    %get3A_1685 = arith.constant 0 : index
    %get3A_1686 = arith.constant 0 : index
    %get3A_1687 = vector.load %arg9[%get3A_1683, %get3A_1684, %get3A_1685, %get3A_1686] : memref<16x1x1x350xbf16, #tpu.memory_space<vmem>>, vector<1x1x1x350xbf16>
    %get3A_1688 = vector.shape_cast %get3A_1687 : vector<1x1x1x350xbf16> to vector<350xbf16>
    %broadcast_in_dim3A_1689 = vector.shape_cast %get3A_1688 : vector<350xbf16> to vector<1x350xbf16>
    %add3A_1690 = arith.constant 6 : i32
    %add3A_1691 = arith.addi %mul3A_0, %add3A_1690 : i32
    %get3A_1692 = arith.constant 12 : index
    %get3A_1693 = arith.index_cast %add3A_1691 : i32 to index
    %get3A_1694 = memref.load %arg2[%get3A_1692, %get3A_1693] : memref<34x16xi32, #tpu.memory_space<smem>>
    %get3A_1695 = arith.index_cast %get3A_1694 : i32 to index
    %get3A_1696 = arith.constant 0 : index
    %get3A_1697 = arith.constant 0 : index
    %get3A_1698 = arith.constant 0 : index
    %get3A_1699 = vector.load %arg9[%get3A_1695, %get3A_1696, %get3A_1697, %get3A_1698] : memref<16x1x1x350xbf16, #tpu.memory_space<vmem>>, vector<1x1x1x350xbf16>
    %get3A_1700 = vector.shape_cast %get3A_1699 : vector<1x1x1x350xbf16> to vector<350xbf16>
    %broadcast_in_dim3A_1701 = vector.shape_cast %get3A_1700 : vector<350xbf16> to vector<1x350xbf16>
    %add3A_1702 = arith.constant 7 : i32
    %add3A_1703 = arith.addi %mul3A_0, %add3A_1702 : i32
    %get3A_1704 = arith.constant 12 : index
    %get3A_1705 = arith.index_cast %add3A_1703 : i32 to index
    %get3A_1706 = memref.load %arg2[%get3A_1704, %get3A_1705] : memref<34x16xi32, #tpu.memory_space<smem>>
    %get3A_1707 = arith.index_cast %get3A_1706 : i32 to index
    %get3A_1708 = arith.constant 0 : index
    %get3A_1709 = arith.constant 0 : index
    %get3A_1710 = arith.constant 0 : index
    %get3A_1711 = vector.load %arg9[%get3A_1707, %get3A_1708, %get3A_1709, %get3A_1710] : memref<16x1x1x350xbf16, #tpu.memory_space<vmem>>, vector<1x1x1x350xbf16>
    %get3A_1712 = vector.shape_cast %get3A_1711 : vector<1x1x1x350xbf16> to vector<350xbf16>
    %broadcast_in_dim3A_1713 = vector.shape_cast %get3A_1712 : vector<350xbf16> to vector<1x350xbf16>
    %concatenate3A_1714 = tpu.concatenate %broadcast_in_dim3A_1629, %broadcast_in_dim3A_1641, %broadcast_in_dim3A_1653, %broadcast_in_dim3A_1665, %broadcast_in_dim3A_1677, %broadcast_in_dim3A_1689, %broadcast_in_dim3A_1701, %broadcast_in_dim3A_1713 in 0 : vector<1x350xbf16>, vector<1x350xbf16>, vector<1x350xbf16>, vector<1x350xbf16>, vector<1x350xbf16>, vector<1x350xbf16>, vector<1x350xbf16>, vector<1x350xbf16> -> vector<8x350xbf16>
    %get3A_1715 = arith.constant 0 : index
    %get3A_1716 = arith.constant 0 : index
    %get3A_1717 = vector.load %arg17[%get3A_1715, %get3A_1716] : memref<1344x8xbf16, #tpu.memory_space<vmem>>, vector<112x8xbf16>
    %dot_general3A_1718 = arith.constant dense<0.000000e+00> : vector<112x350xf32>
    %dot_general3A_1719 = tpu.matmul %get3A_1717, %concatenate3A_1714, %dot_general3A_1718 {dimension_numbers = #tpu.dot_dimension_numbers<[1], [0], [0], [1], [0, 0, 1, 1], [], []>, transpose_lhs_hint = false} : vector<112x8xbf16>, vector<8x350xbf16>, vector<112x350xf32> -> vector<112x350xf32>
    %convert_element_type3A_1720 = arith.truncf %dot_general3A_1719 : vector<112x350xf32> to vector<112x350xbf16>
    %get3A_1721 = arith.constant 128 : index
    %get3A_1722 = arith.constant 0 : index
    %get3A_1723 = vector.load %arg16[%get3A_1721, %get3A_1722] : memref<400x402xbf16, #tpu.memory_space<vmem>>, vector<14x350xbf16>
    %broadcast_in_dim3A_1724 = vector.shape_cast %get3A_1723 : vector<14x350xbf16> to vector<14x1x350xbf16>
    %broadcast_in_dim3A_1725 = vector.shape_cast %broadcast_in_dim3A_1724 : vector<14x1x350xbf16> to vector<14x1x350xbf16>
    %broadcast_in_dim3A_1726 = vector.broadcast %broadcast_in_dim3A_1725 : vector<14x1x350xbf16> to vector<14x8x350xbf16>
    %reshape3A_1727 = vector.shape_cast %broadcast_in_dim3A_1726 : vector<14x8x350xbf16> to vector<112x350xbf16>
    %mul3A_1728 = arith.mulf %reshape3A_1727, %convert_element_type3A_1720 : vector<112x350xbf16>
    %get3A_1729 = arith.constant 4200 : index
    %get3A_1730 = arith.constant 0 : index
    %get3A_1731 = vector.load %arg15[%get3A_1729, %get3A_1730] : memref<8312x512xbf16, #tpu.memory_space<vmem>>, vector<350x512xbf16>
    %dot_general3A_1732 = arith.constant dense<0.000000e+00> : vector<112x512xf32>
    %dot_general3A_1733 = tpu.matmul %mul3A_1728, %get3A_1731, %dot_general3A_1732 {dimension_numbers = #tpu.dot_dimension_numbers<[1], [0], [0], [1], [0, 0, 1, 1], [], []>, transpose_lhs_hint = false} : vector<112x350xbf16>, vector<350x512xbf16>, vector<112x512xf32> -> vector<112x512xf32>
    %get3A_1734 = arith.constant 128 : index
    %get3A_1735 = arith.constant 0 : index
    %get3A_1736 = vector.load %arg19[%get3A_1734, %get3A_1735] : memref<400x256xf32, #tpu.memory_space<vmem>>, vector<14x256xf32>
    %broadcast_in_dim3A_1737 = vector.shape_cast %get3A_1736 : vector<14x256xf32> to vector<14x1x256xf32>
    %broadcast_in_dim3A_1738 = vector.shape_cast %broadcast_in_dim3A_1737 : vector<14x1x256xf32> to vector<14x1x256xf32>
    %broadcast_in_dim3A_1739 = vector.broadcast %broadcast_in_dim3A_1738 : vector<14x1x256xf32> to vector<14x8x256xf32>
    %reshape3A_1740 = vector.shape_cast %broadcast_in_dim3A_1739 : vector<14x8x256xf32> to vector<112x256xf32>
    %broadcast_in_dim3A_1741 = vector.shape_cast %get3A_4 : vector<1x256xf32> to vector<1x256xf32>
    %broadcast_in_dim3A_1742 = vector.broadcast %broadcast_in_dim3A_1741 : vector<1x256xf32> to vector<112x256xf32>
    %concatenate3A_1743 = tpu.concatenate %broadcast_in_dim3A_1742, %reshape3A_1740 in 1 : vector<112x256xf32>, vector<112x256xf32> -> vector<112x512xf32>
    %add3A_1744 = arith.addf %dot_general3A_1733, %concatenate3A_1743 : vector<112x512xf32>
    %reshape3A_1745 = vector.shape_cast %add3A_1744 : vector<112x512xf32> to vector<14x8x512xf32>
    %swap3A_1746 = arith.constant 0 : index
    %swap3A_1747 = arith.constant 0 : index
    %swap3A_1748 = arith.constant 0 : index
    %swap3A_1749 = arith.constant 0 : index
    %swap3A_1750 = vector.load %arg32[%swap3A_1746, %swap3A_1747, %swap3A_1748, %swap3A_1749] : memref<1x14x8x512xf32, #tpu.memory_space<vmem>>, vector<1x14x8x512xf32>
    %swap3A_1751 = vector.shape_cast %swap3A_1750 : vector<1x14x8x512xf32> to vector<14x8x512xf32>
    %swap3A_1752 = vector.shape_cast %reshape3A_1745 : vector<14x8x512xf32> to vector<1x14x8x512xf32>
    tpu.vector_store %arg32[%swap3A_1746, %swap3A_1747, %swap3A_1748, %swap3A_1749], %swap3A_1752 {strides = array<i32>} : memref<1x14x8x512xf32, #tpu.memory_space<vmem>>, vector<1x14x8x512xf32>,
    %add3A_1753 = arith.constant 0 : i32
    %add3A_1754 = arith.addi %mul3A_0, %add3A_1753 : i32
    %get3A_1755 = arith.constant 13 : index
    %get3A_1756 = arith.index_cast %add3A_1754 : i32 to index
    %get3A_1757 = memref.load %arg2[%get3A_1755, %get3A_1756] : memref<34x16xi32, #tpu.memory_space<smem>>
    %get3A_1758 = arith.index_cast %get3A_1757 : i32 to index
    %get3A_1759 = arith.constant 0 : index
    %get3A_1760 = arith.constant 0 : index
    %get3A_1761 = arith.constant 0 : index
    %get3A_1762 = vector.load %arg3[%get3A_1758, %get3A_1759, %get3A_1760, %get3A_1761] : memref<16x1x1x336xbf16, #tpu.memory_space<vmem>>, vector<1x1x1x336xbf16>
    %get3A_1763 = vector.shape_cast %get3A_1762 : vector<1x1x1x336xbf16> to vector<336xbf16>
    %broadcast_in_dim3A_1764 = vector.shape_cast %get3A_1763 : vector<336xbf16> to vector<1x336xbf16>
    %add3A_1765 = arith.constant 1 : i32
    %add3A_1766 = arith.addi %mul3A_0, %add3A_1765 : i32
    %get3A_1767 = arith.constant 13 : index
    %get3A_1768 = arith.index_cast %add3A_1766 : i32 to index
    %get3A_1769 = memref.load %arg2[%get3A_1767, %get3A_1768] : memref<34x16xi32, #tpu.memory_space<smem>>
    %get3A_1770 = arith.index_cast %get3A_1769 : i32 to index
    %get3A_1771 = arith.constant 0 : index
    %get3A_1772 = arith.constant 0 : index
    %get3A_1773 = arith.constant 0 : index
    %get3A_1774 = vector.load %arg3[%get3A_1770, %get3A_1771, %get3A_1772, %get3A_1773] : memref<16x1x1x336xbf16, #tpu.memory_space<vmem>>, vector<1x1x1x336xbf16>
    %get3A_1775 = vector.shape_cast %get3A_1774 : vector<1x1x1x336xbf16> to vector<336xbf16>
    %broadcast_in_dim3A_1776 = vector.shape_cast %get3A_1775 : vector<336xbf16> to vector<1x336xbf16>
    %add3A_1777 = arith.constant 2 : i32
    %add3A_1778 = arith.addi %mul3A_0, %add3A_1777 : i32
    %get3A_1779 = arith.constant 13 : index
    %get3A_1780 = arith.index_cast %add3A_1778 : i32 to index
    %get3A_1781 = memref.load %arg2[%get3A_1779, %get3A_1780] : memref<34x16xi32, #tpu.memory_space<smem>>
    %get3A_1782 = arith.index_cast %get3A_1781 : i32 to index
    %get3A_1783 = arith.constant 0 : index
    %get3A_1784 = arith.constant 0 : index
    %get3A_1785 = arith.constant 0 : index
    %get3A_1786 = vector.load %arg3[%get3A_1782, %get3A_1783, %get3A_1784, %get3A_1785] : memref<16x1x1x336xbf16, #tpu.memory_space<vmem>>, vector<1x1x1x336xbf16>
    %get3A_1787 = vector.shape_cast %get3A_1786 : vector<1x1x1x336xbf16> to vector<336xbf16>
    %broadcast_in_dim3A_1788 = vector.shape_cast %get3A_1787 : vector<336xbf16> to vector<1x336xbf16>
    %add3A_1789 = arith.constant 3 : i32
    %add3A_1790 = arith.addi %mul3A_0, %add3A_1789 : i32
    %get3A_1791 = arith.constant 13 : index
    %get3A_1792 = arith.index_cast %add3A_1790 : i32 to index
    %get3A_1793 = memref.load %arg2[%get3A_1791, %get3A_1792] : memref<34x16xi32, #tpu.memory_space<smem>>
    %get3A_1794 = arith.index_cast %get3A_1793 : i32 to index
    %get3A_1795 = arith.constant 0 : index
    %get3A_1796 = arith.constant 0 : index
    %get3A_1797 = arith.constant 0 : index
    %get3A_1798 = vector.load %arg3[%get3A_1794, %get3A_1795, %get3A_1796, %get3A_1797] : memref<16x1x1x336xbf16, #tpu.memory_space<vmem>>, vector<1x1x1x336xbf16>
    %get3A_1799 = vector.shape_cast %get3A_1798 : vector<1x1x1x336xbf16> to vector<336xbf16>
    %broadcast_in_dim3A_1800 = vector.shape_cast %get3A_1799 : vector<336xbf16> to vector<1x336xbf16>
    %add3A_1801 = arith.constant 4 : i32
    %add3A_1802 = arith.addi %mul3A_0, %add3A_1801 : i32
    %get3A_1803 = arith.constant 13 : index
    %get3A_1804 = arith.index_cast %add3A_1802 : i32 to index
    %get3A_1805 = memref.load %arg2[%get3A_1803, %get3A_1804] : memref<34x16xi32, #tpu.memory_space<smem>>
    %get3A_1806 = arith.index_cast %get3A_1805 : i32 to index
    %get3A_1807 = arith.constant 0 : index
    %get3A_1808 = arith.constant 0 : index
    %get3A_1809 = arith.constant 0 : index
    %get3A_1810 = vector.load %arg3[%get3A_1806, %get3A_1807, %get3A_1808, %get3A_1809] : memref<16x1x1x336xbf16, #tpu.memory_space<vmem>>, vector<1x1x1x336xbf16>
    %get3A_1811 = vector.shape_cast %get3A_1810 : vector<1x1x1x336xbf16> to vector<336xbf16>
    %broadcast_in_dim3A_1812 = vector.shape_cast %get3A_1811 : vector<336xbf16> to vector<1x336xbf16>
    %add3A_1813 = arith.constant 5 : i32
    %add3A_1814 = arith.addi %mul3A_0, %add3A_1813 : i32
    %get3A_1815 = arith.constant 13 : index
    %get3A_1816 = arith.index_cast %add3A_1814 : i32 to index
    %get3A_1817 = memref.load %arg2[%get3A_1815, %get3A_1816] : memref<34x16xi32, #tpu.memory_space<smem>>
    %get3A_1818 = arith.index_cast %get3A_1817 : i32 to index
    %get3A_1819 = arith.constant 0 : index
    %get3A_1820 = arith.constant 0 : index
    %get3A_1821 = arith.constant 0 : index
    %get3A_1822 = vector.load %arg3[%get3A_1818, %get3A_1819, %get3A_1820, %get3A_1821] : memref<16x1x1x336xbf16, #tpu.memory_space<vmem>>, vector<1x1x1x336xbf16>
    %get3A_1823 = vector.shape_cast %get3A_1822 : vector<1x1x1x336xbf16> to vector<336xbf16>
    %broadcast_in_dim3A_1824 = vector.shape_cast %get3A_1823 : vector<336xbf16> to vector<1x336xbf16>
    %add3A_1825 = arith.constant 6 : i32
    %add3A_1826 = arith.addi %mul3A_0, %add3A_1825 : i32
    %get3A_1827 = arith.constant 13 : index
    %get3A_1828 = arith.index_cast %add3A_1826 : i32 to index
    %get3A_1829 = memref.load %arg2[%get3A_1827, %get3A_1828] : memref<34x16xi32, #tpu.memory_space<smem>>
    %get3A_1830 = arith.index_cast %get3A_1829 : i32 to index
    %get3A_1831 = arith.constant 0 : index
    %get3A_1832 = arith.constant 0 : index
    %get3A_1833 = arith.constant 0 : index
    %get3A_1834 = vector.load %arg3[%get3A_1830, %get3A_1831, %get3A_1832, %get3A_1833] : memref<16x1x1x336xbf16, #tpu.memory_space<vmem>>, vector<1x1x1x336xbf16>
    %get3A_1835 = vector.shape_cast %get3A_1834 : vector<1x1x1x336xbf16> to vector<336xbf16>
    %broadcast_in_dim3A_1836 = vector.shape_cast %get3A_1835 : vector<336xbf16> to vector<1x336xbf16>
    %add3A_1837 = arith.constant 7 : i32
    %add3A_1838 = arith.addi %mul3A_0, %add3A_1837 : i32
    %get3A_1839 = arith.constant 13 : index
    %get3A_1840 = arith.index_cast %add3A_1838 : i32 to index
    %get3A_1841 = memref.load %arg2[%get3A_1839, %get3A_1840] : memref<34x16xi32, #tpu.memory_space<smem>>
    %get3A_1842 = arith.index_cast %get3A_1841 : i32 to index
    %get3A_1843 = arith.constant 0 : index
    %get3A_1844 = arith.constant 0 : index
    %get3A_1845 = arith.constant 0 : index
    %get3A_1846 = vector.load %arg3[%get3A_1842, %get3A_1843, %get3A_1844, %get3A_1845] : memref<16x1x1x336xbf16, #tpu.memory_space<vmem>>, vector<1x1x1x336xbf16>
    %get3A_1847 = vector.shape_cast %get3A_1846 : vector<1x1x1x336xbf16> to vector<336xbf16>
    %broadcast_in_dim3A_1848 = vector.shape_cast %get3A_1847 : vector<336xbf16> to vector<1x336xbf16>
    %concatenate3A_1849 = tpu.concatenate %broadcast_in_dim3A_1764, %broadcast_in_dim3A_1776, %broadcast_in_dim3A_1788, %broadcast_in_dim3A_1800, %broadcast_in_dim3A_1812, %broadcast_in_dim3A_1824, %broadcast_in_dim3A_1836, %broadcast_in_dim3A_1848 in 0 : vector<1x336xbf16>, vector<1x336xbf16>, vector<1x336xbf16>, vector<1x336xbf16>, vector<1x336xbf16>, vector<1x336xbf16>, vector<1x336xbf16>, vector<1x336xbf16> -> vector<8x336xbf16>
    %get3A_1850 = arith.constant 0 : index
    %get3A_1851 = arith.constant 0 : index
    %get3A_1852 = vector.load %arg17[%get3A_1850, %get3A_1851] : memref<1344x8xbf16, #tpu.memory_space<vmem>>, vector<112x8xbf16>
    %dot_general3A_1853 = arith.constant dense<0.000000e+00> : vector<112x336xf32>
    %dot_general3A_1854 = tpu.matmul %get3A_1852, %concatenate3A_1849, %dot_general3A_1853 {dimension_numbers = #tpu.dot_dimension_numbers<[1], [0], [0], [1], [0, 0, 1, 1], [], []>, transpose_lhs_hint = false} : vector<112x8xbf16>, vector<8x336xbf16>, vector<112x336xf32> -> vector<112x336xf32>
    %convert_element_type3A_1855 = arith.truncf %dot_general3A_1854 : vector<112x336xf32> to vector<112x336xbf16>
    %get3A_1856 = arith.constant 144 : index
    %get3A_1857 = arith.constant 0 : index
    %get3A_1858 = vector.load %arg16[%get3A_1856, %get3A_1857] : memref<400x402xbf16, #tpu.memory_space<vmem>>, vector<14x336xbf16>
    %broadcast_in_dim3A_1859 = vector.shape_cast %get3A_1858 : vector<14x336xbf16> to vector<14x1x336xbf16>
    %broadcast_in_dim3A_1860 = vector.shape_cast %broadcast_in_dim3A_1859 : vector<14x1x336xbf16> to vector<14x1x336xbf16>
    %broadcast_in_dim3A_1861 = vector.broadcast %broadcast_in_dim3A_1860 : vector<14x1x336xbf16> to vector<14x8x336xbf16>
    %reshape3A_1862 = vector.shape_cast %broadcast_in_dim3A_1861 : vector<14x8x336xbf16> to vector<112x336xbf16>
    %mul3A_1863 = arith.mulf %reshape3A_1862, %convert_element_type3A_1855 : vector<112x336xbf16>
    %get3A_1864 = arith.constant 4552 : index
    %get3A_1865 = arith.constant 0 : index
    %get3A_1866 = vector.load %arg15[%get3A_1864, %get3A_1865] : memref<8312x512xbf16, #tpu.memory_space<vmem>>, vector<336x512xbf16>
    %dot_general3A_1867 = arith.constant dense<0.000000e+00> : vector<112x512xf32>
    %dot_general3A_1868 = tpu.matmul %mul3A_1863, %get3A_1866, %dot_general3A_1867 {dimension_numbers = #tpu.dot_dimension_numbers<[1], [0], [0], [1], [0, 0, 1, 1], [], []>, transpose_lhs_hint = false} : vector<112x336xbf16>, vector<336x512xbf16>, vector<112x512xf32> -> vector<112x512xf32>
    %get3A_1869 = arith.constant 144 : index
    %get3A_1870 = arith.constant 0 : index
    %get3A_1871 = vector.load %arg19[%get3A_1869, %get3A_1870] : memref<400x256xf32, #tpu.memory_space<vmem>>, vector<14x256xf32>
    %broadcast_in_dim3A_1872 = vector.shape_cast %get3A_1871 : vector<14x256xf32> to vector<14x1x256xf32>
    %broadcast_in_dim3A_1873 = vector.shape_cast %broadcast_in_dim3A_1872 : vector<14x1x256xf32> to vector<14x1x256xf32>
    %broadcast_in_dim3A_1874 = vector.broadcast %broadcast_in_dim3A_1873 : vector<14x1x256xf32> to vector<14x8x256xf32>
    %reshape3A_1875 = vector.shape_cast %broadcast_in_dim3A_1874 : vector<14x8x256xf32> to vector<112x256xf32>
    %broadcast_in_dim3A_1876 = vector.shape_cast %get3A_4 : vector<1x256xf32> to vector<1x256xf32>
    %broadcast_in_dim3A_1877 = vector.broadcast %broadcast_in_dim3A_1876 : vector<1x256xf32> to vector<112x256xf32>
    %concatenate3A_1878 = tpu.concatenate %broadcast_in_dim3A_1877, %reshape3A_1875 in 1 : vector<112x256xf32>, vector<112x256xf32> -> vector<112x512xf32>
    %add3A_1879 = arith.addf %dot_general3A_1868, %concatenate3A_1878 : vector<112x512xf32>
    %reshape3A_1880 = vector.shape_cast %add3A_1879 : vector<112x512xf32> to vector<14x8x512xf32>
    %swap3A_1881 = arith.constant 0 : index
    %swap3A_1882 = arith.constant 0 : index
    %swap3A_1883 = arith.constant 0 : index
    %swap3A_1884 = arith.constant 0 : index
    %swap3A_1885 = vector.load %arg33[%swap3A_1881, %swap3A_1882, %swap3A_1883, %swap3A_1884] : memref<1x14x8x512xf32, #tpu.memory_space<vmem>>, vector<1x14x8x512xf32>
    %swap3A_1886 = vector.shape_cast %swap3A_1885 : vector<1x14x8x512xf32> to vector<14x8x512xf32>
    %swap3A_1887 = vector.shape_cast %reshape3A_1880 : vector<14x8x512xf32> to vector<1x14x8x512xf32>
    tpu.vector_store %arg33[%swap3A_1881, %swap3A_1882, %swap3A_1883, %swap3A_1884], %swap3A_1887 {strides = array<i32>} : memref<1x14x8x512xf32, #tpu.memory_space<vmem>>, vector<1x14x8x512xf32>,
    %add3A_1888 = arith.constant 0 : i32
    %add3A_1889 = arith.addi %mul3A_0, %add3A_1888 : i32
    %get3A_1890 = arith.constant 14 : index
    %get3A_1891 = arith.index_cast %add3A_1889 : i32 to index
    %get3A_1892 = memref.load %arg2[%get3A_1890, %get3A_1891] : memref<34x16xi32, #tpu.memory_space<smem>>
    %get3A_1893 = arith.index_cast %get3A_1892 : i32 to index
    %get3A_1894 = arith.constant 0 : index
    %get3A_1895 = arith.constant 0 : index
    %get3A_1896 = arith.constant 0 : index
    %get3A_1897 = vector.load %arg10[%get3A_1893, %get3A_1894, %get3A_1895, %get3A_1896] : memref<16x1x1x352xbf16, #tpu.memory_space<vmem>>, vector<1x1x1x352xbf16>
    %get3A_1898 = vector.shape_cast %get3A_1897 : vector<1x1x1x352xbf16> to vector<352xbf16>
    %broadcast_in_dim3A_1899 = vector.shape_cast %get3A_1898 : vector<352xbf16> to vector<1x352xbf16>
    %add3A_1900 = arith.constant 1 : i32
    %add3A_1901 = arith.addi %mul3A_0, %add3A_1900 : i32
    %get3A_1902 = arith.constant 14 : index
    %get3A_1903 = arith.index_cast %add3A_1901 : i32 to index
    %get3A_1904 = memref.load %arg2[%get3A_1902, %get3A_1903] : memref<34x16xi32, #tpu.memory_space<smem>>
    %get3A_1905 = arith.index_cast %get3A_1904 : i32 to index
    %get3A_1906 = arith.constant 0 : index
    %get3A_1907 = arith.constant 0 : index
    %get3A_1908 = arith.constant 0 : index
    %get3A_1909 = vector.load %arg10[%get3A_1905, %get3A_1906, %get3A_1907, %get3A_1908] : memref<16x1x1x352xbf16, #tpu.memory_space<vmem>>, vector<1x1x1x352xbf16>
    %get3A_1910 = vector.shape_cast %get3A_1909 : vector<1x1x1x352xbf16> to vector<352xbf16>
    %broadcast_in_dim3A_1911 = vector.shape_cast %get3A_1910 : vector<352xbf16> to vector<1x352xbf16>
    %add3A_1912 = arith.constant 2 : i32
    %add3A_1913 = arith.addi %mul3A_0, %add3A_1912 : i32
    %get3A_1914 = arith.constant 14 : index
    %get3A_1915 = arith.index_cast %add3A_1913 : i32 to index
    %get3A_1916 = memref.load %arg2[%get3A_1914, %get3A_1915] : memref<34x16xi32, #tpu.memory_space<smem>>
    %get3A_1917 = arith.index_cast %get3A_1916 : i32 to index
    %get3A_1918 = arith.constant 0 : index
    %get3A_1919 = arith.constant 0 : index
    %get3A_1920 = arith.constant 0 : index
    %get3A_1921 = vector.load %arg10[%get3A_1917, %get3A_1918, %get3A_1919, %get3A_1920] : memref<16x1x1x352xbf16, #tpu.memory_space<vmem>>, vector<1x1x1x352xbf16>
    %get3A_1922 = vector.shape_cast %get3A_1921 : vector<1x1x1x352xbf16> to vector<352xbf16>
    %broadcast_in_dim3A_1923 = vector.shape_cast %get3A_1922 : vector<352xbf16> to vector<1x352xbf16>
    %add3A_1924 = arith.constant 3 : i32
    %add3A_1925 = arith.addi %mul3A_0, %add3A_1924 : i32
    %get3A_1926 = arith.constant 14 : index
    %get3A_1927 = arith.index_cast %add3A_1925 : i32 to index
    %get3A_1928 = memref.load %arg2[%get3A_1926, %get3A_1927] : memref<34x16xi32, #tpu.memory_space<smem>>
    %get3A_1929 = arith.index_cast %get3A_1928 : i32 to index
    %get3A_1930 = arith.constant 0 : index
    %get3A_1931 = arith.constant 0 : index
    %get3A_1932 = arith.constant 0 : index
    %get3A_1933 = vector.load %arg10[%get3A_1929, %get3A_1930, %get3A_1931, %get3A_1932] : memref<16x1x1x352xbf16, #tpu.memory_space<vmem>>, vector<1x1x1x352xbf16>
    %get3A_1934 = vector.shape_cast %get3A_1933 : vector<1x1x1x352xbf16> to vector<352xbf16>
    %broadcast_in_dim3A_1935 = vector.shape_cast %get3A_1934 : vector<352xbf16> to vector<1x352xbf16>
    %add3A_1936 = arith.constant 4 : i32
    %add3A_1937 = arith.addi %mul3A_0, %add3A_1936 : i32
    %get3A_1938 = arith.constant 14 : index
    %get3A_1939 = arith.index_cast %add3A_1937 : i32 to index
    %get3A_1940 = memref.load %arg2[%get3A_1938, %get3A_1939] : memref<34x16xi32, #tpu.memory_space<smem>>
    %get3A_1941 = arith.index_cast %get3A_1940 : i32 to index
    %get3A_1942 = arith.constant 0 : index
    %get3A_1943 = arith.constant 0 : index
    %get3A_1944 = arith.constant 0 : index
    %get3A_1945 = vector.load %arg10[%get3A_1941, %get3A_1942, %get3A_1943, %get3A_1944] : memref<16x1x1x352xbf16, #tpu.memory_space<vmem>>, vector<1x1x1x352xbf16>
    %get3A_1946 = vector.shape_cast %get3A_1945 : vector<1x1x1x352xbf16> to vector<352xbf16>
    %broadcast_in_dim3A_1947 = vector.shape_cast %get3A_1946 : vector<352xbf16> to vector<1x352xbf16>
    %add3A_1948 = arith.constant 5 : i32
    %add3A_1949 = arith.addi %mul3A_0, %add3A_1948 : i32
    %get3A_1950 = arith.constant 14 : index
    %get3A_1951 = arith.index_cast %add3A_1949 : i32 to index
    %get3A_1952 = memref.load %arg2[%get3A_1950, %get3A_1951] : memref<34x16xi32, #tpu.memory_space<smem>>
    %get3A_1953 = arith.index_cast %get3A_1952 : i32 to index
    %get3A_1954 = arith.constant 0 : index
    %get3A_1955 = arith.constant 0 : index
    %get3A_1956 = arith.constant 0 : index
    %get3A_1957 = vector.load %arg10[%get3A_1953, %get3A_1954, %get3A_1955, %get3A_1956] : memref<16x1x1x352xbf16, #tpu.memory_space<vmem>>, vector<1x1x1x352xbf16>
    %get3A_1958 = vector.shape_cast %get3A_1957 : vector<1x1x1x352xbf16> to vector<352xbf16>
    %broadcast_in_dim3A_1959 = vector.shape_cast %get3A_1958 : vector<352xbf16> to vector<1x352xbf16>
    %add3A_1960 = arith.constant 6 : i32
    %add3A_1961 = arith.addi %mul3A_0, %add3A_1960 : i32
    %get3A_1962 = arith.constant 14 : index
    %get3A_1963 = arith.index_cast %add3A_1961 : i32 to index
    %get3A_1964 = memref.load %arg2[%get3A_1962, %get3A_1963] : memref<34x16xi32, #tpu.memory_space<smem>>
    %get3A_1965 = arith.index_cast %get3A_1964 : i32 to index
    %get3A_1966 = arith.constant 0 : index
    %get3A_1967 = arith.constant 0 : index
    %get3A_1968 = arith.constant 0 : index
    %get3A_1969 = vector.load %arg10[%get3A_1965, %get3A_1966, %get3A_1967, %get3A_1968] : memref<16x1x1x352xbf16, #tpu.memory_space<vmem>>, vector<1x1x1x352xbf16>
    %get3A_1970 = vector.shape_cast %get3A_1969 : vector<1x1x1x352xbf16> to vector<352xbf16>
    %broadcast_in_dim3A_1971 = vector.shape_cast %get3A_1970 : vector<352xbf16> to vector<1x352xbf16>
    %add3A_1972 = arith.constant 7 : i32
    %add3A_1973 = arith.addi %mul3A_0, %add3A_1972 : i32
    %get3A_1974 = arith.constant 14 : index
    %get3A_1975 = arith.index_cast %add3A_1973 : i32 to index
    %get3A_1976 = memref.load %arg2[%get3A_1974, %get3A_1975] : memref<34x16xi32, #tpu.memory_space<smem>>
    %get3A_1977 = arith.index_cast %get3A_1976 : i32 to index
    %get3A_1978 = arith.constant 0 : index
    %get3A_1979 = arith.constant 0 : index
    %get3A_1980 = arith.constant 0 : index
    %get3A_1981 = vector.load %arg10[%get3A_1977, %get3A_1978, %get3A_1979, %get3A_1980] : memref<16x1x1x352xbf16, #tpu.memory_space<vmem>>, vector<1x1x1x352xbf16>
    %get3A_1982 = vector.shape_cast %get3A_1981 : vector<1x1x1x352xbf16> to vector<352xbf16>
    %broadcast_in_dim3A_1983 = vector.shape_cast %get3A_1982 : vector<352xbf16> to vector<1x352xbf16>
    %concatenate3A_1984 = tpu.concatenate %broadcast_in_dim3A_1899, %broadcast_in_dim3A_1911, %broadcast_in_dim3A_1923, %broadcast_in_dim3A_1935, %broadcast_in_dim3A_1947, %broadcast_in_dim3A_1959, %broadcast_in_dim3A_1971, %broadcast_in_dim3A_1983 in 0 : vector<1x352xbf16>, vector<1x352xbf16>, vector<1x352xbf16>, vector<1x352xbf16>, vector<1x352xbf16>, vector<1x352xbf16>, vector<1x352xbf16>, vector<1x352xbf16> -> vector<8x352xbf16>
    %get3A_1985 = arith.constant 0 : index
    %get3A_1986 = arith.constant 0 : index
    %get3A_1987 = vector.load %arg17[%get3A_1985, %get3A_1986] : memref<1344x8xbf16, #tpu.memory_space<vmem>>, vector<128x8xbf16>
    %dot_general3A_1988 = arith.constant dense<0.000000e+00> : vector<128x352xf32>
    %dot_general3A_1989 = tpu.matmul %get3A_1987, %concatenate3A_1984, %dot_general3A_1988 {dimension_numbers = #tpu.dot_dimension_numbers<[1], [0], [0], [1], [0, 0, 1, 1], [], []>, transpose_lhs_hint = false} : vector<128x8xbf16>, vector<8x352xbf16>, vector<128x352xf32> -> vector<128x352xf32>
    %convert_element_type3A_1990 = arith.truncf %dot_general3A_1989 : vector<128x352xf32> to vector<128x352xbf16>
    %get3A_1991 = arith.constant 160 : index
    %get3A_1992 = arith.constant 0 : index
    %get3A_1993 = vector.load %arg16[%get3A_1991, %get3A_1992] : memref<400x402xbf16, #tpu.memory_space<vmem>>, vector<16x352xbf16>
    %broadcast_in_dim3A_1994 = vector.shape_cast %get3A_1993 : vector<16x352xbf16> to vector<16x1x352xbf16>
    %broadcast_in_dim3A_1995 = vector.shape_cast %broadcast_in_dim3A_1994 : vector<16x1x352xbf16> to vector<16x1x352xbf16>
    %broadcast_in_dim3A_1996 = vector.broadcast %broadcast_in_dim3A_1995 : vector<16x1x352xbf16> to vector<16x8x352xbf16>
    %reshape3A_1997 = vector.shape_cast %broadcast_in_dim3A_1996 : vector<16x8x352xbf16> to vector<128x352xbf16>
    %mul3A_1998 = arith.mulf %reshape3A_1997, %convert_element_type3A_1990 : vector<128x352xbf16>
    %get3A_1999 = arith.constant 4888 : index
    %get3A_2000 = arith.constant 0 : index
    %get3A_2001 = vector.load %arg15[%get3A_1999, %get3A_2000] : memref<8312x512xbf16, #tpu.memory_space<vmem>>, vector<352x512xbf16>
    %dot_general3A_2002 = arith.constant dense<0.000000e+00> : vector<128x512xf32>
    %dot_general3A_2003 = tpu.matmul %mul3A_1998, %get3A_2001, %dot_general3A_2002 {dimension_numbers = #tpu.dot_dimension_numbers<[1], [0], [0], [1], [0, 0, 1, 1], [], []>, transpose_lhs_hint = false} : vector<128x352xbf16>, vector<352x512xbf16>, vector<128x512xf32> -> vector<128x512xf32>
    %get3A_2004 = arith.constant 160 : index
    %get3A_2005 = arith.constant 0 : index
    %get3A_2006 = vector.load %arg19[%get3A_2004, %get3A_2005] : memref<400x256xf32, #tpu.memory_space<vmem>>, vector<16x256xf32>
    %broadcast_in_dim3A_2007 = vector.shape_cast %get3A_2006 : vector<16x256xf32> to vector<16x1x256xf32>
    %broadcast_in_dim3A_2008 = vector.shape_cast %broadcast_in_dim3A_2007 : vector<16x1x256xf32> to vector<16x1x256xf32>
    %broadcast_in_dim3A_2009 = vector.broadcast %broadcast_in_dim3A_2008 : vector<16x1x256xf32> to vector<16x8x256xf32>
    %reshape3A_2010 = vector.shape_cast %broadcast_in_dim3A_2009 : vector<16x8x256xf32> to vector<128x256xf32>
    %broadcast_in_dim3A_2011 = vector.shape_cast %get3A_4 : vector<1x256xf32> to vector<1x256xf32>
    %broadcast_in_dim3A_2012 = vector.broadcast %broadcast_in_dim3A_2011 : vector<1x256xf32> to vector<128x256xf32>
    %concatenate3A_2013 = tpu.concatenate %broadcast_in_dim3A_2012, %reshape3A_2010 in 1 : vector<128x256xf32>, vector<128x256xf32> -> vector<128x512xf32>
    %add3A_2014 = arith.addf %dot_general3A_2003, %concatenate3A_2013 : vector<128x512xf32>
    %reshape3A_2015 = vector.shape_cast %add3A_2014 : vector<128x512xf32> to vector<16x8x512xf32>
    %swap3A_2016 = arith.constant 0 : index
    %swap3A_2017 = arith.constant 0 : index
    %swap3A_2018 = arith.constant 0 : index
    %swap3A_2019 = arith.constant 0 : index
    %swap3A_2020 = vector.load %arg34[%swap3A_2016, %swap3A_2017, %swap3A_2018, %swap3A_2019] : memref<1x16x8x512xf32, #tpu.memory_space<vmem>>, vector<1x16x8x512xf32>
    %swap3A_2021 = vector.shape_cast %swap3A_2020 : vector<1x16x8x512xf32> to vector<16x8x512xf32>
    %swap3A_2022 = vector.shape_cast %reshape3A_2015 : vector<16x8x512xf32> to vector<1x16x8x512xf32>
    tpu.vector_store %arg34[%swap3A_2016, %swap3A_2017, %swap3A_2018, %swap3A_2019], %swap3A_2022 {strides = array<i32>} : memref<1x16x8x512xf32, #tpu.memory_space<vmem>>, vector<1x16x8x512xf32>,
    %add3A_2023 = arith.constant 0 : i32
    %add3A_2024 = arith.addi %mul3A_0, %add3A_2023 : i32
    %get3A_2025 = arith.constant 15 : index
    %get3A_2026 = arith.index_cast %add3A_2024 : i32 to index
    %get3A_2027 = memref.load %arg2[%get3A_2025, %get3A_2026] : memref<34x16xi32, #tpu.memory_space<smem>>
    %get3A_2028 = arith.index_cast %get3A_2027 : i32 to index
    %get3A_2029 = arith.constant 0 : index
    %get3A_2030 = arith.constant 0 : index
    %get3A_2031 = arith.constant 0 : index
    %get3A_2032 = vector.load %arg3[%get3A_2028, %get3A_2029, %get3A_2030, %get3A_2031] : memref<16x1x1x336xbf16, #tpu.memory_space<vmem>>, vector<1x1x1x336xbf16>
    %get3A_2033 = vector.shape_cast %get3A_2032 : vector<1x1x1x336xbf16> to vector<336xbf16>
    %broadcast_in_dim3A_2034 = vector.shape_cast %get3A_2033 : vector<336xbf16> to vector<1x336xbf16>
    %add3A_2035 = arith.constant 1 : i32
    %add3A_2036 = arith.addi %mul3A_0, %add3A_2035 : i32
    %get3A_2037 = arith.constant 15 : index
    %get3A_2038 = arith.index_cast %add3A_2036 : i32 to index
    %get3A_2039 = memref.load %arg2[%get3A_2037, %get3A_2038] : memref<34x16xi32, #tpu.memory_space<smem>>
    %get3A_2040 = arith.index_cast %get3A_2039 : i32 to index
    %get3A_2041 = arith.constant 0 : index
    %get3A_2042 = arith.constant 0 : index
    %get3A_2043 = arith.constant 0 : index
    %get3A_2044 = vector.load %arg3[%get3A_2040, %get3A_2041, %get3A_2042, %get3A_2043] : memref<16x1x1x336xbf16, #tpu.memory_space<vmem>>, vector<1x1x1x336xbf16>
    %get3A_2045 = vector.shape_cast %get3A_2044 : vector<1x1x1x336xbf16> to vector<336xbf16>
    %broadcast_in_dim3A_2046 = vector.shape_cast %get3A_2045 : vector<336xbf16> to vector<1x336xbf16>
    %add3A_2047 = arith.constant 2 : i32
    %add3A_2048 = arith.addi %mul3A_0, %add3A_2047 : i32
    %get3A_2049 = arith.constant 15 : index
    %get3A_2050 = arith.index_cast %add3A_2048 : i32 to index
    %get3A_2051 = memref.load %arg2[%get3A_2049, %get3A_2050] : memref<34x16xi32, #tpu.memory_space<smem>>
    %get3A_2052 = arith.index_cast %get3A_2051 : i32 to index
    %get3A_2053 = arith.constant 0 : index
    %get3A_2054 = arith.constant 0 : index
    %get3A_2055 = arith.constant 0 : index
    %get3A_2056 = vector.load %arg3[%get3A_2052, %get3A_2053, %get3A_2054, %get3A_2055] : memref<16x1x1x336xbf16, #tpu.memory_space<vmem>>, vector<1x1x1x336xbf16>
    %get3A_2057 = vector.shape_cast %get3A_2056 : vector<1x1x1x336xbf16> to vector<336xbf16>
    %broadcast_in_dim3A_2058 = vector.shape_cast %get3A_2057 : vector<336xbf16> to vector<1x336xbf16>
    %add3A_2059 = arith.constant 3 : i32
    %add3A_2060 = arith.addi %mul3A_0, %add3A_2059 : i32
    %get3A_2061 = arith.constant 15 : index
    %get3A_2062 = arith.index_cast %add3A_2060 : i32 to index
    %get3A_2063 = memref.load %arg2[%get3A_2061, %get3A_2062] : memref<34x16xi32, #tpu.memory_space<smem>>
    %get3A_2064 = arith.index_cast %get3A_2063 : i32 to index
    %get3A_2065 = arith.constant 0 : index
    %get3A_2066 = arith.constant 0 : index
    %get3A_2067 = arith.constant 0 : index
    %get3A_2068 = vector.load %arg3[%get3A_2064, %get3A_2065, %get3A_2066, %get3A_2067] : memref<16x1x1x336xbf16, #tpu.memory_space<vmem>>, vector<1x1x1x336xbf16>
    %get3A_2069 = vector.shape_cast %get3A_2068 : vector<1x1x1x336xbf16> to vector<336xbf16>
    %broadcast_in_dim3A_2070 = vector.shape_cast %get3A_2069 : vector<336xbf16> to vector<1x336xbf16>
    %add3A_2071 = arith.constant 4 : i32
    %add3A_2072 = arith.addi %mul3A_0, %add3A_2071 : i32
    %get3A_2073 = arith.constant 15 : index
    %get3A_2074 = arith.index_cast %add3A_2072 : i32 to index
    %get3A_2075 = memref.load %arg2[%get3A_2073, %get3A_2074] : memref<34x16xi32, #tpu.memory_space<smem>>
    %get3A_2076 = arith.index_cast %get3A_2075 : i32 to index
    %get3A_2077 = arith.constant 0 : index
    %get3A_2078 = arith.constant 0 : index
    %get3A_2079 = arith.constant 0 : index
    %get3A_2080 = vector.load %arg3[%get3A_2076, %get3A_2077, %get3A_2078, %get3A_2079] : memref<16x1x1x336xbf16, #tpu.memory_space<vmem>>, vector<1x1x1x336xbf16>
    %get3A_2081 = vector.shape_cast %get3A_2080 : vector<1x1x1x336xbf16> to vector<336xbf16>
    %broadcast_in_dim3A_2082 = vector.shape_cast %get3A_2081 : vector<336xbf16> to vector<1x336xbf16>
    %add3A_2083 = arith.constant 5 : i32
    %add3A_2084 = arith.addi %mul3A_0, %add3A_2083 : i32
    %get3A_2085 = arith.constant 15 : index
    %get3A_2086 = arith.index_cast %add3A_2084 : i32 to index
    %get3A_2087 = memref.load %arg2[%get3A_2085, %get3A_2086] : memref<34x16xi32, #tpu.memory_space<smem>>
    %get3A_2088 = arith.index_cast %get3A_2087 : i32 to index
    %get3A_2089 = arith.constant 0 : index
    %get3A_2090 = arith.constant 0 : index
    %get3A_2091 = arith.constant 0 : index
    %get3A_2092 = vector.load %arg3[%get3A_2088, %get3A_2089, %get3A_2090, %get3A_2091] : memref<16x1x1x336xbf16, #tpu.memory_space<vmem>>, vector<1x1x1x336xbf16>
    %get3A_2093 = vector.shape_cast %get3A_2092 : vector<1x1x1x336xbf16> to vector<336xbf16>
    %broadcast_in_dim3A_2094 = vector.shape_cast %get3A_2093 : vector<336xbf16> to vector<1x336xbf16>
    %add3A_2095 = arith.constant 6 : i32
    %add3A_2096 = arith.addi %mul3A_0, %add3A_2095 : i32
    %get3A_2097 = arith.constant 15 : index
    %get3A_2098 = arith.index_cast %add3A_2096 : i32 to index
    %get3A_2099 = memref.load %arg2[%get3A_2097, %get3A_2098] : memref<34x16xi32, #tpu.memory_space<smem>>
    %get3A_2100 = arith.index_cast %get3A_2099 : i32 to index
    %get3A_2101 = arith.constant 0 : index
    %get3A_2102 = arith.constant 0 : index
    %get3A_2103 = arith.constant 0 : index
    %get3A_2104 = vector.load %arg3[%get3A_2100, %get3A_2101, %get3A_2102, %get3A_2103] : memref<16x1x1x336xbf16, #tpu.memory_space<vmem>>, vector<1x1x1x336xbf16>
    %get3A_2105 = vector.shape_cast %get3A_2104 : vector<1x1x1x336xbf16> to vector<336xbf16>
    %broadcast_in_dim3A_2106 = vector.shape_cast %get3A_2105 : vector<336xbf16> to vector<1x336xbf16>
    %add3A_2107 = arith.constant 7 : i32
    %add3A_2108 = arith.addi %mul3A_0, %add3A_2107 : i32
    %get3A_2109 = arith.constant 15 : index
    %get3A_2110 = arith.index_cast %add3A_2108 : i32 to index
    %get3A_2111 = memref.load %arg2[%get3A_2109, %get3A_2110] : memref<34x16xi32, #tpu.memory_space<smem>>
    %get3A_2112 = arith.index_cast %get3A_2111 : i32 to index
    %get3A_2113 = arith.constant 0 : index
    %get3A_2114 = arith.constant 0 : index
    %get3A_2115 = arith.constant 0 : index
    %get3A_2116 = vector.load %arg3[%get3A_2112, %get3A_2113, %get3A_2114, %get3A_2115] : memref<16x1x1x336xbf16, #tpu.memory_space<vmem>>, vector<1x1x1x336xbf16>
    %get3A_2117 = vector.shape_cast %get3A_2116 : vector<1x1x1x336xbf16> to vector<336xbf16>
    %broadcast_in_dim3A_2118 = vector.shape_cast %get3A_2117 : vector<336xbf16> to vector<1x336xbf16>
    %concatenate3A_2119 = tpu.concatenate %broadcast_in_dim3A_2034, %broadcast_in_dim3A_2046, %broadcast_in_dim3A_2058, %broadcast_in_dim3A_2070, %broadcast_in_dim3A_2082, %broadcast_in_dim3A_2094, %broadcast_in_dim3A_2106, %broadcast_in_dim3A_2118 in 0 : vector<1x336xbf16>, vector<1x336xbf16>, vector<1x336xbf16>, vector<1x336xbf16>, vector<1x336xbf16>, vector<1x336xbf16>, vector<1x336xbf16>, vector<1x336xbf16> -> vector<8x336xbf16>
    %get3A_2120 = arith.constant 0 : index
    %get3A_2121 = arith.constant 0 : index
    %get3A_2122 = vector.load %arg17[%get3A_2120, %get3A_2121] : memref<1344x8xbf16, #tpu.memory_space<vmem>>, vector<128x8xbf16>
    %dot_general3A_2123 = arith.constant dense<0.000000e+00> : vector<128x336xf32>
    %dot_general3A_2124 = tpu.matmul %get3A_2122, %concatenate3A_2119, %dot_general3A_2123 {dimension_numbers = #tpu.dot_dimension_numbers<[1], [0], [0], [1], [0, 0, 1, 1], [], []>, transpose_lhs_hint = false} : vector<128x8xbf16>, vector<8x336xbf16>, vector<128x336xf32> -> vector<128x336xf32>
    %convert_element_type3A_2125 = arith.truncf %dot_general3A_2124 : vector<128x336xf32> to vector<128x336xbf16>
    %get3A_2126 = arith.constant 176 : index
    %get3A_2127 = arith.constant 0 : index
    %get3A_2128 = vector.load %arg16[%get3A_2126, %get3A_2127] : memref<400x402xbf16, #tpu.memory_space<vmem>>, vector<16x336xbf16>
    %broadcast_in_dim3A_2129 = vector.shape_cast %get3A_2128 : vector<16x336xbf16> to vector<16x1x336xbf16>
    %broadcast_in_dim3A_2130 = vector.shape_cast %broadcast_in_dim3A_2129 : vector<16x1x336xbf16> to vector<16x1x336xbf16>
    %broadcast_in_dim3A_2131 = vector.broadcast %broadcast_in_dim3A_2130 : vector<16x1x336xbf16> to vector<16x8x336xbf16>
    %reshape3A_2132 = vector.shape_cast %broadcast_in_dim3A_2131 : vector<16x8x336xbf16> to vector<128x336xbf16>
    %mul3A_2133 = arith.mulf %reshape3A_2132, %convert_element_type3A_2125 : vector<128x336xbf16>
    %get3A_2134 = arith.constant 5240 : index
    %get3A_2135 = arith.constant 0 : index
    %get3A_2136 = vector.load %arg15[%get3A_2134, %get3A_2135] : memref<8312x512xbf16, #tpu.memory_space<vmem>>, vector<336x512xbf16>
    %dot_general3A_2137 = arith.constant dense<0.000000e+00> : vector<128x512xf32>
    %dot_general3A_2138 = tpu.matmul %mul3A_2133, %get3A_2136, %dot_general3A_2137 {dimension_numbers = #tpu.dot_dimension_numbers<[1], [0], [0], [1], [0, 0, 1, 1], [], []>, transpose_lhs_hint = false} : vector<128x336xbf16>, vector<336x512xbf16>, vector<128x512xf32> -> vector<128x512xf32>
    %get3A_2139 = arith.constant 176 : index
    %get3A_2140 = arith.constant 0 : index
    %get3A_2141 = vector.load %arg19[%get3A_2139, %get3A_2140] : memref<400x256xf32, #tpu.memory_space<vmem>>, vector<16x256xf32>
    %broadcast_in_dim3A_2142 = vector.shape_cast %get3A_2141 : vector<16x256xf32> to vector<16x1x256xf32>
    %broadcast_in_dim3A_2143 = vector.shape_cast %broadcast_in_dim3A_2142 : vector<16x1x256xf32> to vector<16x1x256xf32>
    %broadcast_in_dim3A_2144 = vector.broadcast %broadcast_in_dim3A_2143 : vector<16x1x256xf32> to vector<16x8x256xf32>
    %reshape3A_2145 = vector.shape_cast %broadcast_in_dim3A_2144 : vector<16x8x256xf32> to vector<128x256xf32>
    %broadcast_in_dim3A_2146 = vector.shape_cast %get3A_4 : vector<1x256xf32> to vector<1x256xf32>
    %broadcast_in_dim3A_2147 = vector.broadcast %broadcast_in_dim3A_2146 : vector<1x256xf32> to vector<128x256xf32>
    %concatenate3A_2148 = tpu.concatenate %broadcast_in_dim3A_2147, %reshape3A_2145 in 1 : vector<128x256xf32>, vector<128x256xf32> -> vector<128x512xf32>
    %add3A_2149 = arith.addf %dot_general3A_2138, %concatenate3A_2148 : vector<128x512xf32>
    %reshape3A_2150 = vector.shape_cast %add3A_2149 : vector<128x512xf32> to vector<16x8x512xf32>
    %swap3A_2151 = arith.constant 0 : index
    %swap3A_2152 = arith.constant 0 : index
    %swap3A_2153 = arith.constant 0 : index
    %swap3A_2154 = arith.constant 0 : index
    %swap3A_2155 = vector.load %arg35[%swap3A_2151, %swap3A_2152, %swap3A_2153, %swap3A_2154] : memref<1x16x8x512xf32, #tpu.memory_space<vmem>>, vector<1x16x8x512xf32>
    %swap3A_2156 = vector.shape_cast %swap3A_2155 : vector<1x16x8x512xf32> to vector<16x8x512xf32>
    %swap3A_2157 = vector.shape_cast %reshape3A_2150 : vector<16x8x512xf32> to vector<1x16x8x512xf32>
    tpu.vector_store %arg35[%swap3A_2151, %swap3A_2152, %swap3A_2153, %swap3A_2154], %swap3A_2157 {strides = array<i32>} : memref<1x16x8x512xf32, #tpu.memory_space<vmem>>, vector<1x16x8x512xf32>,
    %add3A_2158 = arith.constant 0 : i32
    %add3A_2159 = arith.addi %mul3A_0, %add3A_2158 : i32
    %get3A_2160 = arith.constant 16 : index
    %get3A_2161 = arith.index_cast %add3A_2159 : i32 to index
    %get3A_2162 = memref.load %arg2[%get3A_2160, %get3A_2161] : memref<34x16xi32, #tpu.memory_space<smem>>
    %get3A_2163 = arith.index_cast %get3A_2162 : i32 to index
    %get3A_2164 = arith.constant 0 : index
    %get3A_2165 = arith.constant 0 : index
    %get3A_2166 = arith.constant 0 : index
    %get3A_2167 = vector.load %arg7[%get3A_2163, %get3A_2164, %get3A_2165, %get3A_2166] : memref<16x1x1x342xbf16, #tpu.memory_space<vmem>>, vector<1x1x1x342xbf16>
    %get3A_2168 = vector.shape_cast %get3A_2167 : vector<1x1x1x342xbf16> to vector<342xbf16>
    %broadcast_in_dim3A_2169 = vector.shape_cast %get3A_2168 : vector<342xbf16> to vector<1x342xbf16>
    %add3A_2170 = arith.constant 1 : i32
    %add3A_2171 = arith.addi %mul3A_0, %add3A_2170 : i32
    %get3A_2172 = arith.constant 16 : index
    %get3A_2173 = arith.index_cast %add3A_2171 : i32 to index
    %get3A_2174 = memref.load %arg2[%get3A_2172, %get3A_2173] : memref<34x16xi32, #tpu.memory_space<smem>>
    %get3A_2175 = arith.index_cast %get3A_2174 : i32 to index
    %get3A_2176 = arith.constant 0 : index
    %get3A_2177 = arith.constant 0 : index
    %get3A_2178 = arith.constant 0 : index
    %get3A_2179 = vector.load %arg7[%get3A_2175, %get3A_2176, %get3A_2177, %get3A_2178] : memref<16x1x1x342xbf16, #tpu.memory_space<vmem>>, vector<1x1x1x342xbf16>
    %get3A_2180 = vector.shape_cast %get3A_2179 : vector<1x1x1x342xbf16> to vector<342xbf16>
    %broadcast_in_dim3A_2181 = vector.shape_cast %get3A_2180 : vector<342xbf16> to vector<1x342xbf16>
    %add3A_2182 = arith.constant 2 : i32
    %add3A_2183 = arith.addi %mul3A_0, %add3A_2182 : i32
    %get3A_2184 = arith.constant 16 : index
    %get3A_2185 = arith.index_cast %add3A_2183 : i32 to index
    %get3A_2186 = memref.load %arg2[%get3A_2184, %get3A_2185] : memref<34x16xi32, #tpu.memory_space<smem>>
    %get3A_2187 = arith.index_cast %get3A_2186 : i32 to index
    %get3A_2188 = arith.constant 0 : index
    %get3A_2189 = arith.constant 0 : index
    %get3A_2190 = arith.constant 0 : index
    %get3A_2191 = vector.load %arg7[%get3A_2187, %get3A_2188, %get3A_2189, %get3A_2190] : memref<16x1x1x342xbf16, #tpu.memory_space<vmem>>, vector<1x1x1x342xbf16>
    %get3A_2192 = vector.shape_cast %get3A_2191 : vector<1x1x1x342xbf16> to vector<342xbf16>
    %broadcast_in_dim3A_2193 = vector.shape_cast %get3A_2192 : vector<342xbf16> to vector<1x342xbf16>
    %add3A_2194 = arith.constant 3 : i32
    %add3A_2195 = arith.addi %mul3A_0, %add3A_2194 : i32
    %get3A_2196 = arith.constant 16 : index
    %get3A_2197 = arith.index_cast %add3A_2195 : i32 to index
    %get3A_2198 = memref.load %arg2[%get3A_2196, %get3A_2197] : memref<34x16xi32, #tpu.memory_space<smem>>
    %get3A_2199 = arith.index_cast %get3A_2198 : i32 to index
    %get3A_2200 = arith.constant 0 : index
    %get3A_2201 = arith.constant 0 : index
    %get3A_2202 = arith.constant 0 : index
    %get3A_2203 = vector.load %arg7[%get3A_2199, %get3A_2200, %get3A_2201, %get3A_2202] : memref<16x1x1x342xbf16, #tpu.memory_space<vmem>>, vector<1x1x1x342xbf16>
    %get3A_2204 = vector.shape_cast %get3A_2203 : vector<1x1x1x342xbf16> to vector<342xbf16>
    %broadcast_in_dim3A_2205 = vector.shape_cast %get3A_2204 : vector<342xbf16> to vector<1x342xbf16>
    %add3A_2206 = arith.constant 4 : i32
    %add3A_2207 = arith.addi %mul3A_0, %add3A_2206 : i32
    %get3A_2208 = arith.constant 16 : index
    %get3A_2209 = arith.index_cast %add3A_2207 : i32 to index
    %get3A_2210 = memref.load %arg2[%get3A_2208, %get3A_2209] : memref<34x16xi32, #tpu.memory_space<smem>>
    %get3A_2211 = arith.index_cast %get3A_2210 : i32 to index
    %get3A_2212 = arith.constant 0 : index
    %get3A_2213 = arith.constant 0 : index
    %get3A_2214 = arith.constant 0 : index
    %get3A_2215 = vector.load %arg7[%get3A_2211, %get3A_2212, %get3A_2213, %get3A_2214] : memref<16x1x1x342xbf16, #tpu.memory_space<vmem>>, vector<1x1x1x342xbf16>
    %get3A_2216 = vector.shape_cast %get3A_2215 : vector<1x1x1x342xbf16> to vector<342xbf16>
    %broadcast_in_dim3A_2217 = vector.shape_cast %get3A_2216 : vector<342xbf16> to vector<1x342xbf16>
    %add3A_2218 = arith.constant 5 : i32
    %add3A_2219 = arith.addi %mul3A_0, %add3A_2218 : i32
    %get3A_2220 = arith.constant 16 : index
    %get3A_2221 = arith.index_cast %add3A_2219 : i32 to index
    %get3A_2222 = memref.load %arg2[%get3A_2220, %get3A_2221] : memref<34x16xi32, #tpu.memory_space<smem>>
    %get3A_2223 = arith.index_cast %get3A_2222 : i32 to index
    %get3A_2224 = arith.constant 0 : index
    %get3A_2225 = arith.constant 0 : index
    %get3A_2226 = arith.constant 0 : index
    %get3A_2227 = vector.load %arg7[%get3A_2223, %get3A_2224, %get3A_2225, %get3A_2226] : memref<16x1x1x342xbf16, #tpu.memory_space<vmem>>, vector<1x1x1x342xbf16>
    %get3A_2228 = vector.shape_cast %get3A_2227 : vector<1x1x1x342xbf16> to vector<342xbf16>
    %broadcast_in_dim3A_2229 = vector.shape_cast %get3A_2228 : vector<342xbf16> to vector<1x342xbf16>
    %add3A_2230 = arith.constant 6 : i32
    %add3A_2231 = arith.addi %mul3A_0, %add3A_2230 : i32
    %get3A_2232 = arith.constant 16 : index
    %get3A_2233 = arith.index_cast %add3A_2231 : i32 to index
    %get3A_2234 = memref.load %arg2[%get3A_2232, %get3A_2233] : memref<34x16xi32, #tpu.memory_space<smem>>
    %get3A_2235 = arith.index_cast %get3A_2234 : i32 to index
    %get3A_2236 = arith.constant 0 : index
    %get3A_2237 = arith.constant 0 : index
    %get3A_2238 = arith.constant 0 : index
    %get3A_2239 = vector.load %arg7[%get3A_2235, %get3A_2236, %get3A_2237, %get3A_2238] : memref<16x1x1x342xbf16, #tpu.memory_space<vmem>>, vector<1x1x1x342xbf16>
    %get3A_2240 = vector.shape_cast %get3A_2239 : vector<1x1x1x342xbf16> to vector<342xbf16>
    %broadcast_in_dim3A_2241 = vector.shape_cast %get3A_2240 : vector<342xbf16> to vector<1x342xbf16>
    %add3A_2242 = arith.constant 7 : i32
    %add3A_2243 = arith.addi %mul3A_0, %add3A_2242 : i32
    %get3A_2244 = arith.constant 16 : index
    %get3A_2245 = arith.index_cast %add3A_2243 : i32 to index
    %get3A_2246 = memref.load %arg2[%get3A_2244, %get3A_2245] : memref<34x16xi32, #tpu.memory_space<smem>>
    %get3A_2247 = arith.index_cast %get3A_2246 : i32 to index
    %get3A_2248 = arith.constant 0 : index
    %get3A_2249 = arith.constant 0 : index
    %get3A_2250 = arith.constant 0 : index
    %get3A_2251 = vector.load %arg7[%get3A_2247, %get3A_2248, %get3A_2249, %get3A_2250] : memref<16x1x1x342xbf16, #tpu.memory_space<vmem>>, vector<1x1x1x342xbf16>
    %get3A_2252 = vector.shape_cast %get3A_2251 : vector<1x1x1x342xbf16> to vector<342xbf16>
    %broadcast_in_dim3A_2253 = vector.shape_cast %get3A_2252 : vector<342xbf16> to vector<1x342xbf16>
    %concatenate3A_2254 = tpu.concatenate %broadcast_in_dim3A_2169, %broadcast_in_dim3A_2181, %broadcast_in_dim3A_2193, %broadcast_in_dim3A_2205, %broadcast_in_dim3A_2217, %broadcast_in_dim3A_2229, %broadcast_in_dim3A_2241, %broadcast_in_dim3A_2253 in 0 : vector<1x342xbf16>, vector<1x342xbf16>, vector<1x342xbf16>, vector<1x342xbf16>, vector<1x342xbf16>, vector<1x342xbf16>, vector<1x342xbf16>, vector<1x342xbf16> -> vector<8x342xbf16>
    %get3A_2255 = arith.constant 0 : index
    %get3A_2256 = arith.constant 0 : index
    %get3A_2257 = vector.load %arg17[%get3A_2255, %get3A_2256] : memref<1344x8xbf16, #tpu.memory_space<vmem>>, vector<144x8xbf16>
    %dot_general3A_2258 = arith.constant dense<0.000000e+00> : vector<144x342xf32>
    %dot_general3A_2259 = tpu.matmul %get3A_2257, %concatenate3A_2254, %dot_general3A_2258 {dimension_numbers = #tpu.dot_dimension_numbers<[1], [0], [0], [1], [0, 0, 1, 1], [], []>, transpose_lhs_hint = false} : vector<144x8xbf16>, vector<8x342xbf16>, vector<144x342xf32> -> vector<144x342xf32>
    %convert_element_type3A_2260 = arith.truncf %dot_general3A_2259 : vector<144x342xf32> to vector<144x342xbf16>
    %get3A_2261 = arith.constant 192 : index
    %get3A_2262 = arith.constant 0 : index
    %get3A_2263 = vector.load %arg16[%get3A_2261, %get3A_2262] : memref<400x402xbf16, #tpu.memory_space<vmem>>, vector<18x342xbf16>
    %broadcast_in_dim3A_2264 = vector.shape_cast %get3A_2263 : vector<18x342xbf16> to vector<18x1x342xbf16>
    %broadcast_in_dim3A_2265 = vector.shape_cast %broadcast_in_dim3A_2264 : vector<18x1x342xbf16> to vector<18x1x342xbf16>
    %broadcast_in_dim3A_2266 = vector.broadcast %broadcast_in_dim3A_2265 : vector<18x1x342xbf16> to vector<18x8x342xbf16>
    %reshape3A_2267 = vector.shape_cast %broadcast_in_dim3A_2266 : vector<18x8x342xbf16> to vector<144x342xbf16>
    %mul3A_2268 = arith.mulf %reshape3A_2267, %convert_element_type3A_2260 : vector<144x342xbf16>
    %get3A_2269 = arith.constant 5576 : index
    %get3A_2270 = arith.constant 0 : index
    %get3A_2271 = vector.load %arg15[%get3A_2269, %get3A_2270] : memref<8312x512xbf16, #tpu.memory_space<vmem>>, vector<342x512xbf16>
    %dot_general3A_2272 = arith.constant dense<0.000000e+00> : vector<144x512xf32>
    %dot_general3A_2273 = tpu.matmul %mul3A_2268, %get3A_2271, %dot_general3A_2272 {dimension_numbers = #tpu.dot_dimension_numbers<[1], [0], [0], [1], [0, 0, 1, 1], [], []>, transpose_lhs_hint = false} : vector<144x342xbf16>, vector<342x512xbf16>, vector<144x512xf32> -> vector<144x512xf32>
    %get3A_2274 = arith.constant 192 : index
    %get3A_2275 = arith.constant 0 : index
    %get3A_2276 = vector.load %arg19[%get3A_2274, %get3A_2275] : memref<400x256xf32, #tpu.memory_space<vmem>>, vector<18x256xf32>
    %broadcast_in_dim3A_2277 = vector.shape_cast %get3A_2276 : vector<18x256xf32> to vector<18x1x256xf32>
    %broadcast_in_dim3A_2278 = vector.shape_cast %broadcast_in_dim3A_2277 : vector<18x1x256xf32> to vector<18x1x256xf32>
    %broadcast_in_dim3A_2279 = vector.broadcast %broadcast_in_dim3A_2278 : vector<18x1x256xf32> to vector<18x8x256xf32>
    %reshape3A_2280 = vector.shape_cast %broadcast_in_dim3A_2279 : vector<18x8x256xf32> to vector<144x256xf32>
    %broadcast_in_dim3A_2281 = vector.shape_cast %get3A_4 : vector<1x256xf32> to vector<1x256xf32>
    %broadcast_in_dim3A_2282 = vector.broadcast %broadcast_in_dim3A_2281 : vector<1x256xf32> to vector<144x256xf32>
    %concatenate3A_2283 = tpu.concatenate %broadcast_in_dim3A_2282, %reshape3A_2280 in 1 : vector<144x256xf32>, vector<144x256xf32> -> vector<144x512xf32>
    %add3A_2284 = arith.addf %dot_general3A_2273, %concatenate3A_2283 : vector<144x512xf32>
    %reshape3A_2285 = vector.shape_cast %add3A_2284 : vector<144x512xf32> to vector<18x8x512xf32>
    %swap3A_2286 = arith.constant 0 : index
    %swap3A_2287 = arith.constant 0 : index
    %swap3A_2288 = arith.constant 0 : index
    %swap3A_2289 = arith.constant 0 : index
    %swap3A_2290 = vector.load %arg36[%swap3A_2286, %swap3A_2287, %swap3A_2288, %swap3A_2289] : memref<1x18x8x512xf32, #tpu.memory_space<vmem>>, vector<1x18x8x512xf32>
    %swap3A_2291 = vector.shape_cast %swap3A_2290 : vector<1x18x8x512xf32> to vector<18x8x512xf32>
    %swap3A_2292 = vector.shape_cast %reshape3A_2285 : vector<18x8x512xf32> to vector<1x18x8x512xf32>
    tpu.vector_store %arg36[%swap3A_2286, %swap3A_2287, %swap3A_2288, %swap3A_2289], %swap3A_2292 {strides = array<i32>} : memref<1x18x8x512xf32, #tpu.memory_space<vmem>>, vector<1x18x8x512xf32>,
    %add3A_2293 = arith.constant 0 : i32
    %add3A_2294 = arith.addi %mul3A_0, %add3A_2293 : i32
    %get3A_2295 = arith.constant 17 : index
    %get3A_2296 = arith.index_cast %add3A_2294 : i32 to index
    %get3A_2297 = memref.load %arg2[%get3A_2295, %get3A_2296] : memref<34x16xi32, #tpu.memory_space<smem>>
    %get3A_2298 = arith.index_cast %get3A_2297 : i32 to index
    %get3A_2299 = arith.constant 0 : index
    %get3A_2300 = arith.constant 0 : index
    %get3A_2301 = arith.constant 0 : index
    %get3A_2302 = vector.load %arg7[%get3A_2298, %get3A_2299, %get3A_2300, %get3A_2301] : memref<16x1x1x342xbf16, #tpu.memory_space<vmem>>, vector<1x1x1x342xbf16>
    %get3A_2303 = vector.shape_cast %get3A_2302 : vector<1x1x1x342xbf16> to vector<342xbf16>
    %broadcast_in_dim3A_2304 = vector.shape_cast %get3A_2303 : vector<342xbf16> to vector<1x342xbf16>
    %add3A_2305 = arith.constant 1 : i32
    %add3A_2306 = arith.addi %mul3A_0, %add3A_2305 : i32
    %get3A_2307 = arith.constant 17 : index
    %get3A_2308 = arith.index_cast %add3A_2306 : i32 to index
    %get3A_2309 = memref.load %arg2[%get3A_2307, %get3A_2308] : memref<34x16xi32, #tpu.memory_space<smem>>
    %get3A_2310 = arith.index_cast %get3A_2309 : i32 to index
    %get3A_2311 = arith.constant 0 : index
    %get3A_2312 = arith.constant 0 : index
    %get3A_2313 = arith.constant 0 : index
    %get3A_2314 = vector.load %arg7[%get3A_2310, %get3A_2311, %get3A_2312, %get3A_2313] : memref<16x1x1x342xbf16, #tpu.memory_space<vmem>>, vector<1x1x1x342xbf16>
    %get3A_2315 = vector.shape_cast %get3A_2314 : vector<1x1x1x342xbf16> to vector<342xbf16>
    %broadcast_in_dim3A_2316 = vector.shape_cast %get3A_2315 : vector<342xbf16> to vector<1x342xbf16>
    %add3A_2317 = arith.constant 2 : i32
    %add3A_2318 = arith.addi %mul3A_0, %add3A_2317 : i32
    %get3A_2319 = arith.constant 17 : index
    %get3A_2320 = arith.index_cast %add3A_2318 : i32 to index
    %get3A_2321 = memref.load %arg2[%get3A_2319, %get3A_2320] : memref<34x16xi32, #tpu.memory_space<smem>>
    %get3A_2322 = arith.index_cast %get3A_2321 : i32 to index
    %get3A_2323 = arith.constant 0 : index
    %get3A_2324 = arith.constant 0 : index
    %get3A_2325 = arith.constant 0 : index
    %get3A_2326 = vector.load %arg7[%get3A_2322, %get3A_2323, %get3A_2324, %get3A_2325] : memref<16x1x1x342xbf16, #tpu.memory_space<vmem>>, vector<1x1x1x342xbf16>
    %get3A_2327 = vector.shape_cast %get3A_2326 : vector<1x1x1x342xbf16> to vector<342xbf16>
    %broadcast_in_dim3A_2328 = vector.shape_cast %get3A_2327 : vector<342xbf16> to vector<1x342xbf16>
    %add3A_2329 = arith.constant 3 : i32
    %add3A_2330 = arith.addi %mul3A_0, %add3A_2329 : i32
    %get3A_2331 = arith.constant 17 : index
    %get3A_2332 = arith.index_cast %add3A_2330 : i32 to index
    %get3A_2333 = memref.load %arg2[%get3A_2331, %get3A_2332] : memref<34x16xi32, #tpu.memory_space<smem>>
    %get3A_2334 = arith.index_cast %get3A_2333 : i32 to index
    %get3A_2335 = arith.constant 0 : index
    %get3A_2336 = arith.constant 0 : index
    %get3A_2337 = arith.constant 0 : index
    %get3A_2338 = vector.load %arg7[%get3A_2334, %get3A_2335, %get3A_2336, %get3A_2337] : memref<16x1x1x342xbf16, #tpu.memory_space<vmem>>, vector<1x1x1x342xbf16>
    %get3A_2339 = vector.shape_cast %get3A_2338 : vector<1x1x1x342xbf16> to vector<342xbf16>
    %broadcast_in_dim3A_2340 = vector.shape_cast %get3A_2339 : vector<342xbf16> to vector<1x342xbf16>
    %add3A_2341 = arith.constant 4 : i32
    %add3A_2342 = arith.addi %mul3A_0, %add3A_2341 : i32
    %get3A_2343 = arith.constant 17 : index
    %get3A_2344 = arith.index_cast %add3A_2342 : i32 to index
    %get3A_2345 = memref.load %arg2[%get3A_2343, %get3A_2344] : memref<34x16xi32, #tpu.memory_space<smem>>
    %get3A_2346 = arith.index_cast %get3A_2345 : i32 to index
    %get3A_2347 = arith.constant 0 : index
    %get3A_2348 = arith.constant 0 : index
    %get3A_2349 = arith.constant 0 : index
    %get3A_2350 = vector.load %arg7[%get3A_2346, %get3A_2347, %get3A_2348, %get3A_2349] : memref<16x1x1x342xbf16, #tpu.memory_space<vmem>>, vector<1x1x1x342xbf16>
    %get3A_2351 = vector.shape_cast %get3A_2350 : vector<1x1x1x342xbf16> to vector<342xbf16>
    %broadcast_in_dim3A_2352 = vector.shape_cast %get3A_2351 : vector<342xbf16> to vector<1x342xbf16>
    %add3A_2353 = arith.constant 5 : i32
    %add3A_2354 = arith.addi %mul3A_0, %add3A_2353 : i32
    %get3A_2355 = arith.constant 17 : index
    %get3A_2356 = arith.index_cast %add3A_2354 : i32 to index
    %get3A_2357 = memref.load %arg2[%get3A_2355, %get3A_2356] : memref<34x16xi32, #tpu.memory_space<smem>>
    %get3A_2358 = arith.index_cast %get3A_2357 : i32 to index
    %get3A_2359 = arith.constant 0 : index
    %get3A_2360 = arith.constant 0 : index
    %get3A_2361 = arith.constant 0 : index
    %get3A_2362 = vector.load %arg7[%get3A_2358, %get3A_2359, %get3A_2360, %get3A_2361] : memref<16x1x1x342xbf16, #tpu.memory_space<vmem>>, vector<1x1x1x342xbf16>
    %get3A_2363 = vector.shape_cast %get3A_2362 : vector<1x1x1x342xbf16> to vector<342xbf16>
    %broadcast_in_dim3A_2364 = vector.shape_cast %get3A_2363 : vector<342xbf16> to vector<1x342xbf16>
    %add3A_2365 = arith.constant 6 : i32
    %add3A_2366 = arith.addi %mul3A_0, %add3A_2365 : i32
    %get3A_2367 = arith.constant 17 : index
    %get3A_2368 = arith.index_cast %add3A_2366 : i32 to index
    %get3A_2369 = memref.load %arg2[%get3A_2367, %get3A_2368] : memref<34x16xi32, #tpu.memory_space<smem>>
    %get3A_2370 = arith.index_cast %get3A_2369 : i32 to index
    %get3A_2371 = arith.constant 0 : index
    %get3A_2372 = arith.constant 0 : index
    %get3A_2373 = arith.constant 0 : index
    %get3A_2374 = vector.load %arg7[%get3A_2370, %get3A_2371, %get3A_2372, %get3A_2373] : memref<16x1x1x342xbf16, #tpu.memory_space<vmem>>, vector<1x1x1x342xbf16>
    %get3A_2375 = vector.shape_cast %get3A_2374 : vector<1x1x1x342xbf16> to vector<342xbf16>
    %broadcast_in_dim3A_2376 = vector.shape_cast %get3A_2375 : vector<342xbf16> to vector<1x342xbf16>
    %add3A_2377 = arith.constant 7 : i32
    %add3A_2378 = arith.addi %mul3A_0, %add3A_2377 : i32
    %get3A_2379 = arith.constant 17 : index
    %get3A_2380 = arith.index_cast %add3A_2378 : i32 to index
    %get3A_2381 = memref.load %arg2[%get3A_2379, %get3A_2380] : memref<34x16xi32, #tpu.memory_space<smem>>
    %get3A_2382 = arith.index_cast %get3A_2381 : i32 to index
    %get3A_2383 = arith.constant 0 : index
    %get3A_2384 = arith.constant 0 : index
    %get3A_2385 = arith.constant 0 : index
    %get3A_2386 = vector.load %arg7[%get3A_2382, %get3A_2383, %get3A_2384, %get3A_2385] : memref<16x1x1x342xbf16, #tpu.memory_space<vmem>>, vector<1x1x1x342xbf16>
    %get3A_2387 = vector.shape_cast %get3A_2386 : vector<1x1x1x342xbf16> to vector<342xbf16>
    %broadcast_in_dim3A_2388 = vector.shape_cast %get3A_2387 : vector<342xbf16> to vector<1x342xbf16>
    %concatenate3A_2389 = tpu.concatenate %broadcast_in_dim3A_2304, %broadcast_in_dim3A_2316, %broadcast_in_dim3A_2328, %broadcast_in_dim3A_2340, %broadcast_in_dim3A_2352, %broadcast_in_dim3A_2364, %broadcast_in_dim3A_2376, %broadcast_in_dim3A_2388 in 0 : vector<1x342xbf16>, vector<1x342xbf16>, vector<1x342xbf16>, vector<1x342xbf16>, vector<1x342xbf16>, vector<1x342xbf16>, vector<1x342xbf16>, vector<1x342xbf16> -> vector<8x342xbf16>
    %get3A_2390 = arith.constant 0 : index
    %get3A_2391 = arith.constant 0 : index
    %get3A_2392 = vector.load %arg17[%get3A_2390, %get3A_2391] : memref<1344x8xbf16, #tpu.memory_space<vmem>>, vector<152x8xbf16>
    %dot_general3A_2393 = arith.constant dense<0.000000e+00> : vector<152x342xf32>
    %dot_general3A_2394 = tpu.matmul %get3A_2392, %concatenate3A_2389, %dot_general3A_2393 {dimension_numbers = #tpu.dot_dimension_numbers<[1], [0], [0], [1], [0, 0, 1, 1], [], []>, transpose_lhs_hint = false} : vector<152x8xbf16>, vector<8x342xbf16>, vector<152x342xf32> -> vector<152x342xf32>
    %convert_element_type3A_2395 = arith.truncf %dot_general3A_2394 : vector<152x342xf32> to vector<152x342xbf16>
    %get3A_2396 = arith.constant 216 : index
    %get3A_2397 = arith.constant 0 : index
    %get3A_2398 = vector.load %arg16[%get3A_2396, %get3A_2397] : memref<400x402xbf16, #tpu.memory_space<vmem>>, vector<19x342xbf16>
    %broadcast_in_dim3A_2399 = vector.shape_cast %get3A_2398 : vector<19x342xbf16> to vector<19x1x342xbf16>
    %broadcast_in_dim3A_2400 = vector.shape_cast %broadcast_in_dim3A_2399 : vector<19x1x342xbf16> to vector<19x1x342xbf16>
    %broadcast_in_dim3A_2401 = vector.broadcast %broadcast_in_dim3A_2400 : vector<19x1x342xbf16> to vector<19x8x342xbf16>
    %reshape3A_2402 = vector.shape_cast %broadcast_in_dim3A_2401 : vector<19x8x342xbf16> to vector<152x342xbf16>
    %mul3A_2403 = arith.mulf %reshape3A_2402, %convert_element_type3A_2395 : vector<152x342xbf16>
    %get3A_2404 = arith.constant 5920 : index
    %get3A_2405 = arith.constant 0 : index
    %get3A_2406 = vector.load %arg15[%get3A_2404, %get3A_2405] : memref<8312x512xbf16, #tpu.memory_space<vmem>>, vector<342x512xbf16>
    %dot_general3A_2407 = arith.constant dense<0.000000e+00> : vector<152x512xf32>
    %dot_general3A_2408 = tpu.matmul %mul3A_2403, %get3A_2406, %dot_general3A_2407 {dimension_numbers = #tpu.dot_dimension_numbers<[1], [0], [0], [1], [0, 0, 1, 1], [], []>, transpose_lhs_hint = false} : vector<152x342xbf16>, vector<342x512xbf16>, vector<152x512xf32> -> vector<152x512xf32>
    %get3A_2409 = arith.constant 216 : index
    %get3A_2410 = arith.constant 0 : index
    %get3A_2411 = vector.load %arg19[%get3A_2409, %get3A_2410] : memref<400x256xf32, #tpu.memory_space<vmem>>, vector<19x256xf32>
    %broadcast_in_dim3A_2412 = vector.shape_cast %get3A_2411 : vector<19x256xf32> to vector<19x1x256xf32>
    %broadcast_in_dim3A_2413 = vector.shape_cast %broadcast_in_dim3A_2412 : vector<19x1x256xf32> to vector<19x1x256xf32>
    %broadcast_in_dim3A_2414 = vector.broadcast %broadcast_in_dim3A_2413 : vector<19x1x256xf32> to vector<19x8x256xf32>
    %reshape3A_2415 = vector.shape_cast %broadcast_in_dim3A_2414 : vector<19x8x256xf32> to vector<152x256xf32>
    %broadcast_in_dim3A_2416 = vector.shape_cast %get3A_4 : vector<1x256xf32> to vector<1x256xf32>
    %broadcast_in_dim3A_2417 = vector.broadcast %broadcast_in_dim3A_2416 : vector<1x256xf32> to vector<152x256xf32>
    %concatenate3A_2418 = tpu.concatenate %broadcast_in_dim3A_2417, %reshape3A_2415 in 1 : vector<152x256xf32>, vector<152x256xf32> -> vector<152x512xf32>
    %add3A_2419 = arith.addf %dot_general3A_2408, %concatenate3A_2418 : vector<152x512xf32>
    %reshape3A_2420 = vector.shape_cast %add3A_2419 : vector<152x512xf32> to vector<19x8x512xf32>
    %swap3A_2421 = arith.constant 0 : index
    %swap3A_2422 = arith.constant 0 : index
    %swap3A_2423 = arith.constant 0 : index
    %swap3A_2424 = arith.constant 0 : index
    %swap3A_2425 = vector.load %arg37[%swap3A_2421, %swap3A_2422, %swap3A_2423, %swap3A_2424] : memref<1x19x8x512xf32, #tpu.memory_space<vmem>>, vector<1x19x8x512xf32>
    %swap3A_2426 = vector.shape_cast %swap3A_2425 : vector<1x19x8x512xf32> to vector<19x8x512xf32>
    %swap3A_2427 = vector.shape_cast %reshape3A_2420 : vector<19x8x512xf32> to vector<1x19x8x512xf32>
    tpu.vector_store %arg37[%swap3A_2421, %swap3A_2422, %swap3A_2423, %swap3A_2424], %swap3A_2427 {strides = array<i32>} : memref<1x19x8x512xf32, #tpu.memory_space<vmem>>, vector<1x19x8x512xf32>,
    %add3A_2428 = arith.constant 0 : i32
    %add3A_2429 = arith.addi %mul3A_0, %add3A_2428 : i32
    %get3A_2430 = arith.constant 18 : index
    %get3A_2431 = arith.index_cast %add3A_2429 : i32 to index
    %get3A_2432 = memref.load %arg2[%get3A_2430, %get3A_2431] : memref<34x16xi32, #tpu.memory_space<smem>>
    %get3A_2433 = arith.index_cast %get3A_2432 : i32 to index
    %get3A_2434 = arith.constant 0 : index
    %get3A_2435 = arith.constant 0 : index
    %get3A_2436 = arith.constant 0 : index
    %get3A_2437 = vector.load %arg5[%get3A_2433, %get3A_2434, %get3A_2435, %get3A_2436] : memref<16x1x1x340xbf16, #tpu.memory_space<vmem>>, vector<1x1x1x340xbf16>
    %get3A_2438 = vector.shape_cast %get3A_2437 : vector<1x1x1x340xbf16> to vector<340xbf16>
    %broadcast_in_dim3A_2439 = vector.shape_cast %get3A_2438 : vector<340xbf16> to vector<1x340xbf16>
    %add3A_2440 = arith.constant 1 : i32
    %add3A_2441 = arith.addi %mul3A_0, %add3A_2440 : i32
    %get3A_2442 = arith.constant 18 : index
    %get3A_2443 = arith.index_cast %add3A_2441 : i32 to index
    %get3A_2444 = memref.load %arg2[%get3A_2442, %get3A_2443] : memref<34x16xi32, #tpu.memory_space<smem>>
    %get3A_2445 = arith.index_cast %get3A_2444 : i32 to index
    %get3A_2446 = arith.constant 0 : index
    %get3A_2447 = arith.constant 0 : index
    %get3A_2448 = arith.constant 0 : index
    %get3A_2449 = vector.load %arg5[%get3A_2445, %get3A_2446, %get3A_2447, %get3A_2448] : memref<16x1x1x340xbf16, #tpu.memory_space<vmem>>, vector<1x1x1x340xbf16>
    %get3A_2450 = vector.shape_cast %get3A_2449 : vector<1x1x1x340xbf16> to vector<340xbf16>
    %broadcast_in_dim3A_2451 = vector.shape_cast %get3A_2450 : vector<340xbf16> to vector<1x340xbf16>
    %add3A_2452 = arith.constant 2 : i32
    %add3A_2453 = arith.addi %mul3A_0, %add3A_2452 : i32
    %get3A_2454 = arith.constant 18 : index
    %get3A_2455 = arith.index_cast %add3A_2453 : i32 to index
    %get3A_2456 = memref.load %arg2[%get3A_2454, %get3A_2455] : memref<34x16xi32, #tpu.memory_space<smem>>
    %get3A_2457 = arith.index_cast %get3A_2456 : i32 to index
    %get3A_2458 = arith.constant 0 : index
    %get3A_2459 = arith.constant 0 : index
    %get3A_2460 = arith.constant 0 : index
    %get3A_2461 = vector.load %arg5[%get3A_2457, %get3A_2458, %get3A_2459, %get3A_2460] : memref<16x1x1x340xbf16, #tpu.memory_space<vmem>>, vector<1x1x1x340xbf16>
    %get3A_2462 = vector.shape_cast %get3A_2461 : vector<1x1x1x340xbf16> to vector<340xbf16>
    %broadcast_in_dim3A_2463 = vector.shape_cast %get3A_2462 : vector<340xbf16> to vector<1x340xbf16>
    %add3A_2464 = arith.constant 3 : i32
    %add3A_2465 = arith.addi %mul3A_0, %add3A_2464 : i32
    %get3A_2466 = arith.constant 18 : index
    %get3A_2467 = arith.index_cast %add3A_2465 : i32 to index
    %get3A_2468 = memref.load %arg2[%get3A_2466, %get3A_2467] : memref<34x16xi32, #tpu.memory_space<smem>>
    %get3A_2469 = arith.index_cast %get3A_2468 : i32 to index
    %get3A_2470 = arith.constant 0 : index
    %get3A_2471 = arith.constant 0 : index
    %get3A_2472 = arith.constant 0 : index
    %get3A_2473 = vector.load %arg5[%get3A_2469, %get3A_2470, %get3A_2471, %get3A_2472] : memref<16x1x1x340xbf16, #tpu.memory_space<vmem>>, vector<1x1x1x340xbf16>
    %get3A_2474 = vector.shape_cast %get3A_2473 : vector<1x1x1x340xbf16> to vector<340xbf16>
    %broadcast_in_dim3A_2475 = vector.shape_cast %get3A_2474 : vector<340xbf16> to vector<1x340xbf16>
    %add3A_2476 = arith.constant 4 : i32
    %add3A_2477 = arith.addi %mul3A_0, %add3A_2476 : i32
    %get3A_2478 = arith.constant 18 : index
    %get3A_2479 = arith.index_cast %add3A_2477 : i32 to index
    %get3A_2480 = memref.load %arg2[%get3A_2478, %get3A_2479] : memref<34x16xi32, #tpu.memory_space<smem>>
    %get3A_2481 = arith.index_cast %get3A_2480 : i32 to index
    %get3A_2482 = arith.constant 0 : index
    %get3A_2483 = arith.constant 0 : index
    %get3A_2484 = arith.constant 0 : index
    %get3A_2485 = vector.load %arg5[%get3A_2481, %get3A_2482, %get3A_2483, %get3A_2484] : memref<16x1x1x340xbf16, #tpu.memory_space<vmem>>, vector<1x1x1x340xbf16>
    %get3A_2486 = vector.shape_cast %get3A_2485 : vector<1x1x1x340xbf16> to vector<340xbf16>
    %broadcast_in_dim3A_2487 = vector.shape_cast %get3A_2486 : vector<340xbf16> to vector<1x340xbf16>
    %add3A_2488 = arith.constant 5 : i32
    %add3A_2489 = arith.addi %mul3A_0, %add3A_2488 : i32
    %get3A_2490 = arith.constant 18 : index
    %get3A_2491 = arith.index_cast %add3A_2489 : i32 to index
    %get3A_2492 = memref.load %arg2[%get3A_2490, %get3A_2491] : memref<34x16xi32, #tpu.memory_space<smem>>
    %get3A_2493 = arith.index_cast %get3A_2492 : i32 to index
    %get3A_2494 = arith.constant 0 : index
    %get3A_2495 = arith.constant 0 : index
    %get3A_2496 = arith.constant 0 : index
    %get3A_2497 = vector.load %arg5[%get3A_2493, %get3A_2494, %get3A_2495, %get3A_2496] : memref<16x1x1x340xbf16, #tpu.memory_space<vmem>>, vector<1x1x1x340xbf16>
    %get3A_2498 = vector.shape_cast %get3A_2497 : vector<1x1x1x340xbf16> to vector<340xbf16>
    %broadcast_in_dim3A_2499 = vector.shape_cast %get3A_2498 : vector<340xbf16> to vector<1x340xbf16>
    %add3A_2500 = arith.constant 6 : i32
    %add3A_2501 = arith.addi %mul3A_0, %add3A_2500 : i32
    %get3A_2502 = arith.constant 18 : index
    %get3A_2503 = arith.index_cast %add3A_2501 : i32 to index
    %get3A_2504 = memref.load %arg2[%get3A_2502, %get3A_2503] : memref<34x16xi32, #tpu.memory_space<smem>>
    %get3A_2505 = arith.index_cast %get3A_2504 : i32 to index
    %get3A_2506 = arith.constant 0 : index
    %get3A_2507 = arith.constant 0 : index
    %get3A_2508 = arith.constant 0 : index
    %get3A_2509 = vector.load %arg5[%get3A_2505, %get3A_2506, %get3A_2507, %get3A_2508] : memref<16x1x1x340xbf16, #tpu.memory_space<vmem>>, vector<1x1x1x340xbf16>
    %get3A_2510 = vector.shape_cast %get3A_2509 : vector<1x1x1x340xbf16> to vector<340xbf16>
    %broadcast_in_dim3A_2511 = vector.shape_cast %get3A_2510 : vector<340xbf16> to vector<1x340xbf16>
    %add3A_2512 = arith.constant 7 : i32
    %add3A_2513 = arith.addi %mul3A_0, %add3A_2512 : i32
    %get3A_2514 = arith.constant 18 : index
    %get3A_2515 = arith.index_cast %add3A_2513 : i32 to index
    %get3A_2516 = memref.load %arg2[%get3A_2514, %get3A_2515] : memref<34x16xi32, #tpu.memory_space<smem>>
    %get3A_2517 = arith.index_cast %get3A_2516 : i32 to index
    %get3A_2518 = arith.constant 0 : index
    %get3A_2519 = arith.constant 0 : index
    %get3A_2520 = arith.constant 0 : index
    %get3A_2521 = vector.load %arg5[%get3A_2517, %get3A_2518, %get3A_2519, %get3A_2520] : memref<16x1x1x340xbf16, #tpu.memory_space<vmem>>, vector<1x1x1x340xbf16>
    %get3A_2522 = vector.shape_cast %get3A_2521 : vector<1x1x1x340xbf16> to vector<340xbf16>
    %broadcast_in_dim3A_2523 = vector.shape_cast %get3A_2522 : vector<340xbf16> to vector<1x340xbf16>
    %concatenate3A_2524 = tpu.concatenate %broadcast_in_dim3A_2439, %broadcast_in_dim3A_2451, %broadcast_in_dim3A_2463, %broadcast_in_dim3A_2475, %broadcast_in_dim3A_2487, %broadcast_in_dim3A_2499, %broadcast_in_dim3A_2511, %broadcast_in_dim3A_2523 in 0 : vector<1x340xbf16>, vector<1x340xbf16>, vector<1x340xbf16>, vector<1x340xbf16>, vector<1x340xbf16>, vector<1x340xbf16>, vector<1x340xbf16>, vector<1x340xbf16> -> vector<8x340xbf16>
    %get3A_2525 = arith.constant 0 : index
    %get3A_2526 = arith.constant 0 : index
    %get3A_2527 = vector.load %arg17[%get3A_2525, %get3A_2526] : memref<1344x8xbf16, #tpu.memory_space<vmem>>, vector<160x8xbf16>
    %dot_general3A_2528 = arith.constant dense<0.000000e+00> : vector<160x340xf32>
    %dot_general3A_2529 = tpu.matmul %get3A_2527, %concatenate3A_2524, %dot_general3A_2528 {dimension_numbers = #tpu.dot_dimension_numbers<[1], [0], [0], [1], [0, 0, 1, 1], [], []>, transpose_lhs_hint = false} : vector<160x8xbf16>, vector<8x340xbf16>, vector<160x340xf32> -> vector<160x340xf32>
    %convert_element_type3A_2530 = arith.truncf %dot_general3A_2529 : vector<160x340xf32> to vector<160x340xbf16>
    %get3A_2531 = arith.constant 240 : index
    %get3A_2532 = arith.constant 0 : index
    %get3A_2533 = vector.load %arg16[%get3A_2531, %get3A_2532] : memref<400x402xbf16, #tpu.memory_space<vmem>>, vector<20x340xbf16>
    %broadcast_in_dim3A_2534 = vector.shape_cast %get3A_2533 : vector<20x340xbf16> to vector<20x1x340xbf16>
    %broadcast_in_dim3A_2535 = vector.shape_cast %broadcast_in_dim3A_2534 : vector<20x1x340xbf16> to vector<20x1x340xbf16>
    %broadcast_in_dim3A_2536 = vector.broadcast %broadcast_in_dim3A_2535 : vector<20x1x340xbf16> to vector<20x8x340xbf16>
    %reshape3A_2537 = vector.shape_cast %broadcast_in_dim3A_2536 : vector<20x8x340xbf16> to vector<160x340xbf16>
    %mul3A_2538 = arith.mulf %reshape3A_2537, %convert_element_type3A_2530 : vector<160x340xbf16>
    %get3A_2539 = arith.constant 6264 : index
    %get3A_2540 = arith.constant 0 : index
    %get3A_2541 = vector.load %arg15[%get3A_2539, %get3A_2540] : memref<8312x512xbf16, #tpu.memory_space<vmem>>, vector<340x512xbf16>
    %dot_general3A_2542 = arith.constant dense<0.000000e+00> : vector<160x512xf32>
    %dot_general3A_2543 = tpu.matmul %mul3A_2538, %get3A_2541, %dot_general3A_2542 {dimension_numbers = #tpu.dot_dimension_numbers<[1], [0], [0], [1], [0, 0, 1, 1], [], []>, transpose_lhs_hint = false} : vector<160x340xbf16>, vector<340x512xbf16>, vector<160x512xf32> -> vector<160x512xf32>
    %get3A_2544 = arith.constant 240 : index
    %get3A_2545 = arith.constant 0 : index
    %get3A_2546 = vector.load %arg19[%get3A_2544, %get3A_2545] : memref<400x256xf32, #tpu.memory_space<vmem>>, vector<20x256xf32>
    %broadcast_in_dim3A_2547 = vector.shape_cast %get3A_2546 : vector<20x256xf32> to vector<20x1x256xf32>
    %broadcast_in_dim3A_2548 = vector.shape_cast %broadcast_in_dim3A_2547 : vector<20x1x256xf32> to vector<20x1x256xf32>
    %broadcast_in_dim3A_2549 = vector.broadcast %broadcast_in_dim3A_2548 : vector<20x1x256xf32> to vector<20x8x256xf32>
    %reshape3A_2550 = vector.shape_cast %broadcast_in_dim3A_2549 : vector<20x8x256xf32> to vector<160x256xf32>
    %broadcast_in_dim3A_2551 = vector.shape_cast %get3A_4 : vector<1x256xf32> to vector<1x256xf32>
    %broadcast_in_dim3A_2552 = vector.broadcast %broadcast_in_dim3A_2551 : vector<1x256xf32> to vector<160x256xf32>
    %concatenate3A_2553 = tpu.concatenate %broadcast_in_dim3A_2552, %reshape3A_2550 in 1 : vector<160x256xf32>, vector<160x256xf32> -> vector<160x512xf32>
    %add3A_2554 = arith.addf %dot_general3A_2543, %concatenate3A_2553 : vector<160x512xf32>
    %reshape3A_2555 = vector.shape_cast %add3A_2554 : vector<160x512xf32> to vector<20x8x512xf32>
    %swap3A_2556 = arith.constant 0 : index
    %swap3A_2557 = arith.constant 0 : index
    %swap3A_2558 = arith.constant 0 : index
    %swap3A_2559 = arith.constant 0 : index
    %swap3A_2560 = vector.load %arg38[%swap3A_2556, %swap3A_2557, %swap3A_2558, %swap3A_2559] : memref<1x20x8x512xf32, #tpu.memory_space<vmem>>, vector<1x20x8x512xf32>
    %swap3A_2561 = vector.shape_cast %swap3A_2560 : vector<1x20x8x512xf32> to vector<20x8x512xf32>
    %swap3A_2562 = vector.shape_cast %reshape3A_2555 : vector<20x8x512xf32> to vector<1x20x8x512xf32>
    tpu.vector_store %arg38[%swap3A_2556, %swap3A_2557, %swap3A_2558, %swap3A_2559], %swap3A_2562 {strides = array<i32>} : memref<1x20x8x512xf32, #tpu.memory_space<vmem>>, vector<1x20x8x512xf32>,
    %add3A_2563 = arith.constant 0 : i32
    %add3A_2564 = arith.addi %mul3A_0, %add3A_2563 : i32
    %get3A_2565 = arith.constant 19 : index
    %get3A_2566 = arith.index_cast %add3A_2564 : i32 to index
    %get3A_2567 = memref.load %arg2[%get3A_2565, %get3A_2566] : memref<34x16xi32, #tpu.memory_space<smem>>
    %get3A_2568 = arith.index_cast %get3A_2567 : i32 to index
    %get3A_2569 = arith.constant 0 : index
    %get3A_2570 = arith.constant 0 : index
    %get3A_2571 = arith.constant 0 : index
    %get3A_2572 = vector.load %arg3[%get3A_2568, %get3A_2569, %get3A_2570, %get3A_2571] : memref<16x1x1x336xbf16, #tpu.memory_space<vmem>>, vector<1x1x1x336xbf16>
    %get3A_2573 = vector.shape_cast %get3A_2572 : vector<1x1x1x336xbf16> to vector<336xbf16>
    %broadcast_in_dim3A_2574 = vector.shape_cast %get3A_2573 : vector<336xbf16> to vector<1x336xbf16>
    %add3A_2575 = arith.constant 1 : i32
    %add3A_2576 = arith.addi %mul3A_0, %add3A_2575 : i32
    %get3A_2577 = arith.constant 19 : index
    %get3A_2578 = arith.index_cast %add3A_2576 : i32 to index
    %get3A_2579 = memref.load %arg2[%get3A_2577, %get3A_2578] : memref<34x16xi32, #tpu.memory_space<smem>>
    %get3A_2580 = arith.index_cast %get3A_2579 : i32 to index
    %get3A_2581 = arith.constant 0 : index
    %get3A_2582 = arith.constant 0 : index
    %get3A_2583 = arith.constant 0 : index
    %get3A_2584 = vector.load %arg3[%get3A_2580, %get3A_2581, %get3A_2582, %get3A_2583] : memref<16x1x1x336xbf16, #tpu.memory_space<vmem>>, vector<1x1x1x336xbf16>
    %get3A_2585 = vector.shape_cast %get3A_2584 : vector<1x1x1x336xbf16> to vector<336xbf16>
    %broadcast_in_dim3A_2586 = vector.shape_cast %get3A_2585 : vector<336xbf16> to vector<1x336xbf16>
    %add3A_2587 = arith.constant 2 : i32
    %add3A_2588 = arith.addi %mul3A_0, %add3A_2587 : i32
    %get3A_2589 = arith.constant 19 : index
    %get3A_2590 = arith.index_cast %add3A_2588 : i32 to index
    %get3A_2591 = memref.load %arg2[%get3A_2589, %get3A_2590] : memref<34x16xi32, #tpu.memory_space<smem>>
    %get3A_2592 = arith.index_cast %get3A_2591 : i32 to index
    %get3A_2593 = arith.constant 0 : index
    %get3A_2594 = arith.constant 0 : index
    %get3A_2595 = arith.constant 0 : index
    %get3A_2596 = vector.load %arg3[%get3A_2592, %get3A_2593, %get3A_2594, %get3A_2595] : memref<16x1x1x336xbf16, #tpu.memory_space<vmem>>, vector<1x1x1x336xbf16>
    %get3A_2597 = vector.shape_cast %get3A_2596 : vector<1x1x1x336xbf16> to vector<336xbf16>
    %broadcast_in_dim3A_2598 = vector.shape_cast %get3A_2597 : vector<336xbf16> to vector<1x336xbf16>
    %add3A_2599 = arith.constant 3 : i32
    %add3A_2600 = arith.addi %mul3A_0, %add3A_2599 : i32
    %get3A_2601 = arith.constant 19 : index
    %get3A_2602 = arith.index_cast %add3A_2600 : i32 to index
    %get3A_2603 = memref.load %arg2[%get3A_2601, %get3A_2602] : memref<34x16xi32, #tpu.memory_space<smem>>
    %get3A_2604 = arith.index_cast %get3A_2603 : i32 to index
    %get3A_2605 = arith.constant 0 : index
    %get3A_2606 = arith.constant 0 : index
    %get3A_2607 = arith.constant 0 : index
    %get3A_2608 = vector.load %arg3[%get3A_2604, %get3A_2605, %get3A_2606, %get3A_2607] : memref<16x1x1x336xbf16, #tpu.memory_space<vmem>>, vector<1x1x1x336xbf16>
    %get3A_2609 = vector.shape_cast %get3A_2608 : vector<1x1x1x336xbf16> to vector<336xbf16>
    %broadcast_in_dim3A_2610 = vector.shape_cast %get3A_2609 : vector<336xbf16> to vector<1x336xbf16>
    %add3A_2611 = arith.constant 4 : i32
    %add3A_2612 = arith.addi %mul3A_0, %add3A_2611 : i32
    %get3A_2613 = arith.constant 19 : index
    %get3A_2614 = arith.index_cast %add3A_2612 : i32 to index
    %get3A_2615 = memref.load %arg2[%get3A_2613, %get3A_2614] : memref<34x16xi32, #tpu.memory_space<smem>>
    %get3A_2616 = arith.index_cast %get3A_2615 : i32 to index
    %get3A_2617 = arith.constant 0 : index
    %get3A_2618 = arith.constant 0 : index
    %get3A_2619 = arith.constant 0 : index
    %get3A_2620 = vector.load %arg3[%get3A_2616, %get3A_2617, %get3A_2618, %get3A_2619] : memref<16x1x1x336xbf16, #tpu.memory_space<vmem>>, vector<1x1x1x336xbf16>
    %get3A_2621 = vector.shape_cast %get3A_2620 : vector<1x1x1x336xbf16> to vector<336xbf16>
    %broadcast_in_dim3A_2622 = vector.shape_cast %get3A_2621 : vector<336xbf16> to vector<1x336xbf16>
    %add3A_2623 = arith.constant 5 : i32
    %add3A_2624 = arith.addi %mul3A_0, %add3A_2623 : i32
    %get3A_2625 = arith.constant 19 : index
    %get3A_2626 = arith.index_cast %add3A_2624 : i32 to index
    %get3A_2627 = memref.load %arg2[%get3A_2625, %get3A_2626] : memref<34x16xi32, #tpu.memory_space<smem>>
    %get3A_2628 = arith.index_cast %get3A_2627 : i32 to index
    %get3A_2629 = arith.constant 0 : index
    %get3A_2630 = arith.constant 0 : index
    %get3A_2631 = arith.constant 0 : index
    %get3A_2632 = vector.load %arg3[%get3A_2628, %get3A_2629, %get3A_2630, %get3A_2631] : memref<16x1x1x336xbf16, #tpu.memory_space<vmem>>, vector<1x1x1x336xbf16>
    %get3A_2633 = vector.shape_cast %get3A_2632 : vector<1x1x1x336xbf16> to vector<336xbf16>
    %broadcast_in_dim3A_2634 = vector.shape_cast %get3A_2633 : vector<336xbf16> to vector<1x336xbf16>
    %add3A_2635 = arith.constant 6 : i32
    %add3A_2636 = arith.addi %mul3A_0, %add3A_2635 : i32
    %get3A_2637 = arith.constant 19 : index
    %get3A_2638 = arith.index_cast %add3A_2636 : i32 to index
    %get3A_2639 = memref.load %arg2[%get3A_2637, %get3A_2638] : memref<34x16xi32, #tpu.memory_space<smem>>
    %get3A_2640 = arith.index_cast %get3A_2639 : i32 to index
    %get3A_2641 = arith.constant 0 : index
    %get3A_2642 = arith.constant 0 : index
    %get3A_2643 = arith.constant 0 : index
    %get3A_2644 = vector.load %arg3[%get3A_2640, %get3A_2641, %get3A_2642, %get3A_2643] : memref<16x1x1x336xbf16, #tpu.memory_space<vmem>>, vector<1x1x1x336xbf16>
    %get3A_2645 = vector.shape_cast %get3A_2644 : vector<1x1x1x336xbf16> to vector<336xbf16>
    %broadcast_in_dim3A_2646 = vector.shape_cast %get3A_2645 : vector<336xbf16> to vector<1x336xbf16>
    %add3A_2647 = arith.constant 7 : i32
    %add3A_2648 = arith.addi %mul3A_0, %add3A_2647 : i32
    %get3A_2649 = arith.constant 19 : index
    %get3A_2650 = arith.index_cast %add3A_2648 : i32 to index
    %get3A_2651 = memref.load %arg2[%get3A_2649, %get3A_2650] : memref<34x16xi32, #tpu.memory_space<smem>>
    %get3A_2652 = arith.index_cast %get3A_2651 : i32 to index
    %get3A_2653 = arith.constant 0 : index
    %get3A_2654 = arith.constant 0 : index
    %get3A_2655 = arith.constant 0 : index
    %get3A_2656 = vector.load %arg3[%get3A_2652, %get3A_2653, %get3A_2654, %get3A_2655] : memref<16x1x1x336xbf16, #tpu.memory_space<vmem>>, vector<1x1x1x336xbf16>
    %get3A_2657 = vector.shape_cast %get3A_2656 : vector<1x1x1x336xbf16> to vector<336xbf16>
    %broadcast_in_dim3A_2658 = vector.shape_cast %get3A_2657 : vector<336xbf16> to vector<1x336xbf16>
    %concatenate3A_2659 = tpu.concatenate %broadcast_in_dim3A_2574, %broadcast_in_dim3A_2586, %broadcast_in_dim3A_2598, %broadcast_in_dim3A_2610, %broadcast_in_dim3A_2622, %broadcast_in_dim3A_2634, %broadcast_in_dim3A_2646, %broadcast_in_dim3A_2658 in 0 : vector<1x336xbf16>, vector<1x336xbf16>, vector<1x336xbf16>, vector<1x336xbf16>, vector<1x336xbf16>, vector<1x336xbf16>, vector<1x336xbf16>, vector<1x336xbf16> -> vector<8x336xbf16>
    %get3A_2660 = arith.constant 0 : index
    %get3A_2661 = arith.constant 0 : index
    %get3A_2662 = vector.load %arg17[%get3A_2660, %get3A_2661] : memref<1344x8xbf16, #tpu.memory_space<vmem>>, vector<168x8xbf16>
    %dot_general3A_2663 = arith.constant dense<0.000000e+00> : vector<168x336xf32>
    %dot_general3A_2664 = tpu.matmul %get3A_2662, %concatenate3A_2659, %dot_general3A_2663 {dimension_numbers = #tpu.dot_dimension_numbers<[1], [0], [0], [1], [0, 0, 1, 1], [], []>, transpose_lhs_hint = false} : vector<168x8xbf16>, vector<8x336xbf16>, vector<168x336xf32> -> vector<168x336xf32>
    %convert_element_type3A_2665 = arith.truncf %dot_general3A_2664 : vector<168x336xf32> to vector<168x336xbf16>
    %get3A_2666 = arith.constant 264 : index
    %get3A_2667 = arith.constant 0 : index
    %get3A_2668 = vector.load %arg16[%get3A_2666, %get3A_2667] : memref<400x402xbf16, #tpu.memory_space<vmem>>, vector<21x336xbf16>
    %broadcast_in_dim3A_2669 = vector.shape_cast %get3A_2668 : vector<21x336xbf16> to vector<21x1x336xbf16>
    %broadcast_in_dim3A_2670 = vector.shape_cast %broadcast_in_dim3A_2669 : vector<21x1x336xbf16> to vector<21x1x336xbf16>
    %broadcast_in_dim3A_2671 = vector.broadcast %broadcast_in_dim3A_2670 : vector<21x1x336xbf16> to vector<21x8x336xbf16>
    %reshape3A_2672 = vector.shape_cast %broadcast_in_dim3A_2671 : vector<21x8x336xbf16> to vector<168x336xbf16>
    %mul3A_2673 = arith.mulf %reshape3A_2672, %convert_element_type3A_2665 : vector<168x336xbf16>
    %get3A_2674 = arith.constant 6608 : index
    %get3A_2675 = arith.constant 0 : index
    %get3A_2676 = vector.load %arg15[%get3A_2674, %get3A_2675] : memref<8312x512xbf16, #tpu.memory_space<vmem>>, vector<336x512xbf16>
    %dot_general3A_2677 = arith.constant dense<0.000000e+00> : vector<168x512xf32>
    %dot_general3A_2678 = tpu.matmul %mul3A_2673, %get3A_2676, %dot_general3A_2677 {dimension_numbers = #tpu.dot_dimension_numbers<[1], [0], [0], [1], [0, 0, 1, 1], [], []>, transpose_lhs_hint = false} : vector<168x336xbf16>, vector<336x512xbf16>, vector<168x512xf32> -> vector<168x512xf32>
    %get3A_2679 = arith.constant 264 : index
    %get3A_2680 = arith.constant 0 : index
    %get3A_2681 = vector.load %arg19[%get3A_2679, %get3A_2680] : memref<400x256xf32, #tpu.memory_space<vmem>>, vector<21x256xf32>
    %broadcast_in_dim3A_2682 = vector.shape_cast %get3A_2681 : vector<21x256xf32> to vector<21x1x256xf32>
    %broadcast_in_dim3A_2683 = vector.shape_cast %broadcast_in_dim3A_2682 : vector<21x1x256xf32> to vector<21x1x256xf32>
    %broadcast_in_dim3A_2684 = vector.broadcast %broadcast_in_dim3A_2683 : vector<21x1x256xf32> to vector<21x8x256xf32>
    %reshape3A_2685 = vector.shape_cast %broadcast_in_dim3A_2684 : vector<21x8x256xf32> to vector<168x256xf32>
    %broadcast_in_dim3A_2686 = vector.shape_cast %get3A_4 : vector<1x256xf32> to vector<1x256xf32>
    %broadcast_in_dim3A_2687 = vector.broadcast %broadcast_in_dim3A_2686 : vector<1x256xf32> to vector<168x256xf32>
    %concatenate3A_2688 = tpu.concatenate %broadcast_in_dim3A_2687, %reshape3A_2685 in 1 : vector<168x256xf32>, vector<168x256xf32> -> vector<168x512xf32>
    %add3A_2689 = arith.addf %dot_general3A_2678, %concatenate3A_2688 : vector<168x512xf32>
    %reshape3A_2690 = vector.shape_cast %add3A_2689 : vector<168x512xf32> to vector<21x8x512xf32>
    %swap3A_2691 = arith.constant 0 : index
    %swap3A_2692 = arith.constant 0 : index
    %swap3A_2693 = arith.constant 0 : index
    %swap3A_2694 = arith.constant 0 : index
    %swap3A_2695 = vector.load %arg39[%swap3A_2691, %swap3A_2692, %swap3A_2693, %swap3A_2694] : memref<1x21x8x512xf32, #tpu.memory_space<vmem>>, vector<1x21x8x512xf32>
    %swap3A_2696 = vector.shape_cast %swap3A_2695 : vector<1x21x8x512xf32> to vector<21x8x512xf32>
    %swap3A_2697 = vector.shape_cast %reshape3A_2690 : vector<21x8x512xf32> to vector<1x21x8x512xf32>
    tpu.vector_store %arg39[%swap3A_2691, %swap3A_2692, %swap3A_2693, %swap3A_2694], %swap3A_2697 {strides = array<i32>} : memref<1x21x8x512xf32, #tpu.memory_space<vmem>>, vector<1x21x8x512xf32>,
    %add3A_2698 = arith.constant 0 : i32
    %add3A_2699 = arith.addi %mul3A_0, %add3A_2698 : i32
    %get3A_2700 = arith.constant 20 : index
    %get3A_2701 = arith.index_cast %add3A_2699 : i32 to index
    %get3A_2702 = memref.load %arg2[%get3A_2700, %get3A_2701] : memref<34x16xi32, #tpu.memory_space<smem>>
    %get3A_2703 = arith.index_cast %get3A_2702 : i32 to index
    %get3A_2704 = arith.constant 0 : index
    %get3A_2705 = arith.constant 0 : index
    %get3A_2706 = arith.constant 0 : index
    %get3A_2707 = vector.load %arg8[%get3A_2703, %get3A_2704, %get3A_2705, %get3A_2706] : memref<16x1x1x345xbf16, #tpu.memory_space<vmem>>, vector<1x1x1x345xbf16>
    %get3A_2708 = vector.shape_cast %get3A_2707 : vector<1x1x1x345xbf16> to vector<345xbf16>
    %broadcast_in_dim3A_2709 = vector.shape_cast %get3A_2708 : vector<345xbf16> to vector<1x345xbf16>
    %add3A_2710 = arith.constant 1 : i32
    %add3A_2711 = arith.addi %mul3A_0, %add3A_2710 : i32
    %get3A_2712 = arith.constant 20 : index
    %get3A_2713 = arith.index_cast %add3A_2711 : i32 to index
    %get3A_2714 = memref.load %arg2[%get3A_2712, %get3A_2713] : memref<34x16xi32, #tpu.memory_space<smem>>
    %get3A_2715 = arith.index_cast %get3A_2714 : i32 to index
    %get3A_2716 = arith.constant 0 : index
    %get3A_2717 = arith.constant 0 : index
    %get3A_2718 = arith.constant 0 : index
    %get3A_2719 = vector.load %arg8[%get3A_2715, %get3A_2716, %get3A_2717, %get3A_2718] : memref<16x1x1x345xbf16, #tpu.memory_space<vmem>>, vector<1x1x1x345xbf16>
    %get3A_2720 = vector.shape_cast %get3A_2719 : vector<1x1x1x345xbf16> to vector<345xbf16>
    %broadcast_in_dim3A_2721 = vector.shape_cast %get3A_2720 : vector<345xbf16> to vector<1x345xbf16>
    %add3A_2722 = arith.constant 2 : i32
    %add3A_2723 = arith.addi %mul3A_0, %add3A_2722 : i32
    %get3A_2724 = arith.constant 20 : index
    %get3A_2725 = arith.index_cast %add3A_2723 : i32 to index
    %get3A_2726 = memref.load %arg2[%get3A_2724, %get3A_2725] : memref<34x16xi32, #tpu.memory_space<smem>>
    %get3A_2727 = arith.index_cast %get3A_2726 : i32 to index
    %get3A_2728 = arith.constant 0 : index
    %get3A_2729 = arith.constant 0 : index
    %get3A_2730 = arith.constant 0 : index
    %get3A_2731 = vector.load %arg8[%get3A_2727, %get3A_2728, %get3A_2729, %get3A_2730] : memref<16x1x1x345xbf16, #tpu.memory_space<vmem>>, vector<1x1x1x345xbf16>
    %get3A_2732 = vector.shape_cast %get3A_2731 : vector<1x1x1x345xbf16> to vector<345xbf16>
    %broadcast_in_dim3A_2733 = vector.shape_cast %get3A_2732 : vector<345xbf16> to vector<1x345xbf16>
    %add3A_2734 = arith.constant 3 : i32
    %add3A_2735 = arith.addi %mul3A_0, %add3A_2734 : i32
    %get3A_2736 = arith.constant 20 : index
    %get3A_2737 = arith.index_cast %add3A_2735 : i32 to index
    %get3A_2738 = memref.load %arg2[%get3A_2736, %get3A_2737] : memref<34x16xi32, #tpu.memory_space<smem>>
    %get3A_2739 = arith.index_cast %get3A_2738 : i32 to index
    %get3A_2740 = arith.constant 0 : index
    %get3A_2741 = arith.constant 0 : index
    %get3A_2742 = arith.constant 0 : index
    %get3A_2743 = vector.load %arg8[%get3A_2739, %get3A_2740, %get3A_2741, %get3A_2742] : memref<16x1x1x345xbf16, #tpu.memory_space<vmem>>, vector<1x1x1x345xbf16>
    %get3A_2744 = vector.shape_cast %get3A_2743 : vector<1x1x1x345xbf16> to vector<345xbf16>
    %broadcast_in_dim3A_2745 = vector.shape_cast %get3A_2744 : vector<345xbf16> to vector<1x345xbf16>
    %add3A_2746 = arith.constant 4 : i32
    %add3A_2747 = arith.addi %mul3A_0, %add3A_2746 : i32
    %get3A_2748 = arith.constant 20 : index
    %get3A_2749 = arith.index_cast %add3A_2747 : i32 to index
    %get3A_2750 = memref.load %arg2[%get3A_2748, %get3A_2749] : memref<34x16xi32, #tpu.memory_space<smem>>
    %get3A_2751 = arith.index_cast %get3A_2750 : i32 to index
    %get3A_2752 = arith.constant 0 : index
    %get3A_2753 = arith.constant 0 : index
    %get3A_2754 = arith.constant 0 : index
    %get3A_2755 = vector.load %arg8[%get3A_2751, %get3A_2752, %get3A_2753, %get3A_2754] : memref<16x1x1x345xbf16, #tpu.memory_space<vmem>>, vector<1x1x1x345xbf16>
    %get3A_2756 = vector.shape_cast %get3A_2755 : vector<1x1x1x345xbf16> to vector<345xbf16>
    %broadcast_in_dim3A_2757 = vector.shape_cast %get3A_2756 : vector<345xbf16> to vector<1x345xbf16>
    %add3A_2758 = arith.constant 5 : i32
    %add3A_2759 = arith.addi %mul3A_0, %add3A_2758 : i32
    %get3A_2760 = arith.constant 20 : index
    %get3A_2761 = arith.index_cast %add3A_2759 : i32 to index
    %get3A_2762 = memref.load %arg2[%get3A_2760, %get3A_2761] : memref<34x16xi32, #tpu.memory_space<smem>>
    %get3A_2763 = arith.index_cast %get3A_2762 : i32 to index
    %get3A_2764 = arith.constant 0 : index
    %get3A_2765 = arith.constant 0 : index
    %get3A_2766 = arith.constant 0 : index
    %get3A_2767 = vector.load %arg8[%get3A_2763, %get3A_2764, %get3A_2765, %get3A_2766] : memref<16x1x1x345xbf16, #tpu.memory_space<vmem>>, vector<1x1x1x345xbf16>
    %get3A_2768 = vector.shape_cast %get3A_2767 : vector<1x1x1x345xbf16> to vector<345xbf16>
    %broadcast_in_dim3A_2769 = vector.shape_cast %get3A_2768 : vector<345xbf16> to vector<1x345xbf16>
    %add3A_2770 = arith.constant 6 : i32
    %add3A_2771 = arith.addi %mul3A_0, %add3A_2770 : i32
    %get3A_2772 = arith.constant 20 : index
    %get3A_2773 = arith.index_cast %add3A_2771 : i32 to index
    %get3A_2774 = memref.load %arg2[%get3A_2772, %get3A_2773] : memref<34x16xi32, #tpu.memory_space<smem>>
    %get3A_2775 = arith.index_cast %get3A_2774 : i32 to index
    %get3A_2776 = arith.constant 0 : index
    %get3A_2777 = arith.constant 0 : index
    %get3A_2778 = arith.constant 0 : index
    %get3A_2779 = vector.load %arg8[%get3A_2775, %get3A_2776, %get3A_2777, %get3A_2778] : memref<16x1x1x345xbf16, #tpu.memory_space<vmem>>, vector<1x1x1x345xbf16>
    %get3A_2780 = vector.shape_cast %get3A_2779 : vector<1x1x1x345xbf16> to vector<345xbf16>
    %broadcast_in_dim3A_2781 = vector.shape_cast %get3A_2780 : vector<345xbf16> to vector<1x345xbf16>
    %add3A_2782 = arith.constant 7 : i32
    %add3A_2783 = arith.addi %mul3A_0, %add3A_2782 : i32
    %get3A_2784 = arith.constant 20 : index
    %get3A_2785 = arith.index_cast %add3A_2783 : i32 to index
    %get3A_2786 = memref.load %arg2[%get3A_2784, %get3A_2785] : memref<34x16xi32, #tpu.memory_space<smem>>
    %get3A_2787 = arith.index_cast %get3A_2786 : i32 to index
    %get3A_2788 = arith.constant 0 : index
    %get3A_2789 = arith.constant 0 : index
    %get3A_2790 = arith.constant 0 : index
    %get3A_2791 = vector.load %arg8[%get3A_2787, %get3A_2788, %get3A_2789, %get3A_2790] : memref<16x1x1x345xbf16, #tpu.memory_space<vmem>>, vector<1x1x1x345xbf16>
    %get3A_2792 = vector.shape_cast %get3A_2791 : vector<1x1x1x345xbf16> to vector<345xbf16>
    %broadcast_in_dim3A_2793 = vector.shape_cast %get3A_2792 : vector<345xbf16> to vector<1x345xbf16>
    %concatenate3A_2794 = tpu.concatenate %broadcast_in_dim3A_2709, %broadcast_in_dim3A_2721, %broadcast_in_dim3A_2733, %broadcast_in_dim3A_2745, %broadcast_in_dim3A_2757, %broadcast_in_dim3A_2769, %broadcast_in_dim3A_2781, %broadcast_in_dim3A_2793 in 0 : vector<1x345xbf16>, vector<1x345xbf16>, vector<1x345xbf16>, vector<1x345xbf16>, vector<1x345xbf16>, vector<1x345xbf16>, vector<1x345xbf16>, vector<1x345xbf16> -> vector<8x345xbf16>
    %get3A_2795 = arith.constant 0 : index
    %get3A_2796 = arith.constant 0 : index
    %get3A_2797 = vector.load %arg17[%get3A_2795, %get3A_2796] : memref<1344x8xbf16, #tpu.memory_space<vmem>>, vector<184x8xbf16>
    %dot_general3A_2798 = arith.constant dense<0.000000e+00> : vector<184x345xf32>
    %dot_general3A_2799 = tpu.matmul %get3A_2797, %concatenate3A_2794, %dot_general3A_2798 {dimension_numbers = #tpu.dot_dimension_numbers<[1], [0], [0], [1], [0, 0, 1, 1], [], []>, transpose_lhs_hint = false} : vector<184x8xbf16>, vector<8x345xbf16>, vector<184x345xf32> -> vector<184x345xf32>
    %convert_element_type3A_2800 = arith.truncf %dot_general3A_2799 : vector<184x345xf32> to vector<184x345xbf16>
    %get3A_2801 = arith.constant 288 : index
    %get3A_2802 = arith.constant 0 : index
    %get3A_2803 = vector.load %arg16[%get3A_2801, %get3A_2802] : memref<400x402xbf16, #tpu.memory_space<vmem>>, vector<23x345xbf16>
    %broadcast_in_dim3A_2804 = vector.shape_cast %get3A_2803 : vector<23x345xbf16> to vector<23x1x345xbf16>
    %broadcast_in_dim3A_2805 = vector.shape_cast %broadcast_in_dim3A_2804 : vector<23x1x345xbf16> to vector<23x1x345xbf16>
    %broadcast_in_dim3A_2806 = vector.broadcast %broadcast_in_dim3A_2805 : vector<23x1x345xbf16> to vector<23x8x345xbf16>
    %reshape3A_2807 = vector.shape_cast %broadcast_in_dim3A_2806 : vector<23x8x345xbf16> to vector<184x345xbf16>
    %mul3A_2808 = arith.mulf %reshape3A_2807, %convert_element_type3A_2800 : vector<184x345xbf16>
    %get3A_2809 = arith.constant 6944 : index
    %get3A_2810 = arith.constant 0 : index
    %get3A_2811 = vector.load %arg15[%get3A_2809, %get3A_2810] : memref<8312x512xbf16, #tpu.memory_space<vmem>>, vector<345x512xbf16>
    %dot_general3A_2812 = arith.constant dense<0.000000e+00> : vector<184x512xf32>
    %dot_general3A_2813 = tpu.matmul %mul3A_2808, %get3A_2811, %dot_general3A_2812 {dimension_numbers = #tpu.dot_dimension_numbers<[1], [0], [0], [1], [0, 0, 1, 1], [], []>, transpose_lhs_hint = false} : vector<184x345xbf16>, vector<345x512xbf16>, vector<184x512xf32> -> vector<184x512xf32>
    %get3A_2814 = arith.constant 288 : index
    %get3A_2815 = arith.constant 0 : index
    %get3A_2816 = vector.load %arg19[%get3A_2814, %get3A_2815] : memref<400x256xf32, #tpu.memory_space<vmem>>, vector<23x256xf32>
    %broadcast_in_dim3A_2817 = vector.shape_cast %get3A_2816 : vector<23x256xf32> to vector<23x1x256xf32>
    %broadcast_in_dim3A_2818 = vector.shape_cast %broadcast_in_dim3A_2817 : vector<23x1x256xf32> to vector<23x1x256xf32>
    %broadcast_in_dim3A_2819 = vector.broadcast %broadcast_in_dim3A_2818 : vector<23x1x256xf32> to vector<23x8x256xf32>
    %reshape3A_2820 = vector.shape_cast %broadcast_in_dim3A_2819 : vector<23x8x256xf32> to vector<184x256xf32>
    %broadcast_in_dim3A_2821 = vector.shape_cast %get3A_4 : vector<1x256xf32> to vector<1x256xf32>
    %broadcast_in_dim3A_2822 = vector.broadcast %broadcast_in_dim3A_2821 : vector<1x256xf32> to vector<184x256xf32>
    %concatenate3A_2823 = tpu.concatenate %broadcast_in_dim3A_2822, %reshape3A_2820 in 1 : vector<184x256xf32>, vector<184x256xf32> -> vector<184x512xf32>
    %add3A_2824 = arith.addf %dot_general3A_2813, %concatenate3A_2823 : vector<184x512xf32>
    %reshape3A_2825 = vector.shape_cast %add3A_2824 : vector<184x512xf32> to vector<23x8x512xf32>
    %swap3A_2826 = arith.constant 0 : index
    %swap3A_2827 = arith.constant 0 : index
    %swap3A_2828 = arith.constant 0 : index
    %swap3A_2829 = arith.constant 0 : index
    %swap3A_2830 = vector.load %arg40[%swap3A_2826, %swap3A_2827, %swap3A_2828, %swap3A_2829] : memref<1x23x8x512xf32, #tpu.memory_space<vmem>>, vector<1x23x8x512xf32>
    %swap3A_2831 = vector.shape_cast %swap3A_2830 : vector<1x23x8x512xf32> to vector<23x8x512xf32>
    %swap3A_2832 = vector.shape_cast %reshape3A_2825 : vector<23x8x512xf32> to vector<1x23x8x512xf32>
    tpu.vector_store %arg40[%swap3A_2826, %swap3A_2827, %swap3A_2828, %swap3A_2829], %swap3A_2832 {strides = array<i32>} : memref<1x23x8x512xf32, #tpu.memory_space<vmem>>, vector<1x23x8x512xf32>,
    %add3A_2833 = arith.constant 0 : i32
    %add3A_2834 = arith.addi %mul3A_0, %add3A_2833 : i32
    %get3A_2835 = arith.constant 21 : index
    %get3A_2836 = arith.index_cast %add3A_2834 : i32 to index
    %get3A_2837 = memref.load %arg2[%get3A_2835, %get3A_2836] : memref<34x16xi32, #tpu.memory_space<smem>>
    %get3A_2838 = arith.index_cast %get3A_2837 : i32 to index
    %get3A_2839 = arith.constant 0 : index
    %get3A_2840 = arith.constant 0 : index
    %get3A_2841 = arith.constant 0 : index
    %get3A_2842 = vector.load %arg3[%get3A_2838, %get3A_2839, %get3A_2840, %get3A_2841] : memref<16x1x1x336xbf16, #tpu.memory_space<vmem>>, vector<1x1x1x336xbf16>
    %get3A_2843 = vector.shape_cast %get3A_2842 : vector<1x1x1x336xbf16> to vector<336xbf16>
    %broadcast_in_dim3A_2844 = vector.shape_cast %get3A_2843 : vector<336xbf16> to vector<1x336xbf16>
    %add3A_2845 = arith.constant 1 : i32
    %add3A_2846 = arith.addi %mul3A_0, %add3A_2845 : i32
    %get3A_2847 = arith.constant 21 : index
    %get3A_2848 = arith.index_cast %add3A_2846 : i32 to index
    %get3A_2849 = memref.load %arg2[%get3A_2847, %get3A_2848] : memref<34x16xi32, #tpu.memory_space<smem>>
    %get3A_2850 = arith.index_cast %get3A_2849 : i32 to index
    %get3A_2851 = arith.constant 0 : index
    %get3A_2852 = arith.constant 0 : index
    %get3A_2853 = arith.constant 0 : index
    %get3A_2854 = vector.load %arg3[%get3A_2850, %get3A_2851, %get3A_2852, %get3A_2853] : memref<16x1x1x336xbf16, #tpu.memory_space<vmem>>, vector<1x1x1x336xbf16>
    %get3A_2855 = vector.shape_cast %get3A_2854 : vector<1x1x1x336xbf16> to vector<336xbf16>
    %broadcast_in_dim3A_2856 = vector.shape_cast %get3A_2855 : vector<336xbf16> to vector<1x336xbf16>
    %add3A_2857 = arith.constant 2 : i32
    %add3A_2858 = arith.addi %mul3A_0, %add3A_2857 : i32
    %get3A_2859 = arith.constant 21 : index
    %get3A_2860 = arith.index_cast %add3A_2858 : i32 to index
    %get3A_2861 = memref.load %arg2[%get3A_2859, %get3A_2860] : memref<34x16xi32, #tpu.memory_space<smem>>
    %get3A_2862 = arith.index_cast %get3A_2861 : i32 to index
    %get3A_2863 = arith.constant 0 : index
    %get3A_2864 = arith.constant 0 : index
    %get3A_2865 = arith.constant 0 : index
    %get3A_2866 = vector.load %arg3[%get3A_2862, %get3A_2863, %get3A_2864, %get3A_2865] : memref<16x1x1x336xbf16, #tpu.memory_space<vmem>>, vector<1x1x1x336xbf16>
    %get3A_2867 = vector.shape_cast %get3A_2866 : vector<1x1x1x336xbf16> to vector<336xbf16>
    %broadcast_in_dim3A_2868 = vector.shape_cast %get3A_2867 : vector<336xbf16> to vector<1x336xbf16>
    %add3A_2869 = arith.constant 3 : i32
    %add3A_2870 = arith.addi %mul3A_0, %add3A_2869 : i32
    %get3A_2871 = arith.constant 21 : index
    %get3A_2872 = arith.index_cast %add3A_2870 : i32 to index
    %get3A_2873 = memref.load %arg2[%get3A_2871, %get3A_2872] : memref<34x16xi32, #tpu.memory_space<smem>>
    %get3A_2874 = arith.index_cast %get3A_2873 : i32 to index
    %get3A_2875 = arith.constant 0 : index
    %get3A_2876 = arith.constant 0 : index
    %get3A_2877 = arith.constant 0 : index
    %get3A_2878 = vector.load %arg3[%get3A_2874, %get3A_2875, %get3A_2876, %get3A_2877] : memref<16x1x1x336xbf16, #tpu.memory_space<vmem>>, vector<1x1x1x336xbf16>
    %get3A_2879 = vector.shape_cast %get3A_2878 : vector<1x1x1x336xbf16> to vector<336xbf16>
    %broadcast_in_dim3A_2880 = vector.shape_cast %get3A_2879 : vector<336xbf16> to vector<1x336xbf16>
    %add3A_2881 = arith.constant 4 : i32
    %add3A_2882 = arith.addi %mul3A_0, %add3A_2881 : i32
    %get3A_2883 = arith.constant 21 : index
    %get3A_2884 = arith.index_cast %add3A_2882 : i32 to index
    %get3A_2885 = memref.load %arg2[%get3A_2883, %get3A_2884] : memref<34x16xi32, #tpu.memory_space<smem>>
    %get3A_2886 = arith.index_cast %get3A_2885 : i32 to index
    %get3A_2887 = arith.constant 0 : index
    %get3A_2888 = arith.constant 0 : index
    %get3A_2889 = arith.constant 0 : index
    %get3A_2890 = vector.load %arg3[%get3A_2886, %get3A_2887, %get3A_2888, %get3A_2889] : memref<16x1x1x336xbf16, #tpu.memory_space<vmem>>, vector<1x1x1x336xbf16>
    %get3A_2891 = vector.shape_cast %get3A_2890 : vector<1x1x1x336xbf16> to vector<336xbf16>
    %broadcast_in_dim3A_2892 = vector.shape_cast %get3A_2891 : vector<336xbf16> to vector<1x336xbf16>
    %add3A_2893 = arith.constant 5 : i32
    %add3A_2894 = arith.addi %mul3A_0, %add3A_2893 : i32
    %get3A_2895 = arith.constant 21 : index
    %get3A_2896 = arith.index_cast %add3A_2894 : i32 to index
    %get3A_2897 = memref.load %arg2[%get3A_2895, %get3A_2896] : memref<34x16xi32, #tpu.memory_space<smem>>
    %get3A_2898 = arith.index_cast %get3A_2897 : i32 to index
    %get3A_2899 = arith.constant 0 : index
    %get3A_2900 = arith.constant 0 : index
    %get3A_2901 = arith.constant 0 : index
    %get3A_2902 = vector.load %arg3[%get3A_2898, %get3A_2899, %get3A_2900, %get3A_2901] : memref<16x1x1x336xbf16, #tpu.memory_space<vmem>>, vector<1x1x1x336xbf16>
    %get3A_2903 = vector.shape_cast %get3A_2902 : vector<1x1x1x336xbf16> to vector<336xbf16>
    %broadcast_in_dim3A_2904 = vector.shape_cast %get3A_2903 : vector<336xbf16> to vector<1x336xbf16>
    %add3A_2905 = arith.constant 6 : i32
    %add3A_2906 = arith.addi %mul3A_0, %add3A_2905 : i32
    %get3A_2907 = arith.constant 21 : index
    %get3A_2908 = arith.index_cast %add3A_2906 : i32 to index
    %get3A_2909 = memref.load %arg2[%get3A_2907, %get3A_2908] : memref<34x16xi32, #tpu.memory_space<smem>>
    %get3A_2910 = arith.index_cast %get3A_2909 : i32 to index
    %get3A_2911 = arith.constant 0 : index
    %get3A_2912 = arith.constant 0 : index
    %get3A_2913 = arith.constant 0 : index
    %get3A_2914 = vector.load %arg3[%get3A_2910, %get3A_2911, %get3A_2912, %get3A_2913] : memref<16x1x1x336xbf16, #tpu.memory_space<vmem>>, vector<1x1x1x336xbf16>
    %get3A_2915 = vector.shape_cast %get3A_2914 : vector<1x1x1x336xbf16> to vector<336xbf16>
    %broadcast_in_dim3A_2916 = vector.shape_cast %get3A_2915 : vector<336xbf16> to vector<1x336xbf16>
    %add3A_2917 = arith.constant 7 : i32
    %add3A_2918 = arith.addi %mul3A_0, %add3A_2917 : i32
    %get3A_2919 = arith.constant 21 : index
    %get3A_2920 = arith.index_cast %add3A_2918 : i32 to index
    %get3A_2921 = memref.load %arg2[%get3A_2919, %get3A_2920] : memref<34x16xi32, #tpu.memory_space<smem>>
    %get3A_2922 = arith.index_cast %get3A_2921 : i32 to index
    %get3A_2923 = arith.constant 0 : index
    %get3A_2924 = arith.constant 0 : index
    %get3A_2925 = arith.constant 0 : index
    %get3A_2926 = vector.load %arg3[%get3A_2922, %get3A_2923, %get3A_2924, %get3A_2925] : memref<16x1x1x336xbf16, #tpu.memory_space<vmem>>, vector<1x1x1x336xbf16>
    %get3A_2927 = vector.shape_cast %get3A_2926 : vector<1x1x1x336xbf16> to vector<336xbf16>
    %broadcast_in_dim3A_2928 = vector.shape_cast %get3A_2927 : vector<336xbf16> to vector<1x336xbf16>
    %concatenate3A_2929 = tpu.concatenate %broadcast_in_dim3A_2844, %broadcast_in_dim3A_2856, %broadcast_in_dim3A_2868, %broadcast_in_dim3A_2880, %broadcast_in_dim3A_2892, %broadcast_in_dim3A_2904, %broadcast_in_dim3A_2916, %broadcast_in_dim3A_2928 in 0 : vector<1x336xbf16>, vector<1x336xbf16>, vector<1x336xbf16>, vector<1x336xbf16>, vector<1x336xbf16>, vector<1x336xbf16>, vector<1x336xbf16>, vector<1x336xbf16> -> vector<8x336xbf16>
    %get3A_2930 = arith.constant 0 : index
    %get3A_2931 = arith.constant 0 : index
    %get3A_2932 = vector.load %arg17[%get3A_2930, %get3A_2931] : memref<1344x8xbf16, #tpu.memory_space<vmem>>, vector<192x8xbf16>
    %dot_general3A_2933 = arith.constant dense<0.000000e+00> : vector<192x336xf32>
    %dot_general3A_2934 = tpu.matmul %get3A_2932, %concatenate3A_2929, %dot_general3A_2933 {dimension_numbers = #tpu.dot_dimension_numbers<[1], [0], [0], [1], [0, 0, 1, 1], [], []>, transpose_lhs_hint = false} : vector<192x8xbf16>, vector<8x336xbf16>, vector<192x336xf32> -> vector<192x336xf32>
    %convert_element_type3A_2935 = arith.truncf %dot_general3A_2934 : vector<192x336xf32> to vector<192x336xbf16>
    %get3A_2936 = arith.constant 312 : index
    %get3A_2937 = arith.constant 0 : index
    %get3A_2938 = vector.load %arg16[%get3A_2936, %get3A_2937] : memref<400x402xbf16, #tpu.memory_space<vmem>>, vector<24x336xbf16>
    %broadcast_in_dim3A_2939 = vector.shape_cast %get3A_2938 : vector<24x336xbf16> to vector<24x1x336xbf16>
    %broadcast_in_dim3A_2940 = vector.shape_cast %broadcast_in_dim3A_2939 : vector<24x1x336xbf16> to vector<24x1x336xbf16>
    %broadcast_in_dim3A_2941 = vector.broadcast %broadcast_in_dim3A_2940 : vector<24x1x336xbf16> to vector<24x8x336xbf16>
    %reshape3A_2942 = vector.shape_cast %broadcast_in_dim3A_2941 : vector<24x8x336xbf16> to vector<192x336xbf16>
    %mul3A_2943 = arith.mulf %reshape3A_2942, %convert_element_type3A_2935 : vector<192x336xbf16>
    %get3A_2944 = arith.constant 7296 : index
    %get3A_2945 = arith.constant 0 : index
    %get3A_2946 = vector.load %arg15[%get3A_2944, %get3A_2945] : memref<8312x512xbf16, #tpu.memory_space<vmem>>, vector<336x512xbf16>
    %dot_general3A_2947 = arith.constant dense<0.000000e+00> : vector<192x512xf32>
    %dot_general3A_2948 = tpu.matmul %mul3A_2943, %get3A_2946, %dot_general3A_2947 {dimension_numbers = #tpu.dot_dimension_numbers<[1], [0], [0], [1], [0, 0, 1, 1], [], []>, transpose_lhs_hint = false} : vector<192x336xbf16>, vector<336x512xbf16>, vector<192x512xf32> -> vector<192x512xf32>
    %get3A_2949 = arith.constant 312 : index
    %get3A_2950 = arith.constant 0 : index
    %get3A_2951 = vector.load %arg19[%get3A_2949, %get3A_2950] : memref<400x256xf32, #tpu.memory_space<vmem>>, vector<24x256xf32>
    %broadcast_in_dim3A_2952 = vector.shape_cast %get3A_2951 : vector<24x256xf32> to vector<24x1x256xf32>
    %broadcast_in_dim3A_2953 = vector.shape_cast %broadcast_in_dim3A_2952 : vector<24x1x256xf32> to vector<24x1x256xf32>
    %broadcast_in_dim3A_2954 = vector.broadcast %broadcast_in_dim3A_2953 : vector<24x1x256xf32> to vector<24x8x256xf32>
    %reshape3A_2955 = vector.shape_cast %broadcast_in_dim3A_2954 : vector<24x8x256xf32> to vector<192x256xf32>
    %broadcast_in_dim3A_2956 = vector.shape_cast %get3A_4 : vector<1x256xf32> to vector<1x256xf32>
    %broadcast_in_dim3A_2957 = vector.broadcast %broadcast_in_dim3A_2956 : vector<1x256xf32> to vector<192x256xf32>
    %concatenate3A_2958 = tpu.concatenate %broadcast_in_dim3A_2957, %reshape3A_2955 in 1 : vector<192x256xf32>, vector<192x256xf32> -> vector<192x512xf32>
    %add3A_2959 = arith.addf %dot_general3A_2948, %concatenate3A_2958 : vector<192x512xf32>
    %reshape3A_2960 = vector.shape_cast %add3A_2959 : vector<192x512xf32> to vector<24x8x512xf32>
    %swap3A_2961 = arith.constant 0 : index
    %swap3A_2962 = arith.constant 0 : index
    %swap3A_2963 = arith.constant 0 : index
    %swap3A_2964 = arith.constant 0 : index
    %swap3A_2965 = vector.load %arg41[%swap3A_2961, %swap3A_2962, %swap3A_2963, %swap3A_2964] : memref<1x24x8x512xf32, #tpu.memory_space<vmem>>, vector<1x24x8x512xf32>
    %swap3A_2966 = vector.shape_cast %swap3A_2965 : vector<1x24x8x512xf32> to vector<24x8x512xf32>
    %swap3A_2967 = vector.shape_cast %reshape3A_2960 : vector<24x8x512xf32> to vector<1x24x8x512xf32>
    tpu.vector_store %arg41[%swap3A_2961, %swap3A_2962, %swap3A_2963, %swap3A_2964], %swap3A_2967 {strides = array<i32>} : memref<1x24x8x512xf32, #tpu.memory_space<vmem>>, vector<1x24x8x512xf32>,
    %add3A_2968 = arith.constant 0 : i32
    %add3A_2969 = arith.addi %mul3A_0, %add3A_2968 : i32
    %get3A_2970 = arith.constant 22 : index
    %get3A_2971 = arith.index_cast %add3A_2969 : i32 to index
    %get3A_2972 = memref.load %arg2[%get3A_2970, %get3A_2971] : memref<34x16xi32, #tpu.memory_space<smem>>
    %get3A_2973 = arith.index_cast %get3A_2972 : i32 to index
    %get3A_2974 = arith.constant 0 : index
    %get3A_2975 = arith.constant 0 : index
    %get3A_2976 = arith.constant 0 : index
    %get3A_2977 = vector.load %arg4[%get3A_2973, %get3A_2974, %get3A_2975, %get3A_2976] : memref<16x1x1x338xbf16, #tpu.memory_space<vmem>>, vector<1x1x1x338xbf16>
    %get3A_2978 = vector.shape_cast %get3A_2977 : vector<1x1x1x338xbf16> to vector<338xbf16>
    %broadcast_in_dim3A_2979 = vector.shape_cast %get3A_2978 : vector<338xbf16> to vector<1x338xbf16>
    %add3A_2980 = arith.constant 1 : i32
    %add3A_2981 = arith.addi %mul3A_0, %add3A_2980 : i32
    %get3A_2982 = arith.constant 22 : index
    %get3A_2983 = arith.index_cast %add3A_2981 : i32 to index
    %get3A_2984 = memref.load %arg2[%get3A_2982, %get3A_2983] : memref<34x16xi32, #tpu.memory_space<smem>>
    %get3A_2985 = arith.index_cast %get3A_2984 : i32 to index
    %get3A_2986 = arith.constant 0 : index
    %get3A_2987 = arith.constant 0 : index
    %get3A_2988 = arith.constant 0 : index
    %get3A_2989 = vector.load %arg4[%get3A_2985, %get3A_2986, %get3A_2987, %get3A_2988] : memref<16x1x1x338xbf16, #tpu.memory_space<vmem>>, vector<1x1x1x338xbf16>
    %get3A_2990 = vector.shape_cast %get3A_2989 : vector<1x1x1x338xbf16> to vector<338xbf16>
    %broadcast_in_dim3A_2991 = vector.shape_cast %get3A_2990 : vector<338xbf16> to vector<1x338xbf16>
    %add3A_2992 = arith.constant 2 : i32
    %add3A_2993 = arith.addi %mul3A_0, %add3A_2992 : i32
    %get3A_2994 = arith.constant 22 : index
    %get3A_2995 = arith.index_cast %add3A_2993 : i32 to index
    %get3A_2996 = memref.load %arg2[%get3A_2994, %get3A_2995] : memref<34x16xi32, #tpu.memory_space<smem>>
    %get3A_2997 = arith.index_cast %get3A_2996 : i32 to index
    %get3A_2998 = arith.constant 0 : index
    %get3A_2999 = arith.constant 0 : index
    %get3A_3000 = arith.constant 0 : index
    %get3A_3001 = vector.load %arg4[%get3A_2997, %get3A_2998, %get3A_2999, %get3A_3000] : memref<16x1x1x338xbf16, #tpu.memory_space<vmem>>, vector<1x1x1x338xbf16>
    %get3A_3002 = vector.shape_cast %get3A_3001 : vector<1x1x1x338xbf16> to vector<338xbf16>
    %broadcast_in_dim3A_3003 = vector.shape_cast %get3A_3002 : vector<338xbf16> to vector<1x338xbf16>
    %add3A_3004 = arith.constant 3 : i32
    %add3A_3005 = arith.addi %mul3A_0, %add3A_3004 : i32
    %get3A_3006 = arith.constant 22 : index
    %get3A_3007 = arith.index_cast %add3A_3005 : i32 to index
    %get3A_3008 = memref.load %arg2[%get3A_3006, %get3A_3007] : memref<34x16xi32, #tpu.memory_space<smem>>
    %get3A_3009 = arith.index_cast %get3A_3008 : i32 to index
    %get3A_3010 = arith.constant 0 : index
    %get3A_3011 = arith.constant 0 : index
    %get3A_3012 = arith.constant 0 : index
    %get3A_3013 = vector.load %arg4[%get3A_3009, %get3A_3010, %get3A_3011, %get3A_3012] : memref<16x1x1x338xbf16, #tpu.memory_space<vmem>>, vector<1x1x1x338xbf16>
    %get3A_3014 = vector.shape_cast %get3A_3013 : vector<1x1x1x338xbf16> to vector<338xbf16>
    %broadcast_in_dim3A_3015 = vector.shape_cast %get3A_3014 : vector<338xbf16> to vector<1x338xbf16>
    %add3A_3016 = arith.constant 4 : i32
    %add3A_3017 = arith.addi %mul3A_0, %add3A_3016 : i32
    %get3A_3018 = arith.constant 22 : index
    %get3A_3019 = arith.index_cast %add3A_3017 : i32 to index
    %get3A_3020 = memref.load %arg2[%get3A_3018, %get3A_3019] : memref<34x16xi32, #tpu.memory_space<smem>>
    %get3A_3021 = arith.index_cast %get3A_3020 : i32 to index
    %get3A_3022 = arith.constant 0 : index
    %get3A_3023 = arith.constant 0 : index
    %get3A_3024 = arith.constant 0 : index
    %get3A_3025 = vector.load %arg4[%get3A_3021, %get3A_3022, %get3A_3023, %get3A_3024] : memref<16x1x1x338xbf16, #tpu.memory_space<vmem>>, vector<1x1x1x338xbf16>
    %get3A_3026 = vector.shape_cast %get3A_3025 : vector<1x1x1x338xbf16> to vector<338xbf16>
    %broadcast_in_dim3A_3027 = vector.shape_cast %get3A_3026 : vector<338xbf16> to vector<1x338xbf16>
    %add3A_3028 = arith.constant 5 : i32
    %add3A_3029 = arith.addi %mul3A_0, %add3A_3028 : i32
    %get3A_3030 = arith.constant 22 : index
    %get3A_3031 = arith.index_cast %add3A_3029 : i32 to index
    %get3A_3032 = memref.load %arg2[%get3A_3030, %get3A_3031] : memref<34x16xi32, #tpu.memory_space<smem>>
    %get3A_3033 = arith.index_cast %get3A_3032 : i32 to index
    %get3A_3034 = arith.constant 0 : index
    %get3A_3035 = arith.constant 0 : index
    %get3A_3036 = arith.constant 0 : index
    %get3A_3037 = vector.load %arg4[%get3A_3033, %get3A_3034, %get3A_3035, %get3A_3036] : memref<16x1x1x338xbf16, #tpu.memory_space<vmem>>, vector<1x1x1x338xbf16>
    %get3A_3038 = vector.shape_cast %get3A_3037 : vector<1x1x1x338xbf16> to vector<338xbf16>
    %broadcast_in_dim3A_3039 = vector.shape_cast %get3A_3038 : vector<338xbf16> to vector<1x338xbf16>
    %add3A_3040 = arith.constant 6 : i32
    %add3A_3041 = arith.addi %mul3A_0, %add3A_3040 : i32
    %get3A_3042 = arith.constant 22 : index
    %get3A_3043 = arith.index_cast %add3A_3041 : i32 to index
    %get3A_3044 = memref.load %arg2[%get3A_3042, %get3A_3043] : memref<34x16xi32, #tpu.memory_space<smem>>
    %get3A_3045 = arith.index_cast %get3A_3044 : i32 to index
    %get3A_3046 = arith.constant 0 : index
    %get3A_3047 = arith.constant 0 : index
    %get3A_3048 = arith.constant 0 : index
    %get3A_3049 = vector.load %arg4[%get3A_3045, %get3A_3046, %get3A_3047, %get3A_3048] : memref<16x1x1x338xbf16, #tpu.memory_space<vmem>>, vector<1x1x1x338xbf16>
    %get3A_3050 = vector.shape_cast %get3A_3049 : vector<1x1x1x338xbf16> to vector<338xbf16>
    %broadcast_in_dim3A_3051 = vector.shape_cast %get3A_3050 : vector<338xbf16> to vector<1x338xbf16>
    %add3A_3052 = arith.constant 7 : i32
    %add3A_3053 = arith.addi %mul3A_0, %add3A_3052 : i32
    %get3A_3054 = arith.constant 22 : index
    %get3A_3055 = arith.index_cast %add3A_3053 : i32 to index
    %get3A_3056 = memref.load %arg2[%get3A_3054, %get3A_3055] : memref<34x16xi32, #tpu.memory_space<smem>>
    %get3A_3057 = arith.index_cast %get3A_3056 : i32 to index
    %get3A_3058 = arith.constant 0 : index
    %get3A_3059 = arith.constant 0 : index
    %get3A_3060 = arith.constant 0 : index
    %get3A_3061 = vector.load %arg4[%get3A_3057, %get3A_3058, %get3A_3059, %get3A_3060] : memref<16x1x1x338xbf16, #tpu.memory_space<vmem>>, vector<1x1x1x338xbf16>
    %get3A_3062 = vector.shape_cast %get3A_3061 : vector<1x1x1x338xbf16> to vector<338xbf16>
    %broadcast_in_dim3A_3063 = vector.shape_cast %get3A_3062 : vector<338xbf16> to vector<1x338xbf16>
    %concatenate3A_3064 = tpu.concatenate %broadcast_in_dim3A_2979, %broadcast_in_dim3A_2991, %broadcast_in_dim3A_3003, %broadcast_in_dim3A_3015, %broadcast_in_dim3A_3027, %broadcast_in_dim3A_3039, %broadcast_in_dim3A_3051, %broadcast_in_dim3A_3063 in 0 : vector<1x338xbf16>, vector<1x338xbf16>, vector<1x338xbf16>, vector<1x338xbf16>, vector<1x338xbf16>, vector<1x338xbf16>, vector<1x338xbf16>, vector<1x338xbf16> -> vector<8x338xbf16>
    %get3A_3065 = arith.constant 0 : index
    %get3A_3066 = arith.constant 0 : index
    %get3A_3067 = vector.load %arg17[%get3A_3065, %get3A_3066] : memref<1344x8xbf16, #tpu.memory_space<vmem>>, vector<208x8xbf16>
    %dot_general3A_3068 = arith.constant dense<0.000000e+00> : vector<208x338xf32>
    %dot_general3A_3069 = tpu.matmul %get3A_3067, %concatenate3A_3064, %dot_general3A_3068 {dimension_numbers = #tpu.dot_dimension_numbers<[1], [0], [0], [1], [0, 0, 1, 1], [], []>, transpose_lhs_hint = false} : vector<208x8xbf16>, vector<8x338xbf16>, vector<208x338xf32> -> vector<208x338xf32>
    %convert_element_type3A_3070 = arith.truncf %dot_general3A_3069 : vector<208x338xf32> to vector<208x338xbf16>
    %get3A_3071 = arith.constant 336 : index
    %get3A_3072 = arith.constant 0 : index
    %get3A_3073 = vector.load %arg16[%get3A_3071, %get3A_3072] : memref<400x402xbf16, #tpu.memory_space<vmem>>, vector<26x338xbf16>
    %broadcast_in_dim3A_3074 = vector.shape_cast %get3A_3073 : vector<26x338xbf16> to vector<26x1x338xbf16>
    %broadcast_in_dim3A_3075 = vector.shape_cast %broadcast_in_dim3A_3074 : vector<26x1x338xbf16> to vector<26x1x338xbf16>
    %broadcast_in_dim3A_3076 = vector.broadcast %broadcast_in_dim3A_3075 : vector<26x1x338xbf16> to vector<26x8x338xbf16>
    %reshape3A_3077 = vector.shape_cast %broadcast_in_dim3A_3076 : vector<26x8x338xbf16> to vector<208x338xbf16>
    %mul3A_3078 = arith.mulf %reshape3A_3077, %convert_element_type3A_3070 : vector<208x338xbf16>
    %get3A_3079 = arith.constant 7632 : index
    %get3A_3080 = arith.constant 0 : index
    %get3A_3081 = vector.load %arg15[%get3A_3079, %get3A_3080] : memref<8312x512xbf16, #tpu.memory_space<vmem>>, vector<338x512xbf16>
    %dot_general3A_3082 = arith.constant dense<0.000000e+00> : vector<208x512xf32>
    %dot_general3A_3083 = tpu.matmul %mul3A_3078, %get3A_3081, %dot_general3A_3082 {dimension_numbers = #tpu.dot_dimension_numbers<[1], [0], [0], [1], [0, 0, 1, 1], [], []>, transpose_lhs_hint = false} : vector<208x338xbf16>, vector<338x512xbf16>, vector<208x512xf32> -> vector<208x512xf32>
    %get3A_3084 = arith.constant 336 : index
    %get3A_3085 = arith.constant 0 : index
    %get3A_3086 = vector.load %arg19[%get3A_3084, %get3A_3085] : memref<400x256xf32, #tpu.memory_space<vmem>>, vector<26x256xf32>
    %broadcast_in_dim3A_3087 = vector.shape_cast %get3A_3086 : vector<26x256xf32> to vector<26x1x256xf32>
    %broadcast_in_dim3A_3088 = vector.shape_cast %broadcast_in_dim3A_3087 : vector<26x1x256xf32> to vector<26x1x256xf32>
    %broadcast_in_dim3A_3089 = vector.broadcast %broadcast_in_dim3A_3088 : vector<26x1x256xf32> to vector<26x8x256xf32>
    %reshape3A_3090 = vector.shape_cast %broadcast_in_dim3A_3089 : vector<26x8x256xf32> to vector<208x256xf32>
    %broadcast_in_dim3A_3091 = vector.shape_cast %get3A_4 : vector<1x256xf32> to vector<1x256xf32>
    %broadcast_in_dim3A_3092 = vector.broadcast %broadcast_in_dim3A_3091 : vector<1x256xf32> to vector<208x256xf32>
    %concatenate3A_3093 = tpu.concatenate %broadcast_in_dim3A_3092, %reshape3A_3090 in 1 : vector<208x256xf32>, vector<208x256xf32> -> vector<208x512xf32>
    %add3A_3094 = arith.addf %dot_general3A_3083, %concatenate3A_3093 : vector<208x512xf32>
    %reshape3A_3095 = vector.shape_cast %add3A_3094 : vector<208x512xf32> to vector<26x8x512xf32>
    %swap3A_3096 = arith.constant 0 : index
    %swap3A_3097 = arith.constant 0 : index
    %swap3A_3098 = arith.constant 0 : index
    %swap3A_3099 = arith.constant 0 : index
    %swap3A_3100 = vector.load %arg42[%swap3A_3096, %swap3A_3097, %swap3A_3098, %swap3A_3099] : memref<1x26x8x512xf32, #tpu.memory_space<vmem>>, vector<1x26x8x512xf32>
    %swap3A_3101 = vector.shape_cast %swap3A_3100 : vector<1x26x8x512xf32> to vector<26x8x512xf32>
    %swap3A_3102 = vector.shape_cast %reshape3A_3095 : vector<26x8x512xf32> to vector<1x26x8x512xf32>
    tpu.vector_store %arg42[%swap3A_3096, %swap3A_3097, %swap3A_3098, %swap3A_3099], %swap3A_3102 {strides = array<i32>} : memref<1x26x8x512xf32, #tpu.memory_space<vmem>>, vector<1x26x8x512xf32>,
    %add3A_3103 = arith.constant 0 : i32
    %add3A_3104 = arith.addi %mul3A_0, %add3A_3103 : i32
    %get3A_3105 = arith.constant 23 : index
    %get3A_3106 = arith.index_cast %add3A_3104 : i32 to index
    %get3A_3107 = memref.load %arg2[%get3A_3105, %get3A_3106] : memref<34x16xi32, #tpu.memory_space<smem>>
    %get3A_3108 = arith.index_cast %get3A_3107 : i32 to index
    %get3A_3109 = arith.constant 0 : index
    %get3A_3110 = arith.constant 0 : index
    %get3A_3111 = arith.constant 0 : index
    %get3A_3112 = vector.load %arg3[%get3A_3108, %get3A_3109, %get3A_3110, %get3A_3111] : memref<16x1x1x336xbf16, #tpu.memory_space<vmem>>, vector<1x1x1x336xbf16>
    %get3A_3113 = vector.shape_cast %get3A_3112 : vector<1x1x1x336xbf16> to vector<336xbf16>
    %broadcast_in_dim3A_3114 = vector.shape_cast %get3A_3113 : vector<336xbf16> to vector<1x336xbf16>
    %add3A_3115 = arith.constant 1 : i32
    %add3A_3116 = arith.addi %mul3A_0, %add3A_3115 : i32
    %get3A_3117 = arith.constant 23 : index
    %get3A_3118 = arith.index_cast %add3A_3116 : i32 to index
    %get3A_3119 = memref.load %arg2[%get3A_3117, %get3A_3118] : memref<34x16xi32, #tpu.memory_space<smem>>
    %get3A_3120 = arith.index_cast %get3A_3119 : i32 to index
    %get3A_3121 = arith.constant 0 : index
    %get3A_3122 = arith.constant 0 : index
    %get3A_3123 = arith.constant 0 : index
    %get3A_3124 = vector.load %arg3[%get3A_3120, %get3A_3121, %get3A_3122, %get3A_3123] : memref<16x1x1x336xbf16, #tpu.memory_space<vmem>>, vector<1x1x1x336xbf16>
    %get3A_3125 = vector.shape_cast %get3A_3124 : vector<1x1x1x336xbf16> to vector<336xbf16>
    %broadcast_in_dim3A_3126 = vector.shape_cast %get3A_3125 : vector<336xbf16> to vector<1x336xbf16>
    %add3A_3127 = arith.constant 2 : i32
    %add3A_3128 = arith.addi %mul3A_0, %add3A_3127 : i32
    %get3A_3129 = arith.constant 23 : index
    %get3A_3130 = arith.index_cast %add3A_3128 : i32 to index
    %get3A_3131 = memref.load %arg2[%get3A_3129, %get3A_3130] : memref<34x16xi32, #tpu.memory_space<smem>>
    %get3A_3132 = arith.index_cast %get3A_3131 : i32 to index
    %get3A_3133 = arith.constant 0 : index
    %get3A_3134 = arith.constant 0 : index
    %get3A_3135 = arith.constant 0 : index
    %get3A_3136 = vector.load %arg3[%get3A_3132, %get3A_3133, %get3A_3134, %get3A_3135] : memref<16x1x1x336xbf16, #tpu.memory_space<vmem>>, vector<1x1x1x336xbf16>
    %get3A_3137 = vector.shape_cast %get3A_3136 : vector<1x1x1x336xbf16> to vector<336xbf16>
    %broadcast_in_dim3A_3138 = vector.shape_cast %get3A_3137 : vector<336xbf16> to vector<1x336xbf16>
    %add3A_3139 = arith.constant 3 : i32
    %add3A_3140 = arith.addi %mul3A_0, %add3A_3139 : i32
    %get3A_3141 = arith.constant 23 : index
    %get3A_3142 = arith.index_cast %add3A_3140 : i32 to index
    %get3A_3143 = memref.load %arg2[%get3A_3141, %get3A_3142] : memref<34x16xi32, #tpu.memory_space<smem>>
    %get3A_3144 = arith.index_cast %get3A_3143 : i32 to index
    %get3A_3145 = arith.constant 0 : index
    %get3A_3146 = arith.constant 0 : index
    %get3A_3147 = arith.constant 0 : index
    %get3A_3148 = vector.load %arg3[%get3A_3144, %get3A_3145, %get3A_3146, %get3A_3147] : memref<16x1x1x336xbf16, #tpu.memory_space<vmem>>, vector<1x1x1x336xbf16>
    %get3A_3149 = vector.shape_cast %get3A_3148 : vector<1x1x1x336xbf16> to vector<336xbf16>
    %broadcast_in_dim3A_3150 = vector.shape_cast %get3A_3149 : vector<336xbf16> to vector<1x336xbf16>
    %add3A_3151 = arith.constant 4 : i32
    %add3A_3152 = arith.addi %mul3A_0, %add3A_3151 : i32
    %get3A_3153 = arith.constant 23 : index
    %get3A_3154 = arith.index_cast %add3A_3152 : i32 to index
    %get3A_3155 = memref.load %arg2[%get3A_3153, %get3A_3154] : memref<34x16xi32, #tpu.memory_space<smem>>
    %get3A_3156 = arith.index_cast %get3A_3155 : i32 to index
    %get3A_3157 = arith.constant 0 : index
    %get3A_3158 = arith.constant 0 : index
    %get3A_3159 = arith.constant 0 : index
    %get3A_3160 = vector.load %arg3[%get3A_3156, %get3A_3157, %get3A_3158, %get3A_3159] : memref<16x1x1x336xbf16, #tpu.memory_space<vmem>>, vector<1x1x1x336xbf16>
    %get3A_3161 = vector.shape_cast %get3A_3160 : vector<1x1x1x336xbf16> to vector<336xbf16>
    %broadcast_in_dim3A_3162 = vector.shape_cast %get3A_3161 : vector<336xbf16> to vector<1x336xbf16>
    %add3A_3163 = arith.constant 5 : i32
    %add3A_3164 = arith.addi %mul3A_0, %add3A_3163 : i32
    %get3A_3165 = arith.constant 23 : index
    %get3A_3166 = arith.index_cast %add3A_3164 : i32 to index
    %get3A_3167 = memref.load %arg2[%get3A_3165, %get3A_3166] : memref<34x16xi32, #tpu.memory_space<smem>>
    %get3A_3168 = arith.index_cast %get3A_3167 : i32 to index
    %get3A_3169 = arith.constant 0 : index
    %get3A_3170 = arith.constant 0 : index
    %get3A_3171 = arith.constant 0 : index
    %get3A_3172 = vector.load %arg3[%get3A_3168, %get3A_3169, %get3A_3170, %get3A_3171] : memref<16x1x1x336xbf16, #tpu.memory_space<vmem>>, vector<1x1x1x336xbf16>
    %get3A_3173 = vector.shape_cast %get3A_3172 : vector<1x1x1x336xbf16> to vector<336xbf16>
    %broadcast_in_dim3A_3174 = vector.shape_cast %get3A_3173 : vector<336xbf16> to vector<1x336xbf16>
    %add3A_3175 = arith.constant 6 : i32
    %add3A_3176 = arith.addi %mul3A_0, %add3A_3175 : i32
    %get3A_3177 = arith.constant 23 : index
    %get3A_3178 = arith.index_cast %add3A_3176 : i32 to index
    %get3A_3179 = memref.load %arg2[%get3A_3177, %get3A_3178] : memref<34x16xi32, #tpu.memory_space<smem>>
    %get3A_3180 = arith.index_cast %get3A_3179 : i32 to index
    %get3A_3181 = arith.constant 0 : index
    %get3A_3182 = arith.constant 0 : index
    %get3A_3183 = arith.constant 0 : index
    %get3A_3184 = vector.load %arg3[%get3A_3180, %get3A_3181, %get3A_3182, %get3A_3183] : memref<16x1x1x336xbf16, #tpu.memory_space<vmem>>, vector<1x1x1x336xbf16>
    %get3A_3185 = vector.shape_cast %get3A_3184 : vector<1x1x1x336xbf16> to vector<336xbf16>
    %broadcast_in_dim3A_3186 = vector.shape_cast %get3A_3185 : vector<336xbf16> to vector<1x336xbf16>
    %add3A_3187 = arith.constant 7 : i32
    %add3A_3188 = arith.addi %mul3A_0, %add3A_3187 : i32
    %get3A_3189 = arith.constant 23 : index
    %get3A_3190 = arith.index_cast %add3A_3188 : i32 to index
    %get3A_3191 = memref.load %arg2[%get3A_3189, %get3A_3190] : memref<34x16xi32, #tpu.memory_space<smem>>
    %get3A_3192 = arith.index_cast %get3A_3191 : i32 to index
    %get3A_3193 = arith.constant 0 : index
    %get3A_3194 = arith.constant 0 : index
    %get3A_3195 = arith.constant 0 : index
    %get3A_3196 = vector.load %arg3[%get3A_3192, %get3A_3193, %get3A_3194, %get3A_3195] : memref<16x1x1x336xbf16, #tpu.memory_space<vmem>>, vector<1x1x1x336xbf16>
    %get3A_3197 = vector.shape_cast %get3A_3196 : vector<1x1x1x336xbf16> to vector<336xbf16>
    %broadcast_in_dim3A_3198 = vector.shape_cast %get3A_3197 : vector<336xbf16> to vector<1x336xbf16>
    %concatenate3A_3199 = tpu.concatenate %broadcast_in_dim3A_3114, %broadcast_in_dim3A_3126, %broadcast_in_dim3A_3138, %broadcast_in_dim3A_3150, %broadcast_in_dim3A_3162, %broadcast_in_dim3A_3174, %broadcast_in_dim3A_3186, %broadcast_in_dim3A_3198 in 0 : vector<1x336xbf16>, vector<1x336xbf16>, vector<1x336xbf16>, vector<1x336xbf16>, vector<1x336xbf16>, vector<1x336xbf16>, vector<1x336xbf16>, vector<1x336xbf16> -> vector<8x336xbf16>
    %get3A_3200 = arith.constant 0 : index
    %get3A_3201 = arith.constant 0 : index
    %get3A_3202 = vector.load %arg17[%get3A_3200, %get3A_3201] : memref<1344x8xbf16, #tpu.memory_space<vmem>>, vector<224x8xbf16>
    %dot_general3A_3203 = arith.constant dense<0.000000e+00> : vector<224x336xf32>
    %dot_general3A_3204 = tpu.matmul %get3A_3202, %concatenate3A_3199, %dot_general3A_3203 {dimension_numbers = #tpu.dot_dimension_numbers<[1], [0], [0], [1], [0, 0, 1, 1], [], []>, transpose_lhs_hint = false} : vector<224x8xbf16>, vector<8x336xbf16>, vector<224x336xf32> -> vector<224x336xf32>
    %convert_element_type3A_3205 = arith.truncf %dot_general3A_3204 : vector<224x336xf32> to vector<224x336xbf16>
    %get3A_3206 = arith.constant 368 : index
    %get3A_3207 = arith.constant 0 : index
    %get3A_3208 = vector.load %arg16[%get3A_3206, %get3A_3207] : memref<400x402xbf16, #tpu.memory_space<vmem>>, vector<28x336xbf16>
    %broadcast_in_dim3A_3209 = vector.shape_cast %get3A_3208 : vector<28x336xbf16> to vector<28x1x336xbf16>
    %broadcast_in_dim3A_3210 = vector.shape_cast %broadcast_in_dim3A_3209 : vector<28x1x336xbf16> to vector<28x1x336xbf16>
    %broadcast_in_dim3A_3211 = vector.broadcast %broadcast_in_dim3A_3210 : vector<28x1x336xbf16> to vector<28x8x336xbf16>
    %reshape3A_3212 = vector.shape_cast %broadcast_in_dim3A_3211 : vector<28x8x336xbf16> to vector<224x336xbf16>
    %mul3A_3213 = arith.mulf %reshape3A_3212, %convert_element_type3A_3205 : vector<224x336xbf16>
    %get3A_3214 = arith.constant 7976 : index
    %get3A_3215 = arith.constant 0 : index
    %get3A_3216 = vector.load %arg15[%get3A_3214, %get3A_3215] : memref<8312x512xbf16, #tpu.memory_space<vmem>>, vector<336x512xbf16>
    %dot_general3A_3217 = arith.constant dense<0.000000e+00> : vector<224x512xf32>
    %dot_general3A_3218 = tpu.matmul %mul3A_3213, %get3A_3216, %dot_general3A_3217 {dimension_numbers = #tpu.dot_dimension_numbers<[1], [0], [0], [1], [0, 0, 1, 1], [], []>, transpose_lhs_hint = false} : vector<224x336xbf16>, vector<336x512xbf16>, vector<224x512xf32> -> vector<224x512xf32>
    %get3A_3219 = arith.constant 368 : index
    %get3A_3220 = arith.constant 0 : index
    %get3A_3221 = vector.load %arg19[%get3A_3219, %get3A_3220] : memref<400x256xf32, #tpu.memory_space<vmem>>, vector<28x256xf32>
    %broadcast_in_dim3A_3222 = vector.shape_cast %get3A_3221 : vector<28x256xf32> to vector<28x1x256xf32>
    %broadcast_in_dim3A_3223 = vector.shape_cast %broadcast_in_dim3A_3222 : vector<28x1x256xf32> to vector<28x1x256xf32>
    %broadcast_in_dim3A_3224 = vector.broadcast %broadcast_in_dim3A_3223 : vector<28x1x256xf32> to vector<28x8x256xf32>
    %reshape3A_3225 = vector.shape_cast %broadcast_in_dim3A_3224 : vector<28x8x256xf32> to vector<224x256xf32>
    %broadcast_in_dim3A_3226 = vector.shape_cast %get3A_4 : vector<1x256xf32> to vector<1x256xf32>
    %broadcast_in_dim3A_3227 = vector.broadcast %broadcast_in_dim3A_3226 : vector<1x256xf32> to vector<224x256xf32>
    %concatenate3A_3228 = tpu.concatenate %broadcast_in_dim3A_3227, %reshape3A_3225 in 1 : vector<224x256xf32>, vector<224x256xf32> -> vector<224x512xf32>
    %add3A_3229 = arith.addf %dot_general3A_3218, %concatenate3A_3228 : vector<224x512xf32>
    %reshape3A_3230 = vector.shape_cast %add3A_3229 : vector<224x512xf32> to vector<28x8x512xf32>
    %swap3A_3231 = arith.constant 0 : index
    %swap3A_3232 = arith.constant 0 : index
    %swap3A_3233 = arith.constant 0 : index
    %swap3A_3234 = arith.constant 0 : index
    %swap3A_3235 = vector.load %arg43[%swap3A_3231, %swap3A_3232, %swap3A_3233, %swap3A_3234] : memref<1x28x8x512xf32, #tpu.memory_space<vmem>>, vector<1x28x8x512xf32>
    %swap3A_3236 = vector.shape_cast %swap3A_3235 : vector<1x28x8x512xf32> to vector<28x8x512xf32>
    %swap3A_3237 = vector.shape_cast %reshape3A_3230 : vector<28x8x512xf32> to vector<1x28x8x512xf32>
    tpu.vector_store %arg43[%swap3A_3231, %swap3A_3232, %swap3A_3233, %swap3A_3234], %swap3A_3237 {strides = array<i32>} : memref<1x28x8x512xf32, #tpu.memory_space<vmem>>, vector<1x28x8x512xf32>,
    return
  }
  func.func @transform_0(%arg0: i32, %arg1: i32, %arg2: memref<34x16xi32, #tpu.memory_space<smem>>) -> (i32, i32, i32, i32) {
    %c0_i32 = arith.constant 0 : i32
    %c0_i32_0 = arith.constant 0 : i32
    %c0_i32_1 = arith.constant 0 : i32
    %c0_i32_2 = arith.constant 0 : i32
    return %c0_i32, %arg0, %c0_i32_0, %c0_i32_1 : i32, i32, i32, i32
  }
  func.func @transform_1(%arg0: i32, %arg1: i32, %arg2: memref<34x16xi32, #tpu.memory_space<smem>>) -> (i32, i32, i32, i32) {
    %c0_i32 = arith.constant 0 : i32
    %c0_i32_0 = arith.constant 0 : i32
    %c0_i32_1 = arith.constant 0 : i32
    %c0_i32_2 = arith.constant 0 : i32
    return %c0_i32, %arg0, %c0_i32_0, %c0_i32_1 : i32, i32, i32, i32
  }
  func.func @transform_2(%arg0: i32, %arg1: i32, %arg2: memref<34x16xi32, #tpu.memory_space<smem>>) -> (i32, i32, i32, i32) {
    %c0_i32 = arith.constant 0 : i32
    %c0_i32_0 = arith.constant 0 : i32
    %c0_i32_1 = arith.constant 0 : i32
    %c0_i32_2 = arith.constant 0 : i32
    return %c0_i32, %arg0, %c0_i32_0, %c0_i32_1 : i32, i32, i32, i32
  }
  func.func @transform_3(%arg0: i32, %arg1: i32, %arg2: memref<34x16xi32, #tpu.memory_space<smem>>) -> (i32, i32, i32, i32) {
    %c0_i32 = arith.constant 0 : i32
    %c0_i32_0 = arith.constant 0 : i32
    %c0_i32_1 = arith.constant 0 : i32
    %c0_i32_2 = arith.constant 0 : i32
    return %c0_i32, %arg0, %c0_i32_0, %c0_i32_1 : i32, i32, i32, i32
  }
  func.func @transform_4(%arg0: i32, %arg1: i32, %arg2: memref<34x16xi32, #tpu.memory_space<smem>>) -> (i32, i32, i32, i32) {
    %c0_i32 = arith.constant 0 : i32
    %c0_i32_0 = arith.constant 0 : i32
    %c0_i32_1 = arith.constant 0 : i32
    %c0_i32_2 = arith.constant 0 : i32
    return %c0_i32, %arg0, %c0_i32_0, %c0_i32_1 : i32, i32, i32, i32
  }
  func.func @transform_5(%arg0: i32, %arg1: i32, %arg2: memref<34x16xi32, #tpu.memory_space<smem>>) -> (i32, i32, i32, i32) {
    %c0_i32 = arith.constant 0 : i32
    %c0_i32_0 = arith.constant 0 : i32
    %c0_i32_1 = arith.constant 0 : i32
    %c0_i32_2 = arith.constant 0 : i32
    return %c0_i32, %arg0, %c0_i32_0, %c0_i32_1 : i32, i32, i32, i32
  }
  func.func @transform_6(%arg0: i32, %arg1: i32, %arg2: memref<34x16xi32, #tpu.memory_space<smem>>) -> (i32, i32, i32, i32) {
    %c0_i32 = arith.constant 0 : i32
    %c0_i32_0 = arith.constant 0 : i32
    %c0_i32_1 = arith.constant 0 : i32
    %c0_i32_2 = arith.constant 0 : i32
    return %c0_i32, %arg0, %c0_i32_0, %c0_i32_1 : i32, i32, i32, i32
  }
  func.func @transform_7(%arg0: i32, %arg1: i32, %arg2: memref<34x16xi32, #tpu.memory_space<smem>>) -> (i32, i32, i32, i32) {
    %c0_i32 = arith.constant 0 : i32
    %c0_i32_0 = arith.constant 0 : i32
    %c0_i32_1 = arith.constant 0 : i32
    %c0_i32_2 = arith.constant 0 : i32
    return %c0_i32, %arg0, %c0_i32_0, %c0_i32_1 : i32, i32, i32, i32
  }
  func.func @transform_8(%arg0: i32, %arg1: i32, %arg2: memref<34x16xi32, #tpu.memory_space<smem>>) -> (i32, i32, i32, i32) {
    %c0_i32 = arith.constant 0 : i32
    %c0_i32_0 = arith.constant 0 : i32
    %c0_i32_1 = arith.constant 0 : i32
    %c0_i32_2 = arith.constant 0 : i32
    return %c0_i32, %arg0, %c0_i32_0, %c0_i32_1 : i32, i32, i32, i32
  }
  func.func @transform_9(%arg0: i32, %arg1: i32, %arg2: memref<34x16xi32, #tpu.memory_space<smem>>) -> (i32, i32, i32, i32) {
    %c0_i32 = arith.constant 0 : i32
    %c0_i32_0 = arith.constant 0 : i32
    %c0_i32_1 = arith.constant 0 : i32
    %c0_i32_2 = arith.constant 0 : i32
    return %c0_i32, %arg0, %c0_i32_0, %c0_i32_1 : i32, i32, i32, i32
  }
  func.func @transform_10(%arg0: i32, %arg1: i32, %arg2: memref<34x16xi32, #tpu.memory_space<smem>>) -> (i32, i32, i32, i32) {
    %c0_i32 = arith.constant 0 : i32
    %c0_i32_0 = arith.constant 0 : i32
    %c0_i32_1 = arith.constant 0 : i32
    %c0_i32_2 = arith.constant 0 : i32
    return %c0_i32, %arg0, %c0_i32_0, %c0_i32_1 : i32, i32, i32, i32
  }
  func.func @transform_11(%arg0: i32, %arg1: i32, %arg2: memref<34x16xi32, #tpu.memory_space<smem>>) -> (i32, i32, i32, i32) {
    %c0_i32 = arith.constant 0 : i32
    %c0_i32_0 = arith.constant 0 : i32
    %c0_i32_1 = arith.constant 0 : i32
    %c0_i32_2 = arith.constant 0 : i32
    return %c0_i32, %arg0, %c0_i32_0, %c0_i32_1 : i32, i32, i32, i32
  }
  func.func @transform_12(%arg0: i32, %arg1: i32, %arg2: memref<34x16xi32, #tpu.memory_space<smem>>) -> (i32, i32) {
    %c0_i32 = arith.constant 0 : i32
    %c0_i32_0 = arith.constant 0 : i32
    %c0_i32_1 = arith.constant 0 : i32
    return %c0_i32, %c0_i32_0 : i32, i32
  }
  func.func @transform_13(%arg0: i32, %arg1: i32, %arg2: memref<34x16xi32, #tpu.memory_space<smem>>) -> (i32, i32) {
    %c0_i32 = arith.constant 0 : i32
    %c0_i32_0 = arith.constant 0 : i32
    %c0_i32_1 = arith.constant 0 : i32
    return %c0_i32, %c0_i32_0 : i32, i32
  }
  func.func @transform_14(%arg0: i32, %arg1: i32, %arg2: memref<34x16xi32, #tpu.memory_space<smem>>) -> (i32, i32) {
    %c0_i32 = arith.constant 0 : i32
    %c0_i32_0 = arith.constant 0 : i32
    %c0_i32_1 = arith.constant 0 : i32
    return %c0_i32, %c0_i32_0 : i32, i32
  }
  func.func @transform_15(%arg0: i32, %arg1: i32, %arg2: memref<34x16xi32, #tpu.memory_space<smem>>) -> (i32, i32, i32) {
    %c0_i32 = arith.constant 0 : i32
    %c0_i32_0 = arith.constant 0 : i32
    %c0_i32_1 = arith.constant 0 : i32
    return %arg0, %c0_i32, %c0_i32_0 : i32, i32, i32
  }
  func.func @transform_16(%arg0: i32, %arg1: i32, %arg2: memref<34x16xi32, #tpu.memory_space<smem>>) -> (i32, i32) {
    %c0_i32 = arith.constant 0 : i32
    %c0_i32_0 = arith.constant 0 : i32
    %c0_i32_1 = arith.constant 0 : i32
    return %c0_i32, %c0_i32_0 : i32, i32
  }
  func.func @transform_17(%arg0: i32, %arg1: i32, %arg2: memref<34x16xi32, #tpu.memory_space<smem>>) -> (i32, i32, i32, i32) {
    %c0_i32 = arith.constant 0 : i32
    %c0_i32_0 = arith.constant 0 : i32
    %c0_i32_1 = arith.constant 0 : i32
    return %arg0, %c0_i32, %arg1, %c0_i32_0 : i32, i32, i32, i32
  }
  func.func @transform_18(%arg0: i32, %arg1: i32, %arg2: memref<34x16xi32, #tpu.memory_space<smem>>) -> (i32, i32, i32, i32) {
    %c0_i32 = arith.constant 0 : i32
    %c0_i32_0 = arith.constant 0 : i32
    %c0_i32_1 = arith.constant 0 : i32
    return %arg0, %c0_i32, %arg1, %c0_i32_0 : i32, i32, i32, i32
  }
  func.func @transform_19(%arg0: i32, %arg1: i32, %arg2: memref<34x16xi32, #tpu.memory_space<smem>>) -> (i32, i32, i32, i32) {
    %c0_i32 = arith.constant 0 : i32
    %c0_i32_0 = arith.constant 0 : i32
    %c0_i32_1 = arith.constant 0 : i32
    return %arg0, %c0_i32, %arg1, %c0_i32_0 : i32, i32, i32, i32
  }
  func.func @transform_20(%arg0: i32, %arg1: i32, %arg2: memref<34x16xi32, #tpu.memory_space<smem>>) -> (i32, i32, i32, i32) {
    %c0_i32 = arith.constant 0 : i32
    %c0_i32_0 = arith.constant 0 : i32
    %c0_i32_1 = arith.constant 0 : i32
    return %arg0, %c0_i32, %arg1, %c0_i32_0 : i32, i32, i32, i32
  }
  func.func @transform_21(%arg0: i32, %arg1: i32, %arg2: memref<34x16xi32, #tpu.memory_space<smem>>) -> (i32, i32, i32, i32) {
    %c0_i32 = arith.constant 0 : i32
    %c0_i32_0 = arith.constant 0 : i32
    %c0_i32_1 = arith.constant 0 : i32
    return %arg0, %c0_i32, %arg1, %c0_i32_0 : i32, i32, i32, i32
  }
  func.func @transform_22(%arg0: i32, %arg1: i32, %arg2: memref<34x16xi32, #tpu.memory_space<smem>>) -> (i32, i32, i32, i32) {
    %c0_i32 = arith.constant 0 : i32
    %c0_i32_0 = arith.constant 0 : i32
    %c0_i32_1 = arith.constant 0 : i32
    return %arg0, %c0_i32, %arg1, %c0_i32_0 : i32, i32, i32, i32
  }
  func.func @transform_23(%arg0: i32, %arg1: i32, %arg2: memref<34x16xi32, #tpu.memory_space<smem>>) -> (i32, i32, i32, i32) {
    %c0_i32 = arith.constant 0 : i32
    %c0_i32_0 = arith.constant 0 : i32
    %c0_i32_1 = arith.constant 0 : i32
    return %arg0, %c0_i32, %arg1, %c0_i32_0 : i32, i32, i32, i32
  }
  func.func @transform_24(%arg0: i32, %arg1: i32, %arg2: memref<34x16xi32, #tpu.memory_space<smem>>) -> (i32, i32, i32, i32) {
    %c0_i32 = arith.constant 0 : i32
    %c0_i32_0 = arith.constant 0 : i32
    %c0_i32_1 = arith.constant 0 : i32
    return %arg0, %c0_i32, %arg1, %c0_i32_0 : i32, i32, i32, i32
  }
  func.func @transform_25(%arg0: i32, %arg1: i32, %arg2: memref<34x16xi32, #tpu.memory_space<smem>>) -> (i32, i32, i32, i32) {
    %c0_i32 = arith.constant 0 : i32
    %c0_i32_0 = arith.constant 0 : i32
    %c0_i32_1 = arith.constant 0 : i32
    return %arg0, %c0_i32, %arg1, %c0_i32_0 : i32, i32, i32, i32
  }
  func.func @transform_26(%arg0: i32, %arg1: i32, %arg2: memref<34x16xi32, #tpu.memory_space<smem>>) -> (i32, i32, i32, i32) {
    %c0_i32 = arith.constant 0 : i32
    %c0_i32_0 = arith.constant 0 : i32
    %c0_i32_1 = arith.constant 0 : i32
    return %arg0, %c0_i32, %arg1, %c0_i32_0 : i32, i32, i32, i32
  }
  func.func @transform_27(%arg0: i32, %arg1: i32, %arg2: memref<34x16xi32, #tpu.memory_space<smem>>) -> (i32, i32, i32, i32) {
    %c0_i32 = arith.constant 0 : i32
    %c0_i32_0 = arith.constant 0 : i32
    %c0_i32_1 = arith.constant 0 : i32
    return %arg0, %c0_i32, %arg1, %c0_i32_0 : i32, i32, i32, i32
  }
  func.func @transform_28(%arg0: i32, %arg1: i32, %arg2: memref<34x16xi32, #tpu.memory_space<smem>>) -> (i32, i32, i32, i32) {
    %c0_i32 = arith.constant 0 : i32
    %c0_i32_0 = arith.constant 0 : i32
    %c0_i32_1 = arith.constant 0 : i32
    return %arg0, %c0_i32, %arg1, %c0_i32_0 : i32, i32, i32, i32
  }
  func.func @transform_29(%arg0: i32, %arg1: i32, %arg2: memref<34x16xi32, #tpu.memory_space<smem>>) -> (i32, i32, i32, i32) {
    %c0_i32 = arith.constant 0 : i32
    %c0_i32_0 = arith.constant 0 : i32
    %c0_i32_1 = arith.constant 0 : i32
    return %arg0, %c0_i32, %arg1, %c0_i32_0 : i32, i32, i32, i32
  }
  func.func @transform_30(%arg0: i32, %arg1: i32, %arg2: memref<34x16xi32, #tpu.memory_space<smem>>) -> (i32, i32, i32, i32) {
    %c0_i32 = arith.constant 0 : i32
    %c0_i32_0 = arith.constant 0 : i32
    %c0_i32_1 = arith.constant 0 : i32
    return %arg0, %c0_i32, %arg1, %c0_i32_0 : i32, i32, i32, i32
  }
  func.func @transform_31(%arg0: i32, %arg1: i32, %arg2: memref<34x16xi32, #tpu.memory_space<smem>>) -> (i32, i32, i32, i32) {
    %c0_i32 = arith.constant 0 : i32
    %c0_i32_0 = arith.constant 0 : i32
    %c0_i32_1 = arith.constant 0 : i32
    return %arg0, %c0_i32, %arg1, %c0_i32_0 : i32, i32, i32, i32
  }
  func.func @transform_32(%arg0: i32, %arg1: i32, %arg2: memref<34x16xi32, #tpu.memory_space<smem>>) -> (i32, i32, i32, i32) {
    %c0_i32 = arith.constant 0 : i32
    %c0_i32_0 = arith.constant 0 : i32
    %c0_i32_1 = arith.constant 0 : i32
    return %arg0, %c0_i32, %arg1, %c0_i32_0 : i32, i32, i32, i32
  }
  func.func @transform_33(%arg0: i32, %arg1: i32, %arg2: memref<34x16xi32, #tpu.memory_space<smem>>) -> (i32, i32, i32, i32) {
    %c0_i32 = arith.constant 0 : i32
    %c0_i32_0 = arith.constant 0 : i32
    %c0_i32_1 = arith.constant 0 : i32
    return %arg0, %c0_i32, %arg1, %c0_i32_0 : i32, i32, i32, i32
  }
  func.func @transform_34(%arg0: i32, %arg1: i32, %arg2: memref<34x16xi32, #tpu.memory_space<smem>>) -> (i32, i32, i32, i32) {
    %c0_i32 = arith.constant 0 : i32
    %c0_i32_0 = arith.constant 0 : i32
    %c0_i32_1 = arith.constant 0 : i32
    return %arg0, %c0_i32, %arg1, %c0_i32_0 : i32, i32, i32, i32
  }
  func.func @transform_35(%arg0: i32, %arg1: i32, %arg2: memref<34x16xi32, #tpu.memory_space<smem>>) -> (i32, i32, i32, i32) {
    %c0_i32 = arith.constant 0 : i32
    %c0_i32_0 = arith.constant 0 : i32
    %c0_i32_1 = arith.constant 0 : i32
    return %arg0, %c0_i32, %arg1, %c0_i32_0 : i32, i32, i32, i32
  }
  func.func @transform_36(%arg0: i32, %arg1: i32, %arg2: memref<34x16xi32, #tpu.memory_space<smem>>) -> (i32, i32, i32, i32) {
    %c0_i32 = arith.constant 0 : i32
    %c0_i32_0 = arith.constant 0 : i32
    %c0_i32_1 = arith.constant 0 : i32
    return %arg0, %c0_i32, %arg1, %c0_i32_0 : i32, i32, i32, i32
  }
  func.func @transform_37(%arg0: i32, %arg1: i32, %arg2: memref<34x16xi32, #tpu.memory_space<smem>>) -> (i32, i32, i32, i32) {
    %c0_i32 = arith.constant 0 : i32
    %c0_i32_0 = arith.constant 0 : i32
    %c0_i32_1 = arith.constant 0 : i32
    return %arg0, %c0_i32, %arg1, %c0_i32_0 : i32, i32, i32, i32
  }
  func.func @transform_38(%arg0: i32, %arg1: i32, %arg2: memref<34x16xi32, #tpu.memory_space<smem>>) -> (i32, i32, i32, i32) {
    %c0_i32 = arith.constant 0 : i32
    %c0_i32_0 = arith.constant 0 : i32
    %c0_i32_1 = arith.constant 0 : i32
    return %arg0, %c0_i32, %arg1, %c0_i32_0 : i32, i32, i32, i32
  }
  func.func @transform_39(%arg0: i32, %arg1: i32, %arg2: memref<34x16xi32, #tpu.memory_space<smem>>) -> (i32, i32, i32, i32) {
    %c0_i32 = arith.constant 0 : i32
    %c0_i32_0 = arith.constant 0 : i32
    %c0_i32_1 = arith.constant 0 : i32
    return %arg0, %c0_i32, %arg1, %c0_i32_0 : i32, i32, i32, i32
  }
  func.func @transform_40(%arg0: i32, %arg1: i32, %arg2: memref<34x16xi32, #tpu.memory_space<smem>>) -> (i32, i32, i32, i32) {
    %c0_i32 = arith.constant 0 : i32
    %c0_i32_0 = arith.constant 0 : i32
    %c0_i32_1 = arith.constant 0 : i32
    return %arg0, %c0_i32, %arg1, %c0_i32_0 : i32, i32, i32, i32
  }
}

module attributes {stable_mosaic.version = 14 : i64} {
  func.func @_fused_body(%arg0: i32, %arg1: i32, %arg2: memref<34x16xi32, #tpu.memory_space<smem>>, %arg3: memref<16x1x1x336xbf16, #tpu.memory_space<vmem>>, %arg4: memref<16x1x1x338xbf16, #tpu.memory_space<vmem>>, %arg5: memref<16x1x1x340xbf16, #tpu.memory_space<vmem>>, %arg6: memref<16x1x1x341xbf16, #tpu.memory_space<vmem>>, %arg7: memref<16x1x1x342xbf16, #tpu.memory_space<vmem>>, %arg8: memref<16x1x1x345xbf16, #tpu.memory_space<vmem>>, %arg9: memref<16x1x1x350xbf16, #tpu.memory_space<vmem>>, %arg10: memref<16x1x1x352xbf16, #tpu.memory_space<vmem>>, %arg11: memref<16x1x1x360xbf16, #tpu.memory_space<vmem>>, %arg12: memref<16x1x1x363xbf16, #tpu.memory_space<vmem>>, %arg13: memref<16x1x1x370xbf16, #tpu.memory_space<vmem>>, %arg14: memref<16x1x1x402xbf16, #tpu.memory_space<vmem>>, %arg15: memref<2720x512xbf16, #tpu.memory_space<vmem>>, %arg16: memref<424x402xbf16, #tpu.memory_space<vmem>>, %arg17: memref<1344x8xbf16, #tpu.memory_space<vmem>>, %arg18: memref<1x1x256xf32, #tpu.memory_space<vmem>>, %arg19: memref<424x256xf32, #tpu.memory_space<vmem>>, %arg20: memref<1x31x8x512xf32, #tpu.memory_space<vmem>>, %arg21: memref<1x34x8x512xf32, #tpu.memory_space<vmem>>, %arg22: memref<1x38x8x512xf32, #tpu.memory_space<vmem>>, %arg23: memref<1x42x8x512xf32, #tpu.memory_space<vmem>>, %arg24: memref<1x48x8x512xf32, #tpu.memory_space<vmem>>, %arg25: memref<1x56x8x512xf32, #tpu.memory_space<vmem>>, %arg26: memref<1x68x8x512xf32, #tpu.memory_space<vmem>>, %arg27: memref<1x84x8x512xf32, #tpu.memory_space<vmem>>) attributes {dimension_semantics = [#tpu.dimension_semantics<arbitrary>, #tpu.dimension_semantics<arbitrary>], iteration_bounds = array<i64: 11, 2>, scalar_prefetch = 1 : i64, scratch_operands = 0 : i64, tpu.core_type = #tpu.core_type<tc>, window_params = [{transform_indices = @transform_0, window_bounds = array<i64: 16, 1, 1, 336>}, {transform_indices = @transform_1, window_bounds = array<i64: 16, 1, 1, 338>}, {transform_indices = @transform_2, window_bounds = array<i64: 16, 1, 1, 340>}, {transform_indices = @transform_3, window_bounds = array<i64: 16, 1, 1, 341>}, {transform_indices = @transform_4, window_bounds = array<i64: 16, 1, 1, 342>}, {transform_indices = @transform_5, window_bounds = array<i64: 16, 1, 1, 345>}, {transform_indices = @transform_6, window_bounds = array<i64: 16, 1, 1, 350>}, {transform_indices = @transform_7, window_bounds = array<i64: 16, 1, 1, 352>}, {transform_indices = @transform_8, window_bounds = array<i64: 16, 1, 1, 360>}, {transform_indices = @transform_9, window_bounds = array<i64: 16, 1, 1, 363>}, {transform_indices = @transform_10, window_bounds = array<i64: 16, 1, 1, 370>}, {transform_indices = @transform_11, window_bounds = array<i64: 16, 1, 1, 402>}, {pipeline_mode = #tpu.pipeline_mode<synchronous>, transform_indices = @transform_12, window_bounds = array<i64: 2720, 512>}, {pipeline_mode = #tpu.pipeline_mode<synchronous>, transform_indices = @transform_13, window_bounds = array<i64: 424, 402>}, {pipeline_mode = #tpu.pipeline_mode<synchronous>, transform_indices = @transform_14, window_bounds = array<i64: 1344, 8>}, {transform_indices = @transform_15, window_bounds = array<i64: 1, 1, 256>}, {pipeline_mode = #tpu.pipeline_mode<synchronous>, transform_indices = @transform_16, window_bounds = array<i64: 424, 256>}, {transform_indices = @transform_17, window_bounds = array<i64: 1, 31, 8, 512>}, {transform_indices = @transform_18, window_bounds = array<i64: 1, 34, 8, 512>}, {transform_indices = @transform_19, window_bounds = array<i64: 1, 38, 8, 512>}, {transform_indices = @transform_20, window_bounds = array<i64: 1, 42, 8, 512>}, {transform_indices = @transform_21, window_bounds = array<i64: 1, 48, 8, 512>}, {transform_indices = @transform_22, window_bounds = array<i64: 1, 56, 8, 512>}, {transform_indices = @transform_23, window_bounds = array<i64: 1, 68, 8, 512>}, {transform_indices = @transform_24, window_bounds = array<i64: 1, 84, 8, 512>}]} {
    %mul3A = arith.constant 8 : i32
    %mul3A_0 = arith.muli %arg1, %mul3A : i32
    %get3A = arith.constant 0 : index
    %get3A_1 = arith.constant 0 : index
    %get3A_2 = arith.constant 0 : index
    %get3A_3 = vector.load %arg18[%get3A, %get3A_1, %get3A_2] : memref<1x1x256xf32, #tpu.memory_space<vmem>>, vector<1x1x256xf32>
    %get3A_4 = vector.shape_cast %get3A_3 : vector<1x1x256xf32> to vector<1x256xf32>
    %add3A = arith.constant 0 : i32
    %add3A_5 = arith.addi %mul3A_0, %add3A : i32
    %get3A_6 = arith.constant 24 : index
    %get3A_7 = arith.index_cast %add3A_5 : i32 to index
    %get3A_8 = memref.load %arg2[%get3A_6, %get3A_7] : memref<34x16xi32, #tpu.memory_space<smem>>
    %get3A_9 = arith.index_cast %get3A_8 : i32 to index
    %get3A_10 = arith.constant 0 : index
    %get3A_11 = arith.constant 0 : index
    %get3A_12 = arith.constant 0 : index
    %get3A_13 = vector.load %arg6[%get3A_9, %get3A_10, %get3A_11, %get3A_12] : memref<16x1x1x341xbf16, #tpu.memory_space<vmem>>, vector<1x1x1x341xbf16>
    %get3A_14 = vector.shape_cast %get3A_13 : vector<1x1x1x341xbf16> to vector<341xbf16>
    %broadcast_in_dim3A = vector.shape_cast %get3A_14 : vector<341xbf16> to vector<1x341xbf16>
    %add3A_15 = arith.constant 1 : i32
    %add3A_16 = arith.addi %mul3A_0, %add3A_15 : i32
    %get3A_17 = arith.constant 24 : index
    %get3A_18 = arith.index_cast %add3A_16 : i32 to index
    %get3A_19 = memref.load %arg2[%get3A_17, %get3A_18] : memref<34x16xi32, #tpu.memory_space<smem>>
    %get3A_20 = arith.index_cast %get3A_19 : i32 to index
    %get3A_21 = arith.constant 0 : index
    %get3A_22 = arith.constant 0 : index
    %get3A_23 = arith.constant 0 : index
    %get3A_24 = vector.load %arg6[%get3A_20, %get3A_21, %get3A_22, %get3A_23] : memref<16x1x1x341xbf16, #tpu.memory_space<vmem>>, vector<1x1x1x341xbf16>
    %get3A_25 = vector.shape_cast %get3A_24 : vector<1x1x1x341xbf16> to vector<341xbf16>
    %broadcast_in_dim3A_26 = vector.shape_cast %get3A_25 : vector<341xbf16> to vector<1x341xbf16>
    %add3A_27 = arith.constant 2 : i32
    %add3A_28 = arith.addi %mul3A_0, %add3A_27 : i32
    %get3A_29 = arith.constant 24 : index
    %get3A_30 = arith.index_cast %add3A_28 : i32 to index
    %get3A_31 = memref.load %arg2[%get3A_29, %get3A_30] : memref<34x16xi32, #tpu.memory_space<smem>>
    %get3A_32 = arith.index_cast %get3A_31 : i32 to index
    %get3A_33 = arith.constant 0 : index
    %get3A_34 = arith.constant 0 : index
    %get3A_35 = arith.constant 0 : index
    %get3A_36 = vector.load %arg6[%get3A_32, %get3A_33, %get3A_34, %get3A_35] : memref<16x1x1x341xbf16, #tpu.memory_space<vmem>>, vector<1x1x1x341xbf16>
    %get3A_37 = vector.shape_cast %get3A_36 : vector<1x1x1x341xbf16> to vector<341xbf16>
    %broadcast_in_dim3A_38 = vector.shape_cast %get3A_37 : vector<341xbf16> to vector<1x341xbf16>
    %add3A_39 = arith.constant 3 : i32
    %add3A_40 = arith.addi %mul3A_0, %add3A_39 : i32
    %get3A_41 = arith.constant 24 : index
    %get3A_42 = arith.index_cast %add3A_40 : i32 to index
    %get3A_43 = memref.load %arg2[%get3A_41, %get3A_42] : memref<34x16xi32, #tpu.memory_space<smem>>
    %get3A_44 = arith.index_cast %get3A_43 : i32 to index
    %get3A_45 = arith.constant 0 : index
    %get3A_46 = arith.constant 0 : index
    %get3A_47 = arith.constant 0 : index
    %get3A_48 = vector.load %arg6[%get3A_44, %get3A_45, %get3A_46, %get3A_47] : memref<16x1x1x341xbf16, #tpu.memory_space<vmem>>, vector<1x1x1x341xbf16>
    %get3A_49 = vector.shape_cast %get3A_48 : vector<1x1x1x341xbf16> to vector<341xbf16>
    %broadcast_in_dim3A_50 = vector.shape_cast %get3A_49 : vector<341xbf16> to vector<1x341xbf16>
    %add3A_51 = arith.constant 4 : i32
    %add3A_52 = arith.addi %mul3A_0, %add3A_51 : i32
    %get3A_53 = arith.constant 24 : index
    %get3A_54 = arith.index_cast %add3A_52 : i32 to index
    %get3A_55 = memref.load %arg2[%get3A_53, %get3A_54] : memref<34x16xi32, #tpu.memory_space<smem>>
    %get3A_56 = arith.index_cast %get3A_55 : i32 to index
    %get3A_57 = arith.constant 0 : index
    %get3A_58 = arith.constant 0 : index
    %get3A_59 = arith.constant 0 : index
    %get3A_60 = vector.load %arg6[%get3A_56, %get3A_57, %get3A_58, %get3A_59] : memref<16x1x1x341xbf16, #tpu.memory_space<vmem>>, vector<1x1x1x341xbf16>
    %get3A_61 = vector.shape_cast %get3A_60 : vector<1x1x1x341xbf16> to vector<341xbf16>
    %broadcast_in_dim3A_62 = vector.shape_cast %get3A_61 : vector<341xbf16> to vector<1x341xbf16>
    %add3A_63 = arith.constant 5 : i32
    %add3A_64 = arith.addi %mul3A_0, %add3A_63 : i32
    %get3A_65 = arith.constant 24 : index
    %get3A_66 = arith.index_cast %add3A_64 : i32 to index
    %get3A_67 = memref.load %arg2[%get3A_65, %get3A_66] : memref<34x16xi32, #tpu.memory_space<smem>>
    %get3A_68 = arith.index_cast %get3A_67 : i32 to index
    %get3A_69 = arith.constant 0 : index
    %get3A_70 = arith.constant 0 : index
    %get3A_71 = arith.constant 0 : index
    %get3A_72 = vector.load %arg6[%get3A_68, %get3A_69, %get3A_70, %get3A_71] : memref<16x1x1x341xbf16, #tpu.memory_space<vmem>>, vector<1x1x1x341xbf16>
    %get3A_73 = vector.shape_cast %get3A_72 : vector<1x1x1x341xbf16> to vector<341xbf16>
    %broadcast_in_dim3A_74 = vector.shape_cast %get3A_73 : vector<341xbf16> to vector<1x341xbf16>
    %add3A_75 = arith.constant 6 : i32
    %add3A_76 = arith.addi %mul3A_0, %add3A_75 : i32
    %get3A_77 = arith.constant 24 : index
    %get3A_78 = arith.index_cast %add3A_76 : i32 to index
    %get3A_79 = memref.load %arg2[%get3A_77, %get3A_78] : memref<34x16xi32, #tpu.memory_space<smem>>
    %get3A_80 = arith.index_cast %get3A_79 : i32 to index
    %get3A_81 = arith.constant 0 : index
    %get3A_82 = arith.constant 0 : index
    %get3A_83 = arith.constant 0 : index
    %get3A_84 = vector.load %arg6[%get3A_80, %get3A_81, %get3A_82, %get3A_83] : memref<16x1x1x341xbf16, #tpu.memory_space<vmem>>, vector<1x1x1x341xbf16>
    %get3A_85 = vector.shape_cast %get3A_84 : vector<1x1x1x341xbf16> to vector<341xbf16>
    %broadcast_in_dim3A_86 = vector.shape_cast %get3A_85 : vector<341xbf16> to vector<1x341xbf16>
    %add3A_87 = arith.constant 7 : i32
    %add3A_88 = arith.addi %mul3A_0, %add3A_87 : i32
    %get3A_89 = arith.constant 24 : index
    %get3A_90 = arith.index_cast %add3A_88 : i32 to index
    %get3A_91 = memref.load %arg2[%get3A_89, %get3A_90] : memref<34x16xi32, #tpu.memory_space<smem>>
    %get3A_92 = arith.index_cast %get3A_91 : i32 to index
    %get3A_93 = arith.constant 0 : index
    %get3A_94 = arith.constant 0 : index
    %get3A_95 = arith.constant 0 : index
    %get3A_96 = vector.load %arg6[%get3A_92, %get3A_93, %get3A_94, %get3A_95] : memref<16x1x1x341xbf16, #tpu.memory_space<vmem>>, vector<1x1x1x341xbf16>
    %get3A_97 = vector.shape_cast %get3A_96 : vector<1x1x1x341xbf16> to vector<341xbf16>
    %broadcast_in_dim3A_98 = vector.shape_cast %get3A_97 : vector<341xbf16> to vector<1x341xbf16>
    %concatenate3A = tpu.concatenate %broadcast_in_dim3A, %broadcast_in_dim3A_26, %broadcast_in_dim3A_38, %broadcast_in_dim3A_50, %broadcast_in_dim3A_62, %broadcast_in_dim3A_74, %broadcast_in_dim3A_86, %broadcast_in_dim3A_98 in 0 : vector<1x341xbf16>, vector<1x341xbf16>, vector<1x341xbf16>, vector<1x341xbf16>, vector<1x341xbf16>, vector<1x341xbf16>, vector<1x341xbf16>, vector<1x341xbf16> -> vector<8x341xbf16>
    %get3A_99 = arith.constant 0 : index
    %get3A_100 = arith.constant 0 : index
    %get3A_101 = vector.load %arg17[%get3A_99, %get3A_100] : memref<1344x8xbf16, #tpu.memory_space<vmem>>, vector<248x8xbf16>
    %dot_general3A = arith.constant dense<0.000000e+00> : vector<248x341xf32>
    %dot_general3A_102 = tpu.matmul %get3A_101, %concatenate3A, %dot_general3A {dimension_numbers = #tpu.dot_dimension_numbers<[1], [0], [0], [1], [0, 0, 1, 1], [], []>, transpose_lhs_hint = false} : vector<248x8xbf16>, vector<8x341xbf16>, vector<248x341xf32> -> vector<248x341xf32>
    %convert_element_type3A = arith.truncf %dot_general3A_102 : vector<248x341xf32> to vector<248x341xbf16>
    %get3A_103 = arith.constant 0 : index
    %get3A_104 = arith.constant 0 : index
    %get3A_105 = vector.load %arg16[%get3A_103, %get3A_104] : memref<424x402xbf16, #tpu.memory_space<vmem>>, vector<31x341xbf16>
    %broadcast_in_dim3A_106 = vector.shape_cast %get3A_105 : vector<31x341xbf16> to vector<31x1x341xbf16>
    %broadcast_in_dim3A_107 = vector.shape_cast %broadcast_in_dim3A_106 : vector<31x1x341xbf16> to vector<31x1x341xbf16>
    %broadcast_in_dim3A_108 = vector.broadcast %broadcast_in_dim3A_107 : vector<31x1x341xbf16> to vector<31x8x341xbf16>
    %reshape3A = vector.shape_cast %broadcast_in_dim3A_108 : vector<31x8x341xbf16> to vector<248x341xbf16>
    %mul3A_109 = arith.mulf %reshape3A, %convert_element_type3A : vector<248x341xbf16>
    %get3A_110 = arith.constant 0 : index
    %get3A_111 = arith.constant 0 : index
    %get3A_112 = vector.load %arg15[%get3A_110, %get3A_111] : memref<2720x512xbf16, #tpu.memory_space<vmem>>, vector<341x512xbf16>
    %dot_general3A_113 = arith.constant dense<0.000000e+00> : vector<248x512xf32>
    %dot_general3A_114 = tpu.matmul %mul3A_109, %get3A_112, %dot_general3A_113 {dimension_numbers = #tpu.dot_dimension_numbers<[1], [0], [0], [1], [0, 0, 1, 1], [], []>, transpose_lhs_hint = false} : vector<248x341xbf16>, vector<341x512xbf16>, vector<248x512xf32> -> vector<248x512xf32>
    %get3A_115 = arith.constant 0 : index
    %get3A_116 = arith.constant 0 : index
    %get3A_117 = vector.load %arg19[%get3A_115, %get3A_116] : memref<424x256xf32, #tpu.memory_space<vmem>>, vector<31x256xf32>
    %broadcast_in_dim3A_118 = vector.shape_cast %get3A_117 : vector<31x256xf32> to vector<31x1x256xf32>
    %broadcast_in_dim3A_119 = vector.shape_cast %broadcast_in_dim3A_118 : vector<31x1x256xf32> to vector<31x1x256xf32>
    %broadcast_in_dim3A_120 = vector.broadcast %broadcast_in_dim3A_119 : vector<31x1x256xf32> to vector<31x8x256xf32>
    %reshape3A_121 = vector.shape_cast %broadcast_in_dim3A_120 : vector<31x8x256xf32> to vector<248x256xf32>
    %broadcast_in_dim3A_122 = vector.shape_cast %get3A_4 : vector<1x256xf32> to vector<1x256xf32>
    %broadcast_in_dim3A_123 = vector.broadcast %broadcast_in_dim3A_122 : vector<1x256xf32> to vector<248x256xf32>
    %concatenate3A_124 = tpu.concatenate %broadcast_in_dim3A_123, %reshape3A_121 in 1 : vector<248x256xf32>, vector<248x256xf32> -> vector<248x512xf32>
    %add3A_125 = arith.addf %dot_general3A_114, %concatenate3A_124 : vector<248x512xf32>
    %reshape3A_126 = vector.shape_cast %add3A_125 : vector<248x512xf32> to vector<31x8x512xf32>
    %swap3A = arith.constant 0 : index
    %swap3A_127 = arith.constant 0 : index
    %swap3A_128 = arith.constant 0 : index
    %swap3A_129 = arith.constant 0 : index
    %swap3A_130 = vector.load %arg20[%swap3A, %swap3A_127, %swap3A_128, %swap3A_129] : memref<1x31x8x512xf32, #tpu.memory_space<vmem>>, vector<1x31x8x512xf32>
    %swap3A_131 = vector.shape_cast %swap3A_130 : vector<1x31x8x512xf32> to vector<31x8x512xf32>
    %swap3A_132 = vector.shape_cast %reshape3A_126 : vector<31x8x512xf32> to vector<1x31x8x512xf32>
    tpu.vector_store %arg20[%swap3A, %swap3A_127, %swap3A_128, %swap3A_129], %swap3A_132 {strides = array<i32>} : memref<1x31x8x512xf32, #tpu.memory_space<vmem>>, vector<1x31x8x512xf32>,
    %add3A_133 = arith.constant 0 : i32
    %add3A_134 = arith.addi %mul3A_0, %add3A_133 : i32
    %get3A_135 = arith.constant 25 : index
    %get3A_136 = arith.index_cast %add3A_134 : i32 to index
    %get3A_137 = memref.load %arg2[%get3A_135, %get3A_136] : memref<34x16xi32, #tpu.memory_space<smem>>
    %get3A_138 = arith.index_cast %get3A_137 : i32 to index
    %get3A_139 = arith.constant 0 : index
    %get3A_140 = arith.constant 0 : index
    %get3A_141 = arith.constant 0 : index
    %get3A_142 = vector.load %arg5[%get3A_138, %get3A_139, %get3A_140, %get3A_141] : memref<16x1x1x340xbf16, #tpu.memory_space<vmem>>, vector<1x1x1x340xbf16>
    %get3A_143 = vector.shape_cast %get3A_142 : vector<1x1x1x340xbf16> to vector<340xbf16>
    %broadcast_in_dim3A_144 = vector.shape_cast %get3A_143 : vector<340xbf16> to vector<1x340xbf16>
    %add3A_145 = arith.constant 1 : i32
    %add3A_146 = arith.addi %mul3A_0, %add3A_145 : i32
    %get3A_147 = arith.constant 25 : index
    %get3A_148 = arith.index_cast %add3A_146 : i32 to index
    %get3A_149 = memref.load %arg2[%get3A_147, %get3A_148] : memref<34x16xi32, #tpu.memory_space<smem>>
    %get3A_150 = arith.index_cast %get3A_149 : i32 to index
    %get3A_151 = arith.constant 0 : index
    %get3A_152 = arith.constant 0 : index
    %get3A_153 = arith.constant 0 : index
    %get3A_154 = vector.load %arg5[%get3A_150, %get3A_151, %get3A_152, %get3A_153] : memref<16x1x1x340xbf16, #tpu.memory_space<vmem>>, vector<1x1x1x340xbf16>
    %get3A_155 = vector.shape_cast %get3A_154 : vector<1x1x1x340xbf16> to vector<340xbf16>
    %broadcast_in_dim3A_156 = vector.shape_cast %get3A_155 : vector<340xbf16> to vector<1x340xbf16>
    %add3A_157 = arith.constant 2 : i32
    %add3A_158 = arith.addi %mul3A_0, %add3A_157 : i32
    %get3A_159 = arith.constant 25 : index
    %get3A_160 = arith.index_cast %add3A_158 : i32 to index
    %get3A_161 = memref.load %arg2[%get3A_159, %get3A_160] : memref<34x16xi32, #tpu.memory_space<smem>>
    %get3A_162 = arith.index_cast %get3A_161 : i32 to index
    %get3A_163 = arith.constant 0 : index
    %get3A_164 = arith.constant 0 : index
    %get3A_165 = arith.constant 0 : index
    %get3A_166 = vector.load %arg5[%get3A_162, %get3A_163, %get3A_164, %get3A_165] : memref<16x1x1x340xbf16, #tpu.memory_space<vmem>>, vector<1x1x1x340xbf16>
    %get3A_167 = vector.shape_cast %get3A_166 : vector<1x1x1x340xbf16> to vector<340xbf16>
    %broadcast_in_dim3A_168 = vector.shape_cast %get3A_167 : vector<340xbf16> to vector<1x340xbf16>
    %add3A_169 = arith.constant 3 : i32
    %add3A_170 = arith.addi %mul3A_0, %add3A_169 : i32
    %get3A_171 = arith.constant 25 : index
    %get3A_172 = arith.index_cast %add3A_170 : i32 to index
    %get3A_173 = memref.load %arg2[%get3A_171, %get3A_172] : memref<34x16xi32, #tpu.memory_space<smem>>
    %get3A_174 = arith.index_cast %get3A_173 : i32 to index
    %get3A_175 = arith.constant 0 : index
    %get3A_176 = arith.constant 0 : index
    %get3A_177 = arith.constant 0 : index
    %get3A_178 = vector.load %arg5[%get3A_174, %get3A_175, %get3A_176, %get3A_177] : memref<16x1x1x340xbf16, #tpu.memory_space<vmem>>, vector<1x1x1x340xbf16>
    %get3A_179 = vector.shape_cast %get3A_178 : vector<1x1x1x340xbf16> to vector<340xbf16>
    %broadcast_in_dim3A_180 = vector.shape_cast %get3A_179 : vector<340xbf16> to vector<1x340xbf16>
    %add3A_181 = arith.constant 4 : i32
    %add3A_182 = arith.addi %mul3A_0, %add3A_181 : i32
    %get3A_183 = arith.constant 25 : index
    %get3A_184 = arith.index_cast %add3A_182 : i32 to index
    %get3A_185 = memref.load %arg2[%get3A_183, %get3A_184] : memref<34x16xi32, #tpu.memory_space<smem>>
    %get3A_186 = arith.index_cast %get3A_185 : i32 to index
    %get3A_187 = arith.constant 0 : index
    %get3A_188 = arith.constant 0 : index
    %get3A_189 = arith.constant 0 : index
    %get3A_190 = vector.load %arg5[%get3A_186, %get3A_187, %get3A_188, %get3A_189] : memref<16x1x1x340xbf16, #tpu.memory_space<vmem>>, vector<1x1x1x340xbf16>
    %get3A_191 = vector.shape_cast %get3A_190 : vector<1x1x1x340xbf16> to vector<340xbf16>
    %broadcast_in_dim3A_192 = vector.shape_cast %get3A_191 : vector<340xbf16> to vector<1x340xbf16>
    %add3A_193 = arith.constant 5 : i32
    %add3A_194 = arith.addi %mul3A_0, %add3A_193 : i32
    %get3A_195 = arith.constant 25 : index
    %get3A_196 = arith.index_cast %add3A_194 : i32 to index
    %get3A_197 = memref.load %arg2[%get3A_195, %get3A_196] : memref<34x16xi32, #tpu.memory_space<smem>>
    %get3A_198 = arith.index_cast %get3A_197 : i32 to index
    %get3A_199 = arith.constant 0 : index
    %get3A_200 = arith.constant 0 : index
    %get3A_201 = arith.constant 0 : index
    %get3A_202 = vector.load %arg5[%get3A_198, %get3A_199, %get3A_200, %get3A_201] : memref<16x1x1x340xbf16, #tpu.memory_space<vmem>>, vector<1x1x1x340xbf16>
    %get3A_203 = vector.shape_cast %get3A_202 : vector<1x1x1x340xbf16> to vector<340xbf16>
    %broadcast_in_dim3A_204 = vector.shape_cast %get3A_203 : vector<340xbf16> to vector<1x340xbf16>
    %add3A_205 = arith.constant 6 : i32
    %add3A_206 = arith.addi %mul3A_0, %add3A_205 : i32
    %get3A_207 = arith.constant 25 : index
    %get3A_208 = arith.index_cast %add3A_206 : i32 to index
    %get3A_209 = memref.load %arg2[%get3A_207, %get3A_208] : memref<34x16xi32, #tpu.memory_space<smem>>
    %get3A_210 = arith.index_cast %get3A_209 : i32 to index
    %get3A_211 = arith.constant 0 : index
    %get3A_212 = arith.constant 0 : index
    %get3A_213 = arith.constant 0 : index
    %get3A_214 = vector.load %arg5[%get3A_210, %get3A_211, %get3A_212, %get3A_213] : memref<16x1x1x340xbf16, #tpu.memory_space<vmem>>, vector<1x1x1x340xbf16>
    %get3A_215 = vector.shape_cast %get3A_214 : vector<1x1x1x340xbf16> to vector<340xbf16>
    %broadcast_in_dim3A_216 = vector.shape_cast %get3A_215 : vector<340xbf16> to vector<1x340xbf16>
    %add3A_217 = arith.constant 7 : i32
    %add3A_218 = arith.addi %mul3A_0, %add3A_217 : i32
    %get3A_219 = arith.constant 25 : index
    %get3A_220 = arith.index_cast %add3A_218 : i32 to index
    %get3A_221 = memref.load %arg2[%get3A_219, %get3A_220] : memref<34x16xi32, #tpu.memory_space<smem>>
    %get3A_222 = arith.index_cast %get3A_221 : i32 to index
    %get3A_223 = arith.constant 0 : index
    %get3A_224 = arith.constant 0 : index
    %get3A_225 = arith.constant 0 : index
    %get3A_226 = vector.load %arg5[%get3A_222, %get3A_223, %get3A_224, %get3A_225] : memref<16x1x1x340xbf16, #tpu.memory_space<vmem>>, vector<1x1x1x340xbf16>
    %get3A_227 = vector.shape_cast %get3A_226 : vector<1x1x1x340xbf16> to vector<340xbf16>
    %broadcast_in_dim3A_228 = vector.shape_cast %get3A_227 : vector<340xbf16> to vector<1x340xbf16>
    %concatenate3A_229 = tpu.concatenate %broadcast_in_dim3A_144, %broadcast_in_dim3A_156, %broadcast_in_dim3A_168, %broadcast_in_dim3A_180, %broadcast_in_dim3A_192, %broadcast_in_dim3A_204, %broadcast_in_dim3A_216, %broadcast_in_dim3A_228 in 0 : vector<1x340xbf16>, vector<1x340xbf16>, vector<1x340xbf16>, vector<1x340xbf16>, vector<1x340xbf16>, vector<1x340xbf16>, vector<1x340xbf16>, vector<1x340xbf16> -> vector<8x340xbf16>
    %get3A_230 = arith.constant 0 : index
    %get3A_231 = arith.constant 0 : index
    %get3A_232 = vector.load %arg17[%get3A_230, %get3A_231] : memref<1344x8xbf16, #tpu.memory_space<vmem>>, vector<272x8xbf16>
    %dot_general3A_233 = arith.constant dense<0.000000e+00> : vector<272x340xf32>
    %dot_general3A_234 = tpu.matmul %get3A_232, %concatenate3A_229, %dot_general3A_233 {dimension_numbers = #tpu.dot_dimension_numbers<[1], [0], [0], [1], [0, 0, 1, 1], [], []>, transpose_lhs_hint = false} : vector<272x8xbf16>, vector<8x340xbf16>, vector<272x340xf32> -> vector<272x340xf32>
    %convert_element_type3A_235 = arith.truncf %dot_general3A_234 : vector<272x340xf32> to vector<272x340xbf16>
    %get3A_236 = arith.constant 32 : index
    %get3A_237 = arith.constant 0 : index
    %get3A_238 = vector.load %arg16[%get3A_236, %get3A_237] : memref<424x402xbf16, #tpu.memory_space<vmem>>, vector<34x340xbf16>
    %broadcast_in_dim3A_239 = vector.shape_cast %get3A_238 : vector<34x340xbf16> to vector<34x1x340xbf16>
    %broadcast_in_dim3A_240 = vector.shape_cast %broadcast_in_dim3A_239 : vector<34x1x340xbf16> to vector<34x1x340xbf16>
    %broadcast_in_dim3A_241 = vector.broadcast %broadcast_in_dim3A_240 : vector<34x1x340xbf16> to vector<34x8x340xbf16>
    %reshape3A_242 = vector.shape_cast %broadcast_in_dim3A_241 : vector<34x8x340xbf16> to vector<272x340xbf16>
    %mul3A_243 = arith.mulf %reshape3A_242, %convert_element_type3A_235 : vector<272x340xbf16>
    %get3A_244 = arith.constant 344 : index
    %get3A_245 = arith.constant 0 : index
    %get3A_246 = vector.load %arg15[%get3A_244, %get3A_245] : memref<2720x512xbf16, #tpu.memory_space<vmem>>, vector<340x512xbf16>
    %dot_general3A_247 = arith.constant dense<0.000000e+00> : vector<272x512xf32>
    %dot_general3A_248 = tpu.matmul %mul3A_243, %get3A_246, %dot_general3A_247 {dimension_numbers = #tpu.dot_dimension_numbers<[1], [0], [0], [1], [0, 0, 1, 1], [], []>, transpose_lhs_hint = false} : vector<272x340xbf16>, vector<340x512xbf16>, vector<272x512xf32> -> vector<272x512xf32>
    %get3A_249 = arith.constant 32 : index
    %get3A_250 = arith.constant 0 : index
    %get3A_251 = vector.load %arg19[%get3A_249, %get3A_250] : memref<424x256xf32, #tpu.memory_space<vmem>>, vector<34x256xf32>
    %broadcast_in_dim3A_252 = vector.shape_cast %get3A_251 : vector<34x256xf32> to vector<34x1x256xf32>
    %broadcast_in_dim3A_253 = vector.shape_cast %broadcast_in_dim3A_252 : vector<34x1x256xf32> to vector<34x1x256xf32>
    %broadcast_in_dim3A_254 = vector.broadcast %broadcast_in_dim3A_253 : vector<34x1x256xf32> to vector<34x8x256xf32>
    %reshape3A_255 = vector.shape_cast %broadcast_in_dim3A_254 : vector<34x8x256xf32> to vector<272x256xf32>
    %broadcast_in_dim3A_256 = vector.shape_cast %get3A_4 : vector<1x256xf32> to vector<1x256xf32>
    %broadcast_in_dim3A_257 = vector.broadcast %broadcast_in_dim3A_256 : vector<1x256xf32> to vector<272x256xf32>
    %concatenate3A_258 = tpu.concatenate %broadcast_in_dim3A_257, %reshape3A_255 in 1 : vector<272x256xf32>, vector<272x256xf32> -> vector<272x512xf32>
    %add3A_259 = arith.addf %dot_general3A_248, %concatenate3A_258 : vector<272x512xf32>
    %reshape3A_260 = vector.shape_cast %add3A_259 : vector<272x512xf32> to vector<34x8x512xf32>
    %swap3A_261 = arith.constant 0 : index
    %swap3A_262 = arith.constant 0 : index
    %swap3A_263 = arith.constant 0 : index
    %swap3A_264 = arith.constant 0 : index
    %swap3A_265 = vector.load %arg21[%swap3A_261, %swap3A_262, %swap3A_263, %swap3A_264] : memref<1x34x8x512xf32, #tpu.memory_space<vmem>>, vector<1x34x8x512xf32>
    %swap3A_266 = vector.shape_cast %swap3A_265 : vector<1x34x8x512xf32> to vector<34x8x512xf32>
    %swap3A_267 = vector.shape_cast %reshape3A_260 : vector<34x8x512xf32> to vector<1x34x8x512xf32>
    tpu.vector_store %arg21[%swap3A_261, %swap3A_262, %swap3A_263, %swap3A_264], %swap3A_267 {strides = array<i32>} : memref<1x34x8x512xf32, #tpu.memory_space<vmem>>, vector<1x34x8x512xf32>,
    %add3A_268 = arith.constant 0 : i32
    %add3A_269 = arith.addi %mul3A_0, %add3A_268 : i32
    %get3A_270 = arith.constant 26 : index
    %get3A_271 = arith.index_cast %add3A_269 : i32 to index
    %get3A_272 = memref.load %arg2[%get3A_270, %get3A_271] : memref<34x16xi32, #tpu.memory_space<smem>>
    %get3A_273 = arith.index_cast %get3A_272 : i32 to index
    %get3A_274 = arith.constant 0 : index
    %get3A_275 = arith.constant 0 : index
    %get3A_276 = arith.constant 0 : index
    %get3A_277 = vector.load %arg7[%get3A_273, %get3A_274, %get3A_275, %get3A_276] : memref<16x1x1x342xbf16, #tpu.memory_space<vmem>>, vector<1x1x1x342xbf16>
    %get3A_278 = vector.shape_cast %get3A_277 : vector<1x1x1x342xbf16> to vector<342xbf16>
    %broadcast_in_dim3A_279 = vector.shape_cast %get3A_278 : vector<342xbf16> to vector<1x342xbf16>
    %add3A_280 = arith.constant 1 : i32
    %add3A_281 = arith.addi %mul3A_0, %add3A_280 : i32
    %get3A_282 = arith.constant 26 : index
    %get3A_283 = arith.index_cast %add3A_281 : i32 to index
    %get3A_284 = memref.load %arg2[%get3A_282, %get3A_283] : memref<34x16xi32, #tpu.memory_space<smem>>
    %get3A_285 = arith.index_cast %get3A_284 : i32 to index
    %get3A_286 = arith.constant 0 : index
    %get3A_287 = arith.constant 0 : index
    %get3A_288 = arith.constant 0 : index
    %get3A_289 = vector.load %arg7[%get3A_285, %get3A_286, %get3A_287, %get3A_288] : memref<16x1x1x342xbf16, #tpu.memory_space<vmem>>, vector<1x1x1x342xbf16>
    %get3A_290 = vector.shape_cast %get3A_289 : vector<1x1x1x342xbf16> to vector<342xbf16>
    %broadcast_in_dim3A_291 = vector.shape_cast %get3A_290 : vector<342xbf16> to vector<1x342xbf16>
    %add3A_292 = arith.constant 2 : i32
    %add3A_293 = arith.addi %mul3A_0, %add3A_292 : i32
    %get3A_294 = arith.constant 26 : index
    %get3A_295 = arith.index_cast %add3A_293 : i32 to index
    %get3A_296 = memref.load %arg2[%get3A_294, %get3A_295] : memref<34x16xi32, #tpu.memory_space<smem>>
    %get3A_297 = arith.index_cast %get3A_296 : i32 to index
    %get3A_298 = arith.constant 0 : index
    %get3A_299 = arith.constant 0 : index
    %get3A_300 = arith.constant 0 : index
    %get3A_301 = vector.load %arg7[%get3A_297, %get3A_298, %get3A_299, %get3A_300] : memref<16x1x1x342xbf16, #tpu.memory_space<vmem>>, vector<1x1x1x342xbf16>
    %get3A_302 = vector.shape_cast %get3A_301 : vector<1x1x1x342xbf16> to vector<342xbf16>
    %broadcast_in_dim3A_303 = vector.shape_cast %get3A_302 : vector<342xbf16> to vector<1x342xbf16>
    %add3A_304 = arith.constant 3 : i32
    %add3A_305 = arith.addi %mul3A_0, %add3A_304 : i32
    %get3A_306 = arith.constant 26 : index
    %get3A_307 = arith.index_cast %add3A_305 : i32 to index
    %get3A_308 = memref.load %arg2[%get3A_306, %get3A_307] : memref<34x16xi32, #tpu.memory_space<smem>>
    %get3A_309 = arith.index_cast %get3A_308 : i32 to index
    %get3A_310 = arith.constant 0 : index
    %get3A_311 = arith.constant 0 : index
    %get3A_312 = arith.constant 0 : index
    %get3A_313 = vector.load %arg7[%get3A_309, %get3A_310, %get3A_311, %get3A_312] : memref<16x1x1x342xbf16, #tpu.memory_space<vmem>>, vector<1x1x1x342xbf16>
    %get3A_314 = vector.shape_cast %get3A_313 : vector<1x1x1x342xbf16> to vector<342xbf16>
    %broadcast_in_dim3A_315 = vector.shape_cast %get3A_314 : vector<342xbf16> to vector<1x342xbf16>
    %add3A_316 = arith.constant 4 : i32
    %add3A_317 = arith.addi %mul3A_0, %add3A_316 : i32
    %get3A_318 = arith.constant 26 : index
    %get3A_319 = arith.index_cast %add3A_317 : i32 to index
    %get3A_320 = memref.load %arg2[%get3A_318, %get3A_319] : memref<34x16xi32, #tpu.memory_space<smem>>
    %get3A_321 = arith.index_cast %get3A_320 : i32 to index
    %get3A_322 = arith.constant 0 : index
    %get3A_323 = arith.constant 0 : index
    %get3A_324 = arith.constant 0 : index
    %get3A_325 = vector.load %arg7[%get3A_321, %get3A_322, %get3A_323, %get3A_324] : memref<16x1x1x342xbf16, #tpu.memory_space<vmem>>, vector<1x1x1x342xbf16>
    %get3A_326 = vector.shape_cast %get3A_325 : vector<1x1x1x342xbf16> to vector<342xbf16>
    %broadcast_in_dim3A_327 = vector.shape_cast %get3A_326 : vector<342xbf16> to vector<1x342xbf16>
    %add3A_328 = arith.constant 5 : i32
    %add3A_329 = arith.addi %mul3A_0, %add3A_328 : i32
    %get3A_330 = arith.constant 26 : index
    %get3A_331 = arith.index_cast %add3A_329 : i32 to index
    %get3A_332 = memref.load %arg2[%get3A_330, %get3A_331] : memref<34x16xi32, #tpu.memory_space<smem>>
    %get3A_333 = arith.index_cast %get3A_332 : i32 to index
    %get3A_334 = arith.constant 0 : index
    %get3A_335 = arith.constant 0 : index
    %get3A_336 = arith.constant 0 : index
    %get3A_337 = vector.load %arg7[%get3A_333, %get3A_334, %get3A_335, %get3A_336] : memref<16x1x1x342xbf16, #tpu.memory_space<vmem>>, vector<1x1x1x342xbf16>
    %get3A_338 = vector.shape_cast %get3A_337 : vector<1x1x1x342xbf16> to vector<342xbf16>
    %broadcast_in_dim3A_339 = vector.shape_cast %get3A_338 : vector<342xbf16> to vector<1x342xbf16>
    %add3A_340 = arith.constant 6 : i32
    %add3A_341 = arith.addi %mul3A_0, %add3A_340 : i32
    %get3A_342 = arith.constant 26 : index
    %get3A_343 = arith.index_cast %add3A_341 : i32 to index
    %get3A_344 = memref.load %arg2[%get3A_342, %get3A_343] : memref<34x16xi32, #tpu.memory_space<smem>>
    %get3A_345 = arith.index_cast %get3A_344 : i32 to index
    %get3A_346 = arith.constant 0 : index
    %get3A_347 = arith.constant 0 : index
    %get3A_348 = arith.constant 0 : index
    %get3A_349 = vector.load %arg7[%get3A_345, %get3A_346, %get3A_347, %get3A_348] : memref<16x1x1x342xbf16, #tpu.memory_space<vmem>>, vector<1x1x1x342xbf16>
    %get3A_350 = vector.shape_cast %get3A_349 : vector<1x1x1x342xbf16> to vector<342xbf16>
    %broadcast_in_dim3A_351 = vector.shape_cast %get3A_350 : vector<342xbf16> to vector<1x342xbf16>
    %add3A_352 = arith.constant 7 : i32
    %add3A_353 = arith.addi %mul3A_0, %add3A_352 : i32
    %get3A_354 = arith.constant 26 : index
    %get3A_355 = arith.index_cast %add3A_353 : i32 to index
    %get3A_356 = memref.load %arg2[%get3A_354, %get3A_355] : memref<34x16xi32, #tpu.memory_space<smem>>
    %get3A_357 = arith.index_cast %get3A_356 : i32 to index
    %get3A_358 = arith.constant 0 : index
    %get3A_359 = arith.constant 0 : index
    %get3A_360 = arith.constant 0 : index
    %get3A_361 = vector.load %arg7[%get3A_357, %get3A_358, %get3A_359, %get3A_360] : memref<16x1x1x342xbf16, #tpu.memory_space<vmem>>, vector<1x1x1x342xbf16>
    %get3A_362 = vector.shape_cast %get3A_361 : vector<1x1x1x342xbf16> to vector<342xbf16>
    %broadcast_in_dim3A_363 = vector.shape_cast %get3A_362 : vector<342xbf16> to vector<1x342xbf16>
    %concatenate3A_364 = tpu.concatenate %broadcast_in_dim3A_279, %broadcast_in_dim3A_291, %broadcast_in_dim3A_303, %broadcast_in_dim3A_315, %broadcast_in_dim3A_327, %broadcast_in_dim3A_339, %broadcast_in_dim3A_351, %broadcast_in_dim3A_363 in 0 : vector<1x342xbf16>, vector<1x342xbf16>, vector<1x342xbf16>, vector<1x342xbf16>, vector<1x342xbf16>, vector<1x342xbf16>, vector<1x342xbf16>, vector<1x342xbf16> -> vector<8x342xbf16>
    %get3A_365 = arith.constant 0 : index
    %get3A_366 = arith.constant 0 : index
    %get3A_367 = vector.load %arg17[%get3A_365, %get3A_366] : memref<1344x8xbf16, #tpu.memory_space<vmem>>, vector<304x8xbf16>
    %dot_general3A_368 = arith.constant dense<0.000000e+00> : vector<304x342xf32>
    %dot_general3A_369 = tpu.matmul %get3A_367, %concatenate3A_364, %dot_general3A_368 {dimension_numbers = #tpu.dot_dimension_numbers<[1], [0], [0], [1], [0, 0, 1, 1], [], []>, transpose_lhs_hint = false} : vector<304x8xbf16>, vector<8x342xbf16>, vector<304x342xf32> -> vector<304x342xf32>
    %convert_element_type3A_370 = arith.truncf %dot_general3A_369 : vector<304x342xf32> to vector<304x342xbf16>
    %get3A_371 = arith.constant 72 : index
    %get3A_372 = arith.constant 0 : index
    %get3A_373 = vector.load %arg16[%get3A_371, %get3A_372] : memref<424x402xbf16, #tpu.memory_space<vmem>>, vector<38x342xbf16>
    %broadcast_in_dim3A_374 = vector.shape_cast %get3A_373 : vector<38x342xbf16> to vector<38x1x342xbf16>
    %broadcast_in_dim3A_375 = vector.shape_cast %broadcast_in_dim3A_374 : vector<38x1x342xbf16> to vector<38x1x342xbf16>
    %broadcast_in_dim3A_376 = vector.broadcast %broadcast_in_dim3A_375 : vector<38x1x342xbf16> to vector<38x8x342xbf16>
    %reshape3A_377 = vector.shape_cast %broadcast_in_dim3A_376 : vector<38x8x342xbf16> to vector<304x342xbf16>
    %mul3A_378 = arith.mulf %reshape3A_377, %convert_element_type3A_370 : vector<304x342xbf16>
    %get3A_379 = arith.constant 688 : index
    %get3A_380 = arith.constant 0 : index
    %get3A_381 = vector.load %arg15[%get3A_379, %get3A_380] : memref<2720x512xbf16, #tpu.memory_space<vmem>>, vector<342x512xbf16>
    %dot_general3A_382 = arith.constant dense<0.000000e+00> : vector<304x512xf32>
    %dot_general3A_383 = tpu.matmul %mul3A_378, %get3A_381, %dot_general3A_382 {dimension_numbers = #tpu.dot_dimension_numbers<[1], [0], [0], [1], [0, 0, 1, 1], [], []>, transpose_lhs_hint = false} : vector<304x342xbf16>, vector<342x512xbf16>, vector<304x512xf32> -> vector<304x512xf32>
    %get3A_384 = arith.constant 72 : index
    %get3A_385 = arith.constant 0 : index
    %get3A_386 = vector.load %arg19[%get3A_384, %get3A_385] : memref<424x256xf32, #tpu.memory_space<vmem>>, vector<38x256xf32>
    %broadcast_in_dim3A_387 = vector.shape_cast %get3A_386 : vector<38x256xf32> to vector<38x1x256xf32>
    %broadcast_in_dim3A_388 = vector.shape_cast %broadcast_in_dim3A_387 : vector<38x1x256xf32> to vector<38x1x256xf32>
    %broadcast_in_dim3A_389 = vector.broadcast %broadcast_in_dim3A_388 : vector<38x1x256xf32> to vector<38x8x256xf32>
    %reshape3A_390 = vector.shape_cast %broadcast_in_dim3A_389 : vector<38x8x256xf32> to vector<304x256xf32>
    %broadcast_in_dim3A_391 = vector.shape_cast %get3A_4 : vector<1x256xf32> to vector<1x256xf32>
    %broadcast_in_dim3A_392 = vector.broadcast %broadcast_in_dim3A_391 : vector<1x256xf32> to vector<304x256xf32>
    %concatenate3A_393 = tpu.concatenate %broadcast_in_dim3A_392, %reshape3A_390 in 1 : vector<304x256xf32>, vector<304x256xf32> -> vector<304x512xf32>
    %add3A_394 = arith.addf %dot_general3A_383, %concatenate3A_393 : vector<304x512xf32>
    %reshape3A_395 = vector.shape_cast %add3A_394 : vector<304x512xf32> to vector<38x8x512xf32>
    %swap3A_396 = arith.constant 0 : index
    %swap3A_397 = arith.constant 0 : index
    %swap3A_398 = arith.constant 0 : index
    %swap3A_399 = arith.constant 0 : index
    %swap3A_400 = vector.load %arg22[%swap3A_396, %swap3A_397, %swap3A_398, %swap3A_399] : memref<1x38x8x512xf32, #tpu.memory_space<vmem>>, vector<1x38x8x512xf32>
    %swap3A_401 = vector.shape_cast %swap3A_400 : vector<1x38x8x512xf32> to vector<38x8x512xf32>
    %swap3A_402 = vector.shape_cast %reshape3A_395 : vector<38x8x512xf32> to vector<1x38x8x512xf32>
    tpu.vector_store %arg22[%swap3A_396, %swap3A_397, %swap3A_398, %swap3A_399], %swap3A_402 {strides = array<i32>} : memref<1x38x8x512xf32, #tpu.memory_space<vmem>>, vector<1x38x8x512xf32>,
    %add3A_403 = arith.constant 0 : i32
    %add3A_404 = arith.addi %mul3A_0, %add3A_403 : i32
    %get3A_405 = arith.constant 27 : index
    %get3A_406 = arith.index_cast %add3A_404 : i32 to index
    %get3A_407 = memref.load %arg2[%get3A_405, %get3A_406] : memref<34x16xi32, #tpu.memory_space<smem>>
    %get3A_408 = arith.index_cast %get3A_407 : i32 to index
    %get3A_409 = arith.constant 0 : index
    %get3A_410 = arith.constant 0 : index
    %get3A_411 = arith.constant 0 : index
    %get3A_412 = vector.load %arg3[%get3A_408, %get3A_409, %get3A_410, %get3A_411] : memref<16x1x1x336xbf16, #tpu.memory_space<vmem>>, vector<1x1x1x336xbf16>
    %get3A_413 = vector.shape_cast %get3A_412 : vector<1x1x1x336xbf16> to vector<336xbf16>
    %broadcast_in_dim3A_414 = vector.shape_cast %get3A_413 : vector<336xbf16> to vector<1x336xbf16>
    %add3A_415 = arith.constant 1 : i32
    %add3A_416 = arith.addi %mul3A_0, %add3A_415 : i32
    %get3A_417 = arith.constant 27 : index
    %get3A_418 = arith.index_cast %add3A_416 : i32 to index
    %get3A_419 = memref.load %arg2[%get3A_417, %get3A_418] : memref<34x16xi32, #tpu.memory_space<smem>>
    %get3A_420 = arith.index_cast %get3A_419 : i32 to index
    %get3A_421 = arith.constant 0 : index
    %get3A_422 = arith.constant 0 : index
    %get3A_423 = arith.constant 0 : index
    %get3A_424 = vector.load %arg3[%get3A_420, %get3A_421, %get3A_422, %get3A_423] : memref<16x1x1x336xbf16, #tpu.memory_space<vmem>>, vector<1x1x1x336xbf16>
    %get3A_425 = vector.shape_cast %get3A_424 : vector<1x1x1x336xbf16> to vector<336xbf16>
    %broadcast_in_dim3A_426 = vector.shape_cast %get3A_425 : vector<336xbf16> to vector<1x336xbf16>
    %add3A_427 = arith.constant 2 : i32
    %add3A_428 = arith.addi %mul3A_0, %add3A_427 : i32
    %get3A_429 = arith.constant 27 : index
    %get3A_430 = arith.index_cast %add3A_428 : i32 to index
    %get3A_431 = memref.load %arg2[%get3A_429, %get3A_430] : memref<34x16xi32, #tpu.memory_space<smem>>
    %get3A_432 = arith.index_cast %get3A_431 : i32 to index
    %get3A_433 = arith.constant 0 : index
    %get3A_434 = arith.constant 0 : index
    %get3A_435 = arith.constant 0 : index
    %get3A_436 = vector.load %arg3[%get3A_432, %get3A_433, %get3A_434, %get3A_435] : memref<16x1x1x336xbf16, #tpu.memory_space<vmem>>, vector<1x1x1x336xbf16>
    %get3A_437 = vector.shape_cast %get3A_436 : vector<1x1x1x336xbf16> to vector<336xbf16>
    %broadcast_in_dim3A_438 = vector.shape_cast %get3A_437 : vector<336xbf16> to vector<1x336xbf16>
    %add3A_439 = arith.constant 3 : i32
    %add3A_440 = arith.addi %mul3A_0, %add3A_439 : i32
    %get3A_441 = arith.constant 27 : index
    %get3A_442 = arith.index_cast %add3A_440 : i32 to index
    %get3A_443 = memref.load %arg2[%get3A_441, %get3A_442] : memref<34x16xi32, #tpu.memory_space<smem>>
    %get3A_444 = arith.index_cast %get3A_443 : i32 to index
    %get3A_445 = arith.constant 0 : index
    %get3A_446 = arith.constant 0 : index
    %get3A_447 = arith.constant 0 : index
    %get3A_448 = vector.load %arg3[%get3A_444, %get3A_445, %get3A_446, %get3A_447] : memref<16x1x1x336xbf16, #tpu.memory_space<vmem>>, vector<1x1x1x336xbf16>
    %get3A_449 = vector.shape_cast %get3A_448 : vector<1x1x1x336xbf16> to vector<336xbf16>
    %broadcast_in_dim3A_450 = vector.shape_cast %get3A_449 : vector<336xbf16> to vector<1x336xbf16>
    %add3A_451 = arith.constant 4 : i32
    %add3A_452 = arith.addi %mul3A_0, %add3A_451 : i32
    %get3A_453 = arith.constant 27 : index
    %get3A_454 = arith.index_cast %add3A_452 : i32 to index
    %get3A_455 = memref.load %arg2[%get3A_453, %get3A_454] : memref<34x16xi32, #tpu.memory_space<smem>>
    %get3A_456 = arith.index_cast %get3A_455 : i32 to index
    %get3A_457 = arith.constant 0 : index
    %get3A_458 = arith.constant 0 : index
    %get3A_459 = arith.constant 0 : index
    %get3A_460 = vector.load %arg3[%get3A_456, %get3A_457, %get3A_458, %get3A_459] : memref<16x1x1x336xbf16, #tpu.memory_space<vmem>>, vector<1x1x1x336xbf16>
    %get3A_461 = vector.shape_cast %get3A_460 : vector<1x1x1x336xbf16> to vector<336xbf16>
    %broadcast_in_dim3A_462 = vector.shape_cast %get3A_461 : vector<336xbf16> to vector<1x336xbf16>
    %add3A_463 = arith.constant 5 : i32
    %add3A_464 = arith.addi %mul3A_0, %add3A_463 : i32
    %get3A_465 = arith.constant 27 : index
    %get3A_466 = arith.index_cast %add3A_464 : i32 to index
    %get3A_467 = memref.load %arg2[%get3A_465, %get3A_466] : memref<34x16xi32, #tpu.memory_space<smem>>
    %get3A_468 = arith.index_cast %get3A_467 : i32 to index
    %get3A_469 = arith.constant 0 : index
    %get3A_470 = arith.constant 0 : index
    %get3A_471 = arith.constant 0 : index
    %get3A_472 = vector.load %arg3[%get3A_468, %get3A_469, %get3A_470, %get3A_471] : memref<16x1x1x336xbf16, #tpu.memory_space<vmem>>, vector<1x1x1x336xbf16>
    %get3A_473 = vector.shape_cast %get3A_472 : vector<1x1x1x336xbf16> to vector<336xbf16>
    %broadcast_in_dim3A_474 = vector.shape_cast %get3A_473 : vector<336xbf16> to vector<1x336xbf16>
    %add3A_475 = arith.constant 6 : i32
    %add3A_476 = arith.addi %mul3A_0, %add3A_475 : i32
    %get3A_477 = arith.constant 27 : index
    %get3A_478 = arith.index_cast %add3A_476 : i32 to index
    %get3A_479 = memref.load %arg2[%get3A_477, %get3A_478] : memref<34x16xi32, #tpu.memory_space<smem>>
    %get3A_480 = arith.index_cast %get3A_479 : i32 to index
    %get3A_481 = arith.constant 0 : index
    %get3A_482 = arith.constant 0 : index
    %get3A_483 = arith.constant 0 : index
    %get3A_484 = vector.load %arg3[%get3A_480, %get3A_481, %get3A_482, %get3A_483] : memref<16x1x1x336xbf16, #tpu.memory_space<vmem>>, vector<1x1x1x336xbf16>
    %get3A_485 = vector.shape_cast %get3A_484 : vector<1x1x1x336xbf16> to vector<336xbf16>
    %broadcast_in_dim3A_486 = vector.shape_cast %get3A_485 : vector<336xbf16> to vector<1x336xbf16>
    %add3A_487 = arith.constant 7 : i32
    %add3A_488 = arith.addi %mul3A_0, %add3A_487 : i32
    %get3A_489 = arith.constant 27 : index
    %get3A_490 = arith.index_cast %add3A_488 : i32 to index
    %get3A_491 = memref.load %arg2[%get3A_489, %get3A_490] : memref<34x16xi32, #tpu.memory_space<smem>>
    %get3A_492 = arith.index_cast %get3A_491 : i32 to index
    %get3A_493 = arith.constant 0 : index
    %get3A_494 = arith.constant 0 : index
    %get3A_495 = arith.constant 0 : index
    %get3A_496 = vector.load %arg3[%get3A_492, %get3A_493, %get3A_494, %get3A_495] : memref<16x1x1x336xbf16, #tpu.memory_space<vmem>>, vector<1x1x1x336xbf16>
    %get3A_497 = vector.shape_cast %get3A_496 : vector<1x1x1x336xbf16> to vector<336xbf16>
    %broadcast_in_dim3A_498 = vector.shape_cast %get3A_497 : vector<336xbf16> to vector<1x336xbf16>
    %concatenate3A_499 = tpu.concatenate %broadcast_in_dim3A_414, %broadcast_in_dim3A_426, %broadcast_in_dim3A_438, %broadcast_in_dim3A_450, %broadcast_in_dim3A_462, %broadcast_in_dim3A_474, %broadcast_in_dim3A_486, %broadcast_in_dim3A_498 in 0 : vector<1x336xbf16>, vector<1x336xbf16>, vector<1x336xbf16>, vector<1x336xbf16>, vector<1x336xbf16>, vector<1x336xbf16>, vector<1x336xbf16>, vector<1x336xbf16> -> vector<8x336xbf16>
    %get3A_500 = arith.constant 0 : index
    %get3A_501 = arith.constant 0 : index
    %get3A_502 = vector.load %arg17[%get3A_500, %get3A_501] : memref<1344x8xbf16, #tpu.memory_space<vmem>>, vector<336x8xbf16>
    %dot_general3A_503 = arith.constant dense<0.000000e+00> : vector<336x336xf32>
    %dot_general3A_504 = tpu.matmul %get3A_502, %concatenate3A_499, %dot_general3A_503 {dimension_numbers = #tpu.dot_dimension_numbers<[1], [0], [0], [1], [0, 0, 1, 1], [], []>, transpose_lhs_hint = false} : vector<336x8xbf16>, vector<8x336xbf16>, vector<336x336xf32> -> vector<336x336xf32>
    %convert_element_type3A_505 = arith.truncf %dot_general3A_504 : vector<336x336xf32> to vector<336x336xbf16>
    %get3A_506 = arith.constant 112 : index
    %get3A_507 = arith.constant 0 : index
    %get3A_508 = vector.load %arg16[%get3A_506, %get3A_507] : memref<424x402xbf16, #tpu.memory_space<vmem>>, vector<42x336xbf16>
    %broadcast_in_dim3A_509 = vector.shape_cast %get3A_508 : vector<42x336xbf16> to vector<42x1x336xbf16>
    %broadcast_in_dim3A_510 = vector.shape_cast %broadcast_in_dim3A_509 : vector<42x1x336xbf16> to vector<42x1x336xbf16>
    %broadcast_in_dim3A_511 = vector.broadcast %broadcast_in_dim3A_510 : vector<42x1x336xbf16> to vector<42x8x336xbf16>
    %reshape3A_512 = vector.shape_cast %broadcast_in_dim3A_511 : vector<42x8x336xbf16> to vector<336x336xbf16>
    %mul3A_513 = arith.mulf %reshape3A_512, %convert_element_type3A_505 : vector<336x336xbf16>
    %get3A_514 = arith.constant 1032 : index
    %get3A_515 = arith.constant 0 : index
    %get3A_516 = vector.load %arg15[%get3A_514, %get3A_515] : memref<2720x512xbf16, #tpu.memory_space<vmem>>, vector<336x512xbf16>
    %dot_general3A_517 = arith.constant dense<0.000000e+00> : vector<336x512xf32>
    %dot_general3A_518 = tpu.matmul %mul3A_513, %get3A_516, %dot_general3A_517 {dimension_numbers = #tpu.dot_dimension_numbers<[1], [0], [0], [1], [0, 0, 1, 1], [], []>, transpose_lhs_hint = false} : vector<336x336xbf16>, vector<336x512xbf16>, vector<336x512xf32> -> vector<336x512xf32>
    %get3A_519 = arith.constant 112 : index
    %get3A_520 = arith.constant 0 : index
    %get3A_521 = vector.load %arg19[%get3A_519, %get3A_520] : memref<424x256xf32, #tpu.memory_space<vmem>>, vector<42x256xf32>
    %broadcast_in_dim3A_522 = vector.shape_cast %get3A_521 : vector<42x256xf32> to vector<42x1x256xf32>
    %broadcast_in_dim3A_523 = vector.shape_cast %broadcast_in_dim3A_522 : vector<42x1x256xf32> to vector<42x1x256xf32>
    %broadcast_in_dim3A_524 = vector.broadcast %broadcast_in_dim3A_523 : vector<42x1x256xf32> to vector<42x8x256xf32>
    %reshape3A_525 = vector.shape_cast %broadcast_in_dim3A_524 : vector<42x8x256xf32> to vector<336x256xf32>
    %broadcast_in_dim3A_526 = vector.shape_cast %get3A_4 : vector<1x256xf32> to vector<1x256xf32>
    %broadcast_in_dim3A_527 = vector.broadcast %broadcast_in_dim3A_526 : vector<1x256xf32> to vector<336x256xf32>
    %concatenate3A_528 = tpu.concatenate %broadcast_in_dim3A_527, %reshape3A_525 in 1 : vector<336x256xf32>, vector<336x256xf32> -> vector<336x512xf32>
    %add3A_529 = arith.addf %dot_general3A_518, %concatenate3A_528 : vector<336x512xf32>
    %reshape3A_530 = vector.shape_cast %add3A_529 : vector<336x512xf32> to vector<42x8x512xf32>
    %swap3A_531 = arith.constant 0 : index
    %swap3A_532 = arith.constant 0 : index
    %swap3A_533 = arith.constant 0 : index
    %swap3A_534 = arith.constant 0 : index
    %swap3A_535 = vector.load %arg23[%swap3A_531, %swap3A_532, %swap3A_533, %swap3A_534] : memref<1x42x8x512xf32, #tpu.memory_space<vmem>>, vector<1x42x8x512xf32>
    %swap3A_536 = vector.shape_cast %swap3A_535 : vector<1x42x8x512xf32> to vector<42x8x512xf32>
    %swap3A_537 = vector.shape_cast %reshape3A_530 : vector<42x8x512xf32> to vector<1x42x8x512xf32>
    tpu.vector_store %arg23[%swap3A_531, %swap3A_532, %swap3A_533, %swap3A_534], %swap3A_537 {strides = array<i32>} : memref<1x42x8x512xf32, #tpu.memory_space<vmem>>, vector<1x42x8x512xf32>,
    %add3A_538 = arith.constant 0 : i32
    %add3A_539 = arith.addi %mul3A_0, %add3A_538 : i32
    %get3A_540 = arith.constant 28 : index
    %get3A_541 = arith.index_cast %add3A_539 : i32 to index
    %get3A_542 = memref.load %arg2[%get3A_540, %get3A_541] : memref<34x16xi32, #tpu.memory_space<smem>>
    %get3A_543 = arith.index_cast %get3A_542 : i32 to index
    %get3A_544 = arith.constant 0 : index
    %get3A_545 = arith.constant 0 : index
    %get3A_546 = arith.constant 0 : index
    %get3A_547 = vector.load %arg3[%get3A_543, %get3A_544, %get3A_545, %get3A_546] : memref<16x1x1x336xbf16, #tpu.memory_space<vmem>>, vector<1x1x1x336xbf16>
    %get3A_548 = vector.shape_cast %get3A_547 : vector<1x1x1x336xbf16> to vector<336xbf16>
    %broadcast_in_dim3A_549 = vector.shape_cast %get3A_548 : vector<336xbf16> to vector<1x336xbf16>
    %add3A_550 = arith.constant 1 : i32
    %add3A_551 = arith.addi %mul3A_0, %add3A_550 : i32
    %get3A_552 = arith.constant 28 : index
    %get3A_553 = arith.index_cast %add3A_551 : i32 to index
    %get3A_554 = memref.load %arg2[%get3A_552, %get3A_553] : memref<34x16xi32, #tpu.memory_space<smem>>
    %get3A_555 = arith.index_cast %get3A_554 : i32 to index
    %get3A_556 = arith.constant 0 : index
    %get3A_557 = arith.constant 0 : index
    %get3A_558 = arith.constant 0 : index
    %get3A_559 = vector.load %arg3[%get3A_555, %get3A_556, %get3A_557, %get3A_558] : memref<16x1x1x336xbf16, #tpu.memory_space<vmem>>, vector<1x1x1x336xbf16>
    %get3A_560 = vector.shape_cast %get3A_559 : vector<1x1x1x336xbf16> to vector<336xbf16>
    %broadcast_in_dim3A_561 = vector.shape_cast %get3A_560 : vector<336xbf16> to vector<1x336xbf16>
    %add3A_562 = arith.constant 2 : i32
    %add3A_563 = arith.addi %mul3A_0, %add3A_562 : i32
    %get3A_564 = arith.constant 28 : index
    %get3A_565 = arith.index_cast %add3A_563 : i32 to index
    %get3A_566 = memref.load %arg2[%get3A_564, %get3A_565] : memref<34x16xi32, #tpu.memory_space<smem>>
    %get3A_567 = arith.index_cast %get3A_566 : i32 to index
    %get3A_568 = arith.constant 0 : index
    %get3A_569 = arith.constant 0 : index
    %get3A_570 = arith.constant 0 : index
    %get3A_571 = vector.load %arg3[%get3A_567, %get3A_568, %get3A_569, %get3A_570] : memref<16x1x1x336xbf16, #tpu.memory_space<vmem>>, vector<1x1x1x336xbf16>
    %get3A_572 = vector.shape_cast %get3A_571 : vector<1x1x1x336xbf16> to vector<336xbf16>
    %broadcast_in_dim3A_573 = vector.shape_cast %get3A_572 : vector<336xbf16> to vector<1x336xbf16>
    %add3A_574 = arith.constant 3 : i32
    %add3A_575 = arith.addi %mul3A_0, %add3A_574 : i32
    %get3A_576 = arith.constant 28 : index
    %get3A_577 = arith.index_cast %add3A_575 : i32 to index
    %get3A_578 = memref.load %arg2[%get3A_576, %get3A_577] : memref<34x16xi32, #tpu.memory_space<smem>>
    %get3A_579 = arith.index_cast %get3A_578 : i32 to index
    %get3A_580 = arith.constant 0 : index
    %get3A_581 = arith.constant 0 : index
    %get3A_582 = arith.constant 0 : index
    %get3A_583 = vector.load %arg3[%get3A_579, %get3A_580, %get3A_581, %get3A_582] : memref<16x1x1x336xbf16, #tpu.memory_space<vmem>>, vector<1x1x1x336xbf16>
    %get3A_584 = vector.shape_cast %get3A_583 : vector<1x1x1x336xbf16> to vector<336xbf16>
    %broadcast_in_dim3A_585 = vector.shape_cast %get3A_584 : vector<336xbf16> to vector<1x336xbf16>
    %add3A_586 = arith.constant 4 : i32
    %add3A_587 = arith.addi %mul3A_0, %add3A_586 : i32
    %get3A_588 = arith.constant 28 : index
    %get3A_589 = arith.index_cast %add3A_587 : i32 to index
    %get3A_590 = memref.load %arg2[%get3A_588, %get3A_589] : memref<34x16xi32, #tpu.memory_space<smem>>
    %get3A_591 = arith.index_cast %get3A_590 : i32 to index
    %get3A_592 = arith.constant 0 : index
    %get3A_593 = arith.constant 0 : index
    %get3A_594 = arith.constant 0 : index
    %get3A_595 = vector.load %arg3[%get3A_591, %get3A_592, %get3A_593, %get3A_594] : memref<16x1x1x336xbf16, #tpu.memory_space<vmem>>, vector<1x1x1x336xbf16>
    %get3A_596 = vector.shape_cast %get3A_595 : vector<1x1x1x336xbf16> to vector<336xbf16>
    %broadcast_in_dim3A_597 = vector.shape_cast %get3A_596 : vector<336xbf16> to vector<1x336xbf16>
    %add3A_598 = arith.constant 5 : i32
    %add3A_599 = arith.addi %mul3A_0, %add3A_598 : i32
    %get3A_600 = arith.constant 28 : index
    %get3A_601 = arith.index_cast %add3A_599 : i32 to index
    %get3A_602 = memref.load %arg2[%get3A_600, %get3A_601] : memref<34x16xi32, #tpu.memory_space<smem>>
    %get3A_603 = arith.index_cast %get3A_602 : i32 to index
    %get3A_604 = arith.constant 0 : index
    %get3A_605 = arith.constant 0 : index
    %get3A_606 = arith.constant 0 : index
    %get3A_607 = vector.load %arg3[%get3A_603, %get3A_604, %get3A_605, %get3A_606] : memref<16x1x1x336xbf16, #tpu.memory_space<vmem>>, vector<1x1x1x336xbf16>
    %get3A_608 = vector.shape_cast %get3A_607 : vector<1x1x1x336xbf16> to vector<336xbf16>
    %broadcast_in_dim3A_609 = vector.shape_cast %get3A_608 : vector<336xbf16> to vector<1x336xbf16>
    %add3A_610 = arith.constant 6 : i32
    %add3A_611 = arith.addi %mul3A_0, %add3A_610 : i32
    %get3A_612 = arith.constant 28 : index
    %get3A_613 = arith.index_cast %add3A_611 : i32 to index
    %get3A_614 = memref.load %arg2[%get3A_612, %get3A_613] : memref<34x16xi32, #tpu.memory_space<smem>>
    %get3A_615 = arith.index_cast %get3A_614 : i32 to index
    %get3A_616 = arith.constant 0 : index
    %get3A_617 = arith.constant 0 : index
    %get3A_618 = arith.constant 0 : index
    %get3A_619 = vector.load %arg3[%get3A_615, %get3A_616, %get3A_617, %get3A_618] : memref<16x1x1x336xbf16, #tpu.memory_space<vmem>>, vector<1x1x1x336xbf16>
    %get3A_620 = vector.shape_cast %get3A_619 : vector<1x1x1x336xbf16> to vector<336xbf16>
    %broadcast_in_dim3A_621 = vector.shape_cast %get3A_620 : vector<336xbf16> to vector<1x336xbf16>
    %add3A_622 = arith.constant 7 : i32
    %add3A_623 = arith.addi %mul3A_0, %add3A_622 : i32
    %get3A_624 = arith.constant 28 : index
    %get3A_625 = arith.index_cast %add3A_623 : i32 to index
    %get3A_626 = memref.load %arg2[%get3A_624, %get3A_625] : memref<34x16xi32, #tpu.memory_space<smem>>
    %get3A_627 = arith.index_cast %get3A_626 : i32 to index
    %get3A_628 = arith.constant 0 : index
    %get3A_629 = arith.constant 0 : index
    %get3A_630 = arith.constant 0 : index
    %get3A_631 = vector.load %arg3[%get3A_627, %get3A_628, %get3A_629, %get3A_630] : memref<16x1x1x336xbf16, #tpu.memory_space<vmem>>, vector<1x1x1x336xbf16>
    %get3A_632 = vector.shape_cast %get3A_631 : vector<1x1x1x336xbf16> to vector<336xbf16>
    %broadcast_in_dim3A_633 = vector.shape_cast %get3A_632 : vector<336xbf16> to vector<1x336xbf16>
    %concatenate3A_634 = tpu.concatenate %broadcast_in_dim3A_549, %broadcast_in_dim3A_561, %broadcast_in_dim3A_573, %broadcast_in_dim3A_585, %broadcast_in_dim3A_597, %broadcast_in_dim3A_609, %broadcast_in_dim3A_621, %broadcast_in_dim3A_633 in 0 : vector<1x336xbf16>, vector<1x336xbf16>, vector<1x336xbf16>, vector<1x336xbf16>, vector<1x336xbf16>, vector<1x336xbf16>, vector<1x336xbf16>, vector<1x336xbf16> -> vector<8x336xbf16>
    %get3A_635 = arith.constant 0 : index
    %get3A_636 = arith.constant 0 : index
    %get3A_637 = vector.load %arg17[%get3A_635, %get3A_636] : memref<1344x8xbf16, #tpu.memory_space<vmem>>, vector<384x8xbf16>
    %dot_general3A_638 = arith.constant dense<0.000000e+00> : vector<384x336xf32>
    %dot_general3A_639 = tpu.matmul %get3A_637, %concatenate3A_634, %dot_general3A_638 {dimension_numbers = #tpu.dot_dimension_numbers<[1], [0], [0], [1], [0, 0, 1, 1], [], []>, transpose_lhs_hint = false} : vector<384x8xbf16>, vector<8x336xbf16>, vector<384x336xf32> -> vector<384x336xf32>
    %convert_element_type3A_640 = arith.truncf %dot_general3A_639 : vector<384x336xf32> to vector<384x336xbf16>
    %get3A_641 = arith.constant 160 : index
    %get3A_642 = arith.constant 0 : index
    %get3A_643 = vector.load %arg16[%get3A_641, %get3A_642] : memref<424x402xbf16, #tpu.memory_space<vmem>>, vector<48x336xbf16>
    %broadcast_in_dim3A_644 = vector.shape_cast %get3A_643 : vector<48x336xbf16> to vector<48x1x336xbf16>
    %broadcast_in_dim3A_645 = vector.shape_cast %broadcast_in_dim3A_644 : vector<48x1x336xbf16> to vector<48x1x336xbf16>
    %broadcast_in_dim3A_646 = vector.broadcast %broadcast_in_dim3A_645 : vector<48x1x336xbf16> to vector<48x8x336xbf16>
    %reshape3A_647 = vector.shape_cast %broadcast_in_dim3A_646 : vector<48x8x336xbf16> to vector<384x336xbf16>
    %mul3A_648 = arith.mulf %reshape3A_647, %convert_element_type3A_640 : vector<384x336xbf16>
    %get3A_649 = arith.constant 1368 : index
    %get3A_650 = arith.constant 0 : index
    %get3A_651 = vector.load %arg15[%get3A_649, %get3A_650] : memref<2720x512xbf16, #tpu.memory_space<vmem>>, vector<336x512xbf16>
    %dot_general3A_652 = arith.constant dense<0.000000e+00> : vector<384x512xf32>
    %dot_general3A_653 = tpu.matmul %mul3A_648, %get3A_651, %dot_general3A_652 {dimension_numbers = #tpu.dot_dimension_numbers<[1], [0], [0], [1], [0, 0, 1, 1], [], []>, transpose_lhs_hint = false} : vector<384x336xbf16>, vector<336x512xbf16>, vector<384x512xf32> -> vector<384x512xf32>
    %get3A_654 = arith.constant 160 : index
    %get3A_655 = arith.constant 0 : index
    %get3A_656 = vector.load %arg19[%get3A_654, %get3A_655] : memref<424x256xf32, #tpu.memory_space<vmem>>, vector<48x256xf32>
    %broadcast_in_dim3A_657 = vector.shape_cast %get3A_656 : vector<48x256xf32> to vector<48x1x256xf32>
    %broadcast_in_dim3A_658 = vector.shape_cast %broadcast_in_dim3A_657 : vector<48x1x256xf32> to vector<48x1x256xf32>
    %broadcast_in_dim3A_659 = vector.broadcast %broadcast_in_dim3A_658 : vector<48x1x256xf32> to vector<48x8x256xf32>
    %reshape3A_660 = vector.shape_cast %broadcast_in_dim3A_659 : vector<48x8x256xf32> to vector<384x256xf32>
    %broadcast_in_dim3A_661 = vector.shape_cast %get3A_4 : vector<1x256xf32> to vector<1x256xf32>
    %broadcast_in_dim3A_662 = vector.broadcast %broadcast_in_dim3A_661 : vector<1x256xf32> to vector<384x256xf32>
    %concatenate3A_663 = tpu.concatenate %broadcast_in_dim3A_662, %reshape3A_660 in 1 : vector<384x256xf32>, vector<384x256xf32> -> vector<384x512xf32>
    %add3A_664 = arith.addf %dot_general3A_653, %concatenate3A_663 : vector<384x512xf32>
    %reshape3A_665 = vector.shape_cast %add3A_664 : vector<384x512xf32> to vector<48x8x512xf32>
    %swap3A_666 = arith.constant 0 : index
    %swap3A_667 = arith.constant 0 : index
    %swap3A_668 = arith.constant 0 : index
    %swap3A_669 = arith.constant 0 : index
    %swap3A_670 = vector.load %arg24[%swap3A_666, %swap3A_667, %swap3A_668, %swap3A_669] : memref<1x48x8x512xf32, #tpu.memory_space<vmem>>, vector<1x48x8x512xf32>
    %swap3A_671 = vector.shape_cast %swap3A_670 : vector<1x48x8x512xf32> to vector<48x8x512xf32>
    %swap3A_672 = vector.shape_cast %reshape3A_665 : vector<48x8x512xf32> to vector<1x48x8x512xf32>
    tpu.vector_store %arg24[%swap3A_666, %swap3A_667, %swap3A_668, %swap3A_669], %swap3A_672 {strides = array<i32>} : memref<1x48x8x512xf32, #tpu.memory_space<vmem>>, vector<1x48x8x512xf32>,
    %add3A_673 = arith.constant 0 : i32
    %add3A_674 = arith.addi %mul3A_0, %add3A_673 : i32
    %get3A_675 = arith.constant 29 : index
    %get3A_676 = arith.index_cast %add3A_674 : i32 to index
    %get3A_677 = memref.load %arg2[%get3A_675, %get3A_676] : memref<34x16xi32, #tpu.memory_space<smem>>
    %get3A_678 = arith.index_cast %get3A_677 : i32 to index
    %get3A_679 = arith.constant 0 : index
    %get3A_680 = arith.constant 0 : index
    %get3A_681 = arith.constant 0 : index
    %get3A_682 = vector.load %arg3[%get3A_678, %get3A_679, %get3A_680, %get3A_681] : memref<16x1x1x336xbf16, #tpu.memory_space<vmem>>, vector<1x1x1x336xbf16>
    %get3A_683 = vector.shape_cast %get3A_682 : vector<1x1x1x336xbf16> to vector<336xbf16>
    %broadcast_in_dim3A_684 = vector.shape_cast %get3A_683 : vector<336xbf16> to vector<1x336xbf16>
    %add3A_685 = arith.constant 1 : i32
    %add3A_686 = arith.addi %mul3A_0, %add3A_685 : i32
    %get3A_687 = arith.constant 29 : index
    %get3A_688 = arith.index_cast %add3A_686 : i32 to index
    %get3A_689 = memref.load %arg2[%get3A_687, %get3A_688] : memref<34x16xi32, #tpu.memory_space<smem>>
    %get3A_690 = arith.index_cast %get3A_689 : i32 to index
    %get3A_691 = arith.constant 0 : index
    %get3A_692 = arith.constant 0 : index
    %get3A_693 = arith.constant 0 : index
    %get3A_694 = vector.load %arg3[%get3A_690, %get3A_691, %get3A_692, %get3A_693] : memref<16x1x1x336xbf16, #tpu.memory_space<vmem>>, vector<1x1x1x336xbf16>
    %get3A_695 = vector.shape_cast %get3A_694 : vector<1x1x1x336xbf16> to vector<336xbf16>
    %broadcast_in_dim3A_696 = vector.shape_cast %get3A_695 : vector<336xbf16> to vector<1x336xbf16>
    %add3A_697 = arith.constant 2 : i32
    %add3A_698 = arith.addi %mul3A_0, %add3A_697 : i32
    %get3A_699 = arith.constant 29 : index
    %get3A_700 = arith.index_cast %add3A_698 : i32 to index
    %get3A_701 = memref.load %arg2[%get3A_699, %get3A_700] : memref<34x16xi32, #tpu.memory_space<smem>>
    %get3A_702 = arith.index_cast %get3A_701 : i32 to index
    %get3A_703 = arith.constant 0 : index
    %get3A_704 = arith.constant 0 : index
    %get3A_705 = arith.constant 0 : index
    %get3A_706 = vector.load %arg3[%get3A_702, %get3A_703, %get3A_704, %get3A_705] : memref<16x1x1x336xbf16, #tpu.memory_space<vmem>>, vector<1x1x1x336xbf16>
    %get3A_707 = vector.shape_cast %get3A_706 : vector<1x1x1x336xbf16> to vector<336xbf16>
    %broadcast_in_dim3A_708 = vector.shape_cast %get3A_707 : vector<336xbf16> to vector<1x336xbf16>
    %add3A_709 = arith.constant 3 : i32
    %add3A_710 = arith.addi %mul3A_0, %add3A_709 : i32
    %get3A_711 = arith.constant 29 : index
    %get3A_712 = arith.index_cast %add3A_710 : i32 to index
    %get3A_713 = memref.load %arg2[%get3A_711, %get3A_712] : memref<34x16xi32, #tpu.memory_space<smem>>
    %get3A_714 = arith.index_cast %get3A_713 : i32 to index
    %get3A_715 = arith.constant 0 : index
    %get3A_716 = arith.constant 0 : index
    %get3A_717 = arith.constant 0 : index
    %get3A_718 = vector.load %arg3[%get3A_714, %get3A_715, %get3A_716, %get3A_717] : memref<16x1x1x336xbf16, #tpu.memory_space<vmem>>, vector<1x1x1x336xbf16>
    %get3A_719 = vector.shape_cast %get3A_718 : vector<1x1x1x336xbf16> to vector<336xbf16>
    %broadcast_in_dim3A_720 = vector.shape_cast %get3A_719 : vector<336xbf16> to vector<1x336xbf16>
    %add3A_721 = arith.constant 4 : i32
    %add3A_722 = arith.addi %mul3A_0, %add3A_721 : i32
    %get3A_723 = arith.constant 29 : index
    %get3A_724 = arith.index_cast %add3A_722 : i32 to index
    %get3A_725 = memref.load %arg2[%get3A_723, %get3A_724] : memref<34x16xi32, #tpu.memory_space<smem>>
    %get3A_726 = arith.index_cast %get3A_725 : i32 to index
    %get3A_727 = arith.constant 0 : index
    %get3A_728 = arith.constant 0 : index
    %get3A_729 = arith.constant 0 : index
    %get3A_730 = vector.load %arg3[%get3A_726, %get3A_727, %get3A_728, %get3A_729] : memref<16x1x1x336xbf16, #tpu.memory_space<vmem>>, vector<1x1x1x336xbf16>
    %get3A_731 = vector.shape_cast %get3A_730 : vector<1x1x1x336xbf16> to vector<336xbf16>
    %broadcast_in_dim3A_732 = vector.shape_cast %get3A_731 : vector<336xbf16> to vector<1x336xbf16>
    %add3A_733 = arith.constant 5 : i32
    %add3A_734 = arith.addi %mul3A_0, %add3A_733 : i32
    %get3A_735 = arith.constant 29 : index
    %get3A_736 = arith.index_cast %add3A_734 : i32 to index
    %get3A_737 = memref.load %arg2[%get3A_735, %get3A_736] : memref<34x16xi32, #tpu.memory_space<smem>>
    %get3A_738 = arith.index_cast %get3A_737 : i32 to index
    %get3A_739 = arith.constant 0 : index
    %get3A_740 = arith.constant 0 : index
    %get3A_741 = arith.constant 0 : index
    %get3A_742 = vector.load %arg3[%get3A_738, %get3A_739, %get3A_740, %get3A_741] : memref<16x1x1x336xbf16, #tpu.memory_space<vmem>>, vector<1x1x1x336xbf16>
    %get3A_743 = vector.shape_cast %get3A_742 : vector<1x1x1x336xbf16> to vector<336xbf16>
    %broadcast_in_dim3A_744 = vector.shape_cast %get3A_743 : vector<336xbf16> to vector<1x336xbf16>
    %add3A_745 = arith.constant 6 : i32
    %add3A_746 = arith.addi %mul3A_0, %add3A_745 : i32
    %get3A_747 = arith.constant 29 : index
    %get3A_748 = arith.index_cast %add3A_746 : i32 to index
    %get3A_749 = memref.load %arg2[%get3A_747, %get3A_748] : memref<34x16xi32, #tpu.memory_space<smem>>
    %get3A_750 = arith.index_cast %get3A_749 : i32 to index
    %get3A_751 = arith.constant 0 : index
    %get3A_752 = arith.constant 0 : index
    %get3A_753 = arith.constant 0 : index
    %get3A_754 = vector.load %arg3[%get3A_750, %get3A_751, %get3A_752, %get3A_753] : memref<16x1x1x336xbf16, #tpu.memory_space<vmem>>, vector<1x1x1x336xbf16>
    %get3A_755 = vector.shape_cast %get3A_754 : vector<1x1x1x336xbf16> to vector<336xbf16>
    %broadcast_in_dim3A_756 = vector.shape_cast %get3A_755 : vector<336xbf16> to vector<1x336xbf16>
    %add3A_757 = arith.constant 7 : i32
    %add3A_758 = arith.addi %mul3A_0, %add3A_757 : i32
    %get3A_759 = arith.constant 29 : index
    %get3A_760 = arith.index_cast %add3A_758 : i32 to index
    %get3A_761 = memref.load %arg2[%get3A_759, %get3A_760] : memref<34x16xi32, #tpu.memory_space<smem>>
    %get3A_762 = arith.index_cast %get3A_761 : i32 to index
    %get3A_763 = arith.constant 0 : index
    %get3A_764 = arith.constant 0 : index
    %get3A_765 = arith.constant 0 : index
    %get3A_766 = vector.load %arg3[%get3A_762, %get3A_763, %get3A_764, %get3A_765] : memref<16x1x1x336xbf16, #tpu.memory_space<vmem>>, vector<1x1x1x336xbf16>
    %get3A_767 = vector.shape_cast %get3A_766 : vector<1x1x1x336xbf16> to vector<336xbf16>
    %broadcast_in_dim3A_768 = vector.shape_cast %get3A_767 : vector<336xbf16> to vector<1x336xbf16>
    %concatenate3A_769 = tpu.concatenate %broadcast_in_dim3A_684, %broadcast_in_dim3A_696, %broadcast_in_dim3A_708, %broadcast_in_dim3A_720, %broadcast_in_dim3A_732, %broadcast_in_dim3A_744, %broadcast_in_dim3A_756, %broadcast_in_dim3A_768 in 0 : vector<1x336xbf16>, vector<1x336xbf16>, vector<1x336xbf16>, vector<1x336xbf16>, vector<1x336xbf16>, vector<1x336xbf16>, vector<1x336xbf16>, vector<1x336xbf16> -> vector<8x336xbf16>
    %get3A_770 = arith.constant 0 : index
    %get3A_771 = arith.constant 0 : index
    %get3A_772 = vector.load %arg17[%get3A_770, %get3A_771] : memref<1344x8xbf16, #tpu.memory_space<vmem>>, vector<448x8xbf16>
    %dot_general3A_773 = arith.constant dense<0.000000e+00> : vector<448x336xf32>
    %dot_general3A_774 = tpu.matmul %get3A_772, %concatenate3A_769, %dot_general3A_773 {dimension_numbers = #tpu.dot_dimension_numbers<[1], [0], [0], [1], [0, 0, 1, 1], [], []>, transpose_lhs_hint = false} : vector<448x8xbf16>, vector<8x336xbf16>, vector<448x336xf32> -> vector<448x336xf32>
    %convert_element_type3A_775 = arith.truncf %dot_general3A_774 : vector<448x336xf32> to vector<448x336xbf16>
    %get3A_776 = arith.constant 208 : index
    %get3A_777 = arith.constant 0 : index
    %get3A_778 = vector.load %arg16[%get3A_776, %get3A_777] : memref<424x402xbf16, #tpu.memory_space<vmem>>, vector<56x336xbf16>
    %broadcast_in_dim3A_779 = vector.shape_cast %get3A_778 : vector<56x336xbf16> to vector<56x1x336xbf16>
    %broadcast_in_dim3A_780 = vector.shape_cast %broadcast_in_dim3A_779 : vector<56x1x336xbf16> to vector<56x1x336xbf16>
    %broadcast_in_dim3A_781 = vector.broadcast %broadcast_in_dim3A_780 : vector<56x1x336xbf16> to vector<56x8x336xbf16>
    %reshape3A_782 = vector.shape_cast %broadcast_in_dim3A_781 : vector<56x8x336xbf16> to vector<448x336xbf16>
    %mul3A_783 = arith.mulf %reshape3A_782, %convert_element_type3A_775 : vector<448x336xbf16>
    %get3A_784 = arith.constant 1704 : index
    %get3A_785 = arith.constant 0 : index
    %get3A_786 = vector.load %arg15[%get3A_784, %get3A_785] : memref<2720x512xbf16, #tpu.memory_space<vmem>>, vector<336x512xbf16>
    %dot_general3A_787 = arith.constant dense<0.000000e+00> : vector<448x512xf32>
    %dot_general3A_788 = tpu.matmul %mul3A_783, %get3A_786, %dot_general3A_787 {dimension_numbers = #tpu.dot_dimension_numbers<[1], [0], [0], [1], [0, 0, 1, 1], [], []>, transpose_lhs_hint = false} : vector<448x336xbf16>, vector<336x512xbf16>, vector<448x512xf32> -> vector<448x512xf32>
    %get3A_789 = arith.constant 208 : index
    %get3A_790 = arith.constant 0 : index
    %get3A_791 = vector.load %arg19[%get3A_789, %get3A_790] : memref<424x256xf32, #tpu.memory_space<vmem>>, vector<56x256xf32>
    %broadcast_in_dim3A_792 = vector.shape_cast %get3A_791 : vector<56x256xf32> to vector<56x1x256xf32>
    %broadcast_in_dim3A_793 = vector.shape_cast %broadcast_in_dim3A_792 : vector<56x1x256xf32> to vector<56x1x256xf32>
    %broadcast_in_dim3A_794 = vector.broadcast %broadcast_in_dim3A_793 : vector<56x1x256xf32> to vector<56x8x256xf32>
    %reshape3A_795 = vector.shape_cast %broadcast_in_dim3A_794 : vector<56x8x256xf32> to vector<448x256xf32>
    %broadcast_in_dim3A_796 = vector.shape_cast %get3A_4 : vector<1x256xf32> to vector<1x256xf32>
    %broadcast_in_dim3A_797 = vector.broadcast %broadcast_in_dim3A_796 : vector<1x256xf32> to vector<448x256xf32>
    %concatenate3A_798 = tpu.concatenate %broadcast_in_dim3A_797, %reshape3A_795 in 1 : vector<448x256xf32>, vector<448x256xf32> -> vector<448x512xf32>
    %add3A_799 = arith.addf %dot_general3A_788, %concatenate3A_798 : vector<448x512xf32>
    %reshape3A_800 = vector.shape_cast %add3A_799 : vector<448x512xf32> to vector<56x8x512xf32>
    %swap3A_801 = arith.constant 0 : index
    %swap3A_802 = arith.constant 0 : index
    %swap3A_803 = arith.constant 0 : index
    %swap3A_804 = arith.constant 0 : index
    %swap3A_805 = vector.load %arg25[%swap3A_801, %swap3A_802, %swap3A_803, %swap3A_804] : memref<1x56x8x512xf32, #tpu.memory_space<vmem>>, vector<1x56x8x512xf32>
    %swap3A_806 = vector.shape_cast %swap3A_805 : vector<1x56x8x512xf32> to vector<56x8x512xf32>
    %swap3A_807 = vector.shape_cast %reshape3A_800 : vector<56x8x512xf32> to vector<1x56x8x512xf32>
    tpu.vector_store %arg25[%swap3A_801, %swap3A_802, %swap3A_803, %swap3A_804], %swap3A_807 {strides = array<i32>} : memref<1x56x8x512xf32, #tpu.memory_space<vmem>>, vector<1x56x8x512xf32>,
    %add3A_808 = arith.constant 0 : i32
    %add3A_809 = arith.addi %mul3A_0, %add3A_808 : i32
    %get3A_810 = arith.constant 30 : index
    %get3A_811 = arith.index_cast %add3A_809 : i32 to index
    %get3A_812 = memref.load %arg2[%get3A_810, %get3A_811] : memref<34x16xi32, #tpu.memory_space<smem>>
    %get3A_813 = arith.index_cast %get3A_812 : i32 to index
    %get3A_814 = arith.constant 0 : index
    %get3A_815 = arith.constant 0 : index
    %get3A_816 = arith.constant 0 : index
    %get3A_817 = vector.load %arg5[%get3A_813, %get3A_814, %get3A_815, %get3A_816] : memref<16x1x1x340xbf16, #tpu.memory_space<vmem>>, vector<1x1x1x340xbf16>
    %get3A_818 = vector.shape_cast %get3A_817 : vector<1x1x1x340xbf16> to vector<340xbf16>
    %broadcast_in_dim3A_819 = vector.shape_cast %get3A_818 : vector<340xbf16> to vector<1x340xbf16>
    %add3A_820 = arith.constant 1 : i32
    %add3A_821 = arith.addi %mul3A_0, %add3A_820 : i32
    %get3A_822 = arith.constant 30 : index
    %get3A_823 = arith.index_cast %add3A_821 : i32 to index
    %get3A_824 = memref.load %arg2[%get3A_822, %get3A_823] : memref<34x16xi32, #tpu.memory_space<smem>>
    %get3A_825 = arith.index_cast %get3A_824 : i32 to index
    %get3A_826 = arith.constant 0 : index
    %get3A_827 = arith.constant 0 : index
    %get3A_828 = arith.constant 0 : index
    %get3A_829 = vector.load %arg5[%get3A_825, %get3A_826, %get3A_827, %get3A_828] : memref<16x1x1x340xbf16, #tpu.memory_space<vmem>>, vector<1x1x1x340xbf16>
    %get3A_830 = vector.shape_cast %get3A_829 : vector<1x1x1x340xbf16> to vector<340xbf16>
    %broadcast_in_dim3A_831 = vector.shape_cast %get3A_830 : vector<340xbf16> to vector<1x340xbf16>
    %add3A_832 = arith.constant 2 : i32
    %add3A_833 = arith.addi %mul3A_0, %add3A_832 : i32
    %get3A_834 = arith.constant 30 : index
    %get3A_835 = arith.index_cast %add3A_833 : i32 to index
    %get3A_836 = memref.load %arg2[%get3A_834, %get3A_835] : memref<34x16xi32, #tpu.memory_space<smem>>
    %get3A_837 = arith.index_cast %get3A_836 : i32 to index
    %get3A_838 = arith.constant 0 : index
    %get3A_839 = arith.constant 0 : index
    %get3A_840 = arith.constant 0 : index
    %get3A_841 = vector.load %arg5[%get3A_837, %get3A_838, %get3A_839, %get3A_840] : memref<16x1x1x340xbf16, #tpu.memory_space<vmem>>, vector<1x1x1x340xbf16>
    %get3A_842 = vector.shape_cast %get3A_841 : vector<1x1x1x340xbf16> to vector<340xbf16>
    %broadcast_in_dim3A_843 = vector.shape_cast %get3A_842 : vector<340xbf16> to vector<1x340xbf16>
    %add3A_844 = arith.constant 3 : i32
    %add3A_845 = arith.addi %mul3A_0, %add3A_844 : i32
    %get3A_846 = arith.constant 30 : index
    %get3A_847 = arith.index_cast %add3A_845 : i32 to index
    %get3A_848 = memref.load %arg2[%get3A_846, %get3A_847] : memref<34x16xi32, #tpu.memory_space<smem>>
    %get3A_849 = arith.index_cast %get3A_848 : i32 to index
    %get3A_850 = arith.constant 0 : index
    %get3A_851 = arith.constant 0 : index
    %get3A_852 = arith.constant 0 : index
    %get3A_853 = vector.load %arg5[%get3A_849, %get3A_850, %get3A_851, %get3A_852] : memref<16x1x1x340xbf16, #tpu.memory_space<vmem>>, vector<1x1x1x340xbf16>
    %get3A_854 = vector.shape_cast %get3A_853 : vector<1x1x1x340xbf16> to vector<340xbf16>
    %broadcast_in_dim3A_855 = vector.shape_cast %get3A_854 : vector<340xbf16> to vector<1x340xbf16>
    %add3A_856 = arith.constant 4 : i32
    %add3A_857 = arith.addi %mul3A_0, %add3A_856 : i32
    %get3A_858 = arith.constant 30 : index
    %get3A_859 = arith.index_cast %add3A_857 : i32 to index
    %get3A_860 = memref.load %arg2[%get3A_858, %get3A_859] : memref<34x16xi32, #tpu.memory_space<smem>>
    %get3A_861 = arith.index_cast %get3A_860 : i32 to index
    %get3A_862 = arith.constant 0 : index
    %get3A_863 = arith.constant 0 : index
    %get3A_864 = arith.constant 0 : index
    %get3A_865 = vector.load %arg5[%get3A_861, %get3A_862, %get3A_863, %get3A_864] : memref<16x1x1x340xbf16, #tpu.memory_space<vmem>>, vector<1x1x1x340xbf16>
    %get3A_866 = vector.shape_cast %get3A_865 : vector<1x1x1x340xbf16> to vector<340xbf16>
    %broadcast_in_dim3A_867 = vector.shape_cast %get3A_866 : vector<340xbf16> to vector<1x340xbf16>
    %add3A_868 = arith.constant 5 : i32
    %add3A_869 = arith.addi %mul3A_0, %add3A_868 : i32
    %get3A_870 = arith.constant 30 : index
    %get3A_871 = arith.index_cast %add3A_869 : i32 to index
    %get3A_872 = memref.load %arg2[%get3A_870, %get3A_871] : memref<34x16xi32, #tpu.memory_space<smem>>
    %get3A_873 = arith.index_cast %get3A_872 : i32 to index
    %get3A_874 = arith.constant 0 : index
    %get3A_875 = arith.constant 0 : index
    %get3A_876 = arith.constant 0 : index
    %get3A_877 = vector.load %arg5[%get3A_873, %get3A_874, %get3A_875, %get3A_876] : memref<16x1x1x340xbf16, #tpu.memory_space<vmem>>, vector<1x1x1x340xbf16>
    %get3A_878 = vector.shape_cast %get3A_877 : vector<1x1x1x340xbf16> to vector<340xbf16>
    %broadcast_in_dim3A_879 = vector.shape_cast %get3A_878 : vector<340xbf16> to vector<1x340xbf16>
    %add3A_880 = arith.constant 6 : i32
    %add3A_881 = arith.addi %mul3A_0, %add3A_880 : i32
    %get3A_882 = arith.constant 30 : index
    %get3A_883 = arith.index_cast %add3A_881 : i32 to index
    %get3A_884 = memref.load %arg2[%get3A_882, %get3A_883] : memref<34x16xi32, #tpu.memory_space<smem>>
    %get3A_885 = arith.index_cast %get3A_884 : i32 to index
    %get3A_886 = arith.constant 0 : index
    %get3A_887 = arith.constant 0 : index
    %get3A_888 = arith.constant 0 : index
    %get3A_889 = vector.load %arg5[%get3A_885, %get3A_886, %get3A_887, %get3A_888] : memref<16x1x1x340xbf16, #tpu.memory_space<vmem>>, vector<1x1x1x340xbf16>
    %get3A_890 = vector.shape_cast %get3A_889 : vector<1x1x1x340xbf16> to vector<340xbf16>
    %broadcast_in_dim3A_891 = vector.shape_cast %get3A_890 : vector<340xbf16> to vector<1x340xbf16>
    %add3A_892 = arith.constant 7 : i32
    %add3A_893 = arith.addi %mul3A_0, %add3A_892 : i32
    %get3A_894 = arith.constant 30 : index
    %get3A_895 = arith.index_cast %add3A_893 : i32 to index
    %get3A_896 = memref.load %arg2[%get3A_894, %get3A_895] : memref<34x16xi32, #tpu.memory_space<smem>>
    %get3A_897 = arith.index_cast %get3A_896 : i32 to index
    %get3A_898 = arith.constant 0 : index
    %get3A_899 = arith.constant 0 : index
    %get3A_900 = arith.constant 0 : index
    %get3A_901 = vector.load %arg5[%get3A_897, %get3A_898, %get3A_899, %get3A_900] : memref<16x1x1x340xbf16, #tpu.memory_space<vmem>>, vector<1x1x1x340xbf16>
    %get3A_902 = vector.shape_cast %get3A_901 : vector<1x1x1x340xbf16> to vector<340xbf16>
    %broadcast_in_dim3A_903 = vector.shape_cast %get3A_902 : vector<340xbf16> to vector<1x340xbf16>
    %concatenate3A_904 = tpu.concatenate %broadcast_in_dim3A_819, %broadcast_in_dim3A_831, %broadcast_in_dim3A_843, %broadcast_in_dim3A_855, %broadcast_in_dim3A_867, %broadcast_in_dim3A_879, %broadcast_in_dim3A_891, %broadcast_in_dim3A_903 in 0 : vector<1x340xbf16>, vector<1x340xbf16>, vector<1x340xbf16>, vector<1x340xbf16>, vector<1x340xbf16>, vector<1x340xbf16>, vector<1x340xbf16>, vector<1x340xbf16> -> vector<8x340xbf16>
    %get3A_905 = arith.constant 0 : index
    %get3A_906 = arith.constant 0 : index
    %get3A_907 = vector.load %arg17[%get3A_905, %get3A_906] : memref<1344x8xbf16, #tpu.memory_space<vmem>>, vector<544x8xbf16>
    %dot_general3A_908 = arith.constant dense<0.000000e+00> : vector<544x340xf32>
    %dot_general3A_909 = tpu.matmul %get3A_907, %concatenate3A_904, %dot_general3A_908 {dimension_numbers = #tpu.dot_dimension_numbers<[1], [0], [0], [1], [0, 0, 1, 1], [], []>, transpose_lhs_hint = false} : vector<544x8xbf16>, vector<8x340xbf16>, vector<544x340xf32> -> vector<544x340xf32>
    %convert_element_type3A_910 = arith.truncf %dot_general3A_909 : vector<544x340xf32> to vector<544x340xbf16>
    %get3A_911 = arith.constant 264 : index
    %get3A_912 = arith.constant 0 : index
    %get3A_913 = vector.load %arg16[%get3A_911, %get3A_912] : memref<424x402xbf16, #tpu.memory_space<vmem>>, vector<68x340xbf16>
    %broadcast_in_dim3A_914 = vector.shape_cast %get3A_913 : vector<68x340xbf16> to vector<68x1x340xbf16>
    %broadcast_in_dim3A_915 = vector.shape_cast %broadcast_in_dim3A_914 : vector<68x1x340xbf16> to vector<68x1x340xbf16>
    %broadcast_in_dim3A_916 = vector.broadcast %broadcast_in_dim3A_915 : vector<68x1x340xbf16> to vector<68x8x340xbf16>
    %reshape3A_917 = vector.shape_cast %broadcast_in_dim3A_916 : vector<68x8x340xbf16> to vector<544x340xbf16>
    %mul3A_918 = arith.mulf %reshape3A_917, %convert_element_type3A_910 : vector<544x340xbf16>
    %get3A_919 = arith.constant 2040 : index
    %get3A_920 = arith.constant 0 : index
    %get3A_921 = vector.load %arg15[%get3A_919, %get3A_920] : memref<2720x512xbf16, #tpu.memory_space<vmem>>, vector<340x512xbf16>
    %dot_general3A_922 = arith.constant dense<0.000000e+00> : vector<544x512xf32>
    %dot_general3A_923 = tpu.matmul %mul3A_918, %get3A_921, %dot_general3A_922 {dimension_numbers = #tpu.dot_dimension_numbers<[1], [0], [0], [1], [0, 0, 1, 1], [], []>, transpose_lhs_hint = false} : vector<544x340xbf16>, vector<340x512xbf16>, vector<544x512xf32> -> vector<544x512xf32>
    %get3A_924 = arith.constant 264 : index
    %get3A_925 = arith.constant 0 : index
    %get3A_926 = vector.load %arg19[%get3A_924, %get3A_925] : memref<424x256xf32, #tpu.memory_space<vmem>>, vector<68x256xf32>
    %broadcast_in_dim3A_927 = vector.shape_cast %get3A_926 : vector<68x256xf32> to vector<68x1x256xf32>
    %broadcast_in_dim3A_928 = vector.shape_cast %broadcast_in_dim3A_927 : vector<68x1x256xf32> to vector<68x1x256xf32>
    %broadcast_in_dim3A_929 = vector.broadcast %broadcast_in_dim3A_928 : vector<68x1x256xf32> to vector<68x8x256xf32>
    %reshape3A_930 = vector.shape_cast %broadcast_in_dim3A_929 : vector<68x8x256xf32> to vector<544x256xf32>
    %broadcast_in_dim3A_931 = vector.shape_cast %get3A_4 : vector<1x256xf32> to vector<1x256xf32>
    %broadcast_in_dim3A_932 = vector.broadcast %broadcast_in_dim3A_931 : vector<1x256xf32> to vector<544x256xf32>
    %concatenate3A_933 = tpu.concatenate %broadcast_in_dim3A_932, %reshape3A_930 in 1 : vector<544x256xf32>, vector<544x256xf32> -> vector<544x512xf32>
    %add3A_934 = arith.addf %dot_general3A_923, %concatenate3A_933 : vector<544x512xf32>
    %reshape3A_935 = vector.shape_cast %add3A_934 : vector<544x512xf32> to vector<68x8x512xf32>
    %swap3A_936 = arith.constant 0 : index
    %swap3A_937 = arith.constant 0 : index
    %swap3A_938 = arith.constant 0 : index
    %swap3A_939 = arith.constant 0 : index
    %swap3A_940 = vector.load %arg26[%swap3A_936, %swap3A_937, %swap3A_938, %swap3A_939] : memref<1x68x8x512xf32, #tpu.memory_space<vmem>>, vector<1x68x8x512xf32>
    %swap3A_941 = vector.shape_cast %swap3A_940 : vector<1x68x8x512xf32> to vector<68x8x512xf32>
    %swap3A_942 = vector.shape_cast %reshape3A_935 : vector<68x8x512xf32> to vector<1x68x8x512xf32>
    tpu.vector_store %arg26[%swap3A_936, %swap3A_937, %swap3A_938, %swap3A_939], %swap3A_942 {strides = array<i32>} : memref<1x68x8x512xf32, #tpu.memory_space<vmem>>, vector<1x68x8x512xf32>,
    %add3A_943 = arith.constant 0 : i32
    %add3A_944 = arith.addi %mul3A_0, %add3A_943 : i32
    %get3A_945 = arith.constant 31 : index
    %get3A_946 = arith.index_cast %add3A_944 : i32 to index
    %get3A_947 = memref.load %arg2[%get3A_945, %get3A_946] : memref<34x16xi32, #tpu.memory_space<smem>>
    %get3A_948 = arith.index_cast %get3A_947 : i32 to index
    %get3A_949 = arith.constant 0 : index
    %get3A_950 = arith.constant 0 : index
    %get3A_951 = arith.constant 0 : index
    %get3A_952 = vector.load %arg3[%get3A_948, %get3A_949, %get3A_950, %get3A_951] : memref<16x1x1x336xbf16, #tpu.memory_space<vmem>>, vector<1x1x1x336xbf16>
    %get3A_953 = vector.shape_cast %get3A_952 : vector<1x1x1x336xbf16> to vector<336xbf16>
    %broadcast_in_dim3A_954 = vector.shape_cast %get3A_953 : vector<336xbf16> to vector<1x336xbf16>
    %add3A_955 = arith.constant 1 : i32
    %add3A_956 = arith.addi %mul3A_0, %add3A_955 : i32
    %get3A_957 = arith.constant 31 : index
    %get3A_958 = arith.index_cast %add3A_956 : i32 to index
    %get3A_959 = memref.load %arg2[%get3A_957, %get3A_958] : memref<34x16xi32, #tpu.memory_space<smem>>
    %get3A_960 = arith.index_cast %get3A_959 : i32 to index
    %get3A_961 = arith.constant 0 : index
    %get3A_962 = arith.constant 0 : index
    %get3A_963 = arith.constant 0 : index
    %get3A_964 = vector.load %arg3[%get3A_960, %get3A_961, %get3A_962, %get3A_963] : memref<16x1x1x336xbf16, #tpu.memory_space<vmem>>, vector<1x1x1x336xbf16>
    %get3A_965 = vector.shape_cast %get3A_964 : vector<1x1x1x336xbf16> to vector<336xbf16>
    %broadcast_in_dim3A_966 = vector.shape_cast %get3A_965 : vector<336xbf16> to vector<1x336xbf16>
    %add3A_967 = arith.constant 2 : i32
    %add3A_968 = arith.addi %mul3A_0, %add3A_967 : i32
    %get3A_969 = arith.constant 31 : index
    %get3A_970 = arith.index_cast %add3A_968 : i32 to index
    %get3A_971 = memref.load %arg2[%get3A_969, %get3A_970] : memref<34x16xi32, #tpu.memory_space<smem>>
    %get3A_972 = arith.index_cast %get3A_971 : i32 to index
    %get3A_973 = arith.constant 0 : index
    %get3A_974 = arith.constant 0 : index
    %get3A_975 = arith.constant 0 : index
    %get3A_976 = vector.load %arg3[%get3A_972, %get3A_973, %get3A_974, %get3A_975] : memref<16x1x1x336xbf16, #tpu.memory_space<vmem>>, vector<1x1x1x336xbf16>
    %get3A_977 = vector.shape_cast %get3A_976 : vector<1x1x1x336xbf16> to vector<336xbf16>
    %broadcast_in_dim3A_978 = vector.shape_cast %get3A_977 : vector<336xbf16> to vector<1x336xbf16>
    %add3A_979 = arith.constant 3 : i32
    %add3A_980 = arith.addi %mul3A_0, %add3A_979 : i32
    %get3A_981 = arith.constant 31 : index
    %get3A_982 = arith.index_cast %add3A_980 : i32 to index
    %get3A_983 = memref.load %arg2[%get3A_981, %get3A_982] : memref<34x16xi32, #tpu.memory_space<smem>>
    %get3A_984 = arith.index_cast %get3A_983 : i32 to index
    %get3A_985 = arith.constant 0 : index
    %get3A_986 = arith.constant 0 : index
    %get3A_987 = arith.constant 0 : index
    %get3A_988 = vector.load %arg3[%get3A_984, %get3A_985, %get3A_986, %get3A_987] : memref<16x1x1x336xbf16, #tpu.memory_space<vmem>>, vector<1x1x1x336xbf16>
    %get3A_989 = vector.shape_cast %get3A_988 : vector<1x1x1x336xbf16> to vector<336xbf16>
    %broadcast_in_dim3A_990 = vector.shape_cast %get3A_989 : vector<336xbf16> to vector<1x336xbf16>
    %add3A_991 = arith.constant 4 : i32
    %add3A_992 = arith.addi %mul3A_0, %add3A_991 : i32
    %get3A_993 = arith.constant 31 : index
    %get3A_994 = arith.index_cast %add3A_992 : i32 to index
    %get3A_995 = memref.load %arg2[%get3A_993, %get3A_994] : memref<34x16xi32, #tpu.memory_space<smem>>
    %get3A_996 = arith.index_cast %get3A_995 : i32 to index
    %get3A_997 = arith.constant 0 : index
    %get3A_998 = arith.constant 0 : index
    %get3A_999 = arith.constant 0 : index
    %get3A_1000 = vector.load %arg3[%get3A_996, %get3A_997, %get3A_998, %get3A_999] : memref<16x1x1x336xbf16, #tpu.memory_space<vmem>>, vector<1x1x1x336xbf16>
    %get3A_1001 = vector.shape_cast %get3A_1000 : vector<1x1x1x336xbf16> to vector<336xbf16>
    %broadcast_in_dim3A_1002 = vector.shape_cast %get3A_1001 : vector<336xbf16> to vector<1x336xbf16>
    %add3A_1003 = arith.constant 5 : i32
    %add3A_1004 = arith.addi %mul3A_0, %add3A_1003 : i32
    %get3A_1005 = arith.constant 31 : index
    %get3A_1006 = arith.index_cast %add3A_1004 : i32 to index
    %get3A_1007 = memref.load %arg2[%get3A_1005, %get3A_1006] : memref<34x16xi32, #tpu.memory_space<smem>>
    %get3A_1008 = arith.index_cast %get3A_1007 : i32 to index
    %get3A_1009 = arith.constant 0 : index
    %get3A_1010 = arith.constant 0 : index
    %get3A_1011 = arith.constant 0 : index
    %get3A_1012 = vector.load %arg3[%get3A_1008, %get3A_1009, %get3A_1010, %get3A_1011] : memref<16x1x1x336xbf16, #tpu.memory_space<vmem>>, vector<1x1x1x336xbf16>
    %get3A_1013 = vector.shape_cast %get3A_1012 : vector<1x1x1x336xbf16> to vector<336xbf16>
    %broadcast_in_dim3A_1014 = vector.shape_cast %get3A_1013 : vector<336xbf16> to vector<1x336xbf16>
    %add3A_1015 = arith.constant 6 : i32
    %add3A_1016 = arith.addi %mul3A_0, %add3A_1015 : i32
    %get3A_1017 = arith.constant 31 : index
    %get3A_1018 = arith.index_cast %add3A_1016 : i32 to index
    %get3A_1019 = memref.load %arg2[%get3A_1017, %get3A_1018] : memref<34x16xi32, #tpu.memory_space<smem>>
    %get3A_1020 = arith.index_cast %get3A_1019 : i32 to index
    %get3A_1021 = arith.constant 0 : index
    %get3A_1022 = arith.constant 0 : index
    %get3A_1023 = arith.constant 0 : index
    %get3A_1024 = vector.load %arg3[%get3A_1020, %get3A_1021, %get3A_1022, %get3A_1023] : memref<16x1x1x336xbf16, #tpu.memory_space<vmem>>, vector<1x1x1x336xbf16>
    %get3A_1025 = vector.shape_cast %get3A_1024 : vector<1x1x1x336xbf16> to vector<336xbf16>
    %broadcast_in_dim3A_1026 = vector.shape_cast %get3A_1025 : vector<336xbf16> to vector<1x336xbf16>
    %add3A_1027 = arith.constant 7 : i32
    %add3A_1028 = arith.addi %mul3A_0, %add3A_1027 : i32
    %get3A_1029 = arith.constant 31 : index
    %get3A_1030 = arith.index_cast %add3A_1028 : i32 to index
    %get3A_1031 = memref.load %arg2[%get3A_1029, %get3A_1030] : memref<34x16xi32, #tpu.memory_space<smem>>
    %get3A_1032 = arith.index_cast %get3A_1031 : i32 to index
    %get3A_1033 = arith.constant 0 : index
    %get3A_1034 = arith.constant 0 : index
    %get3A_1035 = arith.constant 0 : index
    %get3A_1036 = vector.load %arg3[%get3A_1032, %get3A_1033, %get3A_1034, %get3A_1035] : memref<16x1x1x336xbf16, #tpu.memory_space<vmem>>, vector<1x1x1x336xbf16>
    %get3A_1037 = vector.shape_cast %get3A_1036 : vector<1x1x1x336xbf16> to vector<336xbf16>
    %broadcast_in_dim3A_1038 = vector.shape_cast %get3A_1037 : vector<336xbf16> to vector<1x336xbf16>
    %concatenate3A_1039 = tpu.concatenate %broadcast_in_dim3A_954, %broadcast_in_dim3A_966, %broadcast_in_dim3A_978, %broadcast_in_dim3A_990, %broadcast_in_dim3A_1002, %broadcast_in_dim3A_1014, %broadcast_in_dim3A_1026, %broadcast_in_dim3A_1038 in 0 : vector<1x336xbf16>, vector<1x336xbf16>, vector<1x336xbf16>, vector<1x336xbf16>, vector<1x336xbf16>, vector<1x336xbf16>, vector<1x336xbf16>, vector<1x336xbf16> -> vector<8x336xbf16>
    %get3A_1040 = arith.constant 0 : index
    %get3A_1041 = arith.constant 0 : index
    %get3A_1042 = vector.load %arg17[%get3A_1040, %get3A_1041] : memref<1344x8xbf16, #tpu.memory_space<vmem>>, vector<672x8xbf16>
    %dot_general3A_1043 = arith.constant dense<0.000000e+00> : vector<672x336xf32>
    %dot_general3A_1044 = tpu.matmul %get3A_1042, %concatenate3A_1039, %dot_general3A_1043 {dimension_numbers = #tpu.dot_dimension_numbers<[1], [0], [0], [1], [0, 0, 1, 1], [], []>, transpose_lhs_hint = false} : vector<672x8xbf16>, vector<8x336xbf16>, vector<672x336xf32> -> vector<672x336xf32>
    %convert_element_type3A_1045 = arith.truncf %dot_general3A_1044 : vector<672x336xf32> to vector<672x336xbf16>
    %get3A_1046 = arith.constant 336 : index
    %get3A_1047 = arith.constant 0 : index
    %get3A_1048 = vector.load %arg16[%get3A_1046, %get3A_1047] : memref<424x402xbf16, #tpu.memory_space<vmem>>, vector<84x336xbf16>
    %broadcast_in_dim3A_1049 = vector.shape_cast %get3A_1048 : vector<84x336xbf16> to vector<84x1x336xbf16>
    %broadcast_in_dim3A_1050 = vector.shape_cast %broadcast_in_dim3A_1049 : vector<84x1x336xbf16> to vector<84x1x336xbf16>
    %broadcast_in_dim3A_1051 = vector.broadcast %broadcast_in_dim3A_1050 : vector<84x1x336xbf16> to vector<84x8x336xbf16>
    %reshape3A_1052 = vector.shape_cast %broadcast_in_dim3A_1051 : vector<84x8x336xbf16> to vector<672x336xbf16>
    %mul3A_1053 = arith.mulf %reshape3A_1052, %convert_element_type3A_1045 : vector<672x336xbf16>
    %get3A_1054 = arith.constant 2384 : index
    %get3A_1055 = arith.constant 0 : index
    %get3A_1056 = vector.load %arg15[%get3A_1054, %get3A_1055] : memref<2720x512xbf16, #tpu.memory_space<vmem>>, vector<336x512xbf16>
    %dot_general3A_1057 = arith.constant dense<0.000000e+00> : vector<672x512xf32>
    %dot_general3A_1058 = tpu.matmul %mul3A_1053, %get3A_1056, %dot_general3A_1057 {dimension_numbers = #tpu.dot_dimension_numbers<[1], [0], [0], [1], [0, 0, 1, 1], [], []>, transpose_lhs_hint = false} : vector<672x336xbf16>, vector<336x512xbf16>, vector<672x512xf32> -> vector<672x512xf32>
    %get3A_1059 = arith.constant 336 : index
    %get3A_1060 = arith.constant 0 : index
    %get3A_1061 = vector.load %arg19[%get3A_1059, %get3A_1060] : memref<424x256xf32, #tpu.memory_space<vmem>>, vector<84x256xf32>
    %broadcast_in_dim3A_1062 = vector.shape_cast %get3A_1061 : vector<84x256xf32> to vector<84x1x256xf32>
    %broadcast_in_dim3A_1063 = vector.shape_cast %broadcast_in_dim3A_1062 : vector<84x1x256xf32> to vector<84x1x256xf32>
    %broadcast_in_dim3A_1064 = vector.broadcast %broadcast_in_dim3A_1063 : vector<84x1x256xf32> to vector<84x8x256xf32>
    %reshape3A_1065 = vector.shape_cast %broadcast_in_dim3A_1064 : vector<84x8x256xf32> to vector<672x256xf32>
    %broadcast_in_dim3A_1066 = vector.shape_cast %get3A_4 : vector<1x256xf32> to vector<1x256xf32>
    %broadcast_in_dim3A_1067 = vector.broadcast %broadcast_in_dim3A_1066 : vector<1x256xf32> to vector<672x256xf32>
    %concatenate3A_1068 = tpu.concatenate %broadcast_in_dim3A_1067, %reshape3A_1065 in 1 : vector<672x256xf32>, vector<672x256xf32> -> vector<672x512xf32>
    %add3A_1069 = arith.addf %dot_general3A_1058, %concatenate3A_1068 : vector<672x512xf32>
    %reshape3A_1070 = vector.shape_cast %add3A_1069 : vector<672x512xf32> to vector<84x8x512xf32>
    %swap3A_1071 = arith.constant 0 : index
    %swap3A_1072 = arith.constant 0 : index
    %swap3A_1073 = arith.constant 0 : index
    %swap3A_1074 = arith.constant 0 : index
    %swap3A_1075 = vector.load %arg27[%swap3A_1071, %swap3A_1072, %swap3A_1073, %swap3A_1074] : memref<1x84x8x512xf32, #tpu.memory_space<vmem>>, vector<1x84x8x512xf32>
    %swap3A_1076 = vector.shape_cast %swap3A_1075 : vector<1x84x8x512xf32> to vector<84x8x512xf32>
    %swap3A_1077 = vector.shape_cast %reshape3A_1070 : vector<84x8x512xf32> to vector<1x84x8x512xf32>
    tpu.vector_store %arg27[%swap3A_1071, %swap3A_1072, %swap3A_1073, %swap3A_1074], %swap3A_1077 {strides = array<i32>} : memref<1x84x8x512xf32, #tpu.memory_space<vmem>>, vector<1x84x8x512xf32>,
    return
  }
  func.func @transform_0(%arg0: i32, %arg1: i32, %arg2: memref<34x16xi32, #tpu.memory_space<smem>>) -> (i32, i32, i32, i32) {
    %c0_i32 = arith.constant 0 : i32
    %c0_i32_0 = arith.constant 0 : i32
    %c0_i32_1 = arith.constant 0 : i32
    %c0_i32_2 = arith.constant 0 : i32
    return %c0_i32, %arg0, %c0_i32_0, %c0_i32_1 : i32, i32, i32, i32
  }
  func.func @transform_1(%arg0: i32, %arg1: i32, %arg2: memref<34x16xi32, #tpu.memory_space<smem>>) -> (i32, i32, i32, i32) {
    %c0_i32 = arith.constant 0 : i32
    %c0_i32_0 = arith.constant 0 : i32
    %c0_i32_1 = arith.constant 0 : i32
    %c0_i32_2 = arith.constant 0 : i32
    return %c0_i32, %arg0, %c0_i32_0, %c0_i32_1 : i32, i32, i32, i32
  }
  func.func @transform_2(%arg0: i32, %arg1: i32, %arg2: memref<34x16xi32, #tpu.memory_space<smem>>) -> (i32, i32, i32, i32) {
    %c0_i32 = arith.constant 0 : i32
    %c0_i32_0 = arith.constant 0 : i32
    %c0_i32_1 = arith.constant 0 : i32
    %c0_i32_2 = arith.constant 0 : i32
    return %c0_i32, %arg0, %c0_i32_0, %c0_i32_1 : i32, i32, i32, i32
  }
  func.func @transform_3(%arg0: i32, %arg1: i32, %arg2: memref<34x16xi32, #tpu.memory_space<smem>>) -> (i32, i32, i32, i32) {
    %c0_i32 = arith.constant 0 : i32
    %c0_i32_0 = arith.constant 0 : i32
    %c0_i32_1 = arith.constant 0 : i32
    %c0_i32_2 = arith.constant 0 : i32
    return %c0_i32, %arg0, %c0_i32_0, %c0_i32_1 : i32, i32, i32, i32
  }
  func.func @transform_4(%arg0: i32, %arg1: i32, %arg2: memref<34x16xi32, #tpu.memory_space<smem>>) -> (i32, i32, i32, i32) {
    %c0_i32 = arith.constant 0 : i32
    %c0_i32_0 = arith.constant 0 : i32
    %c0_i32_1 = arith.constant 0 : i32
    %c0_i32_2 = arith.constant 0 : i32
    return %c0_i32, %arg0, %c0_i32_0, %c0_i32_1 : i32, i32, i32, i32
  }
  func.func @transform_5(%arg0: i32, %arg1: i32, %arg2: memref<34x16xi32, #tpu.memory_space<smem>>) -> (i32, i32, i32, i32) {
    %c0_i32 = arith.constant 0 : i32
    %c0_i32_0 = arith.constant 0 : i32
    %c0_i32_1 = arith.constant 0 : i32
    %c0_i32_2 = arith.constant 0 : i32
    return %c0_i32, %arg0, %c0_i32_0, %c0_i32_1 : i32, i32, i32, i32
  }
  func.func @transform_6(%arg0: i32, %arg1: i32, %arg2: memref<34x16xi32, #tpu.memory_space<smem>>) -> (i32, i32, i32, i32) {
    %c0_i32 = arith.constant 0 : i32
    %c0_i32_0 = arith.constant 0 : i32
    %c0_i32_1 = arith.constant 0 : i32
    %c0_i32_2 = arith.constant 0 : i32
    return %c0_i32, %arg0, %c0_i32_0, %c0_i32_1 : i32, i32, i32, i32
  }
  func.func @transform_7(%arg0: i32, %arg1: i32, %arg2: memref<34x16xi32, #tpu.memory_space<smem>>) -> (i32, i32, i32, i32) {
    %c0_i32 = arith.constant 0 : i32
    %c0_i32_0 = arith.constant 0 : i32
    %c0_i32_1 = arith.constant 0 : i32
    %c0_i32_2 = arith.constant 0 : i32
    return %c0_i32, %arg0, %c0_i32_0, %c0_i32_1 : i32, i32, i32, i32
  }
  func.func @transform_8(%arg0: i32, %arg1: i32, %arg2: memref<34x16xi32, #tpu.memory_space<smem>>) -> (i32, i32, i32, i32) {
    %c0_i32 = arith.constant 0 : i32
    %c0_i32_0 = arith.constant 0 : i32
    %c0_i32_1 = arith.constant 0 : i32
    %c0_i32_2 = arith.constant 0 : i32
    return %c0_i32, %arg0, %c0_i32_0, %c0_i32_1 : i32, i32, i32, i32
  }
  func.func @transform_9(%arg0: i32, %arg1: i32, %arg2: memref<34x16xi32, #tpu.memory_space<smem>>) -> (i32, i32, i32, i32) {
    %c0_i32 = arith.constant 0 : i32
    %c0_i32_0 = arith.constant 0 : i32
    %c0_i32_1 = arith.constant 0 : i32
    %c0_i32_2 = arith.constant 0 : i32
    return %c0_i32, %arg0, %c0_i32_0, %c0_i32_1 : i32, i32, i32, i32
  }
  func.func @transform_10(%arg0: i32, %arg1: i32, %arg2: memref<34x16xi32, #tpu.memory_space<smem>>) -> (i32, i32, i32, i32) {
    %c0_i32 = arith.constant 0 : i32
    %c0_i32_0 = arith.constant 0 : i32
    %c0_i32_1 = arith.constant 0 : i32
    %c0_i32_2 = arith.constant 0 : i32
    return %c0_i32, %arg0, %c0_i32_0, %c0_i32_1 : i32, i32, i32, i32
  }
  func.func @transform_11(%arg0: i32, %arg1: i32, %arg2: memref<34x16xi32, #tpu.memory_space<smem>>) -> (i32, i32, i32, i32) {
    %c0_i32 = arith.constant 0 : i32
    %c0_i32_0 = arith.constant 0 : i32
    %c0_i32_1 = arith.constant 0 : i32
    %c0_i32_2 = arith.constant 0 : i32
    return %c0_i32, %arg0, %c0_i32_0, %c0_i32_1 : i32, i32, i32, i32
  }
  func.func @transform_12(%arg0: i32, %arg1: i32, %arg2: memref<34x16xi32, #tpu.memory_space<smem>>) -> (i32, i32) {
    %c0_i32 = arith.constant 0 : i32
    %c0_i32_0 = arith.constant 0 : i32
    %c0_i32_1 = arith.constant 0 : i32
    return %c0_i32, %c0_i32_0 : i32, i32
  }
  func.func @transform_13(%arg0: i32, %arg1: i32, %arg2: memref<34x16xi32, #tpu.memory_space<smem>>) -> (i32, i32) {
    %c0_i32 = arith.constant 0 : i32
    %c0_i32_0 = arith.constant 0 : i32
    %c0_i32_1 = arith.constant 0 : i32
    return %c0_i32, %c0_i32_0 : i32, i32
  }
  func.func @transform_14(%arg0: i32, %arg1: i32, %arg2: memref<34x16xi32, #tpu.memory_space<smem>>) -> (i32, i32) {
    %c0_i32 = arith.constant 0 : i32
    %c0_i32_0 = arith.constant 0 : i32
    %c0_i32_1 = arith.constant 0 : i32
    return %c0_i32, %c0_i32_0 : i32, i32
  }
  func.func @transform_15(%arg0: i32, %arg1: i32, %arg2: memref<34x16xi32, #tpu.memory_space<smem>>) -> (i32, i32, i32) {
    %c0_i32 = arith.constant 0 : i32
    %c0_i32_0 = arith.constant 0 : i32
    %c0_i32_1 = arith.constant 0 : i32
    return %arg0, %c0_i32, %c0_i32_0 : i32, i32, i32
  }
  func.func @transform_16(%arg0: i32, %arg1: i32, %arg2: memref<34x16xi32, #tpu.memory_space<smem>>) -> (i32, i32) {
    %c0_i32 = arith.constant 0 : i32
    %c0_i32_0 = arith.constant 0 : i32
    %c0_i32_1 = arith.constant 0 : i32
    return %c0_i32, %c0_i32_0 : i32, i32
  }
  func.func @transform_17(%arg0: i32, %arg1: i32, %arg2: memref<34x16xi32, #tpu.memory_space<smem>>) -> (i32, i32, i32, i32) {
    %c0_i32 = arith.constant 0 : i32
    %c0_i32_0 = arith.constant 0 : i32
    %c0_i32_1 = arith.constant 0 : i32
    return %arg0, %c0_i32, %arg1, %c0_i32_0 : i32, i32, i32, i32
  }
  func.func @transform_18(%arg0: i32, %arg1: i32, %arg2: memref<34x16xi32, #tpu.memory_space<smem>>) -> (i32, i32, i32, i32) {
    %c0_i32 = arith.constant 0 : i32
    %c0_i32_0 = arith.constant 0 : i32
    %c0_i32_1 = arith.constant 0 : i32
    return %arg0, %c0_i32, %arg1, %c0_i32_0 : i32, i32, i32, i32
  }
  func.func @transform_19(%arg0: i32, %arg1: i32, %arg2: memref<34x16xi32, #tpu.memory_space<smem>>) -> (i32, i32, i32, i32) {
    %c0_i32 = arith.constant 0 : i32
    %c0_i32_0 = arith.constant 0 : i32
    %c0_i32_1 = arith.constant 0 : i32
    return %arg0, %c0_i32, %arg1, %c0_i32_0 : i32, i32, i32, i32
  }
  func.func @transform_20(%arg0: i32, %arg1: i32, %arg2: memref<34x16xi32, #tpu.memory_space<smem>>) -> (i32, i32, i32, i32) {
    %c0_i32 = arith.constant 0 : i32
    %c0_i32_0 = arith.constant 0 : i32
    %c0_i32_1 = arith.constant 0 : i32
    return %arg0, %c0_i32, %arg1, %c0_i32_0 : i32, i32, i32, i32
  }
  func.func @transform_21(%arg0: i32, %arg1: i32, %arg2: memref<34x16xi32, #tpu.memory_space<smem>>) -> (i32, i32, i32, i32) {
    %c0_i32 = arith.constant 0 : i32
    %c0_i32_0 = arith.constant 0 : i32
    %c0_i32_1 = arith.constant 0 : i32
    return %arg0, %c0_i32, %arg1, %c0_i32_0 : i32, i32, i32, i32
  }
  func.func @transform_22(%arg0: i32, %arg1: i32, %arg2: memref<34x16xi32, #tpu.memory_space<smem>>) -> (i32, i32, i32, i32) {
    %c0_i32 = arith.constant 0 : i32
    %c0_i32_0 = arith.constant 0 : i32
    %c0_i32_1 = arith.constant 0 : i32
    return %arg0, %c0_i32, %arg1, %c0_i32_0 : i32, i32, i32, i32
  }
  func.func @transform_23(%arg0: i32, %arg1: i32, %arg2: memref<34x16xi32, #tpu.memory_space<smem>>) -> (i32, i32, i32, i32) {
    %c0_i32 = arith.constant 0 : i32
    %c0_i32_0 = arith.constant 0 : i32
    %c0_i32_1 = arith.constant 0 : i32
    return %arg0, %c0_i32, %arg1, %c0_i32_0 : i32, i32, i32, i32
  }
  func.func @transform_24(%arg0: i32, %arg1: i32, %arg2: memref<34x16xi32, #tpu.memory_space<smem>>) -> (i32, i32, i32, i32) {
    %c0_i32 = arith.constant 0 : i32
    %c0_i32_0 = arith.constant 0 : i32
    %c0_i32_1 = arith.constant 0 : i32
    return %arg0, %c0_i32, %arg1, %c0_i32_0 : i32, i32, i32, i32
  }
}

module attributes {stable_mosaic.version = 14 : i64} {
  func.func @_body(%arg0: i32, %arg1: i32, %arg2: memref<34x16xi32, #tpu.memory_space<smem>>, %arg3: memref<16x1x1x336xbf16, #tpu.memory_space<vmem>>, %arg4: memref<16x1x1x338xbf16, #tpu.memory_space<vmem>>, %arg5: memref<16x1x1x340xbf16, #tpu.memory_space<vmem>>, %arg6: memref<16x1x1x341xbf16, #tpu.memory_space<vmem>>, %arg7: memref<16x1x1x342xbf16, #tpu.memory_space<vmem>>, %arg8: memref<16x1x1x345xbf16, #tpu.memory_space<vmem>>, %arg9: memref<16x1x1x350xbf16, #tpu.memory_space<vmem>>, %arg10: memref<16x1x1x352xbf16, #tpu.memory_space<vmem>>, %arg11: memref<16x1x1x360xbf16, #tpu.memory_space<vmem>>, %arg12: memref<16x1x1x363xbf16, #tpu.memory_space<vmem>>, %arg13: memref<16x1x1x370xbf16, #tpu.memory_space<vmem>>, %arg14: memref<16x1x1x402xbf16, #tpu.memory_space<vmem>>, %arg15: memref<672x512xbf16, #tpu.memory_space<vmem>>, %arg16: memref<280x402xbf16, #tpu.memory_space<vmem>>, %arg17: memref<1x1x256xf32, #tpu.memory_space<vmem>>, %arg18: memref<280x256xf32, #tpu.memory_space<vmem>>, %arg19: memref<8x1x112x512xf32, #tpu.memory_space<vmem>>, %arg20: memref<8x1x168x512xf32, #tpu.memory_space<vmem>>) attributes {dimension_semantics = [#tpu.dimension_semantics<arbitrary>, #tpu.dimension_semantics<arbitrary>], iteration_bounds = array<i64: 11, 2>, scalar_prefetch = 1 : i64, scratch_operands = 0 : i64, tpu.core_type = #tpu.core_type<tc>, window_params = [{transform_indices = @transform_0, window_bounds = array<i64: 16, 1, 1, 336>}, {transform_indices = @transform_1, window_bounds = array<i64: 16, 1, 1, 338>}, {transform_indices = @transform_2, window_bounds = array<i64: 16, 1, 1, 340>}, {transform_indices = @transform_3, window_bounds = array<i64: 16, 1, 1, 341>}, {transform_indices = @transform_4, window_bounds = array<i64: 16, 1, 1, 342>}, {transform_indices = @transform_5, window_bounds = array<i64: 16, 1, 1, 345>}, {transform_indices = @transform_6, window_bounds = array<i64: 16, 1, 1, 350>}, {transform_indices = @transform_7, window_bounds = array<i64: 16, 1, 1, 352>}, {transform_indices = @transform_8, window_bounds = array<i64: 16, 1, 1, 360>}, {transform_indices = @transform_9, window_bounds = array<i64: 16, 1, 1, 363>}, {transform_indices = @transform_10, window_bounds = array<i64: 16, 1, 1, 370>}, {transform_indices = @transform_11, window_bounds = array<i64: 16, 1, 1, 402>}, {pipeline_mode = #tpu.pipeline_mode<synchronous>, transform_indices = @transform_12, window_bounds = array<i64: 672, 512>}, {pipeline_mode = #tpu.pipeline_mode<synchronous>, transform_indices = @transform_13, window_bounds = array<i64: 280, 402>}, {transform_indices = @transform_14, window_bounds = array<i64: 1, 1, 256>}, {pipeline_mode = #tpu.pipeline_mode<synchronous>, transform_indices = @transform_15, window_bounds = array<i64: 280, 256>}, {transform_indices = @transform_16, window_bounds = array<i64: 8, 1, 112, 512>}, {transform_indices = @transform_17, window_bounds = array<i64: 8, 1, 168, 512>}]} {
    %mul3A = arith.constant 8 : i32
    %mul3A_0 = arith.muli %arg1, %mul3A : i32
    %get3A = arith.constant 0 : index
    %get3A_1 = arith.constant 0 : index
    %get3A_2 = arith.constant 0 : index
    %get3A_3 = vector.load %arg17[%get3A, %get3A_1, %get3A_2] : memref<1x1x256xf32, #tpu.memory_space<vmem>>, vector<1x1x256xf32>
    %get3A_4 = vector.shape_cast %get3A_3 : vector<1x1x256xf32> to vector<1x256xf32>
    %get3A_5 = arith.constant 0 : index
    %get3A_6 = arith.constant 0 : index
    %get3A_7 = vector.load %arg16[%get3A_5, %get3A_6] : memref<280x402xbf16, #tpu.memory_space<vmem>>, vector<112x336xbf16>
    %get3A_8 = arith.constant 0 : index
    %get3A_9 = arith.constant 0 : index
    %get3A_10 = vector.load %arg15[%get3A_8, %get3A_9] : memref<672x512xbf16, #tpu.memory_space<vmem>>, vector<336x512xbf16>
    %broadcast_in_dim3A = vector.shape_cast %get3A_4 : vector<1x256xf32> to vector<1x256xf32>
    %broadcast_in_dim3A_11 = vector.broadcast %broadcast_in_dim3A : vector<1x256xf32> to vector<112x256xf32>
    %get3A_12 = arith.constant 0 : index
    %get3A_13 = arith.constant 0 : index
    %get3A_14 = vector.load %arg18[%get3A_12, %get3A_13] : memref<280x256xf32, #tpu.memory_space<vmem>>, vector<112x256xf32>
    %concatenate3A = tpu.concatenate %broadcast_in_dim3A_11, %get3A_14 in 1 : vector<112x256xf32>, vector<112x256xf32> -> vector<112x512xf32>
    %add3A = arith.constant 0 : i32
    %add3A_15 = arith.addi %mul3A_0, %add3A : i32
    %get3A_16 = arith.constant 32 : index
    %get3A_17 = arith.index_cast %add3A_15 : i32 to index
    %get3A_18 = memref.load %arg2[%get3A_16, %get3A_17] : memref<34x16xi32, #tpu.memory_space<smem>>
    %get3A_19 = arith.index_cast %get3A_18 : i32 to index
    %get3A_20 = arith.constant 0 : index
    %get3A_21 = arith.constant 0 : index
    %get3A_22 = arith.constant 0 : index
    %get3A_23 = vector.load %arg3[%get3A_19, %get3A_20, %get3A_21, %get3A_22] : memref<16x1x1x336xbf16, #tpu.memory_space<vmem>>, vector<1x1x1x336xbf16>
    %get3A_24 = vector.shape_cast %get3A_23 : vector<1x1x1x336xbf16> to vector<336xbf16>
    %broadcast_in_dim3A_25 = vector.shape_cast %get3A_24 : vector<336xbf16> to vector<1x336xbf16>
    %mul3A_26 = vector.broadcast %broadcast_in_dim3A_25 : vector<1x336xbf16> to vector<112x336xbf16>
    %mul3A_27 = arith.mulf %get3A_7, %mul3A_26 : vector<112x336xbf16>
    %dot_general3A = arith.constant dense<0.000000e+00> : vector<112x512xf32>
    %dot_general3A_28 = tpu.matmul %mul3A_27, %get3A_10, %dot_general3A {dimension_numbers = #tpu.dot_dimension_numbers<[1], [0], [0], [1], [0, 0, 1, 1], [], []>, transpose_lhs_hint = false} : vector<112x336xbf16>, vector<336x512xbf16>, vector<112x512xf32> -> vector<112x512xf32>
    %add3A_29 = arith.addf %dot_general3A_28, %concatenate3A : vector<112x512xf32>
    %swap3A = arith.constant 0 : index
    %swap3A_30 = arith.constant 0 : index
    %swap3A_31 = arith.constant 0 : index
    %swap3A_32 = arith.constant 0 : index
    %swap3A_33 = vector.load %arg19[%swap3A, %swap3A_30, %swap3A_31, %swap3A_32] : memref<8x1x112x512xf32, #tpu.memory_space<vmem>>, vector<1x1x112x512xf32>
    %swap3A_34 = vector.shape_cast %swap3A_33 : vector<1x1x112x512xf32> to vector<112x512xf32>
    %swap3A_35 = vector.shape_cast %add3A_29 : vector<112x512xf32> to vector<1x1x112x512xf32>
    tpu.vector_store %arg19[%swap3A, %swap3A_30, %swap3A_31, %swap3A_32], %swap3A_35 {strides = array<i32>} : memref<8x1x112x512xf32, #tpu.memory_space<vmem>>, vector<1x1x112x512xf32>,
    %add3A_36 = arith.constant 1 : i32
    %add3A_37 = arith.addi %mul3A_0, %add3A_36 : i32
    %get3A_38 = arith.constant 32 : index
    %get3A_39 = arith.index_cast %add3A_37 : i32 to index
    %get3A_40 = memref.load %arg2[%get3A_38, %get3A_39] : memref<34x16xi32, #tpu.memory_space<smem>>
    %get3A_41 = arith.index_cast %get3A_40 : i32 to index
    %get3A_42 = arith.constant 0 : index
    %get3A_43 = arith.constant 0 : index
    %get3A_44 = arith.constant 0 : index
    %get3A_45 = vector.load %arg3[%get3A_41, %get3A_42, %get3A_43, %get3A_44] : memref<16x1x1x336xbf16, #tpu.memory_space<vmem>>, vector<1x1x1x336xbf16>
    %get3A_46 = vector.shape_cast %get3A_45 : vector<1x1x1x336xbf16> to vector<336xbf16>
    %broadcast_in_dim3A_47 = vector.shape_cast %get3A_46 : vector<336xbf16> to vector<1x336xbf16>
    %mul3A_48 = vector.broadcast %broadcast_in_dim3A_47 : vector<1x336xbf16> to vector<112x336xbf16>
    %mul3A_49 = arith.mulf %get3A_7, %mul3A_48 : vector<112x336xbf16>
    %dot_general3A_50 = arith.constant dense<0.000000e+00> : vector<112x512xf32>
    %dot_general3A_51 = tpu.matmul %mul3A_49, %get3A_10, %dot_general3A_50 {dimension_numbers = #tpu.dot_dimension_numbers<[1], [0], [0], [1], [0, 0, 1, 1], [], []>, transpose_lhs_hint = false} : vector<112x336xbf16>, vector<336x512xbf16>, vector<112x512xf32> -> vector<112x512xf32>
    %add3A_52 = arith.addf %dot_general3A_51, %concatenate3A : vector<112x512xf32>
    %swap3A_53 = arith.constant 1 : index
    %swap3A_54 = arith.constant 0 : index
    %swap3A_55 = arith.constant 0 : index
    %swap3A_56 = arith.constant 0 : index
    %swap3A_57 = vector.load %arg19[%swap3A_53, %swap3A_54, %swap3A_55, %swap3A_56] : memref<8x1x112x512xf32, #tpu.memory_space<vmem>>, vector<1x1x112x512xf32>
    %swap3A_58 = vector.shape_cast %swap3A_57 : vector<1x1x112x512xf32> to vector<112x512xf32>
    %swap3A_59 = vector.shape_cast %add3A_52 : vector<112x512xf32> to vector<1x1x112x512xf32>
    tpu.vector_store %arg19[%swap3A_53, %swap3A_54, %swap3A_55, %swap3A_56], %swap3A_59 {strides = array<i32>} : memref<8x1x112x512xf32, #tpu.memory_space<vmem>>, vector<1x1x112x512xf32>,
    %add3A_60 = arith.constant 2 : i32
    %add3A_61 = arith.addi %mul3A_0, %add3A_60 : i32
    %get3A_62 = arith.constant 32 : index
    %get3A_63 = arith.index_cast %add3A_61 : i32 to index
    %get3A_64 = memref.load %arg2[%get3A_62, %get3A_63] : memref<34x16xi32, #tpu.memory_space<smem>>
    %get3A_65 = arith.index_cast %get3A_64 : i32 to index
    %get3A_66 = arith.constant 0 : index
    %get3A_67 = arith.constant 0 : index
    %get3A_68 = arith.constant 0 : index
    %get3A_69 = vector.load %arg3[%get3A_65, %get3A_66, %get3A_67, %get3A_68] : memref<16x1x1x336xbf16, #tpu.memory_space<vmem>>, vector<1x1x1x336xbf16>
    %get3A_70 = vector.shape_cast %get3A_69 : vector<1x1x1x336xbf16> to vector<336xbf16>
    %broadcast_in_dim3A_71 = vector.shape_cast %get3A_70 : vector<336xbf16> to vector<1x336xbf16>
    %mul3A_72 = vector.broadcast %broadcast_in_dim3A_71 : vector<1x336xbf16> to vector<112x336xbf16>
    %mul3A_73 = arith.mulf %get3A_7, %mul3A_72 : vector<112x336xbf16>
    %dot_general3A_74 = arith.constant dense<0.000000e+00> : vector<112x512xf32>
    %dot_general3A_75 = tpu.matmul %mul3A_73, %get3A_10, %dot_general3A_74 {dimension_numbers = #tpu.dot_dimension_numbers<[1], [0], [0], [1], [0, 0, 1, 1], [], []>, transpose_lhs_hint = false} : vector<112x336xbf16>, vector<336x512xbf16>, vector<112x512xf32> -> vector<112x512xf32>
    %add3A_76 = arith.addf %dot_general3A_75, %concatenate3A : vector<112x512xf32>
    %swap3A_77 = arith.constant 2 : index
    %swap3A_78 = arith.constant 0 : index
    %swap3A_79 = arith.constant 0 : index
    %swap3A_80 = arith.constant 0 : index
    %swap3A_81 = vector.load %arg19[%swap3A_77, %swap3A_78, %swap3A_79, %swap3A_80] : memref<8x1x112x512xf32, #tpu.memory_space<vmem>>, vector<1x1x112x512xf32>
    %swap3A_82 = vector.shape_cast %swap3A_81 : vector<1x1x112x512xf32> to vector<112x512xf32>
    %swap3A_83 = vector.shape_cast %add3A_76 : vector<112x512xf32> to vector<1x1x112x512xf32>
    tpu.vector_store %arg19[%swap3A_77, %swap3A_78, %swap3A_79, %swap3A_80], %swap3A_83 {strides = array<i32>} : memref<8x1x112x512xf32, #tpu.memory_space<vmem>>, vector<1x1x112x512xf32>,
    %add3A_84 = arith.constant 3 : i32
    %add3A_85 = arith.addi %mul3A_0, %add3A_84 : i32
    %get3A_86 = arith.constant 32 : index
    %get3A_87 = arith.index_cast %add3A_85 : i32 to index
    %get3A_88 = memref.load %arg2[%get3A_86, %get3A_87] : memref<34x16xi32, #tpu.memory_space<smem>>
    %get3A_89 = arith.index_cast %get3A_88 : i32 to index
    %get3A_90 = arith.constant 0 : index
    %get3A_91 = arith.constant 0 : index
    %get3A_92 = arith.constant 0 : index
    %get3A_93 = vector.load %arg3[%get3A_89, %get3A_90, %get3A_91, %get3A_92] : memref<16x1x1x336xbf16, #tpu.memory_space<vmem>>, vector<1x1x1x336xbf16>
    %get3A_94 = vector.shape_cast %get3A_93 : vector<1x1x1x336xbf16> to vector<336xbf16>
    %broadcast_in_dim3A_95 = vector.shape_cast %get3A_94 : vector<336xbf16> to vector<1x336xbf16>
    %mul3A_96 = vector.broadcast %broadcast_in_dim3A_95 : vector<1x336xbf16> to vector<112x336xbf16>
    %mul3A_97 = arith.mulf %get3A_7, %mul3A_96 : vector<112x336xbf16>
    %dot_general3A_98 = arith.constant dense<0.000000e+00> : vector<112x512xf32>
    %dot_general3A_99 = tpu.matmul %mul3A_97, %get3A_10, %dot_general3A_98 {dimension_numbers = #tpu.dot_dimension_numbers<[1], [0], [0], [1], [0, 0, 1, 1], [], []>, transpose_lhs_hint = false} : vector<112x336xbf16>, vector<336x512xbf16>, vector<112x512xf32> -> vector<112x512xf32>
    %add3A_100 = arith.addf %dot_general3A_99, %concatenate3A : vector<112x512xf32>
    %swap3A_101 = arith.constant 3 : index
    %swap3A_102 = arith.constant 0 : index
    %swap3A_103 = arith.constant 0 : index
    %swap3A_104 = arith.constant 0 : index
    %swap3A_105 = vector.load %arg19[%swap3A_101, %swap3A_102, %swap3A_103, %swap3A_104] : memref<8x1x112x512xf32, #tpu.memory_space<vmem>>, vector<1x1x112x512xf32>
    %swap3A_106 = vector.shape_cast %swap3A_105 : vector<1x1x112x512xf32> to vector<112x512xf32>
    %swap3A_107 = vector.shape_cast %add3A_100 : vector<112x512xf32> to vector<1x1x112x512xf32>
    tpu.vector_store %arg19[%swap3A_101, %swap3A_102, %swap3A_103, %swap3A_104], %swap3A_107 {strides = array<i32>} : memref<8x1x112x512xf32, #tpu.memory_space<vmem>>, vector<1x1x112x512xf32>,
    %add3A_108 = arith.constant 4 : i32
    %add3A_109 = arith.addi %mul3A_0, %add3A_108 : i32
    %get3A_110 = arith.constant 32 : index
    %get3A_111 = arith.index_cast %add3A_109 : i32 to index
    %get3A_112 = memref.load %arg2[%get3A_110, %get3A_111] : memref<34x16xi32, #tpu.memory_space<smem>>
    %get3A_113 = arith.index_cast %get3A_112 : i32 to index
    %get3A_114 = arith.constant 0 : index
    %get3A_115 = arith.constant 0 : index
    %get3A_116 = arith.constant 0 : index
    %get3A_117 = vector.load %arg3[%get3A_113, %get3A_114, %get3A_115, %get3A_116] : memref<16x1x1x336xbf16, #tpu.memory_space<vmem>>, vector<1x1x1x336xbf16>
    %get3A_118 = vector.shape_cast %get3A_117 : vector<1x1x1x336xbf16> to vector<336xbf16>
    %broadcast_in_dim3A_119 = vector.shape_cast %get3A_118 : vector<336xbf16> to vector<1x336xbf16>
    %mul3A_120 = vector.broadcast %broadcast_in_dim3A_119 : vector<1x336xbf16> to vector<112x336xbf16>
    %mul3A_121 = arith.mulf %get3A_7, %mul3A_120 : vector<112x336xbf16>
    %dot_general3A_122 = arith.constant dense<0.000000e+00> : vector<112x512xf32>
    %dot_general3A_123 = tpu.matmul %mul3A_121, %get3A_10, %dot_general3A_122 {dimension_numbers = #tpu.dot_dimension_numbers<[1], [0], [0], [1], [0, 0, 1, 1], [], []>, transpose_lhs_hint = false} : vector<112x336xbf16>, vector<336x512xbf16>, vector<112x512xf32> -> vector<112x512xf32>
    %add3A_124 = arith.addf %dot_general3A_123, %concatenate3A : vector<112x512xf32>
    %swap3A_125 = arith.constant 4 : index
    %swap3A_126 = arith.constant 0 : index
    %swap3A_127 = arith.constant 0 : index
    %swap3A_128 = arith.constant 0 : index
    %swap3A_129 = vector.load %arg19[%swap3A_125, %swap3A_126, %swap3A_127, %swap3A_128] : memref<8x1x112x512xf32, #tpu.memory_space<vmem>>, vector<1x1x112x512xf32>
    %swap3A_130 = vector.shape_cast %swap3A_129 : vector<1x1x112x512xf32> to vector<112x512xf32>
    %swap3A_131 = vector.shape_cast %add3A_124 : vector<112x512xf32> to vector<1x1x112x512xf32>
    tpu.vector_store %arg19[%swap3A_125, %swap3A_126, %swap3A_127, %swap3A_128], %swap3A_131 {strides = array<i32>} : memref<8x1x112x512xf32, #tpu.memory_space<vmem>>, vector<1x1x112x512xf32>,
    %add3A_132 = arith.constant 5 : i32
    %add3A_133 = arith.addi %mul3A_0, %add3A_132 : i32
    %get3A_134 = arith.constant 32 : index
    %get3A_135 = arith.index_cast %add3A_133 : i32 to index
    %get3A_136 = memref.load %arg2[%get3A_134, %get3A_135] : memref<34x16xi32, #tpu.memory_space<smem>>
    %get3A_137 = arith.index_cast %get3A_136 : i32 to index
    %get3A_138 = arith.constant 0 : index
    %get3A_139 = arith.constant 0 : index
    %get3A_140 = arith.constant 0 : index
    %get3A_141 = vector.load %arg3[%get3A_137, %get3A_138, %get3A_139, %get3A_140] : memref<16x1x1x336xbf16, #tpu.memory_space<vmem>>, vector<1x1x1x336xbf16>
    %get3A_142 = vector.shape_cast %get3A_141 : vector<1x1x1x336xbf16> to vector<336xbf16>
    %broadcast_in_dim3A_143 = vector.shape_cast %get3A_142 : vector<336xbf16> to vector<1x336xbf16>
    %mul3A_144 = vector.broadcast %broadcast_in_dim3A_143 : vector<1x336xbf16> to vector<112x336xbf16>
    %mul3A_145 = arith.mulf %get3A_7, %mul3A_144 : vector<112x336xbf16>
    %dot_general3A_146 = arith.constant dense<0.000000e+00> : vector<112x512xf32>
    %dot_general3A_147 = tpu.matmul %mul3A_145, %get3A_10, %dot_general3A_146 {dimension_numbers = #tpu.dot_dimension_numbers<[1], [0], [0], [1], [0, 0, 1, 1], [], []>, transpose_lhs_hint = false} : vector<112x336xbf16>, vector<336x512xbf16>, vector<112x512xf32> -> vector<112x512xf32>
    %add3A_148 = arith.addf %dot_general3A_147, %concatenate3A : vector<112x512xf32>
    %swap3A_149 = arith.constant 5 : index
    %swap3A_150 = arith.constant 0 : index
    %swap3A_151 = arith.constant 0 : index
    %swap3A_152 = arith.constant 0 : index
    %swap3A_153 = vector.load %arg19[%swap3A_149, %swap3A_150, %swap3A_151, %swap3A_152] : memref<8x1x112x512xf32, #tpu.memory_space<vmem>>, vector<1x1x112x512xf32>
    %swap3A_154 = vector.shape_cast %swap3A_153 : vector<1x1x112x512xf32> to vector<112x512xf32>
    %swap3A_155 = vector.shape_cast %add3A_148 : vector<112x512xf32> to vector<1x1x112x512xf32>
    tpu.vector_store %arg19[%swap3A_149, %swap3A_150, %swap3A_151, %swap3A_152], %swap3A_155 {strides = array<i32>} : memref<8x1x112x512xf32, #tpu.memory_space<vmem>>, vector<1x1x112x512xf32>,
    %add3A_156 = arith.constant 6 : i32
    %add3A_157 = arith.addi %mul3A_0, %add3A_156 : i32
    %get3A_158 = arith.constant 32 : index
    %get3A_159 = arith.index_cast %add3A_157 : i32 to index
    %get3A_160 = memref.load %arg2[%get3A_158, %get3A_159] : memref<34x16xi32, #tpu.memory_space<smem>>
    %get3A_161 = arith.index_cast %get3A_160 : i32 to index
    %get3A_162 = arith.constant 0 : index
    %get3A_163 = arith.constant 0 : index
    %get3A_164 = arith.constant 0 : index
    %get3A_165 = vector.load %arg3[%get3A_161, %get3A_162, %get3A_163, %get3A_164] : memref<16x1x1x336xbf16, #tpu.memory_space<vmem>>, vector<1x1x1x336xbf16>
    %get3A_166 = vector.shape_cast %get3A_165 : vector<1x1x1x336xbf16> to vector<336xbf16>
    %broadcast_in_dim3A_167 = vector.shape_cast %get3A_166 : vector<336xbf16> to vector<1x336xbf16>
    %mul3A_168 = vector.broadcast %broadcast_in_dim3A_167 : vector<1x336xbf16> to vector<112x336xbf16>
    %mul3A_169 = arith.mulf %get3A_7, %mul3A_168 : vector<112x336xbf16>
    %dot_general3A_170 = arith.constant dense<0.000000e+00> : vector<112x512xf32>
    %dot_general3A_171 = tpu.matmul %mul3A_169, %get3A_10, %dot_general3A_170 {dimension_numbers = #tpu.dot_dimension_numbers<[1], [0], [0], [1], [0, 0, 1, 1], [], []>, transpose_lhs_hint = false} : vector<112x336xbf16>, vector<336x512xbf16>, vector<112x512xf32> -> vector<112x512xf32>
    %add3A_172 = arith.addf %dot_general3A_171, %concatenate3A : vector<112x512xf32>
    %swap3A_173 = arith.constant 6 : index
    %swap3A_174 = arith.constant 0 : index
    %swap3A_175 = arith.constant 0 : index
    %swap3A_176 = arith.constant 0 : index
    %swap3A_177 = vector.load %arg19[%swap3A_173, %swap3A_174, %swap3A_175, %swap3A_176] : memref<8x1x112x512xf32, #tpu.memory_space<vmem>>, vector<1x1x112x512xf32>
    %swap3A_178 = vector.shape_cast %swap3A_177 : vector<1x1x112x512xf32> to vector<112x512xf32>
    %swap3A_179 = vector.shape_cast %add3A_172 : vector<112x512xf32> to vector<1x1x112x512xf32>
    tpu.vector_store %arg19[%swap3A_173, %swap3A_174, %swap3A_175, %swap3A_176], %swap3A_179 {strides = array<i32>} : memref<8x1x112x512xf32, #tpu.memory_space<vmem>>, vector<1x1x112x512xf32>,
    %add3A_180 = arith.constant 7 : i32
    %add3A_181 = arith.addi %mul3A_0, %add3A_180 : i32
    %get3A_182 = arith.constant 32 : index
    %get3A_183 = arith.index_cast %add3A_181 : i32 to index
    %get3A_184 = memref.load %arg2[%get3A_182, %get3A_183] : memref<34x16xi32, #tpu.memory_space<smem>>
    %get3A_185 = arith.index_cast %get3A_184 : i32 to index
    %get3A_186 = arith.constant 0 : index
    %get3A_187 = arith.constant 0 : index
    %get3A_188 = arith.constant 0 : index
    %get3A_189 = vector.load %arg3[%get3A_185, %get3A_186, %get3A_187, %get3A_188] : memref<16x1x1x336xbf16, #tpu.memory_space<vmem>>, vector<1x1x1x336xbf16>
    %get3A_190 = vector.shape_cast %get3A_189 : vector<1x1x1x336xbf16> to vector<336xbf16>
    %broadcast_in_dim3A_191 = vector.shape_cast %get3A_190 : vector<336xbf16> to vector<1x336xbf16>
    %mul3A_192 = vector.broadcast %broadcast_in_dim3A_191 : vector<1x336xbf16> to vector<112x336xbf16>
    %mul3A_193 = arith.mulf %get3A_7, %mul3A_192 : vector<112x336xbf16>
    %dot_general3A_194 = arith.constant dense<0.000000e+00> : vector<112x512xf32>
    %dot_general3A_195 = tpu.matmul %mul3A_193, %get3A_10, %dot_general3A_194 {dimension_numbers = #tpu.dot_dimension_numbers<[1], [0], [0], [1], [0, 0, 1, 1], [], []>, transpose_lhs_hint = false} : vector<112x336xbf16>, vector<336x512xbf16>, vector<112x512xf32> -> vector<112x512xf32>
    %add3A_196 = arith.addf %dot_general3A_195, %concatenate3A : vector<112x512xf32>
    %swap3A_197 = arith.constant 7 : index
    %swap3A_198 = arith.constant 0 : index
    %swap3A_199 = arith.constant 0 : index
    %swap3A_200 = arith.constant 0 : index
    %swap3A_201 = vector.load %arg19[%swap3A_197, %swap3A_198, %swap3A_199, %swap3A_200] : memref<8x1x112x512xf32, #tpu.memory_space<vmem>>, vector<1x1x112x512xf32>
    %swap3A_202 = vector.shape_cast %swap3A_201 : vector<1x1x112x512xf32> to vector<112x512xf32>
    %swap3A_203 = vector.shape_cast %add3A_196 : vector<112x512xf32> to vector<1x1x112x512xf32>
    tpu.vector_store %arg19[%swap3A_197, %swap3A_198, %swap3A_199, %swap3A_200], %swap3A_203 {strides = array<i32>} : memref<8x1x112x512xf32, #tpu.memory_space<vmem>>, vector<1x1x112x512xf32>,
    %get3A_204 = arith.constant 112 : index
    %get3A_205 = arith.constant 0 : index
    %get3A_206 = vector.load %arg16[%get3A_204, %get3A_205] : memref<280x402xbf16, #tpu.memory_space<vmem>>, vector<168x336xbf16>
    %get3A_207 = arith.constant 336 : index
    %get3A_208 = arith.constant 0 : index
    %get3A_209 = vector.load %arg15[%get3A_207, %get3A_208] : memref<672x512xbf16, #tpu.memory_space<vmem>>, vector<336x512xbf16>
    %broadcast_in_dim3A_210 = vector.shape_cast %get3A_4 : vector<1x256xf32> to vector<1x256xf32>
    %broadcast_in_dim3A_211 = vector.broadcast %broadcast_in_dim3A_210 : vector<1x256xf32> to vector<168x256xf32>
    %get3A_212 = arith.constant 112 : index
    %get3A_213 = arith.constant 0 : index
    %get3A_214 = vector.load %arg18[%get3A_212, %get3A_213] : memref<280x256xf32, #tpu.memory_space<vmem>>, vector<168x256xf32>
    %concatenate3A_215 = tpu.concatenate %broadcast_in_dim3A_211, %get3A_214 in 1 : vector<168x256xf32>, vector<168x256xf32> -> vector<168x512xf32>
    %add3A_216 = arith.constant 0 : i32
    %add3A_217 = arith.addi %mul3A_0, %add3A_216 : i32
    %get3A_218 = arith.constant 33 : index
    %get3A_219 = arith.index_cast %add3A_217 : i32 to index
    %get3A_220 = memref.load %arg2[%get3A_218, %get3A_219] : memref<34x16xi32, #tpu.memory_space<smem>>
    %get3A_221 = arith.index_cast %get3A_220 : i32 to index
    %get3A_222 = arith.constant 0 : index
    %get3A_223 = arith.constant 0 : index
    %get3A_224 = arith.constant 0 : index
    %get3A_225 = vector.load %arg3[%get3A_221, %get3A_222, %get3A_223, %get3A_224] : memref<16x1x1x336xbf16, #tpu.memory_space<vmem>>, vector<1x1x1x336xbf16>
    %get3A_226 = vector.shape_cast %get3A_225 : vector<1x1x1x336xbf16> to vector<336xbf16>
    %broadcast_in_dim3A_227 = vector.shape_cast %get3A_226 : vector<336xbf16> to vector<1x336xbf16>
    %mul3A_228 = vector.broadcast %broadcast_in_dim3A_227 : vector<1x336xbf16> to vector<168x336xbf16>
    %mul3A_229 = arith.mulf %get3A_206, %mul3A_228 : vector<168x336xbf16>
    %dot_general3A_230 = arith.constant dense<0.000000e+00> : vector<168x512xf32>
    %dot_general3A_231 = tpu.matmul %mul3A_229, %get3A_209, %dot_general3A_230 {dimension_numbers = #tpu.dot_dimension_numbers<[1], [0], [0], [1], [0, 0, 1, 1], [], []>, transpose_lhs_hint = false} : vector<168x336xbf16>, vector<336x512xbf16>, vector<168x512xf32> -> vector<168x512xf32>
    %add3A_232 = arith.addf %dot_general3A_231, %concatenate3A_215 : vector<168x512xf32>
    %swap3A_233 = arith.constant 0 : index
    %swap3A_234 = arith.constant 0 : index
    %swap3A_235 = arith.constant 0 : index
    %swap3A_236 = arith.constant 0 : index
    %swap3A_237 = vector.load %arg20[%swap3A_233, %swap3A_234, %swap3A_235, %swap3A_236] : memref<8x1x168x512xf32, #tpu.memory_space<vmem>>, vector<1x1x168x512xf32>
    %swap3A_238 = vector.shape_cast %swap3A_237 : vector<1x1x168x512xf32> to vector<168x512xf32>
    %swap3A_239 = vector.shape_cast %add3A_232 : vector<168x512xf32> to vector<1x1x168x512xf32>
    tpu.vector_store %arg20[%swap3A_233, %swap3A_234, %swap3A_235, %swap3A_236], %swap3A_239 {strides = array<i32>} : memref<8x1x168x512xf32, #tpu.memory_space<vmem>>, vector<1x1x168x512xf32>,
    %add3A_240 = arith.constant 1 : i32
    %add3A_241 = arith.addi %mul3A_0, %add3A_240 : i32
    %get3A_242 = arith.constant 33 : index
    %get3A_243 = arith.index_cast %add3A_241 : i32 to index
    %get3A_244 = memref.load %arg2[%get3A_242, %get3A_243] : memref<34x16xi32, #tpu.memory_space<smem>>
    %get3A_245 = arith.index_cast %get3A_244 : i32 to index
    %get3A_246 = arith.constant 0 : index
    %get3A_247 = arith.constant 0 : index
    %get3A_248 = arith.constant 0 : index
    %get3A_249 = vector.load %arg3[%get3A_245, %get3A_246, %get3A_247, %get3A_248] : memref<16x1x1x336xbf16, #tpu.memory_space<vmem>>, vector<1x1x1x336xbf16>
    %get3A_250 = vector.shape_cast %get3A_249 : vector<1x1x1x336xbf16> to vector<336xbf16>
    %broadcast_in_dim3A_251 = vector.shape_cast %get3A_250 : vector<336xbf16> to vector<1x336xbf16>
    %mul3A_252 = vector.broadcast %broadcast_in_dim3A_251 : vector<1x336xbf16> to vector<168x336xbf16>
    %mul3A_253 = arith.mulf %get3A_206, %mul3A_252 : vector<168x336xbf16>
    %dot_general3A_254 = arith.constant dense<0.000000e+00> : vector<168x512xf32>
    %dot_general3A_255 = tpu.matmul %mul3A_253, %get3A_209, %dot_general3A_254 {dimension_numbers = #tpu.dot_dimension_numbers<[1], [0], [0], [1], [0, 0, 1, 1], [], []>, transpose_lhs_hint = false} : vector<168x336xbf16>, vector<336x512xbf16>, vector<168x512xf32> -> vector<168x512xf32>
    %add3A_256 = arith.addf %dot_general3A_255, %concatenate3A_215 : vector<168x512xf32>
    %swap3A_257 = arith.constant 1 : index
    %swap3A_258 = arith.constant 0 : index
    %swap3A_259 = arith.constant 0 : index
    %swap3A_260 = arith.constant 0 : index
    %swap3A_261 = vector.load %arg20[%swap3A_257, %swap3A_258, %swap3A_259, %swap3A_260] : memref<8x1x168x512xf32, #tpu.memory_space<vmem>>, vector<1x1x168x512xf32>
    %swap3A_262 = vector.shape_cast %swap3A_261 : vector<1x1x168x512xf32> to vector<168x512xf32>
    %swap3A_263 = vector.shape_cast %add3A_256 : vector<168x512xf32> to vector<1x1x168x512xf32>
    tpu.vector_store %arg20[%swap3A_257, %swap3A_258, %swap3A_259, %swap3A_260], %swap3A_263 {strides = array<i32>} : memref<8x1x168x512xf32, #tpu.memory_space<vmem>>, vector<1x1x168x512xf32>,
    %add3A_264 = arith.constant 2 : i32
    %add3A_265 = arith.addi %mul3A_0, %add3A_264 : i32
    %get3A_266 = arith.constant 33 : index
    %get3A_267 = arith.index_cast %add3A_265 : i32 to index
    %get3A_268 = memref.load %arg2[%get3A_266, %get3A_267] : memref<34x16xi32, #tpu.memory_space<smem>>
    %get3A_269 = arith.index_cast %get3A_268 : i32 to index
    %get3A_270 = arith.constant 0 : index
    %get3A_271 = arith.constant 0 : index
    %get3A_272 = arith.constant 0 : index
    %get3A_273 = vector.load %arg3[%get3A_269, %get3A_270, %get3A_271, %get3A_272] : memref<16x1x1x336xbf16, #tpu.memory_space<vmem>>, vector<1x1x1x336xbf16>
    %get3A_274 = vector.shape_cast %get3A_273 : vector<1x1x1x336xbf16> to vector<336xbf16>
    %broadcast_in_dim3A_275 = vector.shape_cast %get3A_274 : vector<336xbf16> to vector<1x336xbf16>
    %mul3A_276 = vector.broadcast %broadcast_in_dim3A_275 : vector<1x336xbf16> to vector<168x336xbf16>
    %mul3A_277 = arith.mulf %get3A_206, %mul3A_276 : vector<168x336xbf16>
    %dot_general3A_278 = arith.constant dense<0.000000e+00> : vector<168x512xf32>
    %dot_general3A_279 = tpu.matmul %mul3A_277, %get3A_209, %dot_general3A_278 {dimension_numbers = #tpu.dot_dimension_numbers<[1], [0], [0], [1], [0, 0, 1, 1], [], []>, transpose_lhs_hint = false} : vector<168x336xbf16>, vector<336x512xbf16>, vector<168x512xf32> -> vector<168x512xf32>
    %add3A_280 = arith.addf %dot_general3A_279, %concatenate3A_215 : vector<168x512xf32>
    %swap3A_281 = arith.constant 2 : index
    %swap3A_282 = arith.constant 0 : index
    %swap3A_283 = arith.constant 0 : index
    %swap3A_284 = arith.constant 0 : index
    %swap3A_285 = vector.load %arg20[%swap3A_281, %swap3A_282, %swap3A_283, %swap3A_284] : memref<8x1x168x512xf32, #tpu.memory_space<vmem>>, vector<1x1x168x512xf32>
    %swap3A_286 = vector.shape_cast %swap3A_285 : vector<1x1x168x512xf32> to vector<168x512xf32>
    %swap3A_287 = vector.shape_cast %add3A_280 : vector<168x512xf32> to vector<1x1x168x512xf32>
    tpu.vector_store %arg20[%swap3A_281, %swap3A_282, %swap3A_283, %swap3A_284], %swap3A_287 {strides = array<i32>} : memref<8x1x168x512xf32, #tpu.memory_space<vmem>>, vector<1x1x168x512xf32>,
    %add3A_288 = arith.constant 3 : i32
    %add3A_289 = arith.addi %mul3A_0, %add3A_288 : i32
    %get3A_290 = arith.constant 33 : index
    %get3A_291 = arith.index_cast %add3A_289 : i32 to index
    %get3A_292 = memref.load %arg2[%get3A_290, %get3A_291] : memref<34x16xi32, #tpu.memory_space<smem>>
    %get3A_293 = arith.index_cast %get3A_292 : i32 to index
    %get3A_294 = arith.constant 0 : index
    %get3A_295 = arith.constant 0 : index
    %get3A_296 = arith.constant 0 : index
    %get3A_297 = vector.load %arg3[%get3A_293, %get3A_294, %get3A_295, %get3A_296] : memref<16x1x1x336xbf16, #tpu.memory_space<vmem>>, vector<1x1x1x336xbf16>
    %get3A_298 = vector.shape_cast %get3A_297 : vector<1x1x1x336xbf16> to vector<336xbf16>
    %broadcast_in_dim3A_299 = vector.shape_cast %get3A_298 : vector<336xbf16> to vector<1x336xbf16>
    %mul3A_300 = vector.broadcast %broadcast_in_dim3A_299 : vector<1x336xbf16> to vector<168x336xbf16>
    %mul3A_301 = arith.mulf %get3A_206, %mul3A_300 : vector<168x336xbf16>
    %dot_general3A_302 = arith.constant dense<0.000000e+00> : vector<168x512xf32>
    %dot_general3A_303 = tpu.matmul %mul3A_301, %get3A_209, %dot_general3A_302 {dimension_numbers = #tpu.dot_dimension_numbers<[1], [0], [0], [1], [0, 0, 1, 1], [], []>, transpose_lhs_hint = false} : vector<168x336xbf16>, vector<336x512xbf16>, vector<168x512xf32> -> vector<168x512xf32>
    %add3A_304 = arith.addf %dot_general3A_303, %concatenate3A_215 : vector<168x512xf32>
    %swap3A_305 = arith.constant 3 : index
    %swap3A_306 = arith.constant 0 : index
    %swap3A_307 = arith.constant 0 : index
    %swap3A_308 = arith.constant 0 : index
    %swap3A_309 = vector.load %arg20[%swap3A_305, %swap3A_306, %swap3A_307, %swap3A_308] : memref<8x1x168x512xf32, #tpu.memory_space<vmem>>, vector<1x1x168x512xf32>
    %swap3A_310 = vector.shape_cast %swap3A_309 : vector<1x1x168x512xf32> to vector<168x512xf32>
    %swap3A_311 = vector.shape_cast %add3A_304 : vector<168x512xf32> to vector<1x1x168x512xf32>
    tpu.vector_store %arg20[%swap3A_305, %swap3A_306, %swap3A_307, %swap3A_308], %swap3A_311 {strides = array<i32>} : memref<8x1x168x512xf32, #tpu.memory_space<vmem>>, vector<1x1x168x512xf32>,
    %add3A_312 = arith.constant 4 : i32
    %add3A_313 = arith.addi %mul3A_0, %add3A_312 : i32
    %get3A_314 = arith.constant 33 : index
    %get3A_315 = arith.index_cast %add3A_313 : i32 to index
    %get3A_316 = memref.load %arg2[%get3A_314, %get3A_315] : memref<34x16xi32, #tpu.memory_space<smem>>
    %get3A_317 = arith.index_cast %get3A_316 : i32 to index
    %get3A_318 = arith.constant 0 : index
    %get3A_319 = arith.constant 0 : index
    %get3A_320 = arith.constant 0 : index
    %get3A_321 = vector.load %arg3[%get3A_317, %get3A_318, %get3A_319, %get3A_320] : memref<16x1x1x336xbf16, #tpu.memory_space<vmem>>, vector<1x1x1x336xbf16>
    %get3A_322 = vector.shape_cast %get3A_321 : vector<1x1x1x336xbf16> to vector<336xbf16>
    %broadcast_in_dim3A_323 = vector.shape_cast %get3A_322 : vector<336xbf16> to vector<1x336xbf16>
    %mul3A_324 = vector.broadcast %broadcast_in_dim3A_323 : vector<1x336xbf16> to vector<168x336xbf16>
    %mul3A_325 = arith.mulf %get3A_206, %mul3A_324 : vector<168x336xbf16>
    %dot_general3A_326 = arith.constant dense<0.000000e+00> : vector<168x512xf32>
    %dot_general3A_327 = tpu.matmul %mul3A_325, %get3A_209, %dot_general3A_326 {dimension_numbers = #tpu.dot_dimension_numbers<[1], [0], [0], [1], [0, 0, 1, 1], [], []>, transpose_lhs_hint = false} : vector<168x336xbf16>, vector<336x512xbf16>, vector<168x512xf32> -> vector<168x512xf32>
    %add3A_328 = arith.addf %dot_general3A_327, %concatenate3A_215 : vector<168x512xf32>
    %swap3A_329 = arith.constant 4 : index
    %swap3A_330 = arith.constant 0 : index
    %swap3A_331 = arith.constant 0 : index
    %swap3A_332 = arith.constant 0 : index
    %swap3A_333 = vector.load %arg20[%swap3A_329, %swap3A_330, %swap3A_331, %swap3A_332] : memref<8x1x168x512xf32, #tpu.memory_space<vmem>>, vector<1x1x168x512xf32>
    %swap3A_334 = vector.shape_cast %swap3A_333 : vector<1x1x168x512xf32> to vector<168x512xf32>
    %swap3A_335 = vector.shape_cast %add3A_328 : vector<168x512xf32> to vector<1x1x168x512xf32>
    tpu.vector_store %arg20[%swap3A_329, %swap3A_330, %swap3A_331, %swap3A_332], %swap3A_335 {strides = array<i32>} : memref<8x1x168x512xf32, #tpu.memory_space<vmem>>, vector<1x1x168x512xf32>,
    %add3A_336 = arith.constant 5 : i32
    %add3A_337 = arith.addi %mul3A_0, %add3A_336 : i32
    %get3A_338 = arith.constant 33 : index
    %get3A_339 = arith.index_cast %add3A_337 : i32 to index
    %get3A_340 = memref.load %arg2[%get3A_338, %get3A_339] : memref<34x16xi32, #tpu.memory_space<smem>>
    %get3A_341 = arith.index_cast %get3A_340 : i32 to index
    %get3A_342 = arith.constant 0 : index
    %get3A_343 = arith.constant 0 : index
    %get3A_344 = arith.constant 0 : index
    %get3A_345 = vector.load %arg3[%get3A_341, %get3A_342, %get3A_343, %get3A_344] : memref<16x1x1x336xbf16, #tpu.memory_space<vmem>>, vector<1x1x1x336xbf16>
    %get3A_346 = vector.shape_cast %get3A_345 : vector<1x1x1x336xbf16> to vector<336xbf16>
    %broadcast_in_dim3A_347 = vector.shape_cast %get3A_346 : vector<336xbf16> to vector<1x336xbf16>
    %mul3A_348 = vector.broadcast %broadcast_in_dim3A_347 : vector<1x336xbf16> to vector<168x336xbf16>
    %mul3A_349 = arith.mulf %get3A_206, %mul3A_348 : vector<168x336xbf16>
    %dot_general3A_350 = arith.constant dense<0.000000e+00> : vector<168x512xf32>
    %dot_general3A_351 = tpu.matmul %mul3A_349, %get3A_209, %dot_general3A_350 {dimension_numbers = #tpu.dot_dimension_numbers<[1], [0], [0], [1], [0, 0, 1, 1], [], []>, transpose_lhs_hint = false} : vector<168x336xbf16>, vector<336x512xbf16>, vector<168x512xf32> -> vector<168x512xf32>
    %add3A_352 = arith.addf %dot_general3A_351, %concatenate3A_215 : vector<168x512xf32>
    %swap3A_353 = arith.constant 5 : index
    %swap3A_354 = arith.constant 0 : index
    %swap3A_355 = arith.constant 0 : index
    %swap3A_356 = arith.constant 0 : index
    %swap3A_357 = vector.load %arg20[%swap3A_353, %swap3A_354, %swap3A_355, %swap3A_356] : memref<8x1x168x512xf32, #tpu.memory_space<vmem>>, vector<1x1x168x512xf32>
    %swap3A_358 = vector.shape_cast %swap3A_357 : vector<1x1x168x512xf32> to vector<168x512xf32>
    %swap3A_359 = vector.shape_cast %add3A_352 : vector<168x512xf32> to vector<1x1x168x512xf32>
    tpu.vector_store %arg20[%swap3A_353, %swap3A_354, %swap3A_355, %swap3A_356], %swap3A_359 {strides = array<i32>} : memref<8x1x168x512xf32, #tpu.memory_space<vmem>>, vector<1x1x168x512xf32>,
    %add3A_360 = arith.constant 6 : i32
    %add3A_361 = arith.addi %mul3A_0, %add3A_360 : i32
    %get3A_362 = arith.constant 33 : index
    %get3A_363 = arith.index_cast %add3A_361 : i32 to index
    %get3A_364 = memref.load %arg2[%get3A_362, %get3A_363] : memref<34x16xi32, #tpu.memory_space<smem>>
    %get3A_365 = arith.index_cast %get3A_364 : i32 to index
    %get3A_366 = arith.constant 0 : index
    %get3A_367 = arith.constant 0 : index
    %get3A_368 = arith.constant 0 : index
    %get3A_369 = vector.load %arg3[%get3A_365, %get3A_366, %get3A_367, %get3A_368] : memref<16x1x1x336xbf16, #tpu.memory_space<vmem>>, vector<1x1x1x336xbf16>
    %get3A_370 = vector.shape_cast %get3A_369 : vector<1x1x1x336xbf16> to vector<336xbf16>
    %broadcast_in_dim3A_371 = vector.shape_cast %get3A_370 : vector<336xbf16> to vector<1x336xbf16>
    %mul3A_372 = vector.broadcast %broadcast_in_dim3A_371 : vector<1x336xbf16> to vector<168x336xbf16>
    %mul3A_373 = arith.mulf %get3A_206, %mul3A_372 : vector<168x336xbf16>
    %dot_general3A_374 = arith.constant dense<0.000000e+00> : vector<168x512xf32>
    %dot_general3A_375 = tpu.matmul %mul3A_373, %get3A_209, %dot_general3A_374 {dimension_numbers = #tpu.dot_dimension_numbers<[1], [0], [0], [1], [0, 0, 1, 1], [], []>, transpose_lhs_hint = false} : vector<168x336xbf16>, vector<336x512xbf16>, vector<168x512xf32> -> vector<168x512xf32>
    %add3A_376 = arith.addf %dot_general3A_375, %concatenate3A_215 : vector<168x512xf32>
    %swap3A_377 = arith.constant 6 : index
    %swap3A_378 = arith.constant 0 : index
    %swap3A_379 = arith.constant 0 : index
    %swap3A_380 = arith.constant 0 : index
    %swap3A_381 = vector.load %arg20[%swap3A_377, %swap3A_378, %swap3A_379, %swap3A_380] : memref<8x1x168x512xf32, #tpu.memory_space<vmem>>, vector<1x1x168x512xf32>
    %swap3A_382 = vector.shape_cast %swap3A_381 : vector<1x1x168x512xf32> to vector<168x512xf32>
    %swap3A_383 = vector.shape_cast %add3A_376 : vector<168x512xf32> to vector<1x1x168x512xf32>
    tpu.vector_store %arg20[%swap3A_377, %swap3A_378, %swap3A_379, %swap3A_380], %swap3A_383 {strides = array<i32>} : memref<8x1x168x512xf32, #tpu.memory_space<vmem>>, vector<1x1x168x512xf32>,
    %add3A_384 = arith.constant 7 : i32
    %add3A_385 = arith.addi %mul3A_0, %add3A_384 : i32
    %get3A_386 = arith.constant 33 : index
    %get3A_387 = arith.index_cast %add3A_385 : i32 to index
    %get3A_388 = memref.load %arg2[%get3A_386, %get3A_387] : memref<34x16xi32, #tpu.memory_space<smem>>
    %get3A_389 = arith.index_cast %get3A_388 : i32 to index
    %get3A_390 = arith.constant 0 : index
    %get3A_391 = arith.constant 0 : index
    %get3A_392 = arith.constant 0 : index
    %get3A_393 = vector.load %arg3[%get3A_389, %get3A_390, %get3A_391, %get3A_392] : memref<16x1x1x336xbf16, #tpu.memory_space<vmem>>, vector<1x1x1x336xbf16>
    %get3A_394 = vector.shape_cast %get3A_393 : vector<1x1x1x336xbf16> to vector<336xbf16>
    %broadcast_in_dim3A_395 = vector.shape_cast %get3A_394 : vector<336xbf16> to vector<1x336xbf16>
    %mul3A_396 = vector.broadcast %broadcast_in_dim3A_395 : vector<1x336xbf16> to vector<168x336xbf16>
    %mul3A_397 = arith.mulf %get3A_206, %mul3A_396 : vector<168x336xbf16>
    %dot_general3A_398 = arith.constant dense<0.000000e+00> : vector<168x512xf32>
    %dot_general3A_399 = tpu.matmul %mul3A_397, %get3A_209, %dot_general3A_398 {dimension_numbers = #tpu.dot_dimension_numbers<[1], [0], [0], [1], [0, 0, 1, 1], [], []>, transpose_lhs_hint = false} : vector<168x336xbf16>, vector<336x512xbf16>, vector<168x512xf32> -> vector<168x512xf32>
    %add3A_400 = arith.addf %dot_general3A_399, %concatenate3A_215 : vector<168x512xf32>
    %swap3A_401 = arith.constant 7 : index
    %swap3A_402 = arith.constant 0 : index
    %swap3A_403 = arith.constant 0 : index
    %swap3A_404 = arith.constant 0 : index
    %swap3A_405 = vector.load %arg20[%swap3A_401, %swap3A_402, %swap3A_403, %swap3A_404] : memref<8x1x168x512xf32, #tpu.memory_space<vmem>>, vector<1x1x168x512xf32>
    %swap3A_406 = vector.shape_cast %swap3A_405 : vector<1x1x168x512xf32> to vector<168x512xf32>
    %swap3A_407 = vector.shape_cast %add3A_400 : vector<168x512xf32> to vector<1x1x168x512xf32>
    tpu.vector_store %arg20[%swap3A_401, %swap3A_402, %swap3A_403, %swap3A_404], %swap3A_407 {strides = array<i32>} : memref<8x1x168x512xf32, #tpu.memory_space<vmem>>, vector<1x1x168x512xf32>,
    return
  }
  func.func @transform_0(%arg0: i32, %arg1: i32, %arg2: memref<34x16xi32, #tpu.memory_space<smem>>) -> (i32, i32, i32, i32) {
    %c0_i32 = arith.constant 0 : i32
    %c0_i32_0 = arith.constant 0 : i32
    %c0_i32_1 = arith.constant 0 : i32
    %c0_i32_2 = arith.constant 0 : i32
    return %c0_i32, %arg0, %c0_i32_0, %c0_i32_1 : i32, i32, i32, i32
  }
  func.func @transform_1(%arg0: i32, %arg1: i32, %arg2: memref<34x16xi32, #tpu.memory_space<smem>>) -> (i32, i32, i32, i32) {
    %c0_i32 = arith.constant 0 : i32
    %c0_i32_0 = arith.constant 0 : i32
    %c0_i32_1 = arith.constant 0 : i32
    %c0_i32_2 = arith.constant 0 : i32
    return %c0_i32, %arg0, %c0_i32_0, %c0_i32_1 : i32, i32, i32, i32
  }
  func.func @transform_2(%arg0: i32, %arg1: i32, %arg2: memref<34x16xi32, #tpu.memory_space<smem>>) -> (i32, i32, i32, i32) {
    %c0_i32 = arith.constant 0 : i32
    %c0_i32_0 = arith.constant 0 : i32
    %c0_i32_1 = arith.constant 0 : i32
    %c0_i32_2 = arith.constant 0 : i32
    return %c0_i32, %arg0, %c0_i32_0, %c0_i32_1 : i32, i32, i32, i32
  }
  func.func @transform_3(%arg0: i32, %arg1: i32, %arg2: memref<34x16xi32, #tpu.memory_space<smem>>) -> (i32, i32, i32, i32) {
    %c0_i32 = arith.constant 0 : i32
    %c0_i32_0 = arith.constant 0 : i32
    %c0_i32_1 = arith.constant 0 : i32
    %c0_i32_2 = arith.constant 0 : i32
    return %c0_i32, %arg0, %c0_i32_0, %c0_i32_1 : i32, i32, i32, i32
  }
  func.func @transform_4(%arg0: i32, %arg1: i32, %arg2: memref<34x16xi32, #tpu.memory_space<smem>>) -> (i32, i32, i32, i32) {
    %c0_i32 = arith.constant 0 : i32
    %c0_i32_0 = arith.constant 0 : i32
    %c0_i32_1 = arith.constant 0 : i32
    %c0_i32_2 = arith.constant 0 : i32
    return %c0_i32, %arg0, %c0_i32_0, %c0_i32_1 : i32, i32, i32, i32
  }
  func.func @transform_5(%arg0: i32, %arg1: i32, %arg2: memref<34x16xi32, #tpu.memory_space<smem>>) -> (i32, i32, i32, i32) {
    %c0_i32 = arith.constant 0 : i32
    %c0_i32_0 = arith.constant 0 : i32
    %c0_i32_1 = arith.constant 0 : i32
    %c0_i32_2 = arith.constant 0 : i32
    return %c0_i32, %arg0, %c0_i32_0, %c0_i32_1 : i32, i32, i32, i32
  }
  func.func @transform_6(%arg0: i32, %arg1: i32, %arg2: memref<34x16xi32, #tpu.memory_space<smem>>) -> (i32, i32, i32, i32) {
    %c0_i32 = arith.constant 0 : i32
    %c0_i32_0 = arith.constant 0 : i32
    %c0_i32_1 = arith.constant 0 : i32
    %c0_i32_2 = arith.constant 0 : i32
    return %c0_i32, %arg0, %c0_i32_0, %c0_i32_1 : i32, i32, i32, i32
  }
  func.func @transform_7(%arg0: i32, %arg1: i32, %arg2: memref<34x16xi32, #tpu.memory_space<smem>>) -> (i32, i32, i32, i32) {
    %c0_i32 = arith.constant 0 : i32
    %c0_i32_0 = arith.constant 0 : i32
    %c0_i32_1 = arith.constant 0 : i32
    %c0_i32_2 = arith.constant 0 : i32
    return %c0_i32, %arg0, %c0_i32_0, %c0_i32_1 : i32, i32, i32, i32
  }
  func.func @transform_8(%arg0: i32, %arg1: i32, %arg2: memref<34x16xi32, #tpu.memory_space<smem>>) -> (i32, i32, i32, i32) {
    %c0_i32 = arith.constant 0 : i32
    %c0_i32_0 = arith.constant 0 : i32
    %c0_i32_1 = arith.constant 0 : i32
    %c0_i32_2 = arith.constant 0 : i32
    return %c0_i32, %arg0, %c0_i32_0, %c0_i32_1 : i32, i32, i32, i32
  }
  func.func @transform_9(%arg0: i32, %arg1: i32, %arg2: memref<34x16xi32, #tpu.memory_space<smem>>) -> (i32, i32, i32, i32) {
    %c0_i32 = arith.constant 0 : i32
    %c0_i32_0 = arith.constant 0 : i32
    %c0_i32_1 = arith.constant 0 : i32
    %c0_i32_2 = arith.constant 0 : i32
    return %c0_i32, %arg0, %c0_i32_0, %c0_i32_1 : i32, i32, i32, i32
  }
  func.func @transform_10(%arg0: i32, %arg1: i32, %arg2: memref<34x16xi32, #tpu.memory_space<smem>>) -> (i32, i32, i32, i32) {
    %c0_i32 = arith.constant 0 : i32
    %c0_i32_0 = arith.constant 0 : i32
    %c0_i32_1 = arith.constant 0 : i32
    %c0_i32_2 = arith.constant 0 : i32
    return %c0_i32, %arg0, %c0_i32_0, %c0_i32_1 : i32, i32, i32, i32
  }
  func.func @transform_11(%arg0: i32, %arg1: i32, %arg2: memref<34x16xi32, #tpu.memory_space<smem>>) -> (i32, i32, i32, i32) {
    %c0_i32 = arith.constant 0 : i32
    %c0_i32_0 = arith.constant 0 : i32
    %c0_i32_1 = arith.constant 0 : i32
    %c0_i32_2 = arith.constant 0 : i32
    return %c0_i32, %arg0, %c0_i32_0, %c0_i32_1 : i32, i32, i32, i32
  }
  func.func @transform_12(%arg0: i32, %arg1: i32, %arg2: memref<34x16xi32, #tpu.memory_space<smem>>) -> (i32, i32) {
    %c0_i32 = arith.constant 0 : i32
    %c0_i32_0 = arith.constant 0 : i32
    %c0_i32_1 = arith.constant 0 : i32
    return %c0_i32, %c0_i32_0 : i32, i32
  }
  func.func @transform_13(%arg0: i32, %arg1: i32, %arg2: memref<34x16xi32, #tpu.memory_space<smem>>) -> (i32, i32) {
    %c0_i32 = arith.constant 0 : i32
    %c0_i32_0 = arith.constant 0 : i32
    %c0_i32_1 = arith.constant 0 : i32
    return %c0_i32, %c0_i32_0 : i32, i32
  }
  func.func @transform_14(%arg0: i32, %arg1: i32, %arg2: memref<34x16xi32, #tpu.memory_space<smem>>) -> (i32, i32, i32) {
    %c0_i32 = arith.constant 0 : i32
    %c0_i32_0 = arith.constant 0 : i32
    %c0_i32_1 = arith.constant 0 : i32
    return %arg0, %c0_i32, %c0_i32_0 : i32, i32, i32
  }
  func.func @transform_15(%arg0: i32, %arg1: i32, %arg2: memref<34x16xi32, #tpu.memory_space<smem>>) -> (i32, i32) {
    %c0_i32 = arith.constant 0 : i32
    %c0_i32_0 = arith.constant 0 : i32
    %c0_i32_1 = arith.constant 0 : i32
    return %c0_i32, %c0_i32_0 : i32, i32
  }
  func.func @transform_16(%arg0: i32, %arg1: i32, %arg2: memref<34x16xi32, #tpu.memory_space<smem>>) -> (i32, i32, i32, i32) {
    %c0_i32 = arith.constant 0 : i32
    %c0_i32_0 = arith.constant 0 : i32
    %c0_i32_1 = arith.constant 0 : i32
    return %arg1, %arg0, %c0_i32, %c0_i32_0 : i32, i32, i32, i32
  }
  func.func @transform_17(%arg0: i32, %arg1: i32, %arg2: memref<34x16xi32, #tpu.memory_space<smem>>) -> (i32, i32, i32, i32) {
    %c0_i32 = arith.constant 0 : i32
    %c0_i32_0 = arith.constant 0 : i32
    %c0_i32_1 = arith.constant 0 : i32
    return %arg1, %arg0, %c0_i32, %c0_i32_0 : i32, i32, i32, i32
  }
}

</mosaic_0001>

<sc_bundles>
// kernel: kernel.7.cloned.1.call-start
scs
__scs_entry_jumppad:
0x0: {  	(pc) =	sbr.rel $0x88, $3  }
0x1: {  	(tag) =	ssettag $0x0;
	lr =	simm.s32 $0x1  }
0x2: {  	[smem:$0x3F7D] =	sst lr;
	_ =	strace $0xD0000000  }
0x3: {  	_ = 	snop  }
0x4: {  	_ = 	snop  }
0x5: {  	_ = 	snop  }
0x6: {  	_ = 	snop  }
0x7: {  	_ = 	snop  }
__scs_overlays_trampoline_lowered:
0x8: {  	[smem:$0x3F8C] =	sst s0  }
0x9: {  	[smem:$0x3F8D] =	sst s1  }
0xa: {  	[smem:$0x3F8E] =	sst s2  }
0xb: {  	[smem:$0x3F8F] =	sst s3  }
0xc: {  	[smem:$0x3F90] =	sst s4  }
0xd: {  	[smem:$0x3F91] =	sst s5  }
0xe: {  	[smem:$0x3F92] =	sst s6  }
0xf: {  	[smem:$0x3F93] =	sst s7  }
0x10: {  	[smem:$0x3F94] =	sst s8  }
0x11: {  	[smem:$0x3F95] =	sst s9;
	s0 =	simm.s32 @!p0 $0x0  }
0x12: {  	s1 =	sld [smem:$0x3F7B];
	s0 =	simm.s32 @p0 $0x1  }
0x13: {  	[smem:$0x3F96] =	sst s0;
	s0 =	simm.s32 @!p1 $0x0  }
0x14: {  	s2 =	sld [smem:$0x3F7A];
	s0 =	simm.s32 @p1 $0x1  }
0x15: {  	[smem:$0x3F97] =	sst s0;
	s0 =	simm.s32 @!p2 $0x0  }
0x16: {  	s3 =	sld [smem:$0x3FDB];
	s0 =	simm.s32 @p2 $0x1  }
0x17: {  	s4 =	simm.s32 $0x1BF5;
	[smem:$0x3F99] =	sst s0  }
0x18: {  	s0 =	sld [smem:$0x3F7C];
	_ =	swait.ge [sflag:s4], $0x0  }
0x19: {  	s7 =	sld [smem:$0x3F7D]  }
0x1a: {  	s8 =	sadd.s32 $0xFFFFE003, lr  }
0x1b: {  	s9 =	sadd.s32 $0xFFFFFEF7, lr;
	s5 =	simm.s32 $0xFFFFFFFF;
	p2 =	slt.u32 s8, $0xFFFFF086  }
0x1c: {  	p1 =	slt.u32 s9, $0xF7A;
	s5 =	simm.s32 @!p2 $0x0  }
0x1d: {  	s5 =	simm.s32 @p1 $0x1;
	p0 =	seq.s32 s7, s2  }
0x1e: {  	s7 =	smul.u32 @!p0 $0xF7A, s2;
	p2 =	seq.s32 @!p0 s5, $0x0  }
0x1f: {  	s9 =	smul.u32 $0xF7A, s1;
	s8 =	simm.s32 @!p0 $0x1BF5;
	p2 =	por !p2, p0  }
0x20: {  	[sflag:s8] =	ssyncset.s32 @!p0 $0xFFFFF086;
	s6 =	sadd.s32 @!p0 s3, s7;
	s7 =	simm.s32 @!p0 $0x108  }
0x21: {  	s3 =	sadd.s32 s3, s9;
	s6 =	sadd.s32 @!p0 $0x88, s6;
	s7 =	simm.s32 @p2 $0x1082  }
0x22: {  	[simem:s7], [sflag:s8] =	dma.local @!p0 [hbm:s6], $0xF7A  }
0x23: {  	s9 =	sor.u32 $0xD0000000, s2;
	s6 =	simm.s32 $0x108;
	_ =	swait.ge @!p0 [sflag:s8], $0x0  }
0x24: {  	s3 =	sadd.s32 $0x88, s3;
	s6 =	simm.s32 @!p1 $0x1082;
	[sflag:s4] =	ssyncset.s32 $0xFFFFF086  }
0x25: {  	[simem:s6], [sflag:s4] =	dma.local [hbm:s3], $0xF7A  }
0x26: {  	[smem:$0x3F7D] =	sst s1;
	(tag) =	ssettag s2;
	_ =	strace s9  }
0x27: {  	s1 =	sld [smem:$0x3F8D]  }
0x28: {  	s2 =	sld [smem:$0x3F8E]  }
0x29: {  	s4 =	sld [smem:$0x3F90]  }
0x2a: {  	p0 =	seq.s32 s5, $0x0;
	s5 =	sld [smem:$0x3F91]  }
0x2b: {  	s6 =	sld [smem:$0x3F92]  }
0x2c: {  	s7 =	sld [smem:$0x3F93]  }
0x2d: {  	s3 =	simm.s32 $0x108;
	s8 =	sld [smem:$0x3F94]  }
0x2e: {  	s3 =	simm.s32 @!p0 $0x1082;
	s9 =	sld [smem:$0x3F95]  }
0x2f: {  	lr =	sadd.s32 s0, s3;
	s0 =	sld [smem:$0x3F8C]  }
0x30: {  	s3 =	sld [smem:$0x3F8F]  }
0x31: {  	[smem:$0x3F98] =	sst s10  }
0x32: {  	s10 =	sld [smem:$0x3F96];
	_ =	sdelay $0x3  }
0x33: {  	p0 =	seq.s32 s10, $0x1;
	s10 =	sld [smem:$0x3F98];
	_ =	sdelay $0x3  }
0x34: {  	[smem:$0x3F98] =	sst s10  }
0x35: {  	s10 =	sld [smem:$0x3F97];
	_ =	sdelay $0x3  }
0x36: {  	p1 =	seq.s32 s10, $0x1;
	s10 =	sld [smem:$0x3F98];
	_ =	sdelay $0x3  }
0x37: {  	[smem:$0x3F98] =	sst s10  }
0x38: {  	s10 =	sld [smem:$0x3F99]  }
0x39: {  	_ = 	snop;
	(pc) =	sbr.ind lr, $3  }
0x3a: {  	_ = 	snop  }
0x3b: {  	_ = 	snop  }
0x3c: {  	p2 =	seq.s32 s10, $0x1;
	s10 =	sld [smem:$0x3F98]  }
0x3d: {  	_ =	shalt  }
0x3e: {  	_ =	shalt  }
0x3f: {  	_ =	shalt  }
0x40: {  	_ =	shalt  }
0x41: {  	_ =	shalt  }
0x42: {  	_ =	shalt  }
0x43: {  	_ =	shalt  }
0x44: {  	_ =	shalt  }
0x45: {  	_ =	shalt  }
0x46: {  	_ =	shalt  }
0x47: {  	_ =	shalt  }
0x48: {  	_ =	shalt  }
0x49: {  	_ =	shalt  }
0x4a: {  	_ =	shalt  }
0x4b: {  	_ =	shalt  }
0x4c: {  	_ =	shalt  }
0x4d: {  	_ =	shalt  }
0x4e: {  	_ =	shalt  }
0x4f: {  	_ =	shalt  }
0x50: {  	_ =	shalt  }
0x51: {  	_ =	shalt  }
0x52: {  	_ =	shalt  }
0x53: {  	_ =	shalt  }
0x54: {  	_ =	shalt  }
0x55: {  	_ =	shalt  }
0x56: {  	_ =	shalt  }
0x57: {  	_ =	shalt  }
0x58: {  	_ =	shalt  }
0x59: {  	_ =	shalt  }
0x5a: {  	_ =	shalt  }
0x5b: {  	_ =	shalt  }
0x5c: {  	_ =	shalt  }
0x5d: {  	_ =	shalt  }
0x5e: {  	_ =	shalt  }
0x5f: {  	_ =	shalt  }
0x60: {  	_ =	shalt  }
0x61: {  	_ =	shalt  }
0x62: {  	_ =	shalt  }
0x63: {  	_ =	shalt  }
0x64: {  	_ =	shalt  }
0x65: {  	_ =	shalt  }
0x66: {  	_ =	shalt  }
0x67: {  	_ =	shalt  }
0x68: {  	_ =	shalt  }
0x69: {  	_ =	shalt  }
0x6a: {  	_ =	shalt  }
0x6b: {  	_ =	shalt  }
0x6c: {  	_ =	shalt  }
0x6d: {  	_ =	shalt  }
0x6e: {  	_ =	shalt  }
0x6f: {  	_ =	shalt  }
0x70: {  	_ =	shalt  }
0x71: {  	_ =	shalt  }
0x72: {  	_ =	shalt  }
0x73: {  	_ =	shalt  }
0x74: {  	_ =	shalt  }
0x75: {  	_ =	shalt  }
0x76: {  	_ =	shalt  }
0x77: {  	_ =	shalt  }
0x78: {  	_ =	shalt  }
0x79: {  	_ =	shalt  }
0x7a: {  	_ =	shalt  }
0x7b: {  	_ =	shalt  }
0x7c: {  	_ =	shalt  }
0x7d: {  	_ =	shalt  }
0x7e: {  	_ =	shalt  }
0x7f: {  	_ =	shalt  }
0x80: {  	_ =	shalt  }
0x81: {  	_ =	shalt  }
0x82: {  	_ =	shalt  }
0x83: {  	_ =	shalt  }
0x84: {  	_ =	shalt  }
0x85: {  	_ =	shalt  }
0x86: {  	_ =	shalt  }
0x87: {  	_ =	shalt  }
.Lfunc_end0:
.L_simem_size_0:
called_computation_lowered:
.L_overlay_start_0:
0x88: {  	s2 =	sld [smem:$0x3FD9]  }
0x89: {  	s3 =	sld [smem:$0x3FFE];
	_ =	sdelay $0x1  }
0x8a: {  	s1 =	srdreg.scid  }
0x8b: {  	s0 =	sand.u32 $0x1, s1  }
0x8c: {  	s25 =	sshll.u32 s0, $0xA;
	s2 =	sadd.s32 s3, s2  }
0x8d: {  	s2 =	sadd.s32 s2, s25  }
0x8e: {  	[smem:$0x3FA4] =	sst s2  }
0x8f: {  	_ = 	snop  }
0x90: {  	s26 =	sld [smem:$0x3FD0];
	_ =	sdelay $0x3  }
0x91: {  	s4 =	simm.s32 $0xB;
	s5 =	simm.s32 $0x2810;
	s28 =	sadd.s32 $0x3, s26  }
0x92: {  	[smem:s5], [sflag:s4] =	dma.local [hbm:s28], $0x1  }
0x93: {  	_ =	swait.eq [sflag:s4], $0x1  }
0x94: {  	[sflag:s4] =	ssyncset.done $0x0  }
0x95: {  	[sflag:s4] =	ssyncadd.s32 $0xFFFFFFFF  }
0x96: {  	s2 =	sld [smem:$0x2811]  }
0x97: {  	[smem:s5], [sflag:s4] =	dma.local [hbm:s26], $0x1  }
0x98: {  	_ =	swait.eq [sflag:s4], $0x1  }
0x99: {  	[sflag:s4] =	ssyncset.done $0x0  }
0x9a: {  	[sflag:s4] =	ssyncadd.s32 $0xFFFFFFFF  }
0x9b: {  	s4 =	sld [smem:$0x2810];
	(tm) =	ssettm $0x1  }
0x9c: {  	s29 =	sld [smem:$0x3FFB];
	_ =	sdelay $0x3  }
0x9d: {  	_ =	strace s29  }
0x9e: {  	s3 =	sld [smem:$0x3FFC];
	_ =	sdelay $0x3  }
0x9f: {  	_ =	strace s3  }
0xa0: {  	s3 =	sld [smem:$0x3FFD];
	_ =	sdelay $0x3  }
0xa1: {  	_ =	strace s3  }
0xa2: {  	s30 =	simm.s32 $0x1B8B;
	_ =	strace $0x8FFFFFFF  }
0xa3: {  	p0 =	seq.s32 s0, $0x1;
	_ =	swait.ge [sflag:s30], $0x1  }
.Ltmp0:
0xa4: {  	[sflag:s30] =	ssyncset.done $0x0;
	(pc) =	sbr.rel @p0 .LBB1_8-.Ltmp0, $3  }
0xa5: {  	s31 =	simm.s32 $0x1B8E;
	[sflag:s30] =	ssyncadd.s32 $0xFFFFFFFF  }
0xa6: {  	[smem:$0x3FD2] =	sst s31  }
0xa7: {  	_ =	strace $0x80000046  }
0xa8: {  	s5 =	simm.s32 $0xA;
	s3 =	simm.s32 $0x10  }
0xa9: {  	[smem:s3], [sflag:s5] =	dma.local [hbm:s4], $0x220  }
0xaa: {  	_ =	swait.ge [sflag:s5], $0x220  }
0xab: {  	[sflag:s5] =	ssyncset.done $0x0  }
0xac: {  	s4 =	simm.s32 $0x0;
	[sflag:s5] =	ssyncadd.s32 $0xFFFFFDE0;
	s5 =	simm.s32 $0x0  }
.LBB1_2:
0xad: {  	s6 =	sld [smem:s3+$0x0];
	_ =	sdelay $0x3  }
0xae: {  	p0 =	slt.f32 s6, $0.0e+00;
	p1 =	sgt.f32 s6, $0.0e+00  }
0xaf: {  	_ = 	snop  }
0xb0: {  	s31 =	sshll.u32 s5, $0x7;
	p1 =	por p1, p0  }
0xb1: {  	s8 =	simm.s32 $0x1;
	s7 =	simm.s32 $0x1;
	p0 =	por !p1, !p1  }
0xb2: {  	s6 =	sadd.s32 $0x1410, s31;
	s7 =	simm.s32 @!p1 $0x0;
	s9 =	sand.u32 @!p0 $0xFFFFFF80, s4  }
0xb3: {  	s10 =	sand.u32 @!p0 $0x7F, s4;
	s7 =	sadd.s32 $0x0, s7;
	s9 =	sadd.s32 @!p0 s9, s6  }
0xb4: {  	s11 =	sadd.s32 @!p0 s10, s9;
	s9 =	simm.s32 $0x0;
	s10 =	smov.u32 s3  }
.LBB1_3:
0xb5: {  	[smem:s11] =	sst @!p0 s9;
	s10 =	sadd.s32 $0x1, s10  }
0xb6: {  	s9 =	smov.u32 s8;
	s8 =	sadd.s32 $0x1, s8;
	s11 =	smov.u32 s7  }
0xb7: {  	s12 =	sld [smem:s10+$0x0];
	p1 =	sne.s32 s8, $0x10;
	_ =	sdelay $0x3  }
0xb8: {  	p0 =	slt.f32 s12, $0.0e+00;
	p2 =	sgt.f32 s12, $0.0e+00  }
0xb9: {  	_ = 	snop  }
0xba: {  	s12 =	simm.s32 $0x1;
	p2 =	por p2, p0  }
.Ltmp1:
0xbb: {  	p0 =	por !p2, !p2;
	s12 =	simm.s32 @!p2 $0x0;
	(pc) =	sbr.rel @p1 .LBB1_3-.Ltmp1, $3  }
0xbc: {  	s13 =	sand.u32 @!p0 $0xFFFFFF80, s11;
	s7 =	sadd.s32 s12, s7  }
0xbd: {  	s11 =	sand.u32 @!p0 $0x7F, s11;
	s12 =	sadd.s32 @!p0 s13, s6  }
0xbe: {  	s11 =	sadd.s32 @!p0 s11, s12  }
0xbf: {  	[smem:s11] =	sst @!p0 s9  }
0xc0: {  	s8 =	sld [smem:s3+$0x0];
	_ =	sdelay $0x3  }
0xc1: {  	p0 =	sne.f32 s8, $0.0e+00  }
0xc2: {  	p1 =	seq.f32 s8, $0.0e+00  }
0xc3: {  	s10 =	simm.s32 $0x1;
	s9 =	sadd.s32 @!p0 $0x0, s7  }
0xc4: {  	s8 =	simm.s32 $0x0;
	s10 =	simm.s32 @!p1 $0x0;
	s11 =	sand.u32 @!p0 $0xFFFFFF80, s9  }
0xc5: {  	s12 =	sand.u32 @!p0 $0x7F, s9;
	s9 =	simm.s32 $0x1;
	s11 =	sadd.s32 @!p0 s11, s6  }
0xc6: {  	s10 =	sadd.s32 $0x0, s10;
	s12 =	sadd.s32 @!p0 s12, s11;
	s11 =	smov.u32 s3  }
.LBB1_5:
0xc7: {  	[smem:s12] =	sst @!p0 s8  }
0xc8: {  	s11 =	sadd.s32 $0x1, s11;
	s8 =	smov.u32 s9;
	s9 =	sadd.s32 $0x1, s9  }
0xc9: {  	s12 =	sld [smem:s11+$0x0];
	p1 =	sne.s32 s9, $0x10;
	_ =	sdelay $0x3  }
0xca: {  	p0 =	sne.f32 s12, $0.0e+00;
	p2 =	seq.f32 s12, $0.0e+00  }
0xcb: {  	s13 =	simm.s32 $0x1  }
.Ltmp2:
0xcc: {  	s12 =	sadd.s32 @!p0 s7, s10;
	s13 =	simm.s32 @!p2 $0x0;
	(pc) =	sbr.rel @p1 .LBB1_5-.Ltmp2, $3  }
0xcd: {  	s14 =	sand.u32 @!p0 $0xFFFFFF80, s12;
	s12 =	sand.u32 @!p0 $0x7F, s12;
	s10 =	sadd.s32 s13, s10  }
0xce: {  	s13 =	sadd.s32 @!p0 s14, s6  }
0xcf: {  	s12 =	sadd.s32 @!p0 s12, s13  }
0xd0: {  	s5 =	sadd.s32 $0x1, s5  }
0xd1: {  	p1 =	sne.s32 s5, $0x22  }
.Ltmp3:
0xd2: {  	_ = 	snop;
	(pc) =	sbr.rel @p1 .LBB1_2-.Ltmp3, $2  }
0xd3: {  	_ =	sdelay $0x1  }
0xd4: {  	[smem:s12] =	sst @!p0 s8;
	s3 =	sadd.s32 $0x80, s3  }
0xd5: {  	s3 =	simm.s32 $0x1410;
	s4 =	simm.s32 $0x9  }
0xd6: {  	[hbm:s2], [sflag:s4] =	dma.local [smem:s3], $0x220  }
0xd7: {  	_ =	swait.ge [sflag:s4], $0x220  }
0xd8: {  	[sflag:s4] =	ssyncset.done $0x0  }
0xd9: {  	[sflag:s4] =	ssyncadd.s32 $0xFFFFFDE0  }
.LBB1_8:
0xda: {  	_ =	strace $0x90000046  }
0xdb: {  	_ =	sfence  }
0xdc: {  	s2 =	sld [smem:$0x0];
	_ =	sdelay $0x2  }
0xdd: {  	s3 =	sshll.u32 s1, $0xD;
	s31 =	sshrl.u32 s1, $0x2  }
0xde: {  	s3 =	sand.u32 $0x4000, s3;
	s1 =	sadd.s32 s31, s2  }
0xdf: {  	s0 =	sor.u32 s3, s0;
	s1 =	sshll.u32 s1, $0x11  }
0xe0: {  	s0 =	sor.u32 s1, s0  }
0xe1: {  	s0 =	sadd.s32 $0x8F2B, s0;
	(pc) =	sbr.abs _section_cstart, $3  }
0xe2: {  	[sflag:s0] =	ssyncadd.remote.s32 $0x1  }
0xe3: {  	_ =	strace $0x9FFFFFFF  }
0xe4: {  	(tm) =	ssettm $0x7FFFFFFF  }
0xe5: {  	_ =	shalt  }

</sc_bundles>
